<compile_context>
chip_gen: v7x
topology: tpu7x:2x2x1
jax: 0.10.2.dev20260603
libtpu: 0.0.44.dev20260713+nightly
codegen_flags: <defaults>
</compile_context>

<pallas_src>
import functools

import jax
import jax.numpy as jnp
from jax import lax
from jax.experimental import pallas as pl
from jax.experimental.pallas import tpu as pltpu
from jax.experimental.pallas import tpu_sc as plsc

BATCH = 4096
SEQ = 200
DIM = 64
PDIM = 128
NC = 2
NS = 16
NW = NC * NS
IDX_PER_W = BATCH * SEQ // NW
CHUNK = 100
NCHUNK = IDX_PER_W // CHUNK
NBUF = 4
NGRP = NCHUNK // NBUF


def _sc_embed(x_idx, tok_pad, pos_table):
    mesh = plsc.VectorSubcoreMesh(core_axis_name="c", subcore_axis_name="s")

    @functools.partial(
        pl.kernel,
        mesh=mesh,
        out_type=jax.ShapeDtypeStruct((BATCH * SEQ, PDIM), jnp.float32),
        compiler_params=pltpu.CompilerParams(use_tc_tiling_on_sc=False),
        scratch_types=[
            pltpu.VMEM((NCHUNK, CHUNK), jnp.int32),
            pltpu.VMEM((SEQ, DIM), jnp.float32),
            pltpu.VMEM((CHUNK, PDIM), jnp.float32),
            pltpu.VMEM((CHUNK, PDIM), jnp.float32),
            pltpu.VMEM((CHUNK, PDIM), jnp.float32),
            pltpu.VMEM((CHUNK, PDIM), jnp.float32),
            pltpu.SemaphoreType.DMA,
            pltpu.SemaphoreType.DMA,
            pltpu.SemaphoreType.DMA,
            pltpu.SemaphoreType.DMA,
            pltpu.SemaphoreType.DMA,
            pltpu.SemaphoreType.DMA,
            pltpu.SemaphoreType.DMA,
            pltpu.SemaphoreType.DMA,
        ],
    )
    def k(x_hbm, tok_hbm, pos_hbm, out_hbm, idx_v, pos_v,
          b0, b1, b2, b3, si0, si1, si2, si3, so0, so1, so2, so3):
        bufs = [b0, b1, b2, b3]
        isems = [si0, si1, si2, si3]
        osems = [so0, so1, so2, so3]
        wid = lax.axis_index("s") * NC + lax.axis_index("c")
        row0 = wid * IDX_PER_W
        pltpu.sync_copy(x_hbm.at[wid], idx_v)
        pltpu.sync_copy(pos_hbm, pos_v)

        def start_in(j, b):
            pltpu.async_copy(
                tok_hbm.at[idx_v.at[j]], bufs[b], isems[b])

        def wait_in(b):
            pltpu.make_async_copy(
                tok_hbm.at[pl.ds(0, CHUNK)], bufs[b], isems[b]).wait()

        def start_out(j, b):
            pltpu.async_copy(
                bufs[b], out_hbm.at[pl.ds(row0 + j * CHUNK, CHUNK)],
                osems[b])

        def wait_out(b):
            pltpu.make_async_copy(
                bufs[b], out_hbm.at[pl.ds(0, CHUNK)], osems[b]).wait()

        def add_pos(b):
            buf = bufs[b]
            pbase = (b % 2) * CHUNK

            def add_body(r, c2):
                for rr in range(4):
                    for jj in range(DIM // 16):
                        plsc.addupdate(
                            buf.at[4 * r + rr, pl.ds(jj * 16, 16)],
                            pos_v[pbase + 4 * r + rr, pl.ds(jj * 16, 16)])
                return c2

            lax.fori_loop(0, CHUNK // 4, add_body, 0)

        def step(j, b, first, last):
            wait_in(b)
            nb = (b + 2) % NBUF
            if not first:
                wait_out(nb)
            if not last:
                start_in(j + 2, nb)
            add_pos(b)
            start_out(j, b)

        start_in(0, 0)
        start_in(1, 1)

        step(0, 0, True, False)
        step(1, 1, True, False)
        step(2, 2, False, False)
        step(3, 3, False, False)

        def grp(g, carry):
            j = g * NBUF
            for b in range(NBUF):
                step(j + b, b, False, False)
            return carry

        lax.fori_loop(1, NGRP - 1, grp, 0)

        j = (NGRP - 1) * NBUF
        step(j + 0, 0, False, False)
        step(j + 1, 1, False, False)
        step(j + 2, 2, False, True)
        step(j + 3, 3, False, True)

        wait_out(2)
        wait_out(3)

    return k(x_idx, tok_pad, pos_table)


def kernel(x, token_table, pos_table):
    x_idx = x.astype(jnp.int32).reshape(NW, NCHUNK, CHUNK)
    tok_pad = jnp.pad(token_table, ((0, 0), (0, PDIM - DIM)))
    out_pad = _sc_embed(x_idx, tok_pad, pos_table)
    return out_pad.reshape(BATCH, SEQ, PDIM)[:, :, :DIM]

# --- scband reference (transcript-rebuilt; emitter-appended) ---
"""Pipeline reference for scband-token-and-position-embedding-67173288509481 (READ-ONLY COPY).

The authoritative reference and input builder live on the scoring server;
editing this copy changes nothing except your own understanding.
"""

import jax, jax.numpy as jnp
import numpy as np

MAX_LEN = 200
VOCAB_SIZE = 1000000
EMBED_DIM = 64

def setup_inputs(seed: int = 0) -> dict:
    key = jax.random.key(seed)
    k1, k2, k3 = jax.random.split(key, 3)
    x = jax.random.randint(k1, (4096, 200), 0, VOCAB_SIZE, dtype=jnp.int64 if jax.config.jax_enable_x64 else jnp.int32)
    # Keras Embedding default initializer is uniform(-0.05, 0.05)
    token_table = jax.random.uniform(k2, (VOCAB_SIZE, EMBED_DIM), dtype=jnp.float32, minval=-0.05, maxval=0.05)
    pos_table = jax.random.uniform(k3, (MAX_LEN, EMBED_DIM), dtype=jnp.float32, minval=-0.05, maxval=0.05)
    return {"x": x, "token_table": token_table, "pos_table": pos_table}

def reference(x, token_table, pos_table):
    # TokenAndPositionEmbedding.call:
    #   positions = range(seq_len); pos_embed(positions); token_embed(x); sum
    seq_len = x.shape[-1]
    positions = jnp.arange(seq_len)
    pos_emb = jnp.take(pos_table, positions, axis=0)          # [seq_len, embed_dim]
    tok_emb = jnp.take(token_table, x, axis=0)                # [batch, seq_len, embed_dim]
    return tok_emb + pos_emb[None, :, :]

if __name__ == "__main__":
    import jax
    _d = setup_inputs()
    print(jax.jit(kernel)(*tuple(_d.values())))

</pallas_src>

<mosaic_0001>
#map = affine_map<(d0, d1) -> (0, 0, 0)>
#map1 = affine_map<(d0, d1) -> (0, 0)>
module attributes {stable_mosaic.version = 14 : i64} {
  func.func @k(%arg0: i32, %arg1: i32, %arg2: memref<32x256x100xi32, #tpu.memory_space<hbm>>, %arg3: memref<1000000x128xf32, #tpu.memory_space<hbm>>, %arg4: memref<200x64xf32, #tpu.memory_space<hbm>>, %arg5: memref<819200x128xf32, #tpu.memory_space<hbm>>, %arg6: memref<256x100xi32, #tpu.memory_space<vmem>>, %arg7: memref<200x64xf32, #tpu.memory_space<vmem>>, %arg8: memref<100x128xf32, #tpu.memory_space<vmem>>, %arg9: memref<100x128xf32, #tpu.memory_space<vmem>>, %arg10: memref<100x128xf32, #tpu.memory_space<vmem>>, %arg11: memref<100x128xf32, #tpu.memory_space<vmem>>, %arg12: memref<!tpu.dma_semaphore, #tpu.memory_space<semaphore_mem>>, %arg13: memref<!tpu.dma_semaphore, #tpu.memory_space<semaphore_mem>>, %arg14: memref<!tpu.dma_semaphore, #tpu.memory_space<semaphore_mem>>, %arg15: memref<!tpu.dma_semaphore, #tpu.memory_space<semaphore_mem>>, %arg16: memref<!tpu.dma_semaphore, #tpu.memory_space<semaphore_mem>>, %arg17: memref<!tpu.dma_semaphore, #tpu.memory_space<semaphore_mem>>, %arg18: memref<!tpu.dma_semaphore, #tpu.memory_space<semaphore_mem>>, %arg19: memref<!tpu.dma_semaphore, #tpu.memory_space<semaphore_mem>>) attributes {dimension_semantics = [#tpu.dimension_semantics<core_parallel>, #tpu.dimension_semantics<subcore_parallel>], iteration_bounds = array<i64: 2, 16>, scalar_prefetch = 0 : i64, scratch_operands = 14 : i64, tpu.core_type = #tpu.core_type<sc_vector_subcore>, window_params = [{transform_indices = #map}, {transform_indices = #map1}, {transform_indices = #map1}, {transform_indices = #map1}]} {
    %mul3A = arith.constant 2 : i32
    %mul3A_0 = arith.muli %arg1, %mul3A : i32
    %add3A = arith.addi %mul3A_0, %arg0 : i32
    %mul3A_1 = arith.constant 25600 : i32
    %mul3A_2 = arith.muli %add3A, %mul3A_1 : i32
    "tpu.region"() ({
      %run_scoped3A = tpu.sem_alloc : memref<!tpu.dma_semaphore, #tpu.memory_space<semaphore_mem>>
      %dma_start3A_254 = arith.constant 0 : i32
      %dma_start3A_255 = arith.constant 0 : i32
      %dma_start3A_256 = tpu.memref_slice %arg2[%add3A, %dma_start3A_254, %dma_start3A_255] : memref<32x256x100xi32, #tpu.memory_space<hbm>> -> memref<1x256x100xi32, #tpu.memory_space<hbm>>
      %dma_start3A_257 = tpu.memref_squeeze %dma_start3A_256 : memref<1x256x100xi32, #tpu.memory_space<hbm>> -> memref<256x100xi32, #tpu.memory_space<hbm>>
      %dma_start3A_258 = arith.constant 0 : i32
      %dma_start3A_259 = arith.constant 0 : i32
      %dma_start3A_260 = tpu.memref_slice %arg2[%add3A, %dma_start3A_258, %dma_start3A_259] : memref<32x256x100xi32, #tpu.memory_space<hbm>> -> memref<1x256x100xi32, #tpu.memory_space<hbm>>
      %dma_start3A_261 = tpu.memref_squeeze %dma_start3A_260 : memref<1x256x100xi32, #tpu.memory_space<hbm>> -> memref<256x100xi32, #tpu.memory_space<hbm>>
      tpu.enqueue_dma source(%dma_start3A_261 : memref<256x100xi32, #tpu.memory_space<hbm>>) target(%arg6 : memref<256x100xi32, #tpu.memory_space<vmem>>) target_semaphore(%run_scoped3A : memref<!tpu.dma_semaphore, #tpu.memory_space<semaphore_mem>>)
      %dma_wait3A_262 = arith.constant 0 : i32
      %dma_wait3A_263 = arith.constant 0 : i32
      %dma_wait3A_264 = tpu.memref_slice %arg2[%add3A, %dma_wait3A_262, %dma_wait3A_263] : memref<32x256x100xi32, #tpu.memory_space<hbm>> -> memref<1x256x100xi32, #tpu.memory_space<hbm>>
      %dma_wait3A_265 = tpu.memref_squeeze %dma_wait3A_264 : memref<1x256x100xi32, #tpu.memory_space<hbm>> -> memref<256x100xi32, #tpu.memory_space<hbm>>
      %dma_wait3A_266 = arith.constant 0 : i32
      %dma_wait3A_267 = arith.constant 0 : i32
      %dma_wait3A_268 = tpu.memref_slice %arg2[%add3A, %dma_wait3A_266, %dma_wait3A_267] : memref<32x256x100xi32, #tpu.memory_space<hbm>> -> memref<1x256x100xi32, #tpu.memory_space<hbm>>
      %dma_wait3A_269 = tpu.memref_squeeze %dma_wait3A_268 : memref<1x256x100xi32, #tpu.memory_space<hbm>> -> memref<256x100xi32, #tpu.memory_space<hbm>>
      tpu.wait_dma2 semaphore(%run_scoped3A : memref<!tpu.dma_semaphore, #tpu.memory_space<semaphore_mem>>) src(%dma_wait3A_269 : memref<256x100xi32, #tpu.memory_space<hbm>>) dst(%arg6 : memref<256x100xi32, #tpu.memory_space<vmem>>)
      tpu.yield
    }) : () -> ()
    "tpu.region"() ({
      %run_scoped3A = tpu.sem_alloc : memref<!tpu.dma_semaphore, #tpu.memory_space<semaphore_mem>>
      tpu.enqueue_dma source(%arg4 : memref<200x64xf32, #tpu.memory_space<hbm>>) target(%arg7 : memref<200x64xf32, #tpu.memory_space<vmem>>) target_semaphore(%run_scoped3A : memref<!tpu.dma_semaphore, #tpu.memory_space<semaphore_mem>>)
      tpu.wait_dma2 semaphore(%run_scoped3A : memref<!tpu.dma_semaphore, #tpu.memory_space<semaphore_mem>>) src(%arg4 : memref<200x64xf32, #tpu.memory_space<hbm>>) dst(%arg7 : memref<200x64xf32, #tpu.memory_space<vmem>>)
      tpu.yield
    }) : () -> ()
    %dma_start3A = arith.constant 0 : i32
    %dma_start3A_3 = arith.constant 0 : i32
    %dma_start3A_4 = tpu.memref_slice %arg6[%dma_start3A, %dma_start3A_3] : memref<256x100xi32, #tpu.memory_space<vmem>> -> memref<1x100xi32, #tpu.memory_space<vmem>>
    %dma_start3A_5 = tpu.memref_squeeze %dma_start3A_4 : memref<1x100xi32, #tpu.memory_space<vmem>> -> memref<100xi32, #tpu.memory_space<vmem>>
    %dma_start3A_6 = arith.constant 0 : i32
    %dma_start3A_7 = arith.constant 0 : i32
    %dma_start3A_8 = tpu.memref_slice %arg3[%dma_start3A_6, %dma_start3A_7] : memref<1000000x128xf32, #tpu.memory_space<hbm>> -> memref<1000000x128xf32, #tpu.memory_space<hbm>>
    tpu.enqueue_indirect_dma source(%dma_start3A_8 : memref<1000000x128xf32, #tpu.memory_space<hbm>>) target(%arg8 : memref<100x128xf32, #tpu.memory_space<vmem>>) offsets(%dma_start3A_5 : memref<100xi32, #tpu.memory_space<vmem>>) semaphore(%arg12 : memref<!tpu.dma_semaphore, #tpu.memory_space<semaphore_mem>>)
    %dma_start3A_9 = arith.constant 1 : i32
    %dma_start3A_10 = arith.constant 0 : i32
    %dma_start3A_11 = tpu.memref_slice %arg6[%dma_start3A_9, %dma_start3A_10] : memref<256x100xi32, #tpu.memory_space<vmem>> -> memref<1x100xi32, #tpu.memory_space<vmem>>
    %dma_start3A_12 = tpu.memref_squeeze %dma_start3A_11 : memref<1x100xi32, #tpu.memory_space<vmem>> -> memref<100xi32, #tpu.memory_space<vmem>>
    %dma_start3A_13 = arith.constant 0 : i32
    %dma_start3A_14 = arith.constant 0 : i32
    %dma_start3A_15 = tpu.memref_slice %arg3[%dma_start3A_13, %dma_start3A_14] : memref<1000000x128xf32, #tpu.memory_space<hbm>> -> memref<1000000x128xf32, #tpu.memory_space<hbm>>
    tpu.enqueue_indirect_dma source(%dma_start3A_15 : memref<1000000x128xf32, #tpu.memory_space<hbm>>) target(%arg9 : memref<100x128xf32, #tpu.memory_space<vmem>>) offsets(%dma_start3A_12 : memref<100xi32, #tpu.memory_space<vmem>>) semaphore(%arg13 : memref<!tpu.dma_semaphore, #tpu.memory_space<semaphore_mem>>)
    %dma_wait3A = arith.constant 0 : i32
    %dma_wait3A_16 = arith.constant 0 : i32
    %dma_wait3A_17 = tpu.memref_slice %arg3[%dma_wait3A, %dma_wait3A_16] : memref<1000000x128xf32, #tpu.memory_space<hbm>> -> memref<100x128xf32, #tpu.memory_space<hbm>>
    %dma_wait3A_18 = arith.constant 0 : i32
    %dma_wait3A_19 = arith.constant 0 : i32
    %dma_wait3A_20 = tpu.memref_slice %arg3[%dma_wait3A_18, %dma_wait3A_19] : memref<1000000x128xf32, #tpu.memory_space<hbm>> -> memref<100x128xf32, #tpu.memory_space<hbm>>
    tpu.wait_dma2 semaphore(%arg12 : memref<!tpu.dma_semaphore, #tpu.memory_space<semaphore_mem>>) src(%dma_wait3A_20 : memref<100x128xf32, #tpu.memory_space<hbm>>) dst(%arg8 : memref<100x128xf32, #tpu.memory_space<vmem>>)
    %dma_start3A_21 = arith.constant 2 : i32
    %dma_start3A_22 = arith.constant 0 : i32
    %dma_start3A_23 = tpu.memref_slice %arg6[%dma_start3A_21, %dma_start3A_22] : memref<256x100xi32, #tpu.memory_space<vmem>> -> memref<1x100xi32, #tpu.memory_space<vmem>>
    %dma_start3A_24 = tpu.memref_squeeze %dma_start3A_23 : memref<1x100xi32, #tpu.memory_space<vmem>> -> memref<100xi32, #tpu.memory_space<vmem>>
    %dma_start3A_25 = arith.constant 0 : i32
    %dma_start3A_26 = arith.constant 0 : i32
    %dma_start3A_27 = tpu.memref_slice %arg3[%dma_start3A_25, %dma_start3A_26] : memref<1000000x128xf32, #tpu.memory_space<hbm>> -> memref<1000000x128xf32, #tpu.memory_space<hbm>>
    tpu.enqueue_indirect_dma source(%dma_start3A_27 : memref<1000000x128xf32, #tpu.memory_space<hbm>>) target(%arg10 : memref<100x128xf32, #tpu.memory_space<vmem>>) offsets(%dma_start3A_24 : memref<100xi32, #tpu.memory_space<vmem>>) semaphore(%arg14 : memref<!tpu.dma_semaphore, #tpu.memory_space<semaphore_mem>>)
    %scan3A = arith.constant 0 : i32
    %scan3A_28 = arith.constant 0 : i32
    %scan3A_29 = arith.constant 25 : i32
    %scan3A_30 = arith.addi %scan3A_28, %scan3A_29 : i32
    %scan3A_31 = arith.constant 1 : i32
    scf.for %scan3A_254 = %scan3A_28 to %scan3A_30 step %scan3A_31  : i32 {
      %mul3A_255 = arith.constant 4 : i32
      %mul3A_256 = arith.muli %mul3A_255, %scan3A_254 : i32
      %add3A_257 = arith.constant 0 : i32
      %add3A_258 = arith.addi %mul3A_256, %add3A_257 : i32
      %mul3A_259 = arith.constant 4 : i32
      %mul3A_260 = arith.muli %mul3A_259, %scan3A_254 : i32
      %add3A_261 = arith.constant 0 : i32
      %add3A_262 = arith.addi %add3A_261, %mul3A_260 : i32
      %add3A_263 = arith.constant 0 : i32
      %add3A_264 = arith.addi %add3A_262, %add3A_263 : i32
      %get3A = arith.index_cast %add3A_264 : i32 to index
      %get3A_265 = arith.constant 0 : index
      %get3A_266 = tpu.vector_load %arg7[%get3A, %get3A_265] {strides = array<i32>} : memref<200x64xf32, #tpu.memory_space<vmem>>, vector<1x16xf32>,
      %get3A_267 = vector.shape_cast %get3A_266 : vector<1x16xf32> to vector<16xf32>
      %swap3A = arith.index_cast %add3A_258 : i32 to index
      %swap3A_268 = arith.constant 0 : index
      %swap3A_269 = tpu.vector_load %arg8[%swap3A, %swap3A_268] {strides = array<i32>} : memref<100x128xf32, #tpu.memory_space<vmem>>, vector<1x16xf32>,
      %swap3A_270 = vector.shape_cast %swap3A_269 : vector<1x16xf32> to vector<16xf32>
      %swap3A_271 = vector.shape_cast %get3A_267 : vector<16xf32> to vector<1x16xf32>
      tpu.vector_store %arg8[%swap3A, %swap3A_268], %swap3A_271 {add = true, strides = array<i32>} : memref<100x128xf32, #tpu.memory_space<vmem>>, vector<1x16xf32>,
      %mul3A_272 = arith.constant 4 : i32
      %mul3A_273 = arith.muli %mul3A_272, %scan3A_254 : i32
      %add3A_274 = arith.constant 0 : i32
      %add3A_275 = arith.addi %mul3A_273, %add3A_274 : i32
      %mul3A_276 = arith.constant 4 : i32
      %mul3A_277 = arith.muli %mul3A_276, %scan3A_254 : i32
      %add3A_278 = arith.constant 0 : i32
      %add3A_279 = arith.addi %add3A_278, %mul3A_277 : i32
      %add3A_280 = arith.constant 0 : i32
      %add3A_281 = arith.addi %add3A_279, %add3A_280 : i32
      %get3A_282 = arith.index_cast %add3A_281 : i32 to index
      %get3A_283 = arith.constant 16 : index
      %get3A_284 = tpu.vector_load %arg7[%get3A_282, %get3A_283] {strides = array<i32>} : memref<200x64xf32, #tpu.memory_space<vmem>>, vector<1x16xf32>,
      %get3A_285 = vector.shape_cast %get3A_284 : vector<1x16xf32> to vector<16xf32>
      %swap3A_286 = arith.index_cast %add3A_275 : i32 to index
      %swap3A_287 = arith.constant 16 : index
      %swap3A_288 = tpu.vector_load %arg8[%swap3A_286, %swap3A_287] {strides = array<i32>} : memref<100x128xf32, #tpu.memory_space<vmem>>, vector<1x16xf32>,
      %swap3A_289 = vector.shape_cast %swap3A_288 : vector<1x16xf32> to vector<16xf32>
      %swap3A_290 = vector.shape_cast %get3A_285 : vector<16xf32> to vector<1x16xf32>
      tpu.vector_store %arg8[%swap3A_286, %swap3A_287], %swap3A_290 {add = true, strides = array<i32>} : memref<100x128xf32, #tpu.memory_space<vmem>>, vector<1x16xf32>,
      %mul3A_291 = arith.constant 4 : i32
      %mul3A_292 = arith.muli %mul3A_291, %scan3A_254 : i32
      %add3A_293 = arith.constant 0 : i32
      %add3A_294 = arith.addi %mul3A_292, %add3A_293 : i32
      %mul3A_295 = arith.constant 4 : i32
      %mul3A_296 = arith.muli %mul3A_295, %scan3A_254 : i32
      %add3A_297 = arith.constant 0 : i32
      %add3A_298 = arith.addi %add3A_297, %mul3A_296 : i32
      %add3A_299 = arith.constant 0 : i32
      %add3A_300 = arith.addi %add3A_298, %add3A_299 : i32
      %get3A_301 = arith.index_cast %add3A_300 : i32 to index
      %get3A_302 = arith.constant 32 : index
      %get3A_303 = tpu.vector_load %arg7[%get3A_301, %get3A_302] {strides = array<i32>} : memref<200x64xf32, #tpu.memory_space<vmem>>, vector<1x16xf32>,
      %get3A_304 = vector.shape_cast %get3A_303 : vector<1x16xf32> to vector<16xf32>
      %swap3A_305 = arith.index_cast %add3A_294 : i32 to index
      %swap3A_306 = arith.constant 32 : index
      %swap3A_307 = tpu.vector_load %arg8[%swap3A_305, %swap3A_306] {strides = array<i32>} : memref<100x128xf32, #tpu.memory_space<vmem>>, vector<1x16xf32>,
      %swap3A_308 = vector.shape_cast %swap3A_307 : vector<1x16xf32> to vector<16xf32>
      %swap3A_309 = vector.shape_cast %get3A_304 : vector<16xf32> to vector<1x16xf32>
      tpu.vector_store %arg8[%swap3A_305, %swap3A_306], %swap3A_309 {add = true, strides = array<i32>} : memref<100x128xf32, #tpu.memory_space<vmem>>, vector<1x16xf32>,
      %mul3A_310 = arith.constant 4 : i32
      %mul3A_311 = arith.muli %mul3A_310, %scan3A_254 : i32
      %add3A_312 = arith.constant 0 : i32
      %add3A_313 = arith.addi %mul3A_311, %add3A_312 : i32
      %mul3A_314 = arith.constant 4 : i32
      %mul3A_315 = arith.muli %mul3A_314, %scan3A_254 : i32
      %add3A_316 = arith.constant 0 : i32
      %add3A_317 = arith.addi %add3A_316, %mul3A_315 : i32
      %add3A_318 = arith.constant 0 : i32
      %add3A_319 = arith.addi %add3A_317, %add3A_318 : i32
      %get3A_320 = arith.index_cast %add3A_319 : i32 to index
      %get3A_321 = arith.constant 48 : index
      %get3A_322 = tpu.vector_load %arg7[%get3A_320, %get3A_321] {strides = array<i32>} : memref<200x64xf32, #tpu.memory_space<vmem>>, vector<1x16xf32>,
      %get3A_323 = vector.shape_cast %get3A_322 : vector<1x16xf32> to vector<16xf32>
      %swap3A_324 = arith.index_cast %add3A_313 : i32 to index
      %swap3A_325 = arith.constant 48 : index
      %swap3A_326 = tpu.vector_load %arg8[%swap3A_324, %swap3A_325] {strides = array<i32>} : memref<100x128xf32, #tpu.memory_space<vmem>>, vector<1x16xf32>,
      %swap3A_327 = vector.shape_cast %swap3A_326 : vector<1x16xf32> to vector<16xf32>
      %swap3A_328 = vector.shape_cast %get3A_323 : vector<16xf32> to vector<1x16xf32>
      tpu.vector_store %arg8[%swap3A_324, %swap3A_325], %swap3A_328 {add = true, strides = array<i32>} : memref<100x128xf32, #tpu.memory_space<vmem>>, vector<1x16xf32>,
      %mul3A_329 = arith.constant 4 : i32
      %mul3A_330 = arith.muli %mul3A_329, %scan3A_254 : i32
      %add3A_331 = arith.constant 1 : i32
      %add3A_332 = arith.addi %mul3A_330, %add3A_331 : i32
      %mul3A_333 = arith.constant 4 : i32
      %mul3A_334 = arith.muli %mul3A_333, %scan3A_254 : i32
      %add3A_335 = arith.constant 0 : i32
      %add3A_336 = arith.addi %add3A_335, %mul3A_334 : i32
      %add3A_337 = arith.constant 1 : i32
      %add3A_338 = arith.addi %add3A_336, %add3A_337 : i32
      %get3A_339 = arith.index_cast %add3A_338 : i32 to index
      %get3A_340 = arith.constant 0 : index
      %get3A_341 = tpu.vector_load %arg7[%get3A_339, %get3A_340] {strides = array<i32>} : memref<200x64xf32, #tpu.memory_space<vmem>>, vector<1x16xf32>,
      %get3A_342 = vector.shape_cast %get3A_341 : vector<1x16xf32> to vector<16xf32>
      %swap3A_343 = arith.index_cast %add3A_332 : i32 to index
      %swap3A_344 = arith.constant 0 : index
      %swap3A_345 = tpu.vector_load %arg8[%swap3A_343, %swap3A_344] {strides = array<i32>} : memref<100x128xf32, #tpu.memory_space<vmem>>, vector<1x16xf32>,
      %swap3A_346 = vector.shape_cast %swap3A_345 : vector<1x16xf32> to vector<16xf32>
      %swap3A_347 = vector.shape_cast %get3A_342 : vector<16xf32> to vector<1x16xf32>
      tpu.vector_store %arg8[%swap3A_343, %swap3A_344], %swap3A_347 {add = true, strides = array<i32>} : memref<100x128xf32, #tpu.memory_space<vmem>>, vector<1x16xf32>,
      %mul3A_348 = arith.constant 4 : i32
      %mul3A_349 = arith.muli %mul3A_348, %scan3A_254 : i32
      %add3A_350 = arith.constant 1 : i32
      %add3A_351 = arith.addi %mul3A_349, %add3A_350 : i32
      %mul3A_352 = arith.constant 4 : i32
      %mul3A_353 = arith.muli %mul3A_352, %scan3A_254 : i32
      %add3A_354 = arith.constant 0 : i32
      %add3A_355 = arith.addi %add3A_354, %mul3A_353 : i32
      %add3A_356 = arith.constant 1 : i32
      %add3A_357 = arith.addi %add3A_355, %add3A_356 : i32
      %get3A_358 = arith.index_cast %add3A_357 : i32 to index
      %get3A_359 = arith.constant 16 : index
      %get3A_360 = tpu.vector_load %arg7[%get3A_358, %get3A_359] {strides = array<i32>} : memref<200x64xf32, #tpu.memory_space<vmem>>, vector<1x16xf32>,
      %get3A_361 = vector.shape_cast %get3A_360 : vector<1x16xf32> to vector<16xf32>
      %swap3A_362 = arith.index_cast %add3A_351 : i32 to index
      %swap3A_363 = arith.constant 16 : index
      %swap3A_364 = tpu.vector_load %arg8[%swap3A_362, %swap3A_363] {strides = array<i32>} : memref<100x128xf32, #tpu.memory_space<vmem>>, vector<1x16xf32>,
      %swap3A_365 = vector.shape_cast %swap3A_364 : vector<1x16xf32> to vector<16xf32>
      %swap3A_366 = vector.shape_cast %get3A_361 : vector<16xf32> to vector<1x16xf32>
      tpu.vector_store %arg8[%swap3A_362, %swap3A_363], %swap3A_366 {add = true, strides = array<i32>} : memref<100x128xf32, #tpu.memory_space<vmem>>, vector<1x16xf32>,
      %mul3A_367 = arith.constant 4 : i32
      %mul3A_368 = arith.muli %mul3A_367, %scan3A_254 : i32
      %add3A_369 = arith.constant 1 : i32
      %add3A_370 = arith.addi %mul3A_368, %add3A_369 : i32
      %mul3A_371 = arith.constant 4 : i32
      %mul3A_372 = arith.muli %mul3A_371, %scan3A_254 : i32
      %add3A_373 = arith.constant 0 : i32
      %add3A_374 = arith.addi %add3A_373, %mul3A_372 : i32
      %add3A_375 = arith.constant 1 : i32
      %add3A_376 = arith.addi %add3A_374, %add3A_375 : i32
      %get3A_377 = arith.index_cast %add3A_376 : i32 to index
      %get3A_378 = arith.constant 32 : index
      %get3A_379 = tpu.vector_load %arg7[%get3A_377, %get3A_378] {strides = array<i32>} : memref<200x64xf32, #tpu.memory_space<vmem>>, vector<1x16xf32>,
      %get3A_380 = vector.shape_cast %get3A_379 : vector<1x16xf32> to vector<16xf32>
      %swap3A_381 = arith.index_cast %add3A_370 : i32 to index
      %swap3A_382 = arith.constant 32 : index
      %swap3A_383 = tpu.vector_load %arg8[%swap3A_381, %swap3A_382] {strides = array<i32>} : memref<100x128xf32, #tpu.memory_space<vmem>>, vector<1x16xf32>,
      %swap3A_384 = vector.shape_cast %swap3A_383 : vector<1x16xf32> to vector<16xf32>
      %swap3A_385 = vector.shape_cast %get3A_380 : vector<16xf32> to vector<1x16xf32>
      tpu.vector_store %arg8[%swap3A_381, %swap3A_382], %swap3A_385 {add = true, strides = array<i32>} : memref<100x128xf32, #tpu.memory_space<vmem>>, vector<1x16xf32>,
      %mul3A_386 = arith.constant 4 : i32
      %mul3A_387 = arith.muli %mul3A_386, %scan3A_254 : i32
      %add3A_388 = arith.constant 1 : i32
      %add3A_389 = arith.addi %mul3A_387, %add3A_388 : i32
      %mul3A_390 = arith.constant 4 : i32
      %mul3A_391 = arith.muli %mul3A_390, %scan3A_254 : i32
      %add3A_392 = arith.constant 0 : i32
      %add3A_393 = arith.addi %add3A_392, %mul3A_391 : i32
      %add3A_394 = arith.constant 1 : i32
      %add3A_395 = arith.addi %add3A_393, %add3A_394 : i32
      %get3A_396 = arith.index_cast %add3A_395 : i32 to index
      %get3A_397 = arith.constant 48 : index
      %get3A_398 = tpu.vector_load %arg7[%get3A_396, %get3A_397] {strides = array<i32>} : memref<200x64xf32, #tpu.memory_space<vmem>>, vector<1x16xf32>,
      %get3A_399 = vector.shape_cast %get3A_398 : vector<1x16xf32> to vector<16xf32>
      %swap3A_400 = arith.index_cast %add3A_389 : i32 to index
      %swap3A_401 = arith.constant 48 : index
      %swap3A_402 = tpu.vector_load %arg8[%swap3A_400, %swap3A_401] {strides = array<i32>} : memref<100x128xf32, #tpu.memory_space<vmem>>, vector<1x16xf32>,
      %swap3A_403 = vector.shape_cast %swap3A_402 : vector<1x16xf32> to vector<16xf32>
      %swap3A_404 = vector.shape_cast %get3A_399 : vector<16xf32> to vector<1x16xf32>
      tpu.vector_store %arg8[%swap3A_400, %swap3A_401], %swap3A_404 {add = true, strides = array<i32>} : memref<100x128xf32, #tpu.memory_space<vmem>>, vector<1x16xf32>,
      %mul3A_405 = arith.constant 4 : i32
      %mul3A_406 = arith.muli %mul3A_405, %scan3A_254 : i32
      %add3A_407 = arith.constant 2 : i32
      %add3A_408 = arith.addi %mul3A_406, %add3A_407 : i32
      %mul3A_409 = arith.constant 4 : i32
      %mul3A_410 = arith.muli %mul3A_409, %scan3A_254 : i32
      %add3A_411 = arith.constant 0 : i32
      %add3A_412 = arith.addi %add3A_411, %mul3A_410 : i32
      %add3A_413 = arith.constant 2 : i32
      %add3A_414 = arith.addi %add3A_412, %add3A_413 : i32
      %get3A_415 = arith.index_cast %add3A_414 : i32 to index
      %get3A_416 = arith.constant 0 : index
      %get3A_417 = tpu.vector_load %arg7[%get3A_415, %get3A_416] {strides = array<i32>} : memref<200x64xf32, #tpu.memory_space<vmem>>, vector<1x16xf32>,
      %get3A_418 = vector.shape_cast %get3A_417 : vector<1x16xf32> to vector<16xf32>
      %swap3A_419 = arith.index_cast %add3A_408 : i32 to index
      %swap3A_420 = arith.constant 0 : index
      %swap3A_421 = tpu.vector_load %arg8[%swap3A_419, %swap3A_420] {strides = array<i32>} : memref<100x128xf32, #tpu.memory_space<vmem>>, vector<1x16xf32>,
      %swap3A_422 = vector.shape_cast %swap3A_421 : vector<1x16xf32> to vector<16xf32>
      %swap3A_423 = vector.shape_cast %get3A_418 : vector<16xf32> to vector<1x16xf32>
      tpu.vector_store %arg8[%swap3A_419, %swap3A_420], %swap3A_423 {add = true, strides = array<i32>} : memref<100x128xf32, #tpu.memory_space<vmem>>, vector<1x16xf32>,
      %mul3A_424 = arith.constant 4 : i32
      %mul3A_425 = arith.muli %mul3A_424, %scan3A_254 : i32
      %add3A_426 = arith.constant 2 : i32
      %add3A_427 = arith.addi %mul3A_425, %add3A_426 : i32
      %mul3A_428 = arith.constant 4 : i32
      %mul3A_429 = arith.muli %mul3A_428, %scan3A_254 : i32
      %add3A_430 = arith.constant 0 : i32
      %add3A_431 = arith.addi %add3A_430, %mul3A_429 : i32
      %add3A_432 = arith.constant 2 : i32
      %add3A_433 = arith.addi %add3A_431, %add3A_432 : i32
      %get3A_434 = arith.index_cast %add3A_433 : i32 to index
      %get3A_435 = arith.constant 16 : index
      %get3A_436 = tpu.vector_load %arg7[%get3A_434, %get3A_435] {strides = array<i32>} : memref<200x64xf32, #tpu.memory_space<vmem>>, vector<1x16xf32>,
      %get3A_437 = vector.shape_cast %get3A_436 : vector<1x16xf32> to vector<16xf32>
      %swap3A_438 = arith.index_cast %add3A_427 : i32 to index
      %swap3A_439 = arith.constant 16 : index
      %swap3A_440 = tpu.vector_load %arg8[%swap3A_438, %swap3A_439] {strides = array<i32>} : memref<100x128xf32, #tpu.memory_space<vmem>>, vector<1x16xf32>,
      %swap3A_441 = vector.shape_cast %swap3A_440 : vector<1x16xf32> to vector<16xf32>
      %swap3A_442 = vector.shape_cast %get3A_437 : vector<16xf32> to vector<1x16xf32>
      tpu.vector_store %arg8[%swap3A_438, %swap3A_439], %swap3A_442 {add = true, strides = array<i32>} : memref<100x128xf32, #tpu.memory_space<vmem>>, vector<1x16xf32>,
      %mul3A_443 = arith.constant 4 : i32
      %mul3A_444 = arith.muli %mul3A_443, %scan3A_254 : i32
      %add3A_445 = arith.constant 2 : i32
      %add3A_446 = arith.addi %mul3A_444, %add3A_445 : i32
      %mul3A_447 = arith.constant 4 : i32
      %mul3A_448 = arith.muli %mul3A_447, %scan3A_254 : i32
      %add3A_449 = arith.constant 0 : i32
      %add3A_450 = arith.addi %add3A_449, %mul3A_448 : i32
      %add3A_451 = arith.constant 2 : i32
      %add3A_452 = arith.addi %add3A_450, %add3A_451 : i32
      %get3A_453 = arith.index_cast %add3A_452 : i32 to index
      %get3A_454 = arith.constant 32 : index
      %get3A_455 = tpu.vector_load %arg7[%get3A_453, %get3A_454] {strides = array<i32>} : memref<200x64xf32, #tpu.memory_space<vmem>>, vector<1x16xf32>,
      %get3A_456 = vector.shape_cast %get3A_455 : vector<1x16xf32> to vector<16xf32>
      %swap3A_457 = arith.index_cast %add3A_446 : i32 to index
      %swap3A_458 = arith.constant 32 : index
      %swap3A_459 = tpu.vector_load %arg8[%swap3A_457, %swap3A_458] {strides = array<i32>} : memref<100x128xf32, #tpu.memory_space<vmem>>, vector<1x16xf32>,
      %swap3A_460 = vector.shape_cast %swap3A_459 : vector<1x16xf32> to vector<16xf32>
      %swap3A_461 = vector.shape_cast %get3A_456 : vector<16xf32> to vector<1x16xf32>
      tpu.vector_store %arg8[%swap3A_457, %swap3A_458], %swap3A_461 {add = true, strides = array<i32>} : memref<100x128xf32, #tpu.memory_space<vmem>>, vector<1x16xf32>,
      %mul3A_462 = arith.constant 4 : i32
      %mul3A_463 = arith.muli %mul3A_462, %scan3A_254 : i32
      %add3A_464 = arith.constant 2 : i32
      %add3A_465 = arith.addi %mul3A_463, %add3A_464 : i32
      %mul3A_466 = arith.constant 4 : i32
      %mul3A_467 = arith.muli %mul3A_466, %scan3A_254 : i32
      %add3A_468 = arith.constant 0 : i32
      %add3A_469 = arith.addi %add3A_468, %mul3A_467 : i32
      %add3A_470 = arith.constant 2 : i32
      %add3A_471 = arith.addi %add3A_469, %add3A_470 : i32
      %get3A_472 = arith.index_cast %add3A_471 : i32 to index
      %get3A_473 = arith.constant 48 : index
      %get3A_474 = tpu.vector_load %arg7[%get3A_472, %get3A_473] {strides = array<i32>} : memref<200x64xf32, #tpu.memory_space<vmem>>, vector<1x16xf32>,
      %get3A_475 = vector.shape_cast %get3A_474 : vector<1x16xf32> to vector<16xf32>
      %swap3A_476 = arith.index_cast %add3A_465 : i32 to index
      %swap3A_477 = arith.constant 48 : index
      %swap3A_478 = tpu.vector_load %arg8[%swap3A_476, %swap3A_477] {strides = array<i32>} : memref<100x128xf32, #tpu.memory_space<vmem>>, vector<1x16xf32>,
      %swap3A_479 = vector.shape_cast %swap3A_478 : vector<1x16xf32> to vector<16xf32>
      %swap3A_480 = vector.shape_cast %get3A_475 : vector<16xf32> to vector<1x16xf32>
      tpu.vector_store %arg8[%swap3A_476, %swap3A_477], %swap3A_480 {add = true, strides = array<i32>} : memref<100x128xf32, #tpu.memory_space<vmem>>, vector<1x16xf32>,
      %mul3A_481 = arith.constant 4 : i32
      %mul3A_482 = arith.muli %mul3A_481, %scan3A_254 : i32
      %add3A_483 = arith.constant 3 : i32
      %add3A_484 = arith.addi %mul3A_482, %add3A_483 : i32
      %mul3A_485 = arith.constant 4 : i32
      %mul3A_486 = arith.muli %mul3A_485, %scan3A_254 : i32
      %add3A_487 = arith.constant 0 : i32
      %add3A_488 = arith.addi %add3A_487, %mul3A_486 : i32
      %add3A_489 = arith.constant 3 : i32
      %add3A_490 = arith.addi %add3A_488, %add3A_489 : i32
      %get3A_491 = arith.index_cast %add3A_490 : i32 to index
      %get3A_492 = arith.constant 0 : index
      %get3A_493 = tpu.vector_load %arg7[%get3A_491, %get3A_492] {strides = array<i32>} : memref<200x64xf32, #tpu.memory_space<vmem>>, vector<1x16xf32>,
      %get3A_494 = vector.shape_cast %get3A_493 : vector<1x16xf32> to vector<16xf32>
      %swap3A_495 = arith.index_cast %add3A_484 : i32 to index
      %swap3A_496 = arith.constant 0 : index
      %swap3A_497 = tpu.vector_load %arg8[%swap3A_495, %swap3A_496] {strides = array<i32>} : memref<100x128xf32, #tpu.memory_space<vmem>>, vector<1x16xf32>,
      %swap3A_498 = vector.shape_cast %swap3A_497 : vector<1x16xf32> to vector<16xf32>
      %swap3A_499 = vector.shape_cast %get3A_494 : vector<16xf32> to vector<1x16xf32>
      tpu.vector_store %arg8[%swap3A_495, %swap3A_496], %swap3A_499 {add = true, strides = array<i32>} : memref<100x128xf32, #tpu.memory_space<vmem>>, vector<1x16xf32>,
      %mul3A_500 = arith.constant 4 : i32
      %mul3A_501 = arith.muli %mul3A_500, %scan3A_254 : i32
      %add3A_502 = arith.constant 3 : i32
      %add3A_503 = arith.addi %mul3A_501, %add3A_502 : i32
      %mul3A_504 = arith.constant 4 : i32
      %mul3A_505 = arith.muli %mul3A_504, %scan3A_254 : i32
      %add3A_506 = arith.constant 0 : i32
      %add3A_507 = arith.addi %add3A_506, %mul3A_505 : i32
      %add3A_508 = arith.constant 3 : i32
      %add3A_509 = arith.addi %add3A_507, %add3A_508 : i32
      %get3A_510 = arith.index_cast %add3A_509 : i32 to index
      %get3A_511 = arith.constant 16 : index
      %get3A_512 = tpu.vector_load %arg7[%get3A_510, %get3A_511] {strides = array<i32>} : memref<200x64xf32, #tpu.memory_space<vmem>>, vector<1x16xf32>,
      %get3A_513 = vector.shape_cast %get3A_512 : vector<1x16xf32> to vector<16xf32>
      %swap3A_514 = arith.index_cast %add3A_503 : i32 to index
      %swap3A_515 = arith.constant 16 : index
      %swap3A_516 = tpu.vector_load %arg8[%swap3A_514, %swap3A_515] {strides = array<i32>} : memref<100x128xf32, #tpu.memory_space<vmem>>, vector<1x16xf32>,
      %swap3A_517 = vector.shape_cast %swap3A_516 : vector<1x16xf32> to vector<16xf32>
      %swap3A_518 = vector.shape_cast %get3A_513 : vector<16xf32> to vector<1x16xf32>
      tpu.vector_store %arg8[%swap3A_514, %swap3A_515], %swap3A_518 {add = true, strides = array<i32>} : memref<100x128xf32, #tpu.memory_space<vmem>>, vector<1x16xf32>,
      %mul3A_519 = arith.constant 4 : i32
      %mul3A_520 = arith.muli %mul3A_519, %scan3A_254 : i32
      %add3A_521 = arith.constant 3 : i32
      %add3A_522 = arith.addi %mul3A_520, %add3A_521 : i32
      %mul3A_523 = arith.constant 4 : i32
      %mul3A_524 = arith.muli %mul3A_523, %scan3A_254 : i32
      %add3A_525 = arith.constant 0 : i32
      %add3A_526 = arith.addi %add3A_525, %mul3A_524 : i32
      %add3A_527 = arith.constant 3 : i32
      %add3A_528 = arith.addi %add3A_526, %add3A_527 : i32
      %get3A_529 = arith.index_cast %add3A_528 : i32 to index
      %get3A_530 = arith.constant 32 : index
      %get3A_531 = tpu.vector_load %arg7[%get3A_529, %get3A_530] {strides = array<i32>} : memref<200x64xf32, #tpu.memory_space<vmem>>, vector<1x16xf32>,
      %get3A_532 = vector.shape_cast %get3A_531 : vector<1x16xf32> to vector<16xf32>
      %swap3A_533 = arith.index_cast %add3A_522 : i32 to index
      %swap3A_534 = arith.constant 32 : index
      %swap3A_535 = tpu.vector_load %arg8[%swap3A_533, %swap3A_534] {strides = array<i32>} : memref<100x128xf32, #tpu.memory_space<vmem>>, vector<1x16xf32>,
      %swap3A_536 = vector.shape_cast %swap3A_535 : vector<1x16xf32> to vector<16xf32>
      %swap3A_537 = vector.shape_cast %get3A_532 : vector<16xf32> to vector<1x16xf32>
      tpu.vector_store %arg8[%swap3A_533, %swap3A_534], %swap3A_537 {add = true, strides = array<i32>} : memref<100x128xf32, #tpu.memory_space<vmem>>, vector<1x16xf32>,
      %mul3A_538 = arith.constant 4 : i32
      %mul3A_539 = arith.muli %mul3A_538, %scan3A_254 : i32
      %add3A_540 = arith.constant 3 : i32
      %add3A_541 = arith.addi %mul3A_539, %add3A_540 : i32
      %mul3A_542 = arith.constant 4 : i32
      %mul3A_543 = arith.muli %mul3A_542, %scan3A_254 : i32
      %add3A_544 = arith.constant 0 : i32
      %add3A_545 = arith.addi %add3A_544, %mul3A_543 : i32
      %add3A_546 = arith.constant 3 : i32
      %add3A_547 = arith.addi %add3A_545, %add3A_546 : i32
      %get3A_548 = arith.index_cast %add3A_547 : i32 to index
      %get3A_549 = arith.constant 48 : index
      %get3A_550 = tpu.vector_load %arg7[%get3A_548, %get3A_549] {strides = array<i32>} : memref<200x64xf32, #tpu.memory_space<vmem>>, vector<1x16xf32>,
      %get3A_551 = vector.shape_cast %get3A_550 : vector<1x16xf32> to vector<16xf32>
      %swap3A_552 = arith.index_cast %add3A_541 : i32 to index
      %swap3A_553 = arith.constant 48 : index
      %swap3A_554 = tpu.vector_load %arg8[%swap3A_552, %swap3A_553] {strides = array<i32>} : memref<100x128xf32, #tpu.memory_space<vmem>>, vector<1x16xf32>,
      %swap3A_555 = vector.shape_cast %swap3A_554 : vector<1x16xf32> to vector<16xf32>
      %swap3A_556 = vector.shape_cast %get3A_551 : vector<16xf32> to vector<1x16xf32>
      tpu.vector_store %arg8[%swap3A_552, %swap3A_553], %swap3A_556 {add = true, strides = array<i32>} : memref<100x128xf32, #tpu.memory_space<vmem>>, vector<1x16xf32>,
    }
    %scan3A_32 = arith.constant 25 : i32
    %add3A_33 = arith.constant 0 : i32
    %add3A_34 = arith.addi %mul3A_2, %add3A_33 : i32
    %dma_start3A_35 = arith.constant 0 : i32
    %dma_start3A_36 = tpu.memref_slice %arg5[%add3A_34, %dma_start3A_35] : memref<819200x128xf32, #tpu.memory_space<hbm>> -> memref<100x128xf32, #tpu.memory_space<hbm>>
    %dma_start3A_37 = arith.constant 0 : i32
    %dma_start3A_38 = tpu.memref_slice %arg5[%add3A_34, %dma_start3A_37] : memref<819200x128xf32, #tpu.memory_space<hbm>> -> memref<100x128xf32, #tpu.memory_space<hbm>>
    tpu.enqueue_dma source(%arg8 : memref<100x128xf32, #tpu.memory_space<vmem>>) target(%dma_start3A_38 : memref<100x128xf32, #tpu.memory_space<hbm>>) target_semaphore(%arg16 : memref<!tpu.dma_semaphore, #tpu.memory_space<semaphore_mem>>)
    %dma_wait3A_39 = arith.constant 0 : i32
    %dma_wait3A_40 = arith.constant 0 : i32
    %dma_wait3A_41 = tpu.memref_slice %arg3[%dma_wait3A_39, %dma_wait3A_40] : memref<1000000x128xf32, #tpu.memory_space<hbm>> -> memref<100x128xf32, #tpu.memory_space<hbm>>
    %dma_wait3A_42 = arith.constant 0 : i32
    %dma_wait3A_43 = arith.constant 0 : i32
    %dma_wait3A_44 = tpu.memref_slice %arg3[%dma_wait3A_42, %dma_wait3A_43] : memref<1000000x128xf32, #tpu.memory_space<hbm>> -> memref<100x128xf32, #tpu.memory_space<hbm>>
    tpu.wait_dma2 semaphore(%arg13 : memref<!tpu.dma_semaphore, #tpu.memory_space<semaphore_mem>>) src(%dma_wait3A_44 : memref<100x128xf32, #tpu.memory_space<hbm>>) dst(%arg9 : memref<100x128xf32, #tpu.memory_space<vmem>>)
    %dma_start3A_45 = arith.constant 3 : i32
    %dma_start3A_46 = arith.constant 0 : i32
    %dma_start3A_47 = tpu.memref_slice %arg6[%dma_start3A_45, %dma_start3A_46] : memref<256x100xi32, #tpu.memory_space<vmem>> -> memref<1x100xi32, #tpu.memory_space<vmem>>
    %dma_start3A_48 = tpu.memref_squeeze %dma_start3A_47 : memref<1x100xi32, #tpu.memory_space<vmem>> -> memref<100xi32, #tpu.memory_space<vmem>>
    %dma_start3A_49 = arith.constant 0 : i32
    %dma_start3A_50 = arith.constant 0 : i32
    %dma_start3A_51 = tpu.memref_slice %arg3[%dma_start3A_49, %dma_start3A_50] : memref<1000000x128xf32, #tpu.memory_space<hbm>> -> memref<1000000x128xf32, #tpu.memory_space<hbm>>
    tpu.enqueue_indirect_dma source(%dma_start3A_51 : memref<1000000x128xf32, #tpu.memory_space<hbm>>) target(%arg11 : memref<100x128xf32, #tpu.memory_space<vmem>>) offsets(%dma_start3A_48 : memref<100xi32, #tpu.memory_space<vmem>>) semaphore(%arg15 : memref<!tpu.dma_semaphore, #tpu.memory_space<semaphore_mem>>)
    %scan3A_52 = arith.constant 0 : i32
    %scan3A_53 = arith.constant 0 : i32
    %scan3A_54 = arith.constant 25 : i32
    %scan3A_55 = arith.addi %scan3A_53, %scan3A_54 : i32
    %scan3A_56 = arith.constant 1 : i32
    scf.for %scan3A_254 = %scan3A_53 to %scan3A_55 step %scan3A_56  : i32 {
      %mul3A_255 = arith.constant 4 : i32
      %mul3A_256 = arith.muli %mul3A_255, %scan3A_254 : i32
      %add3A_257 = arith.constant 0 : i32
      %add3A_258 = arith.addi %mul3A_256, %add3A_257 : i32
      %mul3A_259 = arith.constant 4 : i32
      %mul3A_260 = arith.muli %mul3A_259, %scan3A_254 : i32
      %add3A_261 = arith.constant 100 : i32
      %add3A_262 = arith.addi %add3A_261, %mul3A_260 : i32
      %add3A_263 = arith.constant 0 : i32
      %add3A_264 = arith.addi %add3A_262, %add3A_263 : i32
      %get3A = arith.index_cast %add3A_264 : i32 to index
      %get3A_265 = arith.constant 0 : index
      %get3A_266 = tpu.vector_load %arg7[%get3A, %get3A_265] {strides = array<i32>} : memref<200x64xf32, #tpu.memory_space<vmem>>, vector<1x16xf32>,
      %get3A_267 = vector.shape_cast %get3A_266 : vector<1x16xf32> to vector<16xf32>
      %swap3A = arith.index_cast %add3A_258 : i32 to index
      %swap3A_268 = arith.constant 0 : index
      %swap3A_269 = tpu.vector_load %arg9[%swap3A, %swap3A_268] {strides = array<i32>} : memref<100x128xf32, #tpu.memory_space<vmem>>, vector<1x16xf32>,
      %swap3A_270 = vector.shape_cast %swap3A_269 : vector<1x16xf32> to vector<16xf32>
      %swap3A_271 = vector.shape_cast %get3A_267 : vector<16xf32> to vector<1x16xf32>
      tpu.vector_store %arg9[%swap3A, %swap3A_268], %swap3A_271 {add = true, strides = array<i32>} : memref<100x128xf32, #tpu.memory_space<vmem>>, vector<1x16xf32>,
      %mul3A_272 = arith.constant 4 : i32
      %mul3A_273 = arith.muli %mul3A_272, %scan3A_254 : i32
      %add3A_274 = arith.constant 0 : i32
      %add3A_275 = arith.addi %mul3A_273, %add3A_274 : i32
      %mul3A_276 = arith.constant 4 : i32
      %mul3A_277 = arith.muli %mul3A_276, %scan3A_254 : i32
      %add3A_278 = arith.constant 100 : i32
      %add3A_279 = arith.addi %add3A_278, %mul3A_277 : i32
      %add3A_280 = arith.constant 0 : i32
      %add3A_281 = arith.addi %add3A_279, %add3A_280 : i32
      %get3A_282 = arith.index_cast %add3A_281 : i32 to index
      %get3A_283 = arith.constant 16 : index
      %get3A_284 = tpu.vector_load %arg7[%get3A_282, %get3A_283] {strides = array<i32>} : memref<200x64xf32, #tpu.memory_space<vmem>>, vector<1x16xf32>,
      %get3A_285 = vector.shape_cast %get3A_284 : vector<1x16xf32> to vector<16xf32>
      %swap3A_286 = arith.index_cast %add3A_275 : i32 to index
      %swap3A_287 = arith.constant 16 : index
      %swap3A_288 = tpu.vector_load %arg9[%swap3A_286, %swap3A_287] {strides = array<i32>} : memref<100x128xf32, #tpu.memory_space<vmem>>, vector<1x16xf32>,
      %swap3A_289 = vector.shape_cast %swap3A_288 : vector<1x16xf32> to vector<16xf32>
      %swap3A_290 = vector.shape_cast %get3A_285 : vector<16xf32> to vector<1x16xf32>
      tpu.vector_store %arg9[%swap3A_286, %swap3A_287], %swap3A_290 {add = true, strides = array<i32>} : memref<100x128xf32, #tpu.memory_space<vmem>>, vector<1x16xf32>,
      %mul3A_291 = arith.constant 4 : i32
      %mul3A_292 = arith.muli %mul3A_291, %scan3A_254 : i32
      %add3A_293 = arith.constant 0 : i32
      %add3A_294 = arith.addi %mul3A_292, %add3A_293 : i32
      %mul3A_295 = arith.constant 4 : i32
      %mul3A_296 = arith.muli %mul3A_295, %scan3A_254 : i32
      %add3A_297 = arith.constant 100 : i32
      %add3A_298 = arith.addi %add3A_297, %mul3A_296 : i32
      %add3A_299 = arith.constant 0 : i32
      %add3A_300 = arith.addi %add3A_298, %add3A_299 : i32
      %get3A_301 = arith.index_cast %add3A_300 : i32 to index
      %get3A_302 = arith.constant 32 : index
      %get3A_303 = tpu.vector_load %arg7[%get3A_301, %get3A_302] {strides = array<i32>} : memref<200x64xf32, #tpu.memory_space<vmem>>, vector<1x16xf32>,
      %get3A_304 = vector.shape_cast %get3A_303 : vector<1x16xf32> to vector<16xf32>
      %swap3A_305 = arith.index_cast %add3A_294 : i32 to index
      %swap3A_306 = arith.constant 32 : index
      %swap3A_307 = tpu.vector_load %arg9[%swap3A_305, %swap3A_306] {strides = array<i32>} : memref<100x128xf32, #tpu.memory_space<vmem>>, vector<1x16xf32>,
      %swap3A_308 = vector.shape_cast %swap3A_307 : vector<1x16xf32> to vector<16xf32>
      %swap3A_309 = vector.shape_cast %get3A_304 : vector<16xf32> to vector<1x16xf32>
      tpu.vector_store %arg9[%swap3A_305, %swap3A_306], %swap3A_309 {add = true, strides = array<i32>} : memref<100x128xf32, #tpu.memory_space<vmem>>, vector<1x16xf32>,
      %mul3A_310 = arith.constant 4 : i32
      %mul3A_311 = arith.muli %mul3A_310, %scan3A_254 : i32
      %add3A_312 = arith.constant 0 : i32
      %add3A_313 = arith.addi %mul3A_311, %add3A_312 : i32
      %mul3A_314 = arith.constant 4 : i32
      %mul3A_315 = arith.muli %mul3A_314, %scan3A_254 : i32
      %add3A_316 = arith.constant 100 : i32
      %add3A_317 = arith.addi %add3A_316, %mul3A_315 : i32
      %add3A_318 = arith.constant 0 : i32
      %add3A_319 = arith.addi %add3A_317, %add3A_318 : i32
      %get3A_320 = arith.index_cast %add3A_319 : i32 to index
      %get3A_321 = arith.constant 48 : index
      %get3A_322 = tpu.vector_load %arg7[%get3A_320, %get3A_321] {strides = array<i32>} : memref<200x64xf32, #tpu.memory_space<vmem>>, vector<1x16xf32>,
      %get3A_323 = vector.shape_cast %get3A_322 : vector<1x16xf32> to vector<16xf32>
      %swap3A_324 = arith.index_cast %add3A_313 : i32 to index
      %swap3A_325 = arith.constant 48 : index
      %swap3A_326 = tpu.vector_load %arg9[%swap3A_324, %swap3A_325] {strides = array<i32>} : memref<100x128xf32, #tpu.memory_space<vmem>>, vector<1x16xf32>,
      %swap3A_327 = vector.shape_cast %swap3A_326 : vector<1x16xf32> to vector<16xf32>
      %swap3A_328 = vector.shape_cast %get3A_323 : vector<16xf32> to vector<1x16xf32>
      tpu.vector_store %arg9[%swap3A_324, %swap3A_325], %swap3A_328 {add = true, strides = array<i32>} : memref<100x128xf32, #tpu.memory_space<vmem>>, vector<1x16xf32>,
      %mul3A_329 = arith.constant 4 : i32
      %mul3A_330 = arith.muli %mul3A_329, %scan3A_254 : i32
      %add3A_331 = arith.constant 1 : i32
      %add3A_332 = arith.addi %mul3A_330, %add3A_331 : i32
      %mul3A_333 = arith.constant 4 : i32
      %mul3A_334 = arith.muli %mul3A_333, %scan3A_254 : i32
      %add3A_335 = arith.constant 100 : i32
      %add3A_336 = arith.addi %add3A_335, %mul3A_334 : i32
      %add3A_337 = arith.constant 1 : i32
      %add3A_338 = arith.addi %add3A_336, %add3A_337 : i32
      %get3A_339 = arith.index_cast %add3A_338 : i32 to index
      %get3A_340 = arith.constant 0 : index
      %get3A_341 = tpu.vector_load %arg7[%get3A_339, %get3A_340] {strides = array<i32>} : memref<200x64xf32, #tpu.memory_space<vmem>>, vector<1x16xf32>,
      %get3A_342 = vector.shape_cast %get3A_341 : vector<1x16xf32> to vector<16xf32>
      %swap3A_343 = arith.index_cast %add3A_332 : i32 to index
      %swap3A_344 = arith.constant 0 : index
      %swap3A_345 = tpu.vector_load %arg9[%swap3A_343, %swap3A_344] {strides = array<i32>} : memref<100x128xf32, #tpu.memory_space<vmem>>, vector<1x16xf32>,
      %swap3A_346 = vector.shape_cast %swap3A_345 : vector<1x16xf32> to vector<16xf32>
      %swap3A_347 = vector.shape_cast %get3A_342 : vector<16xf32> to vector<1x16xf32>
      tpu.vector_store %arg9[%swap3A_343, %swap3A_344], %swap3A_347 {add = true, strides = array<i32>} : memref<100x128xf32, #tpu.memory_space<vmem>>, vector<1x16xf32>,
      %mul3A_348 = arith.constant 4 : i32
      %mul3A_349 = arith.muli %mul3A_348, %scan3A_254 : i32
      %add3A_350 = arith.constant 1 : i32
      %add3A_351 = arith.addi %mul3A_349, %add3A_350 : i32
      %mul3A_352 = arith.constant 4 : i32
      %mul3A_353 = arith.muli %mul3A_352, %scan3A_254 : i32
      %add3A_354 = arith.constant 100 : i32
      %add3A_355 = arith.addi %add3A_354, %mul3A_353 : i32
      %add3A_356 = arith.constant 1 : i32
      %add3A_357 = arith.addi %add3A_355, %add3A_356 : i32
      %get3A_358 = arith.index_cast %add3A_357 : i32 to index
      %get3A_359 = arith.constant 16 : index
      %get3A_360 = tpu.vector_load %arg7[%get3A_358, %get3A_359] {strides = array<i32>} : memref<200x64xf32, #tpu.memory_space<vmem>>, vector<1x16xf32>,
      %get3A_361 = vector.shape_cast %get3A_360 : vector<1x16xf32> to vector<16xf32>
      %swap3A_362 = arith.index_cast %add3A_351 : i32 to index
      %swap3A_363 = arith.constant 16 : index
      %swap3A_364 = tpu.vector_load %arg9[%swap3A_362, %swap3A_363] {strides = array<i32>} : memref<100x128xf32, #tpu.memory_space<vmem>>, vector<1x16xf32>,
      %swap3A_365 = vector.shape_cast %swap3A_364 : vector<1x16xf32> to vector<16xf32>
      %swap3A_366 = vector.shape_cast %get3A_361 : vector<16xf32> to vector<1x16xf32>
      tpu.vector_store %arg9[%swap3A_362, %swap3A_363], %swap3A_366 {add = true, strides = array<i32>} : memref<100x128xf32, #tpu.memory_space<vmem>>, vector<1x16xf32>,
      %mul3A_367 = arith.constant 4 : i32
      %mul3A_368 = arith.muli %mul3A_367, %scan3A_254 : i32
      %add3A_369 = arith.constant 1 : i32
      %add3A_370 = arith.addi %mul3A_368, %add3A_369 : i32
      %mul3A_371 = arith.constant 4 : i32
      %mul3A_372 = arith.muli %mul3A_371, %scan3A_254 : i32
      %add3A_373 = arith.constant 100 : i32
      %add3A_374 = arith.addi %add3A_373, %mul3A_372 : i32
      %add3A_375 = arith.constant 1 : i32
      %add3A_376 = arith.addi %add3A_374, %add3A_375 : i32
      %get3A_377 = arith.index_cast %add3A_376 : i32 to index
      %get3A_378 = arith.constant 32 : index
      %get3A_379 = tpu.vector_load %arg7[%get3A_377, %get3A_378] {strides = array<i32>} : memref<200x64xf32, #tpu.memory_space<vmem>>, vector<1x16xf32>,
      %get3A_380 = vector.shape_cast %get3A_379 : vector<1x16xf32> to vector<16xf32>
      %swap3A_381 = arith.index_cast %add3A_370 : i32 to index
      %swap3A_382 = arith.constant 32 : index
      %swap3A_383 = tpu.vector_load %arg9[%swap3A_381, %swap3A_382] {strides = array<i32>} : memref<100x128xf32, #tpu.memory_space<vmem>>, vector<1x16xf32>,
      %swap3A_384 = vector.shape_cast %swap3A_383 : vector<1x16xf32> to vector<16xf32>
      %swap3A_385 = vector.shape_cast %get3A_380 : vector<16xf32> to vector<1x16xf32>
      tpu.vector_store %arg9[%swap3A_381, %swap3A_382], %swap3A_385 {add = true, strides = array<i32>} : memref<100x128xf32, #tpu.memory_space<vmem>>, vector<1x16xf32>,
      %mul3A_386 = arith.constant 4 : i32
      %mul3A_387 = arith.muli %mul3A_386, %scan3A_254 : i32
      %add3A_388 = arith.constant 1 : i32
      %add3A_389 = arith.addi %mul3A_387, %add3A_388 : i32
      %mul3A_390 = arith.constant 4 : i32
      %mul3A_391 = arith.muli %mul3A_390, %scan3A_254 : i32
      %add3A_392 = arith.constant 100 : i32
      %add3A_393 = arith.addi %add3A_392, %mul3A_391 : i32
      %add3A_394 = arith.constant 1 : i32
      %add3A_395 = arith.addi %add3A_393, %add3A_394 : i32
      %get3A_396 = arith.index_cast %add3A_395 : i32 to index
      %get3A_397 = arith.constant 48 : index
      %get3A_398 = tpu.vector_load %arg7[%get3A_396, %get3A_397] {strides = array<i32>} : memref<200x64xf32, #tpu.memory_space<vmem>>, vector<1x16xf32>,
      %get3A_399 = vector.shape_cast %get3A_398 : vector<1x16xf32> to vector<16xf32>
      %swap3A_400 = arith.index_cast %add3A_389 : i32 to index
      %swap3A_401 = arith.constant 48 : index
      %swap3A_402 = tpu.vector_load %arg9[%swap3A_400, %swap3A_401] {strides = array<i32>} : memref<100x128xf32, #tpu.memory_space<vmem>>, vector<1x16xf32>,
      %swap3A_403 = vector.shape_cast %swap3A_402 : vector<1x16xf32> to vector<16xf32>
      %swap3A_404 = vector.shape_cast %get3A_399 : vector<16xf32> to vector<1x16xf32>
      tpu.vector_store %arg9[%swap3A_400, %swap3A_401], %swap3A_404 {add = true, strides = array<i32>} : memref<100x128xf32, #tpu.memory_space<vmem>>, vector<1x16xf32>,
      %mul3A_405 = arith.constant 4 : i32
      %mul3A_406 = arith.muli %mul3A_405, %scan3A_254 : i32
      %add3A_407 = arith.constant 2 : i32
      %add3A_408 = arith.addi %mul3A_406, %add3A_407 : i32
      %mul3A_409 = arith.constant 4 : i32
      %mul3A_410 = arith.muli %mul3A_409, %scan3A_254 : i32
      %add3A_411 = arith.constant 100 : i32
      %add3A_412 = arith.addi %add3A_411, %mul3A_410 : i32
      %add3A_413 = arith.constant 2 : i32
      %add3A_414 = arith.addi %add3A_412, %add3A_413 : i32
      %get3A_415 = arith.index_cast %add3A_414 : i32 to index
      %get3A_416 = arith.constant 0 : index
      %get3A_417 = tpu.vector_load %arg7[%get3A_415, %get3A_416] {strides = array<i32>} : memref<200x64xf32, #tpu.memory_space<vmem>>, vector<1x16xf32>,
      %get3A_418 = vector.shape_cast %get3A_417 : vector<1x16xf32> to vector<16xf32>
      %swap3A_419 = arith.index_cast %add3A_408 : i32 to index
      %swap3A_420 = arith.constant 0 : index
      %swap3A_421 = tpu.vector_load %arg9[%swap3A_419, %swap3A_420] {strides = array<i32>} : memref<100x128xf32, #tpu.memory_space<vmem>>, vector<1x16xf32>,
      %swap3A_422 = vector.shape_cast %swap3A_421 : vector<1x16xf32> to vector<16xf32>
      %swap3A_423 = vector.shape_cast %get3A_418 : vector<16xf32> to vector<1x16xf32>
      tpu.vector_store %arg9[%swap3A_419, %swap3A_420], %swap3A_423 {add = true, strides = array<i32>} : memref<100x128xf32, #tpu.memory_space<vmem>>, vector<1x16xf32>,
      %mul3A_424 = arith.constant 4 : i32
      %mul3A_425 = arith.muli %mul3A_424, %scan3A_254 : i32
      %add3A_426 = arith.constant 2 : i32
      %add3A_427 = arith.addi %mul3A_425, %add3A_426 : i32
      %mul3A_428 = arith.constant 4 : i32
      %mul3A_429 = arith.muli %mul3A_428, %scan3A_254 : i32
      %add3A_430 = arith.constant 100 : i32
      %add3A_431 = arith.addi %add3A_430, %mul3A_429 : i32
      %add3A_432 = arith.constant 2 : i32
      %add3A_433 = arith.addi %add3A_431, %add3A_432 : i32
      %get3A_434 = arith.index_cast %add3A_433 : i32 to index
      %get3A_435 = arith.constant 16 : index
      %get3A_436 = tpu.vector_load %arg7[%get3A_434, %get3A_435] {strides = array<i32>} : memref<200x64xf32, #tpu.memory_space<vmem>>, vector<1x16xf32>,
      %get3A_437 = vector.shape_cast %get3A_436 : vector<1x16xf32> to vector<16xf32>
      %swap3A_438 = arith.index_cast %add3A_427 : i32 to index
      %swap3A_439 = arith.constant 16 : index
      %swap3A_440 = tpu.vector_load %arg9[%swap3A_438, %swap3A_439] {strides = array<i32>} : memref<100x128xf32, #tpu.memory_space<vmem>>, vector<1x16xf32>,
      %swap3A_441 = vector.shape_cast %swap3A_440 : vector<1x16xf32> to vector<16xf32>
      %swap3A_442 = vector.shape_cast %get3A_437 : vector<16xf32> to vector<1x16xf32>
      tpu.vector_store %arg9[%swap3A_438, %swap3A_439], %swap3A_442 {add = true, strides = array<i32>} : memref<100x128xf32, #tpu.memory_space<vmem>>, vector<1x16xf32>,
      %mul3A_443 = arith.constant 4 : i32
      %mul3A_444 = arith.muli %mul3A_443, %scan3A_254 : i32
      %add3A_445 = arith.constant 2 : i32
      %add3A_446 = arith.addi %mul3A_444, %add3A_445 : i32
      %mul3A_447 = arith.constant 4 : i32
      %mul3A_448 = arith.muli %mul3A_447, %scan3A_254 : i32
      %add3A_449 = arith.constant 100 : i32
      %add3A_450 = arith.addi %add3A_449, %mul3A_448 : i32
      %add3A_451 = arith.constant 2 : i32
      %add3A_452 = arith.addi %add3A_450, %add3A_451 : i32
      %get3A_453 = arith.index_cast %add3A_452 : i32 to index
      %get3A_454 = arith.constant 32 : index
      %get3A_455 = tpu.vector_load %arg7[%get3A_453, %get3A_454] {strides = array<i32>} : memref<200x64xf32, #tpu.memory_space<vmem>>, vector<1x16xf32>,
      %get3A_456 = vector.shape_cast %get3A_455 : vector<1x16xf32> to vector<16xf32>
      %swap3A_457 = arith.index_cast %add3A_446 : i32 to index
      %swap3A_458 = arith.constant 32 : index
      %swap3A_459 = tpu.vector_load %arg9[%swap3A_457, %swap3A_458] {strides = array<i32>} : memref<100x128xf32, #tpu.memory_space<vmem>>, vector<1x16xf32>,
      %swap3A_460 = vector.shape_cast %swap3A_459 : vector<1x16xf32> to vector<16xf32>
      %swap3A_461 = vector.shape_cast %get3A_456 : vector<16xf32> to vector<1x16xf32>
      tpu.vector_store %arg9[%swap3A_457, %swap3A_458], %swap3A_461 {add = true, strides = array<i32>} : memref<100x128xf32, #tpu.memory_space<vmem>>, vector<1x16xf32>,
      %mul3A_462 = arith.constant 4 : i32
      %mul3A_463 = arith.muli %mul3A_462, %scan3A_254 : i32
      %add3A_464 = arith.constant 2 : i32
      %add3A_465 = arith.addi %mul3A_463, %add3A_464 : i32
      %mul3A_466 = arith.constant 4 : i32
      %mul3A_467 = arith.muli %mul3A_466, %scan3A_254 : i32
      %add3A_468 = arith.constant 100 : i32
      %add3A_469 = arith.addi %add3A_468, %mul3A_467 : i32
      %add3A_470 = arith.constant 2 : i32
      %add3A_471 = arith.addi %add3A_469, %add3A_470 : i32
      %get3A_472 = arith.index_cast %add3A_471 : i32 to index
      %get3A_473 = arith.constant 48 : index
      %get3A_474 = tpu.vector_load %arg7[%get3A_472, %get3A_473] {strides = array<i32>} : memref<200x64xf32, #tpu.memory_space<vmem>>, vector<1x16xf32>,
      %get3A_475 = vector.shape_cast %get3A_474 : vector<1x16xf32> to vector<16xf32>
      %swap3A_476 = arith.index_cast %add3A_465 : i32 to index
      %swap3A_477 = arith.constant 48 : index
      %swap3A_478 = tpu.vector_load %arg9[%swap3A_476, %swap3A_477] {strides = array<i32>} : memref<100x128xf32, #tpu.memory_space<vmem>>, vector<1x16xf32>,
      %swap3A_479 = vector.shape_cast %swap3A_478 : vector<1x16xf32> to vector<16xf32>
      %swap3A_480 = vector.shape_cast %get3A_475 : vector<16xf32> to vector<1x16xf32>
      tpu.vector_store %arg9[%swap3A_476, %swap3A_477], %swap3A_480 {add = true, strides = array<i32>} : memref<100x128xf32, #tpu.memory_space<vmem>>, vector<1x16xf32>,
      %mul3A_481 = arith.constant 4 : i32
      %mul3A_482 = arith.muli %mul3A_481, %scan3A_254 : i32
      %add3A_483 = arith.constant 3 : i32
      %add3A_484 = arith.addi %mul3A_482, %add3A_483 : i32
      %mul3A_485 = arith.constant 4 : i32
      %mul3A_486 = arith.muli %mul3A_485, %scan3A_254 : i32
      %add3A_487 = arith.constant 100 : i32
      %add3A_488 = arith.addi %add3A_487, %mul3A_486 : i32
      %add3A_489 = arith.constant 3 : i32
      %add3A_490 = arith.addi %add3A_488, %add3A_489 : i32
      %get3A_491 = arith.index_cast %add3A_490 : i32 to index
      %get3A_492 = arith.constant 0 : index
      %get3A_493 = tpu.vector_load %arg7[%get3A_491, %get3A_492] {strides = array<i32>} : memref<200x64xf32, #tpu.memory_space<vmem>>, vector<1x16xf32>,
      %get3A_494 = vector.shape_cast %get3A_493 : vector<1x16xf32> to vector<16xf32>
      %swap3A_495 = arith.index_cast %add3A_484 : i32 to index
      %swap3A_496 = arith.constant 0 : index
      %swap3A_497 = tpu.vector_load %arg9[%swap3A_495, %swap3A_496] {strides = array<i32>} : memref<100x128xf32, #tpu.memory_space<vmem>>, vector<1x16xf32>,
      %swap3A_498 = vector.shape_cast %swap3A_497 : vector<1x16xf32> to vector<16xf32>
      %swap3A_499 = vector.shape_cast %get3A_494 : vector<16xf32> to vector<1x16xf32>
      tpu.vector_store %arg9[%swap3A_495, %swap3A_496], %swap3A_499 {add = true, strides = array<i32>} : memref<100x128xf32, #tpu.memory_space<vmem>>, vector<1x16xf32>,
      %mul3A_500 = arith.constant 4 : i32
      %mul3A_501 = arith.muli %mul3A_500, %scan3A_254 : i32
      %add3A_502 = arith.constant 3 : i32
      %add3A_503 = arith.addi %mul3A_501, %add3A_502 : i32
      %mul3A_504 = arith.constant 4 : i32
      %mul3A_505 = arith.muli %mul3A_504, %scan3A_254 : i32
      %add3A_506 = arith.constant 100 : i32
      %add3A_507 = arith.addi %add3A_506, %mul3A_505 : i32
      %add3A_508 = arith.constant 3 : i32
      %add3A_509 = arith.addi %add3A_507, %add3A_508 : i32
      %get3A_510 = arith.index_cast %add3A_509 : i32 to index
      %get3A_511 = arith.constant 16 : index
      %get3A_512 = tpu.vector_load %arg7[%get3A_510, %get3A_511] {strides = array<i32>} : memref<200x64xf32, #tpu.memory_space<vmem>>, vector<1x16xf32>,
      %get3A_513 = vector.shape_cast %get3A_512 : vector<1x16xf32> to vector<16xf32>
      %swap3A_514 = arith.index_cast %add3A_503 : i32 to index
      %swap3A_515 = arith.constant 16 : index
      %swap3A_516 = tpu.vector_load %arg9[%swap3A_514, %swap3A_515] {strides = array<i32>} : memref<100x128xf32, #tpu.memory_space<vmem>>, vector<1x16xf32>,
      %swap3A_517 = vector.shape_cast %swap3A_516 : vector<1x16xf32> to vector<16xf32>
      %swap3A_518 = vector.shape_cast %get3A_513 : vector<16xf32> to vector<1x16xf32>
      tpu.vector_store %arg9[%swap3A_514, %swap3A_515], %swap3A_518 {add = true, strides = array<i32>} : memref<100x128xf32, #tpu.memory_space<vmem>>, vector<1x16xf32>,
      %mul3A_519 = arith.constant 4 : i32
      %mul3A_520 = arith.muli %mul3A_519, %scan3A_254 : i32
      %add3A_521 = arith.constant 3 : i32
      %add3A_522 = arith.addi %mul3A_520, %add3A_521 : i32
      %mul3A_523 = arith.constant 4 : i32
      %mul3A_524 = arith.muli %mul3A_523, %scan3A_254 : i32
      %add3A_525 = arith.constant 100 : i32
      %add3A_526 = arith.addi %add3A_525, %mul3A_524 : i32
      %add3A_527 = arith.constant 3 : i32
      %add3A_528 = arith.addi %add3A_526, %add3A_527 : i32
      %get3A_529 = arith.index_cast %add3A_528 : i32 to index
      %get3A_530 = arith.constant 32 : index
      %get3A_531 = tpu.vector_load %arg7[%get3A_529, %get3A_530] {strides = array<i32>} : memref<200x64xf32, #tpu.memory_space<vmem>>, vector<1x16xf32>,
      %get3A_532 = vector.shape_cast %get3A_531 : vector<1x16xf32> to vector<16xf32>
      %swap3A_533 = arith.index_cast %add3A_522 : i32 to index
      %swap3A_534 = arith.constant 32 : index
      %swap3A_535 = tpu.vector_load %arg9[%swap3A_533, %swap3A_534] {strides = array<i32>} : memref<100x128xf32, #tpu.memory_space<vmem>>, vector<1x16xf32>,
      %swap3A_536 = vector.shape_cast %swap3A_535 : vector<1x16xf32> to vector<16xf32>
      %swap3A_537 = vector.shape_cast %get3A_532 : vector<16xf32> to vector<1x16xf32>
      tpu.vector_store %arg9[%swap3A_533, %swap3A_534], %swap3A_537 {add = true, strides = array<i32>} : memref<100x128xf32, #tpu.memory_space<vmem>>, vector<1x16xf32>,
      %mul3A_538 = arith.constant 4 : i32
      %mul3A_539 = arith.muli %mul3A_538, %scan3A_254 : i32
      %add3A_540 = arith.constant 3 : i32
      %add3A_541 = arith.addi %mul3A_539, %add3A_540 : i32
      %mul3A_542 = arith.constant 4 : i32
      %mul3A_543 = arith.muli %mul3A_542, %scan3A_254 : i32
      %add3A_544 = arith.constant 100 : i32
      %add3A_545 = arith.addi %add3A_544, %mul3A_543 : i32
      %add3A_546 = arith.constant 3 : i32
      %add3A_547 = arith.addi %add3A_545, %add3A_546 : i32
      %get3A_548 = arith.index_cast %add3A_547 : i32 to index
      %get3A_549 = arith.constant 48 : index
      %get3A_550 = tpu.vector_load %arg7[%get3A_548, %get3A_549] {strides = array<i32>} : memref<200x64xf32, #tpu.memory_space<vmem>>, vector<1x16xf32>,
      %get3A_551 = vector.shape_cast %get3A_550 : vector<1x16xf32> to vector<16xf32>
      %swap3A_552 = arith.index_cast %add3A_541 : i32 to index
      %swap3A_553 = arith.constant 48 : index
      %swap3A_554 = tpu.vector_load %arg9[%swap3A_552, %swap3A_553] {strides = array<i32>} : memref<100x128xf32, #tpu.memory_space<vmem>>, vector<1x16xf32>,
      %swap3A_555 = vector.shape_cast %swap3A_554 : vector<1x16xf32> to vector<16xf32>
      %swap3A_556 = vector.shape_cast %get3A_551 : vector<16xf32> to vector<1x16xf32>
      tpu.vector_store %arg9[%swap3A_552, %swap3A_553], %swap3A_556 {add = true, strides = array<i32>} : memref<100x128xf32, #tpu.memory_space<vmem>>, vector<1x16xf32>,
    }
    %scan3A_57 = arith.constant 25 : i32
    %add3A_58 = arith.constant 100 : i32
    %add3A_59 = arith.addi %mul3A_2, %add3A_58 : i32
    %dma_start3A_60 = arith.constant 0 : i32
    %dma_start3A_61 = tpu.memref_slice %arg5[%add3A_59, %dma_start3A_60] : memref<819200x128xf32, #tpu.memory_space<hbm>> -> memref<100x128xf32, #tpu.memory_space<hbm>>
    %dma_start3A_62 = arith.constant 0 : i32
    %dma_start3A_63 = tpu.memref_slice %arg5[%add3A_59, %dma_start3A_62] : memref<819200x128xf32, #tpu.memory_space<hbm>> -> memref<100x128xf32, #tpu.memory_space<hbm>>
    tpu.enqueue_dma source(%arg9 : memref<100x128xf32, #tpu.memory_space<vmem>>) target(%dma_start3A_63 : memref<100x128xf32, #tpu.memory_space<hbm>>) target_semaphore(%arg17 : memref<!tpu.dma_semaphore, #tpu.memory_space<semaphore_mem>>)
    %dma_wait3A_64 = arith.constant 0 : i32
    %dma_wait3A_65 = arith.constant 0 : i32
    %dma_wait3A_66 = tpu.memref_slice %arg3[%dma_wait3A_64, %dma_wait3A_65] : memref<1000000x128xf32, #tpu.memory_space<hbm>> -> memref<100x128xf32, #tpu.memory_space<hbm>>
    %dma_wait3A_67 = arith.constant 0 : i32
    %dma_wait3A_68 = arith.constant 0 : i32
    %dma_wait3A_69 = tpu.memref_slice %arg3[%dma_wait3A_67, %dma_wait3A_68] : memref<1000000x128xf32, #tpu.memory_space<hbm>> -> memref<100x128xf32, #tpu.memory_space<hbm>>
    tpu.wait_dma2 semaphore(%arg14 : memref<!tpu.dma_semaphore, #tpu.memory_space<semaphore_mem>>) src(%dma_wait3A_69 : memref<100x128xf32, #tpu.memory_space<hbm>>) dst(%arg10 : memref<100x128xf32, #tpu.memory_space<vmem>>)
    %dma_wait3A_70 = arith.constant 0 : i32
    %dma_wait3A_71 = arith.constant 0 : i32
    %dma_wait3A_72 = tpu.memref_slice %arg5[%dma_wait3A_70, %dma_wait3A_71] : memref<819200x128xf32, #tpu.memory_space<hbm>> -> memref<100x128xf32, #tpu.memory_space<hbm>>
    %dma_wait3A_73 = arith.constant 0 : i32
    %dma_wait3A_74 = arith.constant 0 : i32
    %dma_wait3A_75 = tpu.memref_slice %arg5[%dma_wait3A_73, %dma_wait3A_74] : memref<819200x128xf32, #tpu.memory_space<hbm>> -> memref<100x128xf32, #tpu.memory_space<hbm>>
    tpu.wait_dma2 semaphore(%arg16 : memref<!tpu.dma_semaphore, #tpu.memory_space<semaphore_mem>>) src(%arg8 : memref<100x128xf32, #tpu.memory_space<vmem>>) dst(%dma_wait3A_75 : memref<100x128xf32, #tpu.memory_space<hbm>>)
    %dma_start3A_76 = arith.constant 4 : i32
    %dma_start3A_77 = arith.constant 0 : i32
    %dma_start3A_78 = tpu.memref_slice %arg6[%dma_start3A_76, %dma_start3A_77] : memref<256x100xi32, #tpu.memory_space<vmem>> -> memref<1x100xi32, #tpu.memory_space<vmem>>
    %dma_start3A_79 = tpu.memref_squeeze %dma_start3A_78 : memref<1x100xi32, #tpu.memory_space<vmem>> -> memref<100xi32, #tpu.memory_space<vmem>>
    %dma_start3A_80 = arith.constant 0 : i32
    %dma_start3A_81 = arith.constant 0 : i32
    %dma_start3A_82 = tpu.memref_slice %arg3[%dma_start3A_80, %dma_start3A_81] : memref<1000000x128xf32, #tpu.memory_space<hbm>> -> memref<1000000x128xf32, #tpu.memory_space<hbm>>
    tpu.enqueue_indirect_dma source(%dma_start3A_82 : memref<1000000x128xf32, #tpu.memory_space<hbm>>) target(%arg8 : memref<100x128xf32, #tpu.memory_space<vmem>>) offsets(%dma_start3A_79 : memref<100xi32, #tpu.memory_space<vmem>>) semaphore(%arg12 : memref<!tpu.dma_semaphore, #tpu.memory_space<semaphore_mem>>)
    %scan3A_83 = arith.constant 0 : i32
    %scan3A_84 = arith.constant 0 : i32
    %scan3A_85 = arith.constant 25 : i32
    %scan3A_86 = arith.addi %scan3A_84, %scan3A_85 : i32
    %scan3A_87 = arith.constant 1 : i32
    scf.for %scan3A_254 = %scan3A_84 to %scan3A_86 step %scan3A_87  : i32 {
      %mul3A_255 = arith.constant 4 : i32
      %mul3A_256 = arith.muli %mul3A_255, %scan3A_254 : i32
      %add3A_257 = arith.constant 0 : i32
      %add3A_258 = arith.addi %mul3A_256, %add3A_257 : i32
      %mul3A_259 = arith.constant 4 : i32
      %mul3A_260 = arith.muli %mul3A_259, %scan3A_254 : i32
      %add3A_261 = arith.constant 0 : i32
      %add3A_262 = arith.addi %add3A_261, %mul3A_260 : i32
      %add3A_263 = arith.constant 0 : i32
      %add3A_264 = arith.addi %add3A_262, %add3A_263 : i32
      %get3A = arith.index_cast %add3A_264 : i32 to index
      %get3A_265 = arith.constant 0 : index
      %get3A_266 = tpu.vector_load %arg7[%get3A, %get3A_265] {strides = array<i32>} : memref<200x64xf32, #tpu.memory_space<vmem>>, vector<1x16xf32>,
      %get3A_267 = vector.shape_cast %get3A_266 : vector<1x16xf32> to vector<16xf32>
      %swap3A = arith.index_cast %add3A_258 : i32 to index
      %swap3A_268 = arith.constant 0 : index
      %swap3A_269 = tpu.vector_load %arg10[%swap3A, %swap3A_268] {strides = array<i32>} : memref<100x128xf32, #tpu.memory_space<vmem>>, vector<1x16xf32>,
      %swap3A_270 = vector.shape_cast %swap3A_269 : vector<1x16xf32> to vector<16xf32>
      %swap3A_271 = vector.shape_cast %get3A_267 : vector<16xf32> to vector<1x16xf32>
      tpu.vector_store %arg10[%swap3A, %swap3A_268], %swap3A_271 {add = true, strides = array<i32>} : memref<100x128xf32, #tpu.memory_space<vmem>>, vector<1x16xf32>,
      %mul3A_272 = arith.constant 4 : i32
      %mul3A_273 = arith.muli %mul3A_272, %scan3A_254 : i32
      %add3A_274 = arith.constant 0 : i32
      %add3A_275 = arith.addi %mul3A_273, %add3A_274 : i32
      %mul3A_276 = arith.constant 4 : i32
      %mul3A_277 = arith.muli %mul3A_276, %scan3A_254 : i32
      %add3A_278 = arith.constant 0 : i32
      %add3A_279 = arith.addi %add3A_278, %mul3A_277 : i32
      %add3A_280 = arith.constant 0 : i32
      %add3A_281 = arith.addi %add3A_279, %add3A_280 : i32
      %get3A_282 = arith.index_cast %add3A_281 : i32 to index
      %get3A_283 = arith.constant 16 : index
      %get3A_284 = tpu.vector_load %arg7[%get3A_282, %get3A_283] {strides = array<i32>} : memref<200x64xf32, #tpu.memory_space<vmem>>, vector<1x16xf32>,
      %get3A_285 = vector.shape_cast %get3A_284 : vector<1x16xf32> to vector<16xf32>
      %swap3A_286 = arith.index_cast %add3A_275 : i32 to index
      %swap3A_287 = arith.constant 16 : index
      %swap3A_288 = tpu.vector_load %arg10[%swap3A_286, %swap3A_287] {strides = array<i32>} : memref<100x128xf32, #tpu.memory_space<vmem>>, vector<1x16xf32>,
      %swap3A_289 = vector.shape_cast %swap3A_288 : vector<1x16xf32> to vector<16xf32>
      %swap3A_290 = vector.shape_cast %get3A_285 : vector<16xf32> to vector<1x16xf32>
      tpu.vector_store %arg10[%swap3A_286, %swap3A_287], %swap3A_290 {add = true, strides = array<i32>} : memref<100x128xf32, #tpu.memory_space<vmem>>, vector<1x16xf32>,
      %mul3A_291 = arith.constant 4 : i32
      %mul3A_292 = arith.muli %mul3A_291, %scan3A_254 : i32
      %add3A_293 = arith.constant 0 : i32
      %add3A_294 = arith.addi %mul3A_292, %add3A_293 : i32
      %mul3A_295 = arith.constant 4 : i32
      %mul3A_296 = arith.muli %mul3A_295, %scan3A_254 : i32
      %add3A_297 = arith.constant 0 : i32
      %add3A_298 = arith.addi %add3A_297, %mul3A_296 : i32
      %add3A_299 = arith.constant 0 : i32
      %add3A_300 = arith.addi %add3A_298, %add3A_299 : i32
      %get3A_301 = arith.index_cast %add3A_300 : i32 to index
      %get3A_302 = arith.constant 32 : index
      %get3A_303 = tpu.vector_load %arg7[%get3A_301, %get3A_302] {strides = array<i32>} : memref<200x64xf32, #tpu.memory_space<vmem>>, vector<1x16xf32>,
      %get3A_304 = vector.shape_cast %get3A_303 : vector<1x16xf32> to vector<16xf32>
      %swap3A_305 = arith.index_cast %add3A_294 : i32 to index
      %swap3A_306 = arith.constant 32 : index
      %swap3A_307 = tpu.vector_load %arg10[%swap3A_305, %swap3A_306] {strides = array<i32>} : memref<100x128xf32, #tpu.memory_space<vmem>>, vector<1x16xf32>,
      %swap3A_308 = vector.shape_cast %swap3A_307 : vector<1x16xf32> to vector<16xf32>
      %swap3A_309 = vector.shape_cast %get3A_304 : vector<16xf32> to vector<1x16xf32>
      tpu.vector_store %arg10[%swap3A_305, %swap3A_306], %swap3A_309 {add = true, strides = array<i32>} : memref<100x128xf32, #tpu.memory_space<vmem>>, vector<1x16xf32>,
      %mul3A_310 = arith.constant 4 : i32
      %mul3A_311 = arith.muli %mul3A_310, %scan3A_254 : i32
      %add3A_312 = arith.constant 0 : i32
      %add3A_313 = arith.addi %mul3A_311, %add3A_312 : i32
      %mul3A_314 = arith.constant 4 : i32
      %mul3A_315 = arith.muli %mul3A_314, %scan3A_254 : i32
      %add3A_316 = arith.constant 0 : i32
      %add3A_317 = arith.addi %add3A_316, %mul3A_315 : i32
      %add3A_318 = arith.constant 0 : i32
      %add3A_319 = arith.addi %add3A_317, %add3A_318 : i32
      %get3A_320 = arith.index_cast %add3A_319 : i32 to index
      %get3A_321 = arith.constant 48 : index
      %get3A_322 = tpu.vector_load %arg7[%get3A_320, %get3A_321] {strides = array<i32>} : memref<200x64xf32, #tpu.memory_space<vmem>>, vector<1x16xf32>,
      %get3A_323 = vector.shape_cast %get3A_322 : vector<1x16xf32> to vector<16xf32>
      %swap3A_324 = arith.index_cast %add3A_313 : i32 to index
      %swap3A_325 = arith.constant 48 : index
      %swap3A_326 = tpu.vector_load %arg10[%swap3A_324, %swap3A_325] {strides = array<i32>} : memref<100x128xf32, #tpu.memory_space<vmem>>, vector<1x16xf32>,
      %swap3A_327 = vector.shape_cast %swap3A_326 : vector<1x16xf32> to vector<16xf32>
      %swap3A_328 = vector.shape_cast %get3A_323 : vector<16xf32> to vector<1x16xf32>
      tpu.vector_store %arg10[%swap3A_324, %swap3A_325], %swap3A_328 {add = true, strides = array<i32>} : memref<100x128xf32, #tpu.memory_space<vmem>>, vector<1x16xf32>,
      %mul3A_329 = arith.constant 4 : i32
      %mul3A_330 = arith.muli %mul3A_329, %scan3A_254 : i32
      %add3A_331 = arith.constant 1 : i32
      %add3A_332 = arith.addi %mul3A_330, %add3A_331 : i32
      %mul3A_333 = arith.constant 4 : i32
      %mul3A_334 = arith.muli %mul3A_333, %scan3A_254 : i32
      %add3A_335 = arith.constant 0 : i32
      %add3A_336 = arith.addi %add3A_335, %mul3A_334 : i32
      %add3A_337 = arith.constant 1 : i32
      %add3A_338 = arith.addi %add3A_336, %add3A_337 : i32
      %get3A_339 = arith.index_cast %add3A_338 : i32 to index
      %get3A_340 = arith.constant 0 : index
      %get3A_341 = tpu.vector_load %arg7[%get3A_339, %get3A_340] {strides = array<i32>} : memref<200x64xf32, #tpu.memory_space<vmem>>, vector<1x16xf32>,
      %get3A_342 = vector.shape_cast %get3A_341 : vector<1x16xf32> to vector<16xf32>
      %swap3A_343 = arith.index_cast %add3A_332 : i32 to index
      %swap3A_344 = arith.constant 0 : index
      %swap3A_345 = tpu.vector_load %arg10[%swap3A_343, %swap3A_344] {strides = array<i32>} : memref<100x128xf32, #tpu.memory_space<vmem>>, vector<1x16xf32>,
      %swap3A_346 = vector.shape_cast %swap3A_345 : vector<1x16xf32> to vector<16xf32>
      %swap3A_347 = vector.shape_cast %get3A_342 : vector<16xf32> to vector<1x16xf32>
      tpu.vector_store %arg10[%swap3A_343, %swap3A_344], %swap3A_347 {add = true, strides = array<i32>} : memref<100x128xf32, #tpu.memory_space<vmem>>, vector<1x16xf32>,
      %mul3A_348 = arith.constant 4 : i32
      %mul3A_349 = arith.muli %mul3A_348, %scan3A_254 : i32
      %add3A_350 = arith.constant 1 : i32
      %add3A_351 = arith.addi %mul3A_349, %add3A_350 : i32
      %mul3A_352 = arith.constant 4 : i32
      %mul3A_353 = arith.muli %mul3A_352, %scan3A_254 : i32
      %add3A_354 = arith.constant 0 : i32
      %add3A_355 = arith.addi %add3A_354, %mul3A_353 : i32
      %add3A_356 = arith.constant 1 : i32
      %add3A_357 = arith.addi %add3A_355, %add3A_356 : i32
      %get3A_358 = arith.index_cast %add3A_357 : i32 to index
      %get3A_359 = arith.constant 16 : index
      %get3A_360 = tpu.vector_load %arg7[%get3A_358, %get3A_359] {strides = array<i32>} : memref<200x64xf32, #tpu.memory_space<vmem>>, vector<1x16xf32>,
      %get3A_361 = vector.shape_cast %get3A_360 : vector<1x16xf32> to vector<16xf32>
      %swap3A_362 = arith.index_cast %add3A_351 : i32 to index
      %swap3A_363 = arith.constant 16 : index
      %swap3A_364 = tpu.vector_load %arg10[%swap3A_362, %swap3A_363] {strides = array<i32>} : memref<100x128xf32, #tpu.memory_space<vmem>>, vector<1x16xf32>,
      %swap3A_365 = vector.shape_cast %swap3A_364 : vector<1x16xf32> to vector<16xf32>
      %swap3A_366 = vector.shape_cast %get3A_361 : vector<16xf32> to vector<1x16xf32>
      tpu.vector_store %arg10[%swap3A_362, %swap3A_363], %swap3A_366 {add = true, strides = array<i32>} : memref<100x128xf32, #tpu.memory_space<vmem>>, vector<1x16xf32>,
      %mul3A_367 = arith.constant 4 : i32
      %mul3A_368 = arith.muli %mul3A_367, %scan3A_254 : i32
      %add3A_369 = arith.constant 1 : i32
      %add3A_370 = arith.addi %mul3A_368, %add3A_369 : i32
      %mul3A_371 = arith.constant 4 : i32
      %mul3A_372 = arith.muli %mul3A_371, %scan3A_254 : i32
      %add3A_373 = arith.constant 0 : i32
      %add3A_374 = arith.addi %add3A_373, %mul3A_372 : i32
      %add3A_375 = arith.constant 1 : i32
      %add3A_376 = arith.addi %add3A_374, %add3A_375 : i32
      %get3A_377 = arith.index_cast %add3A_376 : i32 to index
      %get3A_378 = arith.constant 32 : index
      %get3A_379 = tpu.vector_load %arg7[%get3A_377, %get3A_378] {strides = array<i32>} : memref<200x64xf32, #tpu.memory_space<vmem>>, vector<1x16xf32>,
      %get3A_380 = vector.shape_cast %get3A_379 : vector<1x16xf32> to vector<16xf32>
      %swap3A_381 = arith.index_cast %add3A_370 : i32 to index
      %swap3A_382 = arith.constant 32 : index
      %swap3A_383 = tpu.vector_load %arg10[%swap3A_381, %swap3A_382] {strides = array<i32>} : memref<100x128xf32, #tpu.memory_space<vmem>>, vector<1x16xf32>,
      %swap3A_384 = vector.shape_cast %swap3A_383 : vector<1x16xf32> to vector<16xf32>
      %swap3A_385 = vector.shape_cast %get3A_380 : vector<16xf32> to vector<1x16xf32>
      tpu.vector_store %arg10[%swap3A_381, %swap3A_382], %swap3A_385 {add = true, strides = array<i32>} : memref<100x128xf32, #tpu.memory_space<vmem>>, vector<1x16xf32>,
      %mul3A_386 = arith.constant 4 : i32
      %mul3A_387 = arith.muli %mul3A_386, %scan3A_254 : i32
      %add3A_388 = arith.constant 1 : i32
      %add3A_389 = arith.addi %mul3A_387, %add3A_388 : i32
      %mul3A_390 = arith.constant 4 : i32
      %mul3A_391 = arith.muli %mul3A_390, %scan3A_254 : i32
      %add3A_392 = arith.constant 0 : i32
      %add3A_393 = arith.addi %add3A_392, %mul3A_391 : i32
      %add3A_394 = arith.constant 1 : i32
      %add3A_395 = arith.addi %add3A_393, %add3A_394 : i32
      %get3A_396 = arith.index_cast %add3A_395 : i32 to index
      %get3A_397 = arith.constant 48 : index
      %get3A_398 = tpu.vector_load %arg7[%get3A_396, %get3A_397] {strides = array<i32>} : memref<200x64xf32, #tpu.memory_space<vmem>>, vector<1x16xf32>,
      %get3A_399 = vector.shape_cast %get3A_398 : vector<1x16xf32> to vector<16xf32>
      %swap3A_400 = arith.index_cast %add3A_389 : i32 to index
      %swap3A_401 = arith.constant 48 : index
      %swap3A_402 = tpu.vector_load %arg10[%swap3A_400, %swap3A_401] {strides = array<i32>} : memref<100x128xf32, #tpu.memory_space<vmem>>, vector<1x16xf32>,
      %swap3A_403 = vector.shape_cast %swap3A_402 : vector<1x16xf32> to vector<16xf32>
      %swap3A_404 = vector.shape_cast %get3A_399 : vector<16xf32> to vector<1x16xf32>
      tpu.vector_store %arg10[%swap3A_400, %swap3A_401], %swap3A_404 {add = true, strides = array<i32>} : memref<100x128xf32, #tpu.memory_space<vmem>>, vector<1x16xf32>,
      %mul3A_405 = arith.constant 4 : i32
      %mul3A_406 = arith.muli %mul3A_405, %scan3A_254 : i32
      %add3A_407 = arith.constant 2 : i32
      %add3A_408 = arith.addi %mul3A_406, %add3A_407 : i32
      %mul3A_409 = arith.constant 4 : i32
      %mul3A_410 = arith.muli %mul3A_409, %scan3A_254 : i32
      %add3A_411 = arith.constant 0 : i32
      %add3A_412 = arith.addi %add3A_411, %mul3A_410 : i32
      %add3A_413 = arith.constant 2 : i32
      %add3A_414 = arith.addi %add3A_412, %add3A_413 : i32
      %get3A_415 = arith.index_cast %add3A_414 : i32 to index
      %get3A_416 = arith.constant 0 : index
      %get3A_417 = tpu.vector_load %arg7[%get3A_415, %get3A_416] {strides = array<i32>} : memref<200x64xf32, #tpu.memory_space<vmem>>, vector<1x16xf32>,
      %get3A_418 = vector.shape_cast %get3A_417 : vector<1x16xf32> to vector<16xf32>
      %swap3A_419 = arith.index_cast %add3A_408 : i32 to index
      %swap3A_420 = arith.constant 0 : index
      %swap3A_421 = tpu.vector_load %arg10[%swap3A_419, %swap3A_420] {strides = array<i32>} : memref<100x128xf32, #tpu.memory_space<vmem>>, vector<1x16xf32>,
      %swap3A_422 = vector.shape_cast %swap3A_421 : vector<1x16xf32> to vector<16xf32>
      %swap3A_423 = vector.shape_cast %get3A_418 : vector<16xf32> to vector<1x16xf32>
      tpu.vector_store %arg10[%swap3A_419, %swap3A_420], %swap3A_423 {add = true, strides = array<i32>} : memref<100x128xf32, #tpu.memory_space<vmem>>, vector<1x16xf32>,
      %mul3A_424 = arith.constant 4 : i32
      %mul3A_425 = arith.muli %mul3A_424, %scan3A_254 : i32
      %add3A_426 = arith.constant 2 : i32
      %add3A_427 = arith.addi %mul3A_425, %add3A_426 : i32
      %mul3A_428 = arith.constant 4 : i32
      %mul3A_429 = arith.muli %mul3A_428, %scan3A_254 : i32
      %add3A_430 = arith.constant 0 : i32
      %add3A_431 = arith.addi %add3A_430, %mul3A_429 : i32
      %add3A_432 = arith.constant 2 : i32
      %add3A_433 = arith.addi %add3A_431, %add3A_432 : i32
      %get3A_434 = arith.index_cast %add3A_433 : i32 to index
      %get3A_435 = arith.constant 16 : index
      %get3A_436 = tpu.vector_load %arg7[%get3A_434, %get3A_435] {strides = array<i32>} : memref<200x64xf32, #tpu.memory_space<vmem>>, vector<1x16xf32>,
      %get3A_437 = vector.shape_cast %get3A_436 : vector<1x16xf32> to vector<16xf32>
      %swap3A_438 = arith.index_cast %add3A_427 : i32 to index
      %swap3A_439 = arith.constant 16 : index
      %swap3A_440 = tpu.vector_load %arg10[%swap3A_438, %swap3A_439] {strides = array<i32>} : memref<100x128xf32, #tpu.memory_space<vmem>>, vector<1x16xf32>,
      %swap3A_441 = vector.shape_cast %swap3A_440 : vector<1x16xf32> to vector<16xf32>
      %swap3A_442 = vector.shape_cast %get3A_437 : vector<16xf32> to vector<1x16xf32>
      tpu.vector_store %arg10[%swap3A_438, %swap3A_439], %swap3A_442 {add = true, strides = array<i32>} : memref<100x128xf32, #tpu.memory_space<vmem>>, vector<1x16xf32>,
      %mul3A_443 = arith.constant 4 : i32
      %mul3A_444 = arith.muli %mul3A_443, %scan3A_254 : i32
      %add3A_445 = arith.constant 2 : i32
      %add3A_446 = arith.addi %mul3A_444, %add3A_445 : i32
      %mul3A_447 = arith.constant 4 : i32
      %mul3A_448 = arith.muli %mul3A_447, %scan3A_254 : i32
      %add3A_449 = arith.constant 0 : i32
      %add3A_450 = arith.addi %add3A_449, %mul3A_448 : i32
      %add3A_451 = arith.constant 2 : i32
      %add3A_452 = arith.addi %add3A_450, %add3A_451 : i32
      %get3A_453 = arith.index_cast %add3A_452 : i32 to index
      %get3A_454 = arith.constant 32 : index
      %get3A_455 = tpu.vector_load %arg7[%get3A_453, %get3A_454] {strides = array<i32>} : memref<200x64xf32, #tpu.memory_space<vmem>>, vector<1x16xf32>,
      %get3A_456 = vector.shape_cast %get3A_455 : vector<1x16xf32> to vector<16xf32>
      %swap3A_457 = arith.index_cast %add3A_446 : i32 to index
      %swap3A_458 = arith.constant 32 : index
      %swap3A_459 = tpu.vector_load %arg10[%swap3A_457, %swap3A_458] {strides = array<i32>} : memref<100x128xf32, #tpu.memory_space<vmem>>, vector<1x16xf32>,
      %swap3A_460 = vector.shape_cast %swap3A_459 : vector<1x16xf32> to vector<16xf32>
      %swap3A_461 = vector.shape_cast %get3A_456 : vector<16xf32> to vector<1x16xf32>
      tpu.vector_store %arg10[%swap3A_457, %swap3A_458], %swap3A_461 {add = true, strides = array<i32>} : memref<100x128xf32, #tpu.memory_space<vmem>>, vector<1x16xf32>,
      %mul3A_462 = arith.constant 4 : i32
      %mul3A_463 = arith.muli %mul3A_462, %scan3A_254 : i32
      %add3A_464 = arith.constant 2 : i32
      %add3A_465 = arith.addi %mul3A_463, %add3A_464 : i32
      %mul3A_466 = arith.constant 4 : i32
      %mul3A_467 = arith.muli %mul3A_466, %scan3A_254 : i32
      %add3A_468 = arith.constant 0 : i32
      %add3A_469 = arith.addi %add3A_468, %mul3A_467 : i32
      %add3A_470 = arith.constant 2 : i32
      %add3A_471 = arith.addi %add3A_469, %add3A_470 : i32
      %get3A_472 = arith.index_cast %add3A_471 : i32 to index
      %get3A_473 = arith.constant 48 : index
      %get3A_474 = tpu.vector_load %arg7[%get3A_472, %get3A_473] {strides = array<i32>} : memref<200x64xf32, #tpu.memory_space<vmem>>, vector<1x16xf32>,
      %get3A_475 = vector.shape_cast %get3A_474 : vector<1x16xf32> to vector<16xf32>
      %swap3A_476 = arith.index_cast %add3A_465 : i32 to index
      %swap3A_477 = arith.constant 48 : index
      %swap3A_478 = tpu.vector_load %arg10[%swap3A_476, %swap3A_477] {strides = array<i32>} : memref<100x128xf32, #tpu.memory_space<vmem>>, vector<1x16xf32>,
      %swap3A_479 = vector.shape_cast %swap3A_478 : vector<1x16xf32> to vector<16xf32>
      %swap3A_480 = vector.shape_cast %get3A_475 : vector<16xf32> to vector<1x16xf32>
      tpu.vector_store %arg10[%swap3A_476, %swap3A_477], %swap3A_480 {add = true, strides = array<i32>} : memref<100x128xf32, #tpu.memory_space<vmem>>, vector<1x16xf32>,
      %mul3A_481 = arith.constant 4 : i32
      %mul3A_482 = arith.muli %mul3A_481, %scan3A_254 : i32
      %add3A_483 = arith.constant 3 : i32
      %add3A_484 = arith.addi %mul3A_482, %add3A_483 : i32
      %mul3A_485 = arith.constant 4 : i32
      %mul3A_486 = arith.muli %mul3A_485, %scan3A_254 : i32
      %add3A_487 = arith.constant 0 : i32
      %add3A_488 = arith.addi %add3A_487, %mul3A_486 : i32
      %add3A_489 = arith.constant 3 : i32
      %add3A_490 = arith.addi %add3A_488, %add3A_489 : i32
      %get3A_491 = arith.index_cast %add3A_490 : i32 to index
      %get3A_492 = arith.constant 0 : index
      %get3A_493 = tpu.vector_load %arg7[%get3A_491, %get3A_492] {strides = array<i32>} : memref<200x64xf32, #tpu.memory_space<vmem>>, vector<1x16xf32>,
      %get3A_494 = vector.shape_cast %get3A_493 : vector<1x16xf32> to vector<16xf32>
      %swap3A_495 = arith.index_cast %add3A_484 : i32 to index
      %swap3A_496 = arith.constant 0 : index
      %swap3A_497 = tpu.vector_load %arg10[%swap3A_495, %swap3A_496] {strides = array<i32>} : memref<100x128xf32, #tpu.memory_space<vmem>>, vector<1x16xf32>,
      %swap3A_498 = vector.shape_cast %swap3A_497 : vector<1x16xf32> to vector<16xf32>
      %swap3A_499 = vector.shape_cast %get3A_494 : vector<16xf32> to vector<1x16xf32>
      tpu.vector_store %arg10[%swap3A_495, %swap3A_496], %swap3A_499 {add = true, strides = array<i32>} : memref<100x128xf32, #tpu.memory_space<vmem>>, vector<1x16xf32>,
      %mul3A_500 = arith.constant 4 : i32
      %mul3A_501 = arith.muli %mul3A_500, %scan3A_254 : i32
      %add3A_502 = arith.constant 3 : i32
      %add3A_503 = arith.addi %mul3A_501, %add3A_502 : i32
      %mul3A_504 = arith.constant 4 : i32
      %mul3A_505 = arith.muli %mul3A_504, %scan3A_254 : i32
      %add3A_506 = arith.constant 0 : i32
      %add3A_507 = arith.addi %add3A_506, %mul3A_505 : i32
      %add3A_508 = arith.constant 3 : i32
      %add3A_509 = arith.addi %add3A_507, %add3A_508 : i32
      %get3A_510 = arith.index_cast %add3A_509 : i32 to index
      %get3A_511 = arith.constant 16 : index
      %get3A_512 = tpu.vector_load %arg7[%get3A_510, %get3A_511] {strides = array<i32>} : memref<200x64xf32, #tpu.memory_space<vmem>>, vector<1x16xf32>,
      %get3A_513 = vector.shape_cast %get3A_512 : vector<1x16xf32> to vector<16xf32>
      %swap3A_514 = arith.index_cast %add3A_503 : i32 to index
      %swap3A_515 = arith.constant 16 : index
      %swap3A_516 = tpu.vector_load %arg10[%swap3A_514, %swap3A_515] {strides = array<i32>} : memref<100x128xf32, #tpu.memory_space<vmem>>, vector<1x16xf32>,
      %swap3A_517 = vector.shape_cast %swap3A_516 : vector<1x16xf32> to vector<16xf32>
      %swap3A_518 = vector.shape_cast %get3A_513 : vector<16xf32> to vector<1x16xf32>
      tpu.vector_store %arg10[%swap3A_514, %swap3A_515], %swap3A_518 {add = true, strides = array<i32>} : memref<100x128xf32, #tpu.memory_space<vmem>>, vector<1x16xf32>,
      %mul3A_519 = arith.constant 4 : i32
      %mul3A_520 = arith.muli %mul3A_519, %scan3A_254 : i32
      %add3A_521 = arith.constant 3 : i32
      %add3A_522 = arith.addi %mul3A_520, %add3A_521 : i32
      %mul3A_523 = arith.constant 4 : i32
      %mul3A_524 = arith.muli %mul3A_523, %scan3A_254 : i32
      %add3A_525 = arith.constant 0 : i32
      %add3A_526 = arith.addi %add3A_525, %mul3A_524 : i32
      %add3A_527 = arith.constant 3 : i32
      %add3A_528 = arith.addi %add3A_526, %add3A_527 : i32
      %get3A_529 = arith.index_cast %add3A_528 : i32 to index
      %get3A_530 = arith.constant 32 : index
      %get3A_531 = tpu.vector_load %arg7[%get3A_529, %get3A_530] {strides = array<i32>} : memref<200x64xf32, #tpu.memory_space<vmem>>, vector<1x16xf32>,
      %get3A_532 = vector.shape_cast %get3A_531 : vector<1x16xf32> to vector<16xf32>
      %swap3A_533 = arith.index_cast %add3A_522 : i32 to index
      %swap3A_534 = arith.constant 32 : index
      %swap3A_535 = tpu.vector_load %arg10[%swap3A_533, %swap3A_534] {strides = array<i32>} : memref<100x128xf32, #tpu.memory_space<vmem>>, vector<1x16xf32>,
      %swap3A_536 = vector.shape_cast %swap3A_535 : vector<1x16xf32> to vector<16xf32>
      %swap3A_537 = vector.shape_cast %get3A_532 : vector<16xf32> to vector<1x16xf32>
      tpu.vector_store %arg10[%swap3A_533, %swap3A_534], %swap3A_537 {add = true, strides = array<i32>} : memref<100x128xf32, #tpu.memory_space<vmem>>, vector<1x16xf32>,
      %mul3A_538 = arith.constant 4 : i32
      %mul3A_539 = arith.muli %mul3A_538, %scan3A_254 : i32
      %add3A_540 = arith.constant 3 : i32
      %add3A_541 = arith.addi %mul3A_539, %add3A_540 : i32
      %mul3A_542 = arith.constant 4 : i32
      %mul3A_543 = arith.muli %mul3A_542, %scan3A_254 : i32
      %add3A_544 = arith.constant 0 : i32
      %add3A_545 = arith.addi %add3A_544, %mul3A_543 : i32
      %add3A_546 = arith.constant 3 : i32
      %add3A_547 = arith.addi %add3A_545, %add3A_546 : i32
      %get3A_548 = arith.index_cast %add3A_547 : i32 to index
      %get3A_549 = arith.constant 48 : index
      %get3A_550 = tpu.vector_load %arg7[%get3A_548, %get3A_549] {strides = array<i32>} : memref<200x64xf32, #tpu.memory_space<vmem>>, vector<1x16xf32>,
      %get3A_551 = vector.shape_cast %get3A_550 : vector<1x16xf32> to vector<16xf32>
      %swap3A_552 = arith.index_cast %add3A_541 : i32 to index
      %swap3A_553 = arith.constant 48 : index
      %swap3A_554 = tpu.vector_load %arg10[%swap3A_552, %swap3A_553] {strides = array<i32>} : memref<100x128xf32, #tpu.memory_space<vmem>>, vector<1x16xf32>,
      %swap3A_555 = vector.shape_cast %swap3A_554 : vector<1x16xf32> to vector<16xf32>
      %swap3A_556 = vector.shape_cast %get3A_551 : vector<16xf32> to vector<1x16xf32>
      tpu.vector_store %arg10[%swap3A_552, %swap3A_553], %swap3A_556 {add = true, strides = array<i32>} : memref<100x128xf32, #tpu.memory_space<vmem>>, vector<1x16xf32>,
    }
    %scan3A_88 = arith.constant 25 : i32
    %add3A_89 = arith.constant 200 : i32
    %add3A_90 = arith.addi %mul3A_2, %add3A_89 : i32
    %dma_start3A_91 = arith.constant 0 : i32
    %dma_start3A_92 = tpu.memref_slice %arg5[%add3A_90, %dma_start3A_91] : memref<819200x128xf32, #tpu.memory_space<hbm>> -> memref<100x128xf32, #tpu.memory_space<hbm>>
    %dma_start3A_93 = arith.constant 0 : i32
    %dma_start3A_94 = tpu.memref_slice %arg5[%add3A_90, %dma_start3A_93] : memref<819200x128xf32, #tpu.memory_space<hbm>> -> memref<100x128xf32, #tpu.memory_space<hbm>>
    tpu.enqueue_dma source(%arg10 : memref<100x128xf32, #tpu.memory_space<vmem>>) target(%dma_start3A_94 : memref<100x128xf32, #tpu.memory_space<hbm>>) target_semaphore(%arg18 : memref<!tpu.dma_semaphore, #tpu.memory_space<semaphore_mem>>)
    %dma_wait3A_95 = arith.constant 0 : i32
    %dma_wait3A_96 = arith.constant 0 : i32
    %dma_wait3A_97 = tpu.memref_slice %arg3[%dma_wait3A_95, %dma_wait3A_96] : memref<1000000x128xf32, #tpu.memory_space<hbm>> -> memref<100x128xf32, #tpu.memory_space<hbm>>
    %dma_wait3A_98 = arith.constant 0 : i32
    %dma_wait3A_99 = arith.constant 0 : i32
    %dma_wait3A_100 = tpu.memref_slice %arg3[%dma_wait3A_98, %dma_wait3A_99] : memref<1000000x128xf32, #tpu.memory_space<hbm>> -> memref<100x128xf32, #tpu.memory_space<hbm>>
    tpu.wait_dma2 semaphore(%arg15 : memref<!tpu.dma_semaphore, #tpu.memory_space<semaphore_mem>>) src(%dma_wait3A_100 : memref<100x128xf32, #tpu.memory_space<hbm>>) dst(%arg11 : memref<100x128xf32, #tpu.memory_space<vmem>>)
    %dma_wait3A_101 = arith.constant 0 : i32
    %dma_wait3A_102 = arith.constant 0 : i32
    %dma_wait3A_103 = tpu.memref_slice %arg5[%dma_wait3A_101, %dma_wait3A_102] : memref<819200x128xf32, #tpu.memory_space<hbm>> -> memref<100x128xf32, #tpu.memory_space<hbm>>
    %dma_wait3A_104 = arith.constant 0 : i32
    %dma_wait3A_105 = arith.constant 0 : i32
    %dma_wait3A_106 = tpu.memref_slice %arg5[%dma_wait3A_104, %dma_wait3A_105] : memref<819200x128xf32, #tpu.memory_space<hbm>> -> memref<100x128xf32, #tpu.memory_space<hbm>>
    tpu.wait_dma2 semaphore(%arg17 : memref<!tpu.dma_semaphore, #tpu.memory_space<semaphore_mem>>) src(%arg9 : memref<100x128xf32, #tpu.memory_space<vmem>>) dst(%dma_wait3A_106 : memref<100x128xf32, #tpu.memory_space<hbm>>)
    %dma_start3A_107 = arith.constant 5 : i32
    %dma_start3A_108 = arith.constant 0 : i32
    %dma_start3A_109 = tpu.memref_slice %arg6[%dma_start3A_107, %dma_start3A_108] : memref<256x100xi32, #tpu.memory_space<vmem>> -> memref<1x100xi32, #tpu.memory_space<vmem>>
    %dma_start3A_110 = tpu.memref_squeeze %dma_start3A_109 : memref<1x100xi32, #tpu.memory_space<vmem>> -> memref<100xi32, #tpu.memory_space<vmem>>
    %dma_start3A_111 = arith.constant 0 : i32
    %dma_start3A_112 = arith.constant 0 : i32
    %dma_start3A_113 = tpu.memref_slice %arg3[%dma_start3A_111, %dma_start3A_112] : memref<1000000x128xf32, #tpu.memory_space<hbm>> -> memref<1000000x128xf32, #tpu.memory_space<hbm>>
    tpu.enqueue_indirect_dma source(%dma_start3A_113 : memref<1000000x128xf32, #tpu.memory_space<hbm>>) target(%arg9 : memref<100x128xf32, #tpu.memory_space<vmem>>) offsets(%dma_start3A_110 : memref<100xi32, #tpu.memory_space<vmem>>) semaphore(%arg13 : memref<!tpu.dma_semaphore, #tpu.memory_space<semaphore_mem>>)
    %scan3A_114 = arith.constant 0 : i32
    %scan3A_115 = arith.constant 0 : i32
    %scan3A_116 = arith.constant 25 : i32
    %scan3A_117 = arith.addi %scan3A_115, %scan3A_116 : i32
    %scan3A_118 = arith.constant 1 : i32
    scf.for %scan3A_254 = %scan3A_115 to %scan3A_117 step %scan3A_118  : i32 {
      %mul3A_255 = arith.constant 4 : i32
      %mul3A_256 = arith.muli %mul3A_255, %scan3A_254 : i32
      %add3A_257 = arith.constant 0 : i32
      %add3A_258 = arith.addi %mul3A_256, %add3A_257 : i32
      %mul3A_259 = arith.constant 4 : i32
      %mul3A_260 = arith.muli %mul3A_259, %scan3A_254 : i32
      %add3A_261 = arith.constant 100 : i32
      %add3A_262 = arith.addi %add3A_261, %mul3A_260 : i32
      %add3A_263 = arith.constant 0 : i32
      %add3A_264 = arith.addi %add3A_262, %add3A_263 : i32
      %get3A = arith.index_cast %add3A_264 : i32 to index
      %get3A_265 = arith.constant 0 : index
      %get3A_266 = tpu.vector_load %arg7[%get3A, %get3A_265] {strides = array<i32>} : memref<200x64xf32, #tpu.memory_space<vmem>>, vector<1x16xf32>,
      %get3A_267 = vector.shape_cast %get3A_266 : vector<1x16xf32> to vector<16xf32>
      %swap3A = arith.index_cast %add3A_258 : i32 to index
      %swap3A_268 = arith.constant 0 : index
      %swap3A_269 = tpu.vector_load %arg11[%swap3A, %swap3A_268] {strides = array<i32>} : memref<100x128xf32, #tpu.memory_space<vmem>>, vector<1x16xf32>,
      %swap3A_270 = vector.shape_cast %swap3A_269 : vector<1x16xf32> to vector<16xf32>
      %swap3A_271 = vector.shape_cast %get3A_267 : vector<16xf32> to vector<1x16xf32>
      tpu.vector_store %arg11[%swap3A, %swap3A_268], %swap3A_271 {add = true, strides = array<i32>} : memref<100x128xf32, #tpu.memory_space<vmem>>, vector<1x16xf32>,
      %mul3A_272 = arith.constant 4 : i32
      %mul3A_273 = arith.muli %mul3A_272, %scan3A_254 : i32
      %add3A_274 = arith.constant 0 : i32
      %add3A_275 = arith.addi %mul3A_273, %add3A_274 : i32
      %mul3A_276 = arith.constant 4 : i32
      %mul3A_277 = arith.muli %mul3A_276, %scan3A_254 : i32
      %add3A_278 = arith.constant 100 : i32
      %add3A_279 = arith.addi %add3A_278, %mul3A_277 : i32
      %add3A_280 = arith.constant 0 : i32
      %add3A_281 = arith.addi %add3A_279, %add3A_280 : i32
      %get3A_282 = arith.index_cast %add3A_281 : i32 to index
      %get3A_283 = arith.constant 16 : index
      %get3A_284 = tpu.vector_load %arg7[%get3A_282, %get3A_283] {strides = array<i32>} : memref<200x64xf32, #tpu.memory_space<vmem>>, vector<1x16xf32>,
      %get3A_285 = vector.shape_cast %get3A_284 : vector<1x16xf32> to vector<16xf32>
      %swap3A_286 = arith.index_cast %add3A_275 : i32 to index
      %swap3A_287 = arith.constant 16 : index
      %swap3A_288 = tpu.vector_load %arg11[%swap3A_286, %swap3A_287] {strides = array<i32>} : memref<100x128xf32, #tpu.memory_space<vmem>>, vector<1x16xf32>,
      %swap3A_289 = vector.shape_cast %swap3A_288 : vector<1x16xf32> to vector<16xf32>
      %swap3A_290 = vector.shape_cast %get3A_285 : vector<16xf32> to vector<1x16xf32>
      tpu.vector_store %arg11[%swap3A_286, %swap3A_287], %swap3A_290 {add = true, strides = array<i32>} : memref<100x128xf32, #tpu.memory_space<vmem>>, vector<1x16xf32>,
      %mul3A_291 = arith.constant 4 : i32
      %mul3A_292 = arith.muli %mul3A_291, %scan3A_254 : i32
      %add3A_293 = arith.constant 0 : i32
      %add3A_294 = arith.addi %mul3A_292, %add3A_293 : i32
      %mul3A_295 = arith.constant 4 : i32
      %mul3A_296 = arith.muli %mul3A_295, %scan3A_254 : i32
      %add3A_297 = arith.constant 100 : i32
      %add3A_298 = arith.addi %add3A_297, %mul3A_296 : i32
      %add3A_299 = arith.constant 0 : i32
      %add3A_300 = arith.addi %add3A_298, %add3A_299 : i32
      %get3A_301 = arith.index_cast %add3A_300 : i32 to index
      %get3A_302 = arith.constant 32 : index
      %get3A_303 = tpu.vector_load %arg7[%get3A_301, %get3A_302] {strides = array<i32>} : memref<200x64xf32, #tpu.memory_space<vmem>>, vector<1x16xf32>,
      %get3A_304 = vector.shape_cast %get3A_303 : vector<1x16xf32> to vector<16xf32>
      %swap3A_305 = arith.index_cast %add3A_294 : i32 to index
      %swap3A_306 = arith.constant 32 : index
      %swap3A_307 = tpu.vector_load %arg11[%swap3A_305, %swap3A_306] {strides = array<i32>} : memref<100x128xf32, #tpu.memory_space<vmem>>, vector<1x16xf32>,
      %swap3A_308 = vector.shape_cast %swap3A_307 : vector<1x16xf32> to vector<16xf32>
      %swap3A_309 = vector.shape_cast %get3A_304 : vector<16xf32> to vector<1x16xf32>
      tpu.vector_store %arg11[%swap3A_305, %swap3A_306], %swap3A_309 {add = true, strides = array<i32>} : memref<100x128xf32, #tpu.memory_space<vmem>>, vector<1x16xf32>,
      %mul3A_310 = arith.constant 4 : i32
      %mul3A_311 = arith.muli %mul3A_310, %scan3A_254 : i32
      %add3A_312 = arith.constant 0 : i32
      %add3A_313 = arith.addi %mul3A_311, %add3A_312 : i32
      %mul3A_314 = arith.constant 4 : i32
      %mul3A_315 = arith.muli %mul3A_314, %scan3A_254 : i32
      %add3A_316 = arith.constant 100 : i32
      %add3A_317 = arith.addi %add3A_316, %mul3A_315 : i32
      %add3A_318 = arith.constant 0 : i32
      %add3A_319 = arith.addi %add3A_317, %add3A_318 : i32
      %get3A_320 = arith.index_cast %add3A_319 : i32 to index
      %get3A_321 = arith.constant 48 : index
      %get3A_322 = tpu.vector_load %arg7[%get3A_320, %get3A_321] {strides = array<i32>} : memref<200x64xf32, #tpu.memory_space<vmem>>, vector<1x16xf32>,
      %get3A_323 = vector.shape_cast %get3A_322 : vector<1x16xf32> to vector<16xf32>
      %swap3A_324 = arith.index_cast %add3A_313 : i32 to index
      %swap3A_325 = arith.constant 48 : index
      %swap3A_326 = tpu.vector_load %arg11[%swap3A_324, %swap3A_325] {strides = array<i32>} : memref<100x128xf32, #tpu.memory_space<vmem>>, vector<1x16xf32>,
      %swap3A_327 = vector.shape_cast %swap3A_326 : vector<1x16xf32> to vector<16xf32>
      %swap3A_328 = vector.shape_cast %get3A_323 : vector<16xf32> to vector<1x16xf32>
      tpu.vector_store %arg11[%swap3A_324, %swap3A_325], %swap3A_328 {add = true, strides = array<i32>} : memref<100x128xf32, #tpu.memory_space<vmem>>, vector<1x16xf32>,
      %mul3A_329 = arith.constant 4 : i32
      %mul3A_330 = arith.muli %mul3A_329, %scan3A_254 : i32
      %add3A_331 = arith.constant 1 : i32
      %add3A_332 = arith.addi %mul3A_330, %add3A_331 : i32
      %mul3A_333 = arith.constant 4 : i32
      %mul3A_334 = arith.muli %mul3A_333, %scan3A_254 : i32
      %add3A_335 = arith.constant 100 : i32
      %add3A_336 = arith.addi %add3A_335, %mul3A_334 : i32
      %add3A_337 = arith.constant 1 : i32
      %add3A_338 = arith.addi %add3A_336, %add3A_337 : i32
      %get3A_339 = arith.index_cast %add3A_338 : i32 to index
      %get3A_340 = arith.constant 0 : index
      %get3A_341 = tpu.vector_load %arg7[%get3A_339, %get3A_340] {strides = array<i32>} : memref<200x64xf32, #tpu.memory_space<vmem>>, vector<1x16xf32>,
      %get3A_342 = vector.shape_cast %get3A_341 : vector<1x16xf32> to vector<16xf32>
      %swap3A_343 = arith.index_cast %add3A_332 : i32 to index
      %swap3A_344 = arith.constant 0 : index
      %swap3A_345 = tpu.vector_load %arg11[%swap3A_343, %swap3A_344] {strides = array<i32>} : memref<100x128xf32, #tpu.memory_space<vmem>>, vector<1x16xf32>,
      %swap3A_346 = vector.shape_cast %swap3A_345 : vector<1x16xf32> to vector<16xf32>
      %swap3A_347 = vector.shape_cast %get3A_342 : vector<16xf32> to vector<1x16xf32>
      tpu.vector_store %arg11[%swap3A_343, %swap3A_344], %swap3A_347 {add = true, strides = array<i32>} : memref<100x128xf32, #tpu.memory_space<vmem>>, vector<1x16xf32>,
      %mul3A_348 = arith.constant 4 : i32
      %mul3A_349 = arith.muli %mul3A_348, %scan3A_254 : i32
      %add3A_350 = arith.constant 1 : i32
      %add3A_351 = arith.addi %mul3A_349, %add3A_350 : i32
      %mul3A_352 = arith.constant 4 : i32
      %mul3A_353 = arith.muli %mul3A_352, %scan3A_254 : i32
      %add3A_354 = arith.constant 100 : i32
      %add3A_355 = arith.addi %add3A_354, %mul3A_353 : i32
      %add3A_356 = arith.constant 1 : i32
      %add3A_357 = arith.addi %add3A_355, %add3A_356 : i32
      %get3A_358 = arith.index_cast %add3A_357 : i32 to index
      %get3A_359 = arith.constant 16 : index
      %get3A_360 = tpu.vector_load %arg7[%get3A_358, %get3A_359] {strides = array<i32>} : memref<200x64xf32, #tpu.memory_space<vmem>>, vector<1x16xf32>,
      %get3A_361 = vector.shape_cast %get3A_360 : vector<1x16xf32> to vector<16xf32>
      %swap3A_362 = arith.index_cast %add3A_351 : i32 to index
      %swap3A_363 = arith.constant 16 : index
      %swap3A_364 = tpu.vector_load %arg11[%swap3A_362, %swap3A_363] {strides = array<i32>} : memref<100x128xf32, #tpu.memory_space<vmem>>, vector<1x16xf32>,
      %swap3A_365 = vector.shape_cast %swap3A_364 : vector<1x16xf32> to vector<16xf32>
      %swap3A_366 = vector.shape_cast %get3A_361 : vector<16xf32> to vector<1x16xf32>
      tpu.vector_store %arg11[%swap3A_362, %swap3A_363], %swap3A_366 {add = true, strides = array<i32>} : memref<100x128xf32, #tpu.memory_space<vmem>>, vector<1x16xf32>,
      %mul3A_367 = arith.constant 4 : i32
      %mul3A_368 = arith.muli %mul3A_367, %scan3A_254 : i32
      %add3A_369 = arith.constant 1 : i32
      %add3A_370 = arith.addi %mul3A_368, %add3A_369 : i32
      %mul3A_371 = arith.constant 4 : i32
      %mul3A_372 = arith.muli %mul3A_371, %scan3A_254 : i32
      %add3A_373 = arith.constant 100 : i32
      %add3A_374 = arith.addi %add3A_373, %mul3A_372 : i32
      %add3A_375 = arith.constant 1 : i32
      %add3A_376 = arith.addi %add3A_374, %add3A_375 : i32
      %get3A_377 = arith.index_cast %add3A_376 : i32 to index
      %get3A_378 = arith.constant 32 : index
      %get3A_379 = tpu.vector_load %arg7[%get3A_377, %get3A_378] {strides = array<i32>} : memref<200x64xf32, #tpu.memory_space<vmem>>, vector<1x16xf32>,
      %get3A_380 = vector.shape_cast %get3A_379 : vector<1x16xf32> to vector<16xf32>
      %swap3A_381 = arith.index_cast %add3A_370 : i32 to index
      %swap3A_382 = arith.constant 32 : index
      %swap3A_383 = tpu.vector_load %arg11[%swap3A_381, %swap3A_382] {strides = array<i32>} : memref<100x128xf32, #tpu.memory_space<vmem>>, vector<1x16xf32>,
      %swap3A_384 = vector.shape_cast %swap3A_383 : vector<1x16xf32> to vector<16xf32>
      %swap3A_385 = vector.shape_cast %get3A_380 : vector<16xf32> to vector<1x16xf32>
      tpu.vector_store %arg11[%swap3A_381, %swap3A_382], %swap3A_385 {add = true, strides = array<i32>} : memref<100x128xf32, #tpu.memory_space<vmem>>, vector<1x16xf32>,
      %mul3A_386 = arith.constant 4 : i32
      %mul3A_387 = arith.muli %mul3A_386, %scan3A_254 : i32
      %add3A_388 = arith.constant 1 : i32
      %add3A_389 = arith.addi %mul3A_387, %add3A_388 : i32
      %mul3A_390 = arith.constant 4 : i32
      %mul3A_391 = arith.muli %mul3A_390, %scan3A_254 : i32
      %add3A_392 = arith.constant 100 : i32
      %add3A_393 = arith.addi %add3A_392, %mul3A_391 : i32
      %add3A_394 = arith.constant 1 : i32
      %add3A_395 = arith.addi %add3A_393, %add3A_394 : i32
      %get3A_396 = arith.index_cast %add3A_395 : i32 to index
      %get3A_397 = arith.constant 48 : index
      %get3A_398 = tpu.vector_load %arg7[%get3A_396, %get3A_397] {strides = array<i32>} : memref<200x64xf32, #tpu.memory_space<vmem>>, vector<1x16xf32>,
      %get3A_399 = vector.shape_cast %get3A_398 : vector<1x16xf32> to vector<16xf32>
      %swap3A_400 = arith.index_cast %add3A_389 : i32 to index
      %swap3A_401 = arith.constant 48 : index
      %swap3A_402 = tpu.vector_load %arg11[%swap3A_400, %swap3A_401] {strides = array<i32>} : memref<100x128xf32, #tpu.memory_space<vmem>>, vector<1x16xf32>,
      %swap3A_403 = vector.shape_cast %swap3A_402 : vector<1x16xf32> to vector<16xf32>
      %swap3A_404 = vector.shape_cast %get3A_399 : vector<16xf32> to vector<1x16xf32>
      tpu.vector_store %arg11[%swap3A_400, %swap3A_401], %swap3A_404 {add = true, strides = array<i32>} : memref<100x128xf32, #tpu.memory_space<vmem>>, vector<1x16xf32>,
      %mul3A_405 = arith.constant 4 : i32
      %mul3A_406 = arith.muli %mul3A_405, %scan3A_254 : i32
      %add3A_407 = arith.constant 2 : i32
      %add3A_408 = arith.addi %mul3A_406, %add3A_407 : i32
      %mul3A_409 = arith.constant 4 : i32
      %mul3A_410 = arith.muli %mul3A_409, %scan3A_254 : i32
      %add3A_411 = arith.constant 100 : i32
      %add3A_412 = arith.addi %add3A_411, %mul3A_410 : i32
      %add3A_413 = arith.constant 2 : i32
      %add3A_414 = arith.addi %add3A_412, %add3A_413 : i32
      %get3A_415 = arith.index_cast %add3A_414 : i32 to index
      %get3A_416 = arith.constant 0 : index
      %get3A_417 = tpu.vector_load %arg7[%get3A_415, %get3A_416] {strides = array<i32>} : memref<200x64xf32, #tpu.memory_space<vmem>>, vector<1x16xf32>,
      %get3A_418 = vector.shape_cast %get3A_417 : vector<1x16xf32> to vector<16xf32>
      %swap3A_419 = arith.index_cast %add3A_408 : i32 to index
      %swap3A_420 = arith.constant 0 : index
      %swap3A_421 = tpu.vector_load %arg11[%swap3A_419, %swap3A_420] {strides = array<i32>} : memref<100x128xf32, #tpu.memory_space<vmem>>, vector<1x16xf32>,
      %swap3A_422 = vector.shape_cast %swap3A_421 : vector<1x16xf32> to vector<16xf32>
      %swap3A_423 = vector.shape_cast %get3A_418 : vector<16xf32> to vector<1x16xf32>
      tpu.vector_store %arg11[%swap3A_419, %swap3A_420], %swap3A_423 {add = true, strides = array<i32>} : memref<100x128xf32, #tpu.memory_space<vmem>>, vector<1x16xf32>,
      %mul3A_424 = arith.constant 4 : i32
      %mul3A_425 = arith.muli %mul3A_424, %scan3A_254 : i32
      %add3A_426 = arith.constant 2 : i32
      %add3A_427 = arith.addi %mul3A_425, %add3A_426 : i32
      %mul3A_428 = arith.constant 4 : i32
      %mul3A_429 = arith.muli %mul3A_428, %scan3A_254 : i32
      %add3A_430 = arith.constant 100 : i32
      %add3A_431 = arith.addi %add3A_430, %mul3A_429 : i32
      %add3A_432 = arith.constant 2 : i32
      %add3A_433 = arith.addi %add3A_431, %add3A_432 : i32
      %get3A_434 = arith.index_cast %add3A_433 : i32 to index
      %get3A_435 = arith.constant 16 : index
      %get3A_436 = tpu.vector_load %arg7[%get3A_434, %get3A_435] {strides = array<i32>} : memref<200x64xf32, #tpu.memory_space<vmem>>, vector<1x16xf32>,
      %get3A_437 = vector.shape_cast %get3A_436 : vector<1x16xf32> to vector<16xf32>
      %swap3A_438 = arith.index_cast %add3A_427 : i32 to index
      %swap3A_439 = arith.constant 16 : index
      %swap3A_440 = tpu.vector_load %arg11[%swap3A_438, %swap3A_439] {strides = array<i32>} : memref<100x128xf32, #tpu.memory_space<vmem>>, vector<1x16xf32>,
      %swap3A_441 = vector.shape_cast %swap3A_440 : vector<1x16xf32> to vector<16xf32>
      %swap3A_442 = vector.shape_cast %get3A_437 : vector<16xf32> to vector<1x16xf32>
      tpu.vector_store %arg11[%swap3A_438, %swap3A_439], %swap3A_442 {add = true, strides = array<i32>} : memref<100x128xf32, #tpu.memory_space<vmem>>, vector<1x16xf32>,
      %mul3A_443 = arith.constant 4 : i32
      %mul3A_444 = arith.muli %mul3A_443, %scan3A_254 : i32
      %add3A_445 = arith.constant 2 : i32
      %add3A_446 = arith.addi %mul3A_444, %add3A_445 : i32
      %mul3A_447 = arith.constant 4 : i32
      %mul3A_448 = arith.muli %mul3A_447, %scan3A_254 : i32
      %add3A_449 = arith.constant 100 : i32
      %add3A_450 = arith.addi %add3A_449, %mul3A_448 : i32
      %add3A_451 = arith.constant 2 : i32
      %add3A_452 = arith.addi %add3A_450, %add3A_451 : i32
      %get3A_453 = arith.index_cast %add3A_452 : i32 to index
      %get3A_454 = arith.constant 32 : index
      %get3A_455 = tpu.vector_load %arg7[%get3A_453, %get3A_454] {strides = array<i32>} : memref<200x64xf32, #tpu.memory_space<vmem>>, vector<1x16xf32>,
      %get3A_456 = vector.shape_cast %get3A_455 : vector<1x16xf32> to vector<16xf32>
      %swap3A_457 = arith.index_cast %add3A_446 : i32 to index
      %swap3A_458 = arith.constant 32 : index
      %swap3A_459 = tpu.vector_load %arg11[%swap3A_457, %swap3A_458] {strides = array<i32>} : memref<100x128xf32, #tpu.memory_space<vmem>>, vector<1x16xf32>,
      %swap3A_460 = vector.shape_cast %swap3A_459 : vector<1x16xf32> to vector<16xf32>
      %swap3A_461 = vector.shape_cast %get3A_456 : vector<16xf32> to vector<1x16xf32>
      tpu.vector_store %arg11[%swap3A_457, %swap3A_458], %swap3A_461 {add = true, strides = array<i32>} : memref<100x128xf32, #tpu.memory_space<vmem>>, vector<1x16xf32>,
      %mul3A_462 = arith.constant 4 : i32
      %mul3A_463 = arith.muli %mul3A_462, %scan3A_254 : i32
      %add3A_464 = arith.constant 2 : i32
      %add3A_465 = arith.addi %mul3A_463, %add3A_464 : i32
      %mul3A_466 = arith.constant 4 : i32
      %mul3A_467 = arith.muli %mul3A_466, %scan3A_254 : i32
      %add3A_468 = arith.constant 100 : i32
      %add3A_469 = arith.addi %add3A_468, %mul3A_467 : i32
      %add3A_470 = arith.constant 2 : i32
      %add3A_471 = arith.addi %add3A_469, %add3A_470 : i32
      %get3A_472 = arith.index_cast %add3A_471 : i32 to index
      %get3A_473 = arith.constant 48 : index
      %get3A_474 = tpu.vector_load %arg7[%get3A_472, %get3A_473] {strides = array<i32>} : memref<200x64xf32, #tpu.memory_space<vmem>>, vector<1x16xf32>,
      %get3A_475 = vector.shape_cast %get3A_474 : vector<1x16xf32> to vector<16xf32>
      %swap3A_476 = arith.index_cast %add3A_465 : i32 to index
      %swap3A_477 = arith.constant 48 : index
      %swap3A_478 = tpu.vector_load %arg11[%swap3A_476, %swap3A_477] {strides = array<i32>} : memref<100x128xf32, #tpu.memory_space<vmem>>, vector<1x16xf32>,
      %swap3A_479 = vector.shape_cast %swap3A_478 : vector<1x16xf32> to vector<16xf32>
      %swap3A_480 = vector.shape_cast %get3A_475 : vector<16xf32> to vector<1x16xf32>
      tpu.vector_store %arg11[%swap3A_476, %swap3A_477], %swap3A_480 {add = true, strides = array<i32>} : memref<100x128xf32, #tpu.memory_space<vmem>>, vector<1x16xf32>,
      %mul3A_481 = arith.constant 4 : i32
      %mul3A_482 = arith.muli %mul3A_481, %scan3A_254 : i32
      %add3A_483 = arith.constant 3 : i32
      %add3A_484 = arith.addi %mul3A_482, %add3A_483 : i32
      %mul3A_485 = arith.constant 4 : i32
      %mul3A_486 = arith.muli %mul3A_485, %scan3A_254 : i32
      %add3A_487 = arith.constant 100 : i32
      %add3A_488 = arith.addi %add3A_487, %mul3A_486 : i32
      %add3A_489 = arith.constant 3 : i32
      %add3A_490 = arith.addi %add3A_488, %add3A_489 : i32
      %get3A_491 = arith.index_cast %add3A_490 : i32 to index
      %get3A_492 = arith.constant 0 : index
      %get3A_493 = tpu.vector_load %arg7[%get3A_491, %get3A_492] {strides = array<i32>} : memref<200x64xf32, #tpu.memory_space<vmem>>, vector<1x16xf32>,
      %get3A_494 = vector.shape_cast %get3A_493 : vector<1x16xf32> to vector<16xf32>
      %swap3A_495 = arith.index_cast %add3A_484 : i32 to index
      %swap3A_496 = arith.constant 0 : index
      %swap3A_497 = tpu.vector_load %arg11[%swap3A_495, %swap3A_496] {strides = array<i32>} : memref<100x128xf32, #tpu.memory_space<vmem>>, vector<1x16xf32>,
      %swap3A_498 = vector.shape_cast %swap3A_497 : vector<1x16xf32> to vector<16xf32>
      %swap3A_499 = vector.shape_cast %get3A_494 : vector<16xf32> to vector<1x16xf32>
      tpu.vector_store %arg11[%swap3A_495, %swap3A_496], %swap3A_499 {add = true, strides = array<i32>} : memref<100x128xf32, #tpu.memory_space<vmem>>, vector<1x16xf32>,
      %mul3A_500 = arith.constant 4 : i32
      %mul3A_501 = arith.muli %mul3A_500, %scan3A_254 : i32
      %add3A_502 = arith.constant 3 : i32
      %add3A_503 = arith.addi %mul3A_501, %add3A_502 : i32
      %mul3A_504 = arith.constant 4 : i32
      %mul3A_505 = arith.muli %mul3A_504, %scan3A_254 : i32
      %add3A_506 = arith.constant 100 : i32
      %add3A_507 = arith.addi %add3A_506, %mul3A_505 : i32
      %add3A_508 = arith.constant 3 : i32
      %add3A_509 = arith.addi %add3A_507, %add3A_508 : i32
      %get3A_510 = arith.index_cast %add3A_509 : i32 to index
      %get3A_511 = arith.constant 16 : index
      %get3A_512 = tpu.vector_load %arg7[%get3A_510, %get3A_511] {strides = array<i32>} : memref<200x64xf32, #tpu.memory_space<vmem>>, vector<1x16xf32>,
      %get3A_513 = vector.shape_cast %get3A_512 : vector<1x16xf32> to vector<16xf32>
      %swap3A_514 = arith.index_cast %add3A_503 : i32 to index
      %swap3A_515 = arith.constant 16 : index
      %swap3A_516 = tpu.vector_load %arg11[%swap3A_514, %swap3A_515] {strides = array<i32>} : memref<100x128xf32, #tpu.memory_space<vmem>>, vector<1x16xf32>,
      %swap3A_517 = vector.shape_cast %swap3A_516 : vector<1x16xf32> to vector<16xf32>
      %swap3A_518 = vector.shape_cast %get3A_513 : vector<16xf32> to vector<1x16xf32>
      tpu.vector_store %arg11[%swap3A_514, %swap3A_515], %swap3A_518 {add = true, strides = array<i32>} : memref<100x128xf32, #tpu.memory_space<vmem>>, vector<1x16xf32>,
      %mul3A_519 = arith.constant 4 : i32
      %mul3A_520 = arith.muli %mul3A_519, %scan3A_254 : i32
      %add3A_521 = arith.constant 3 : i32
      %add3A_522 = arith.addi %mul3A_520, %add3A_521 : i32
      %mul3A_523 = arith.constant 4 : i32
      %mul3A_524 = arith.muli %mul3A_523, %scan3A_254 : i32
      %add3A_525 = arith.constant 100 : i32
      %add3A_526 = arith.addi %add3A_525, %mul3A_524 : i32
      %add3A_527 = arith.constant 3 : i32
      %add3A_528 = arith.addi %add3A_526, %add3A_527 : i32
      %get3A_529 = arith.index_cast %add3A_528 : i32 to index
      %get3A_530 = arith.constant 32 : index
      %get3A_531 = tpu.vector_load %arg7[%get3A_529, %get3A_530] {strides = array<i32>} : memref<200x64xf32, #tpu.memory_space<vmem>>, vector<1x16xf32>,
      %get3A_532 = vector.shape_cast %get3A_531 : vector<1x16xf32> to vector<16xf32>
      %swap3A_533 = arith.index_cast %add3A_522 : i32 to index
      %swap3A_534 = arith.constant 32 : index
      %swap3A_535 = tpu.vector_load %arg11[%swap3A_533, %swap3A_534] {strides = array<i32>} : memref<100x128xf32, #tpu.memory_space<vmem>>, vector<1x16xf32>,
      %swap3A_536 = vector.shape_cast %swap3A_535 : vector<1x16xf32> to vector<16xf32>
      %swap3A_537 = vector.shape_cast %get3A_532 : vector<16xf32> to vector<1x16xf32>
      tpu.vector_store %arg11[%swap3A_533, %swap3A_534], %swap3A_537 {add = true, strides = array<i32>} : memref<100x128xf32, #tpu.memory_space<vmem>>, vector<1x16xf32>,
      %mul3A_538 = arith.constant 4 : i32
      %mul3A_539 = arith.muli %mul3A_538, %scan3A_254 : i32
      %add3A_540 = arith.constant 3 : i32
      %add3A_541 = arith.addi %mul3A_539, %add3A_540 : i32
      %mul3A_542 = arith.constant 4 : i32
      %mul3A_543 = arith.muli %mul3A_542, %scan3A_254 : i32
      %add3A_544 = arith.constant 100 : i32
      %add3A_545 = arith.addi %add3A_544, %mul3A_543 : i32
      %add3A_546 = arith.constant 3 : i32
      %add3A_547 = arith.addi %add3A_545, %add3A_546 : i32
      %get3A_548 = arith.index_cast %add3A_547 : i32 to index
      %get3A_549 = arith.constant 48 : index
      %get3A_550 = tpu.vector_load %arg7[%get3A_548, %get3A_549] {strides = array<i32>} : memref<200x64xf32, #tpu.memory_space<vmem>>, vector<1x16xf32>,
      %get3A_551 = vector.shape_cast %get3A_550 : vector<1x16xf32> to vector<16xf32>
      %swap3A_552 = arith.index_cast %add3A_541 : i32 to index
      %swap3A_553 = arith.constant 48 : index
      %swap3A_554 = tpu.vector_load %arg11[%swap3A_552, %swap3A_553] {strides = array<i32>} : memref<100x128xf32, #tpu.memory_space<vmem>>, vector<1x16xf32>,
      %swap3A_555 = vector.shape_cast %swap3A_554 : vector<1x16xf32> to vector<16xf32>
      %swap3A_556 = vector.shape_cast %get3A_551 : vector<16xf32> to vector<1x16xf32>
      tpu.vector_store %arg11[%swap3A_552, %swap3A_553], %swap3A_556 {add = true, strides = array<i32>} : memref<100x128xf32, #tpu.memory_space<vmem>>, vector<1x16xf32>,
    }
    %scan3A_119 = arith.constant 25 : i32
    %add3A_120 = arith.constant 300 : i32
    %add3A_121 = arith.addi %mul3A_2, %add3A_120 : i32
    %dma_start3A_122 = arith.constant 0 : i32
    %dma_start3A_123 = tpu.memref_slice %arg5[%add3A_121, %dma_start3A_122] : memref<819200x128xf32, #tpu.memory_space<hbm>> -> memref<100x128xf32, #tpu.memory_space<hbm>>
    %dma_start3A_124 = arith.constant 0 : i32
    %dma_start3A_125 = tpu.memref_slice %arg5[%add3A_121, %dma_start3A_124] : memref<819200x128xf32, #tpu.memory_space<hbm>> -> memref<100x128xf32, #tpu.memory_space<hbm>>
    tpu.enqueue_dma source(%arg11 : memref<100x128xf32, #tpu.memory_space<vmem>>) target(%dma_start3A_125 : memref<100x128xf32, #tpu.memory_space<hbm>>) target_semaphore(%arg19 : memref<!tpu.dma_semaphore, #tpu.memory_space<semaphore_mem>>)
    %scan3A_126 = arith.constant 0 : i32
    %scan3A_127 = arith.constant 1 : i32
    %scan3A_128 = arith.constant 62 : i32
    %scan3A_129 = arith.addi %scan3A_127, %scan3A_128 : i32
    %scan3A_130 = arith.constant 1 : i32
    scf.for %scan3A_254 = %scan3A_127 to %scan3A_129 step %scan3A_130  : i32 {
      %mul3A_255 = arith.constant 4 : i32
      %mul3A_256 = arith.muli %scan3A_254, %mul3A_255 : i32
      %add3A_257 = arith.constant 0 : i32
      %add3A_258 = arith.addi %mul3A_256, %add3A_257 : i32
      %dma_wait3A_259 = arith.constant 0 : i32
      %dma_wait3A_260 = arith.constant 0 : i32
      %dma_wait3A_261 = tpu.memref_slice %arg3[%dma_wait3A_259, %dma_wait3A_260] : memref<1000000x128xf32, #tpu.memory_space<hbm>> -> memref<100x128xf32, #tpu.memory_space<hbm>>
      %dma_wait3A_262 = arith.constant 0 : i32
      %dma_wait3A_263 = arith.constant 0 : i32
      %dma_wait3A_264 = tpu.memref_slice %arg3[%dma_wait3A_262, %dma_wait3A_263] : memref<1000000x128xf32, #tpu.memory_space<hbm>> -> memref<100x128xf32, #tpu.memory_space<hbm>>
      tpu.wait_dma2 semaphore(%arg12 : memref<!tpu.dma_semaphore, #tpu.memory_space<semaphore_mem>>) src(%dma_wait3A_264 : memref<100x128xf32, #tpu.memory_space<hbm>>) dst(%arg8 : memref<100x128xf32, #tpu.memory_space<vmem>>)
      %dma_wait3A_265 = arith.constant 0 : i32
      %dma_wait3A_266 = arith.constant 0 : i32
      %dma_wait3A_267 = tpu.memref_slice %arg5[%dma_wait3A_265, %dma_wait3A_266] : memref<819200x128xf32, #tpu.memory_space<hbm>> -> memref<100x128xf32, #tpu.memory_space<hbm>>
      %dma_wait3A_268 = arith.constant 0 : i32
      %dma_wait3A_269 = arith.constant 0 : i32
      %dma_wait3A_270 = tpu.memref_slice %arg5[%dma_wait3A_268, %dma_wait3A_269] : memref<819200x128xf32, #tpu.memory_space<hbm>> -> memref<100x128xf32, #tpu.memory_space<hbm>>
      tpu.wait_dma2 semaphore(%arg18 : memref<!tpu.dma_semaphore, #tpu.memory_space<semaphore_mem>>) src(%arg10 : memref<100x128xf32, #tpu.memory_space<vmem>>) dst(%dma_wait3A_270 : memref<100x128xf32, #tpu.memory_space<hbm>>)
      %add3A_271 = arith.constant 2 : i32
      %add3A_272 = arith.addi %add3A_258, %add3A_271 : i32
      %dma_start3A_273 = arith.constant 0 : i32
      %dma_start3A_274 = tpu.memref_slice %arg6[%add3A_272, %dma_start3A_273] : memref<256x100xi32, #tpu.memory_space<vmem>> -> memref<1x100xi32, #tpu.memory_space<vmem>>
      %dma_start3A_275 = tpu.memref_squeeze %dma_start3A_274 : memref<1x100xi32, #tpu.memory_space<vmem>> -> memref<100xi32, #tpu.memory_space<vmem>>
      %dma_start3A_276 = arith.constant 0 : i32
      %dma_start3A_277 = arith.constant 0 : i32
      %dma_start3A_278 = tpu.memref_slice %arg3[%dma_start3A_276, %dma_start3A_277] : memref<1000000x128xf32, #tpu.memory_space<hbm>> -> memref<1000000x128xf32, #tpu.memory_space<hbm>>
      tpu.enqueue_indirect_dma source(%dma_start3A_278 : memref<1000000x128xf32, #tpu.memory_space<hbm>>) target(%arg10 : memref<100x128xf32, #tpu.memory_space<vmem>>) offsets(%dma_start3A_275 : memref<100xi32, #tpu.memory_space<vmem>>) semaphore(%arg14 : memref<!tpu.dma_semaphore, #tpu.memory_space<semaphore_mem>>)
      %scan3A_279 = arith.constant 0 : i32
      %scan3A_280 = arith.constant 0 : i32
      %scan3A_281 = arith.constant 25 : i32
      %scan3A_282 = arith.addi %scan3A_280, %scan3A_281 : i32
      %scan3A_283 = arith.constant 1 : i32
      scf.for %scan3A_397 = %scan3A_280 to %scan3A_282 step %scan3A_283  : i32 {
        %mul3A_398 = arith.constant 4 : i32
        %mul3A_399 = arith.muli %mul3A_398, %scan3A_397 : i32
        %add3A_400 = arith.constant 0 : i32
        %add3A_401 = arith.addi %mul3A_399, %add3A_400 : i32
        %mul3A_402 = arith.constant 4 : i32
        %mul3A_403 = arith.muli %mul3A_402, %scan3A_397 : i32
        %add3A_404 = arith.constant 0 : i32
        %add3A_405 = arith.addi %add3A_404, %mul3A_403 : i32
        %add3A_406 = arith.constant 0 : i32
        %add3A_407 = arith.addi %add3A_405, %add3A_406 : i32
        %get3A = arith.index_cast %add3A_407 : i32 to index
        %get3A_408 = arith.constant 0 : index
        %get3A_409 = tpu.vector_load %arg7[%get3A, %get3A_408] {strides = array<i32>} : memref<200x64xf32, #tpu.memory_space<vmem>>, vector<1x16xf32>,
        %get3A_410 = vector.shape_cast %get3A_409 : vector<1x16xf32> to vector<16xf32>
        %swap3A = arith.index_cast %add3A_401 : i32 to index
        %swap3A_411 = arith.constant 0 : index
        %swap3A_412 = tpu.vector_load %arg8[%swap3A, %swap3A_411] {strides = array<i32>} : memref<100x128xf32, #tpu.memory_space<vmem>>, vector<1x16xf32>,
        %swap3A_413 = vector.shape_cast %swap3A_412 : vector<1x16xf32> to vector<16xf32>
        %swap3A_414 = vector.shape_cast %get3A_410 : vector<16xf32> to vector<1x16xf32>
        tpu.vector_store %arg8[%swap3A, %swap3A_411], %swap3A_414 {add = true, strides = array<i32>} : memref<100x128xf32, #tpu.memory_space<vmem>>, vector<1x16xf32>,
        %mul3A_415 = arith.constant 4 : i32
        %mul3A_416 = arith.muli %mul3A_415, %scan3A_397 : i32
        %add3A_417 = arith.constant 0 : i32
        %add3A_418 = arith.addi %mul3A_416, %add3A_417 : i32
        %mul3A_419 = arith.constant 4 : i32
        %mul3A_420 = arith.muli %mul3A_419, %scan3A_397 : i32
        %add3A_421 = arith.constant 0 : i32
        %add3A_422 = arith.addi %add3A_421, %mul3A_420 : i32
        %add3A_423 = arith.constant 0 : i32
        %add3A_424 = arith.addi %add3A_422, %add3A_423 : i32
        %get3A_425 = arith.index_cast %add3A_424 : i32 to index
        %get3A_426 = arith.constant 16 : index
        %get3A_427 = tpu.vector_load %arg7[%get3A_425, %get3A_426] {strides = array<i32>} : memref<200x64xf32, #tpu.memory_space<vmem>>, vector<1x16xf32>,
        %get3A_428 = vector.shape_cast %get3A_427 : vector<1x16xf32> to vector<16xf32>
        %swap3A_429 = arith.index_cast %add3A_418 : i32 to index
        %swap3A_430 = arith.constant 16 : index
        %swap3A_431 = tpu.vector_load %arg8[%swap3A_429, %swap3A_430] {strides = array<i32>} : memref<100x128xf32, #tpu.memory_space<vmem>>, vector<1x16xf32>,
        %swap3A_432 = vector.shape_cast %swap3A_431 : vector<1x16xf32> to vector<16xf32>
        %swap3A_433 = vector.shape_cast %get3A_428 : vector<16xf32> to vector<1x16xf32>
        tpu.vector_store %arg8[%swap3A_429, %swap3A_430], %swap3A_433 {add = true, strides = array<i32>} : memref<100x128xf32, #tpu.memory_space<vmem>>, vector<1x16xf32>,
        %mul3A_434 = arith.constant 4 : i32
        %mul3A_435 = arith.muli %mul3A_434, %scan3A_397 : i32
        %add3A_436 = arith.constant 0 : i32
        %add3A_437 = arith.addi %mul3A_435, %add3A_436 : i32
        %mul3A_438 = arith.constant 4 : i32
        %mul3A_439 = arith.muli %mul3A_438, %scan3A_397 : i32
        %add3A_440 = arith.constant 0 : i32
        %add3A_441 = arith.addi %add3A_440, %mul3A_439 : i32
        %add3A_442 = arith.constant 0 : i32
        %add3A_443 = arith.addi %add3A_441, %add3A_442 : i32
        %get3A_444 = arith.index_cast %add3A_443 : i32 to index
        %get3A_445 = arith.constant 32 : index
        %get3A_446 = tpu.vector_load %arg7[%get3A_444, %get3A_445] {strides = array<i32>} : memref<200x64xf32, #tpu.memory_space<vmem>>, vector<1x16xf32>,
        %get3A_447 = vector.shape_cast %get3A_446 : vector<1x16xf32> to vector<16xf32>
        %swap3A_448 = arith.index_cast %add3A_437 : i32 to index
        %swap3A_449 = arith.constant 32 : index
        %swap3A_450 = tpu.vector_load %arg8[%swap3A_448, %swap3A_449] {strides = array<i32>} : memref<100x128xf32, #tpu.memory_space<vmem>>, vector<1x16xf32>,
        %swap3A_451 = vector.shape_cast %swap3A_450 : vector<1x16xf32> to vector<16xf32>
        %swap3A_452 = vector.shape_cast %get3A_447 : vector<16xf32> to vector<1x16xf32>
        tpu.vector_store %arg8[%swap3A_448, %swap3A_449], %swap3A_452 {add = true, strides = array<i32>} : memref<100x128xf32, #tpu.memory_space<vmem>>, vector<1x16xf32>,
        %mul3A_453 = arith.constant 4 : i32
        %mul3A_454 = arith.muli %mul3A_453, %scan3A_397 : i32
        %add3A_455 = arith.constant 0 : i32
        %add3A_456 = arith.addi %mul3A_454, %add3A_455 : i32
        %mul3A_457 = arith.constant 4 : i32
        %mul3A_458 = arith.muli %mul3A_457, %scan3A_397 : i32
        %add3A_459 = arith.constant 0 : i32
        %add3A_460 = arith.addi %add3A_459, %mul3A_458 : i32
        %add3A_461 = arith.constant 0 : i32
        %add3A_462 = arith.addi %add3A_460, %add3A_461 : i32
        %get3A_463 = arith.index_cast %add3A_462 : i32 to index
        %get3A_464 = arith.constant 48 : index
        %get3A_465 = tpu.vector_load %arg7[%get3A_463, %get3A_464] {strides = array<i32>} : memref<200x64xf32, #tpu.memory_space<vmem>>, vector<1x16xf32>,
        %get3A_466 = vector.shape_cast %get3A_465 : vector<1x16xf32> to vector<16xf32>
        %swap3A_467 = arith.index_cast %add3A_456 : i32 to index
        %swap3A_468 = arith.constant 48 : index
        %swap3A_469 = tpu.vector_load %arg8[%swap3A_467, %swap3A_468] {strides = array<i32>} : memref<100x128xf32, #tpu.memory_space<vmem>>, vector<1x16xf32>,
        %swap3A_470 = vector.shape_cast %swap3A_469 : vector<1x16xf32> to vector<16xf32>
        %swap3A_471 = vector.shape_cast %get3A_466 : vector<16xf32> to vector<1x16xf32>
        tpu.vector_store %arg8[%swap3A_467, %swap3A_468], %swap3A_471 {add = true, strides = array<i32>} : memref<100x128xf32, #tpu.memory_space<vmem>>, vector<1x16xf32>,
        %mul3A_472 = arith.constant 4 : i32
        %mul3A_473 = arith.muli %mul3A_472, %scan3A_397 : i32
        %add3A_474 = arith.constant 1 : i32
        %add3A_475 = arith.addi %mul3A_473, %add3A_474 : i32
        %mul3A_476 = arith.constant 4 : i32
        %mul3A_477 = arith.muli %mul3A_476, %scan3A_397 : i32
        %add3A_478 = arith.constant 0 : i32
        %add3A_479 = arith.addi %add3A_478, %mul3A_477 : i32
        %add3A_480 = arith.constant 1 : i32
        %add3A_481 = arith.addi %add3A_479, %add3A_480 : i32
        %get3A_482 = arith.index_cast %add3A_481 : i32 to index
        %get3A_483 = arith.constant 0 : index
        %get3A_484 = tpu.vector_load %arg7[%get3A_482, %get3A_483] {strides = array<i32>} : memref<200x64xf32, #tpu.memory_space<vmem>>, vector<1x16xf32>,
        %get3A_485 = vector.shape_cast %get3A_484 : vector<1x16xf32> to vector<16xf32>
        %swap3A_486 = arith.index_cast %add3A_475 : i32 to index
        %swap3A_487 = arith.constant 0 : index
        %swap3A_488 = tpu.vector_load %arg8[%swap3A_486, %swap3A_487] {strides = array<i32>} : memref<100x128xf32, #tpu.memory_space<vmem>>, vector<1x16xf32>,
        %swap3A_489 = vector.shape_cast %swap3A_488 : vector<1x16xf32> to vector<16xf32>
        %swap3A_490 = vector.shape_cast %get3A_485 : vector<16xf32> to vector<1x16xf32>
        tpu.vector_store %arg8[%swap3A_486, %swap3A_487], %swap3A_490 {add = true, strides = array<i32>} : memref<100x128xf32, #tpu.memory_space<vmem>>, vector<1x16xf32>,
        %mul3A_491 = arith.constant 4 : i32
        %mul3A_492 = arith.muli %mul3A_491, %scan3A_397 : i32
        %add3A_493 = arith.constant 1 : i32
        %add3A_494 = arith.addi %mul3A_492, %add3A_493 : i32
        %mul3A_495 = arith.constant 4 : i32
        %mul3A_496 = arith.muli %mul3A_495, %scan3A_397 : i32
        %add3A_497 = arith.constant 0 : i32
        %add3A_498 = arith.addi %add3A_497, %mul3A_496 : i32
        %add3A_499 = arith.constant 1 : i32
        %add3A_500 = arith.addi %add3A_498, %add3A_499 : i32
        %get3A_501 = arith.index_cast %add3A_500 : i32 to index
        %get3A_502 = arith.constant 16 : index
        %get3A_503 = tpu.vector_load %arg7[%get3A_501, %get3A_502] {strides = array<i32>} : memref<200x64xf32, #tpu.memory_space<vmem>>, vector<1x16xf32>,
        %get3A_504 = vector.shape_cast %get3A_503 : vector<1x16xf32> to vector<16xf32>
        %swap3A_505 = arith.index_cast %add3A_494 : i32 to index
        %swap3A_506 = arith.constant 16 : index
        %swap3A_507 = tpu.vector_load %arg8[%swap3A_505, %swap3A_506] {strides = array<i32>} : memref<100x128xf32, #tpu.memory_space<vmem>>, vector<1x16xf32>,
        %swap3A_508 = vector.shape_cast %swap3A_507 : vector<1x16xf32> to vector<16xf32>
        %swap3A_509 = vector.shape_cast %get3A_504 : vector<16xf32> to vector<1x16xf32>
        tpu.vector_store %arg8[%swap3A_505, %swap3A_506], %swap3A_509 {add = true, strides = array<i32>} : memref<100x128xf32, #tpu.memory_space<vmem>>, vector<1x16xf32>,
        %mul3A_510 = arith.constant 4 : i32
        %mul3A_511 = arith.muli %mul3A_510, %scan3A_397 : i32
        %add3A_512 = arith.constant 1 : i32
        %add3A_513 = arith.addi %mul3A_511, %add3A_512 : i32
        %mul3A_514 = arith.constant 4 : i32
        %mul3A_515 = arith.muli %mul3A_514, %scan3A_397 : i32
        %add3A_516 = arith.constant 0 : i32
        %add3A_517 = arith.addi %add3A_516, %mul3A_515 : i32
        %add3A_518 = arith.constant 1 : i32
        %add3A_519 = arith.addi %add3A_517, %add3A_518 : i32
        %get3A_520 = arith.index_cast %add3A_519 : i32 to index
        %get3A_521 = arith.constant 32 : index
        %get3A_522 = tpu.vector_load %arg7[%get3A_520, %get3A_521] {strides = array<i32>} : memref<200x64xf32, #tpu.memory_space<vmem>>, vector<1x16xf32>,
        %get3A_523 = vector.shape_cast %get3A_522 : vector<1x16xf32> to vector<16xf32>
        %swap3A_524 = arith.index_cast %add3A_513 : i32 to index
        %swap3A_525 = arith.constant 32 : index
        %swap3A_526 = tpu.vector_load %arg8[%swap3A_524, %swap3A_525] {strides = array<i32>} : memref<100x128xf32, #tpu.memory_space<vmem>>, vector<1x16xf32>,
        %swap3A_527 = vector.shape_cast %swap3A_526 : vector<1x16xf32> to vector<16xf32>
        %swap3A_528 = vector.shape_cast %get3A_523 : vector<16xf32> to vector<1x16xf32>
        tpu.vector_store %arg8[%swap3A_524, %swap3A_525], %swap3A_528 {add = true, strides = array<i32>} : memref<100x128xf32, #tpu.memory_space<vmem>>, vector<1x16xf32>,
        %mul3A_529 = arith.constant 4 : i32
        %mul3A_530 = arith.muli %mul3A_529, %scan3A_397 : i32
        %add3A_531 = arith.constant 1 : i32
        %add3A_532 = arith.addi %mul3A_530, %add3A_531 : i32
        %mul3A_533 = arith.constant 4 : i32
        %mul3A_534 = arith.muli %mul3A_533, %scan3A_397 : i32
        %add3A_535 = arith.constant 0 : i32
        %add3A_536 = arith.addi %add3A_535, %mul3A_534 : i32
        %add3A_537 = arith.constant 1 : i32
        %add3A_538 = arith.addi %add3A_536, %add3A_537 : i32
        %get3A_539 = arith.index_cast %add3A_538 : i32 to index
        %get3A_540 = arith.constant 48 : index
        %get3A_541 = tpu.vector_load %arg7[%get3A_539, %get3A_540] {strides = array<i32>} : memref<200x64xf32, #tpu.memory_space<vmem>>, vector<1x16xf32>,
        %get3A_542 = vector.shape_cast %get3A_541 : vector<1x16xf32> to vector<16xf32>
        %swap3A_543 = arith.index_cast %add3A_532 : i32 to index
        %swap3A_544 = arith.constant 48 : index
        %swap3A_545 = tpu.vector_load %arg8[%swap3A_543, %swap3A_544] {strides = array<i32>} : memref<100x128xf32, #tpu.memory_space<vmem>>, vector<1x16xf32>,
        %swap3A_546 = vector.shape_cast %swap3A_545 : vector<1x16xf32> to vector<16xf32>
        %swap3A_547 = vector.shape_cast %get3A_542 : vector<16xf32> to vector<1x16xf32>
        tpu.vector_store %arg8[%swap3A_543, %swap3A_544], %swap3A_547 {add = true, strides = array<i32>} : memref<100x128xf32, #tpu.memory_space<vmem>>, vector<1x16xf32>,
        %mul3A_548 = arith.constant 4 : i32
        %mul3A_549 = arith.muli %mul3A_548, %scan3A_397 : i32
        %add3A_550 = arith.constant 2 : i32
        %add3A_551 = arith.addi %mul3A_549, %add3A_550 : i32
        %mul3A_552 = arith.constant 4 : i32
        %mul3A_553 = arith.muli %mul3A_552, %scan3A_397 : i32
        %add3A_554 = arith.constant 0 : i32
        %add3A_555 = arith.addi %add3A_554, %mul3A_553 : i32
        %add3A_556 = arith.constant 2 : i32
        %add3A_557 = arith.addi %add3A_555, %add3A_556 : i32
        %get3A_558 = arith.index_cast %add3A_557 : i32 to index
        %get3A_559 = arith.constant 0 : index
        %get3A_560 = tpu.vector_load %arg7[%get3A_558, %get3A_559] {strides = array<i32>} : memref<200x64xf32, #tpu.memory_space<vmem>>, vector<1x16xf32>,
        %get3A_561 = vector.shape_cast %get3A_560 : vector<1x16xf32> to vector<16xf32>
        %swap3A_562 = arith.index_cast %add3A_551 : i32 to index
        %swap3A_563 = arith.constant 0 : index
        %swap3A_564 = tpu.vector_load %arg8[%swap3A_562, %swap3A_563] {strides = array<i32>} : memref<100x128xf32, #tpu.memory_space<vmem>>, vector<1x16xf32>,
        %swap3A_565 = vector.shape_cast %swap3A_564 : vector<1x16xf32> to vector<16xf32>
        %swap3A_566 = vector.shape_cast %get3A_561 : vector<16xf32> to vector<1x16xf32>
        tpu.vector_store %arg8[%swap3A_562, %swap3A_563], %swap3A_566 {add = true, strides = array<i32>} : memref<100x128xf32, #tpu.memory_space<vmem>>, vector<1x16xf32>,
        %mul3A_567 = arith.constant 4 : i32
        %mul3A_568 = arith.muli %mul3A_567, %scan3A_397 : i32
        %add3A_569 = arith.constant 2 : i32
        %add3A_570 = arith.addi %mul3A_568, %add3A_569 : i32
        %mul3A_571 = arith.constant 4 : i32
        %mul3A_572 = arith.muli %mul3A_571, %scan3A_397 : i32
        %add3A_573 = arith.constant 0 : i32
        %add3A_574 = arith.addi %add3A_573, %mul3A_572 : i32
        %add3A_575 = arith.constant 2 : i32
        %add3A_576 = arith.addi %add3A_574, %add3A_575 : i32
        %get3A_577 = arith.index_cast %add3A_576 : i32 to index
        %get3A_578 = arith.constant 16 : index
        %get3A_579 = tpu.vector_load %arg7[%get3A_577, %get3A_578] {strides = array<i32>} : memref<200x64xf32, #tpu.memory_space<vmem>>, vector<1x16xf32>,
        %get3A_580 = vector.shape_cast %get3A_579 : vector<1x16xf32> to vector<16xf32>
        %swap3A_581 = arith.index_cast %add3A_570 : i32 to index
        %swap3A_582 = arith.constant 16 : index
        %swap3A_583 = tpu.vector_load %arg8[%swap3A_581, %swap3A_582] {strides = array<i32>} : memref<100x128xf32, #tpu.memory_space<vmem>>, vector<1x16xf32>,
        %swap3A_584 = vector.shape_cast %swap3A_583 : vector<1x16xf32> to vector<16xf32>
        %swap3A_585 = vector.shape_cast %get3A_580 : vector<16xf32> to vector<1x16xf32>
        tpu.vector_store %arg8[%swap3A_581, %swap3A_582], %swap3A_585 {add = true, strides = array<i32>} : memref<100x128xf32, #tpu.memory_space<vmem>>, vector<1x16xf32>,
        %mul3A_586 = arith.constant 4 : i32
        %mul3A_587 = arith.muli %mul3A_586, %scan3A_397 : i32
        %add3A_588 = arith.constant 2 : i32
        %add3A_589 = arith.addi %mul3A_587, %add3A_588 : i32
        %mul3A_590 = arith.constant 4 : i32
        %mul3A_591 = arith.muli %mul3A_590, %scan3A_397 : i32
        %add3A_592 = arith.constant 0 : i32
        %add3A_593 = arith.addi %add3A_592, %mul3A_591 : i32
        %add3A_594 = arith.constant 2 : i32
        %add3A_595 = arith.addi %add3A_593, %add3A_594 : i32
        %get3A_596 = arith.index_cast %add3A_595 : i32 to index
        %get3A_597 = arith.constant 32 : index
        %get3A_598 = tpu.vector_load %arg7[%get3A_596, %get3A_597] {strides = array<i32>} : memref<200x64xf32, #tpu.memory_space<vmem>>, vector<1x16xf32>,
        %get3A_599 = vector.shape_cast %get3A_598 : vector<1x16xf32> to vector<16xf32>
        %swap3A_600 = arith.index_cast %add3A_589 : i32 to index
        %swap3A_601 = arith.constant 32 : index
        %swap3A_602 = tpu.vector_load %arg8[%swap3A_600, %swap3A_601] {strides = array<i32>} : memref<100x128xf32, #tpu.memory_space<vmem>>, vector<1x16xf32>,
        %swap3A_603 = vector.shape_cast %swap3A_602 : vector<1x16xf32> to vector<16xf32>
        %swap3A_604 = vector.shape_cast %get3A_599 : vector<16xf32> to vector<1x16xf32>
        tpu.vector_store %arg8[%swap3A_600, %swap3A_601], %swap3A_604 {add = true, strides = array<i32>} : memref<100x128xf32, #tpu.memory_space<vmem>>, vector<1x16xf32>,
        %mul3A_605 = arith.constant 4 : i32
        %mul3A_606 = arith.muli %mul3A_605, %scan3A_397 : i32
        %add3A_607 = arith.constant 2 : i32
        %add3A_608 = arith.addi %mul3A_606, %add3A_607 : i32
        %mul3A_609 = arith.constant 4 : i32
        %mul3A_610 = arith.muli %mul3A_609, %scan3A_397 : i32
        %add3A_611 = arith.constant 0 : i32
        %add3A_612 = arith.addi %add3A_611, %mul3A_610 : i32
        %add3A_613 = arith.constant 2 : i32
        %add3A_614 = arith.addi %add3A_612, %add3A_613 : i32
        %get3A_615 = arith.index_cast %add3A_614 : i32 to index
        %get3A_616 = arith.constant 48 : index
        %get3A_617 = tpu.vector_load %arg7[%get3A_615, %get3A_616] {strides = array<i32>} : memref<200x64xf32, #tpu.memory_space<vmem>>, vector<1x16xf32>,
        %get3A_618 = vector.shape_cast %get3A_617 : vector<1x16xf32> to vector<16xf32>
        %swap3A_619 = arith.index_cast %add3A_608 : i32 to index
        %swap3A_620 = arith.constant 48 : index
        %swap3A_621 = tpu.vector_load %arg8[%swap3A_619, %swap3A_620] {strides = array<i32>} : memref<100x128xf32, #tpu.memory_space<vmem>>, vector<1x16xf32>,
        %swap3A_622 = vector.shape_cast %swap3A_621 : vector<1x16xf32> to vector<16xf32>
        %swap3A_623 = vector.shape_cast %get3A_618 : vector<16xf32> to vector<1x16xf32>
        tpu.vector_store %arg8[%swap3A_619, %swap3A_620], %swap3A_623 {add = true, strides = array<i32>} : memref<100x128xf32, #tpu.memory_space<vmem>>, vector<1x16xf32>,
        %mul3A_624 = arith.constant 4 : i32
        %mul3A_625 = arith.muli %mul3A_624, %scan3A_397 : i32
        %add3A_626 = arith.constant 3 : i32
        %add3A_627 = arith.addi %mul3A_625, %add3A_626 : i32
        %mul3A_628 = arith.constant 4 : i32
        %mul3A_629 = arith.muli %mul3A_628, %scan3A_397 : i32
        %add3A_630 = arith.constant 0 : i32
        %add3A_631 = arith.addi %add3A_630, %mul3A_629 : i32
        %add3A_632 = arith.constant 3 : i32
        %add3A_633 = arith.addi %add3A_631, %add3A_632 : i32
        %get3A_634 = arith.index_cast %add3A_633 : i32 to index
        %get3A_635 = arith.constant 0 : index
        %get3A_636 = tpu.vector_load %arg7[%get3A_634, %get3A_635] {strides = array<i32>} : memref<200x64xf32, #tpu.memory_space<vmem>>, vector<1x16xf32>,
        %get3A_637 = vector.shape_cast %get3A_636 : vector<1x16xf32> to vector<16xf32>
        %swap3A_638 = arith.index_cast %add3A_627 : i32 to index
        %swap3A_639 = arith.constant 0 : index
        %swap3A_640 = tpu.vector_load %arg8[%swap3A_638, %swap3A_639] {strides = array<i32>} : memref<100x128xf32, #tpu.memory_space<vmem>>, vector<1x16xf32>,
        %swap3A_641 = vector.shape_cast %swap3A_640 : vector<1x16xf32> to vector<16xf32>
        %swap3A_642 = vector.shape_cast %get3A_637 : vector<16xf32> to vector<1x16xf32>
        tpu.vector_store %arg8[%swap3A_638, %swap3A_639], %swap3A_642 {add = true, strides = array<i32>} : memref<100x128xf32, #tpu.memory_space<vmem>>, vector<1x16xf32>,
        %mul3A_643 = arith.constant 4 : i32
        %mul3A_644 = arith.muli %mul3A_643, %scan3A_397 : i32
        %add3A_645 = arith.constant 3 : i32
        %add3A_646 = arith.addi %mul3A_644, %add3A_645 : i32
        %mul3A_647 = arith.constant 4 : i32
        %mul3A_648 = arith.muli %mul3A_647, %scan3A_397 : i32
        %add3A_649 = arith.constant 0 : i32
        %add3A_650 = arith.addi %add3A_649, %mul3A_648 : i32
        %add3A_651 = arith.constant 3 : i32
        %add3A_652 = arith.addi %add3A_650, %add3A_651 : i32
        %get3A_653 = arith.index_cast %add3A_652 : i32 to index
        %get3A_654 = arith.constant 16 : index
        %get3A_655 = tpu.vector_load %arg7[%get3A_653, %get3A_654] {strides = array<i32>} : memref<200x64xf32, #tpu.memory_space<vmem>>, vector<1x16xf32>,
        %get3A_656 = vector.shape_cast %get3A_655 : vector<1x16xf32> to vector<16xf32>
        %swap3A_657 = arith.index_cast %add3A_646 : i32 to index
        %swap3A_658 = arith.constant 16 : index
        %swap3A_659 = tpu.vector_load %arg8[%swap3A_657, %swap3A_658] {strides = array<i32>} : memref<100x128xf32, #tpu.memory_space<vmem>>, vector<1x16xf32>,
        %swap3A_660 = vector.shape_cast %swap3A_659 : vector<1x16xf32> to vector<16xf32>
        %swap3A_661 = vector.shape_cast %get3A_656 : vector<16xf32> to vector<1x16xf32>
        tpu.vector_store %arg8[%swap3A_657, %swap3A_658], %swap3A_661 {add = true, strides = array<i32>} : memref<100x128xf32, #tpu.memory_space<vmem>>, vector<1x16xf32>,
        %mul3A_662 = arith.constant 4 : i32
        %mul3A_663 = arith.muli %mul3A_662, %scan3A_397 : i32
        %add3A_664 = arith.constant 3 : i32
        %add3A_665 = arith.addi %mul3A_663, %add3A_664 : i32
        %mul3A_666 = arith.constant 4 : i32
        %mul3A_667 = arith.muli %mul3A_666, %scan3A_397 : i32
        %add3A_668 = arith.constant 0 : i32
        %add3A_669 = arith.addi %add3A_668, %mul3A_667 : i32
        %add3A_670 = arith.constant 3 : i32
        %add3A_671 = arith.addi %add3A_669, %add3A_670 : i32
        %get3A_672 = arith.index_cast %add3A_671 : i32 to index
        %get3A_673 = arith.constant 32 : index
        %get3A_674 = tpu.vector_load %arg7[%get3A_672, %get3A_673] {strides = array<i32>} : memref<200x64xf32, #tpu.memory_space<vmem>>, vector<1x16xf32>,
        %get3A_675 = vector.shape_cast %get3A_674 : vector<1x16xf32> to vector<16xf32>
        %swap3A_676 = arith.index_cast %add3A_665 : i32 to index
        %swap3A_677 = arith.constant 32 : index
        %swap3A_678 = tpu.vector_load %arg8[%swap3A_676, %swap3A_677] {strides = array<i32>} : memref<100x128xf32, #tpu.memory_space<vmem>>, vector<1x16xf32>,
        %swap3A_679 = vector.shape_cast %swap3A_678 : vector<1x16xf32> to vector<16xf32>
        %swap3A_680 = vector.shape_cast %get3A_675 : vector<16xf32> to vector<1x16xf32>
        tpu.vector_store %arg8[%swap3A_676, %swap3A_677], %swap3A_680 {add = true, strides = array<i32>} : memref<100x128xf32, #tpu.memory_space<vmem>>, vector<1x16xf32>,
        %mul3A_681 = arith.constant 4 : i32
        %mul3A_682 = arith.muli %mul3A_681, %scan3A_397 : i32
        %add3A_683 = arith.constant 3 : i32
        %add3A_684 = arith.addi %mul3A_682, %add3A_683 : i32
        %mul3A_685 = arith.constant 4 : i32
        %mul3A_686 = arith.muli %mul3A_685, %scan3A_397 : i32
        %add3A_687 = arith.constant 0 : i32
        %add3A_688 = arith.addi %add3A_687, %mul3A_686 : i32
        %add3A_689 = arith.constant 3 : i32
        %add3A_690 = arith.addi %add3A_688, %add3A_689 : i32
        %get3A_691 = arith.index_cast %add3A_690 : i32 to index
        %get3A_692 = arith.constant 48 : index
        %get3A_693 = tpu.vector_load %arg7[%get3A_691, %get3A_692] {strides = array<i32>} : memref<200x64xf32, #tpu.memory_space<vmem>>, vector<1x16xf32>,
        %get3A_694 = vector.shape_cast %get3A_693 : vector<1x16xf32> to vector<16xf32>
        %swap3A_695 = arith.index_cast %add3A_684 : i32 to index
        %swap3A_696 = arith.constant 48 : index
        %swap3A_697 = tpu.vector_load %arg8[%swap3A_695, %swap3A_696] {strides = array<i32>} : memref<100x128xf32, #tpu.memory_space<vmem>>, vector<1x16xf32>,
        %swap3A_698 = vector.shape_cast %swap3A_697 : vector<1x16xf32> to vector<16xf32>
        %swap3A_699 = vector.shape_cast %get3A_694 : vector<16xf32> to vector<1x16xf32>
        tpu.vector_store %arg8[%swap3A_695, %swap3A_696], %swap3A_699 {add = true, strides = array<i32>} : memref<100x128xf32, #tpu.memory_space<vmem>>, vector<1x16xf32>,
      }
      %scan3A_284 = arith.constant 25 : i32
      %mul3A_285 = arith.constant 100 : i32
      %mul3A_286 = arith.muli %add3A_258, %mul3A_285 : i32
      %add3A_287 = arith.addi %mul3A_2, %mul3A_286 : i32
      %dma_start3A_288 = arith.constant 0 : i32
      %dma_start3A_289 = tpu.memref_slice %arg5[%add3A_287, %dma_start3A_288] : memref<819200x128xf32, #tpu.memory_space<hbm>> -> memref<100x128xf32, #tpu.memory_space<hbm>>
      %dma_start3A_290 = arith.constant 0 : i32
      %dma_start3A_291 = tpu.memref_slice %arg5[%add3A_287, %dma_start3A_290] : memref<819200x128xf32, #tpu.memory_space<hbm>> -> memref<100x128xf32, #tpu.memory_space<hbm>>
      tpu.enqueue_dma source(%arg8 : memref<100x128xf32, #tpu.memory_space<vmem>>) target(%dma_start3A_291 : memref<100x128xf32, #tpu.memory_space<hbm>>) target_semaphore(%arg16 : memref<!tpu.dma_semaphore, #tpu.memory_space<semaphore_mem>>)
      %add3A_292 = arith.constant 1 : i32
      %add3A_293 = arith.addi %mul3A_256, %add3A_292 : i32
      %dma_wait3A_294 = arith.constant 0 : i32
      %dma_wait3A_295 = arith.constant 0 : i32
      %dma_wait3A_296 = tpu.memref_slice %arg3[%dma_wait3A_294, %dma_wait3A_295] : memref<1000000x128xf32, #tpu.memory_space<hbm>> -> memref<100x128xf32, #tpu.memory_space<hbm>>
      %dma_wait3A_297 = arith.constant 0 : i32
      %dma_wait3A_298 = arith.constant 0 : i32
      %dma_wait3A_299 = tpu.memref_slice %arg3[%dma_wait3A_297, %dma_wait3A_298] : memref<1000000x128xf32, #tpu.memory_space<hbm>> -> memref<100x128xf32, #tpu.memory_space<hbm>>
      tpu.wait_dma2 semaphore(%arg13 : memref<!tpu.dma_semaphore, #tpu.memory_space<semaphore_mem>>) src(%dma_wait3A_299 : memref<100x128xf32, #tpu.memory_space<hbm>>) dst(%arg9 : memref<100x128xf32, #tpu.memory_space<vmem>>)
      %dma_wait3A_300 = arith.constant 0 : i32
      %dma_wait3A_301 = arith.constant 0 : i32
      %dma_wait3A_302 = tpu.memref_slice %arg5[%dma_wait3A_300, %dma_wait3A_301] : memref<819200x128xf32, #tpu.memory_space<hbm>> -> memref<100x128xf32, #tpu.memory_space<hbm>>
      %dma_wait3A_303 = arith.constant 0 : i32
      %dma_wait3A_304 = arith.constant 0 : i32
      %dma_wait3A_305 = tpu.memref_slice %arg5[%dma_wait3A_303, %dma_wait3A_304] : memref<819200x128xf32, #tpu.memory_space<hbm>> -> memref<100x128xf32, #tpu.memory_space<hbm>>
      tpu.wait_dma2 semaphore(%arg19 : memref<!tpu.dma_semaphore, #tpu.memory_space<semaphore_mem>>) src(%arg11 : memref<100x128xf32, #tpu.memory_space<vmem>>) dst(%dma_wait3A_305 : memref<100x128xf32, #tpu.memory_space<hbm>>)
      %add3A_306 = arith.constant 2 : i32
      %add3A_307 = arith.addi %add3A_293, %add3A_306 : i32
      %dma_start3A_308 = arith.constant 0 : i32
      %dma_start3A_309 = tpu.memref_slice %arg6[%add3A_307, %dma_start3A_308] : memref<256x100xi32, #tpu.memory_space<vmem>> -> memref<1x100xi32, #tpu.memory_space<vmem>>
      %dma_start3A_310 = tpu.memref_squeeze %dma_start3A_309 : memref<1x100xi32, #tpu.memory_space<vmem>> -> memref<100xi32, #tpu.memory_space<vmem>>
      %dma_start3A_311 = arith.constant 0 : i32
      %dma_start3A_312 = arith.constant 0 : i32
      %dma_start3A_313 = tpu.memref_slice %arg3[%dma_start3A_311, %dma_start3A_312] : memref<1000000x128xf32, #tpu.memory_space<hbm>> -> memref<1000000x128xf32, #tpu.memory_space<hbm>>
      tpu.enqueue_indirect_dma source(%dma_start3A_313 : memref<1000000x128xf32, #tpu.memory_space<hbm>>) target(%arg11 : memref<100x128xf32, #tpu.memory_space<vmem>>) offsets(%dma_start3A_310 : memref<100xi32, #tpu.memory_space<vmem>>) semaphore(%arg15 : memref<!tpu.dma_semaphore, #tpu.memory_space<semaphore_mem>>)
      %scan3A_314 = arith.constant 0 : i32
      %scan3A_315 = arith.constant 0 : i32
      %scan3A_316 = arith.constant 25 : i32
      %scan3A_317 = arith.addi %scan3A_315, %scan3A_316 : i32
      %scan3A_318 = arith.constant 1 : i32
      scf.for %scan3A_397 = %scan3A_315 to %scan3A_317 step %scan3A_318  : i32 {
        %mul3A_398 = arith.constant 4 : i32
        %mul3A_399 = arith.muli %mul3A_398, %scan3A_397 : i32
        %add3A_400 = arith.constant 0 : i32
        %add3A_401 = arith.addi %mul3A_399, %add3A_400 : i32
        %mul3A_402 = arith.constant 4 : i32
        %mul3A_403 = arith.muli %mul3A_402, %scan3A_397 : i32
        %add3A_404 = arith.constant 100 : i32
        %add3A_405 = arith.addi %add3A_404, %mul3A_403 : i32
        %add3A_406 = arith.constant 0 : i32
        %add3A_407 = arith.addi %add3A_405, %add3A_406 : i32
        %get3A = arith.index_cast %add3A_407 : i32 to index
        %get3A_408 = arith.constant 0 : index
        %get3A_409 = tpu.vector_load %arg7[%get3A, %get3A_408] {strides = array<i32>} : memref<200x64xf32, #tpu.memory_space<vmem>>, vector<1x16xf32>,
        %get3A_410 = vector.shape_cast %get3A_409 : vector<1x16xf32> to vector<16xf32>
        %swap3A = arith.index_cast %add3A_401 : i32 to index
        %swap3A_411 = arith.constant 0 : index
        %swap3A_412 = tpu.vector_load %arg9[%swap3A, %swap3A_411] {strides = array<i32>} : memref<100x128xf32, #tpu.memory_space<vmem>>, vector<1x16xf32>,
        %swap3A_413 = vector.shape_cast %swap3A_412 : vector<1x16xf32> to vector<16xf32>
        %swap3A_414 = vector.shape_cast %get3A_410 : vector<16xf32> to vector<1x16xf32>
        tpu.vector_store %arg9[%swap3A, %swap3A_411], %swap3A_414 {add = true, strides = array<i32>} : memref<100x128xf32, #tpu.memory_space<vmem>>, vector<1x16xf32>,
        %mul3A_415 = arith.constant 4 : i32
        %mul3A_416 = arith.muli %mul3A_415, %scan3A_397 : i32
        %add3A_417 = arith.constant 0 : i32
        %add3A_418 = arith.addi %mul3A_416, %add3A_417 : i32
        %mul3A_419 = arith.constant 4 : i32
        %mul3A_420 = arith.muli %mul3A_419, %scan3A_397 : i32
        %add3A_421 = arith.constant 100 : i32
        %add3A_422 = arith.addi %add3A_421, %mul3A_420 : i32
        %add3A_423 = arith.constant 0 : i32
        %add3A_424 = arith.addi %add3A_422, %add3A_423 : i32
        %get3A_425 = arith.index_cast %add3A_424 : i32 to index
        %get3A_426 = arith.constant 16 : index
        %get3A_427 = tpu.vector_load %arg7[%get3A_425, %get3A_426] {strides = array<i32>} : memref<200x64xf32, #tpu.memory_space<vmem>>, vector<1x16xf32>,
        %get3A_428 = vector.shape_cast %get3A_427 : vector<1x16xf32> to vector<16xf32>
        %swap3A_429 = arith.index_cast %add3A_418 : i32 to index
        %swap3A_430 = arith.constant 16 : index
        %swap3A_431 = tpu.vector_load %arg9[%swap3A_429, %swap3A_430] {strides = array<i32>} : memref<100x128xf32, #tpu.memory_space<vmem>>, vector<1x16xf32>,
        %swap3A_432 = vector.shape_cast %swap3A_431 : vector<1x16xf32> to vector<16xf32>
        %swap3A_433 = vector.shape_cast %get3A_428 : vector<16xf32> to vector<1x16xf32>
        tpu.vector_store %arg9[%swap3A_429, %swap3A_430], %swap3A_433 {add = true, strides = array<i32>} : memref<100x128xf32, #tpu.memory_space<vmem>>, vector<1x16xf32>,
        %mul3A_434 = arith.constant 4 : i32
        %mul3A_435 = arith.muli %mul3A_434, %scan3A_397 : i32
        %add3A_436 = arith.constant 0 : i32
        %add3A_437 = arith.addi %mul3A_435, %add3A_436 : i32
        %mul3A_438 = arith.constant 4 : i32
        %mul3A_439 = arith.muli %mul3A_438, %scan3A_397 : i32
        %add3A_440 = arith.constant 100 : i32
        %add3A_441 = arith.addi %add3A_440, %mul3A_439 : i32
        %add3A_442 = arith.constant 0 : i32
        %add3A_443 = arith.addi %add3A_441, %add3A_442 : i32
        %get3A_444 = arith.index_cast %add3A_443 : i32 to index
        %get3A_445 = arith.constant 32 : index
        %get3A_446 = tpu.vector_load %arg7[%get3A_444, %get3A_445] {strides = array<i32>} : memref<200x64xf32, #tpu.memory_space<vmem>>, vector<1x16xf32>,
        %get3A_447 = vector.shape_cast %get3A_446 : vector<1x16xf32> to vector<16xf32>
        %swap3A_448 = arith.index_cast %add3A_437 : i32 to index
        %swap3A_449 = arith.constant 32 : index
        %swap3A_450 = tpu.vector_load %arg9[%swap3A_448, %swap3A_449] {strides = array<i32>} : memref<100x128xf32, #tpu.memory_space<vmem>>, vector<1x16xf32>,
        %swap3A_451 = vector.shape_cast %swap3A_450 : vector<1x16xf32> to vector<16xf32>
        %swap3A_452 = vector.shape_cast %get3A_447 : vector<16xf32> to vector<1x16xf32>
        tpu.vector_store %arg9[%swap3A_448, %swap3A_449], %swap3A_452 {add = true, strides = array<i32>} : memref<100x128xf32, #tpu.memory_space<vmem>>, vector<1x16xf32>,
        %mul3A_453 = arith.constant 4 : i32
        %mul3A_454 = arith.muli %mul3A_453, %scan3A_397 : i32
        %add3A_455 = arith.constant 0 : i32
        %add3A_456 = arith.addi %mul3A_454, %add3A_455 : i32
        %mul3A_457 = arith.constant 4 : i32
        %mul3A_458 = arith.muli %mul3A_457, %scan3A_397 : i32
        %add3A_459 = arith.constant 100 : i32
        %add3A_460 = arith.addi %add3A_459, %mul3A_458 : i32
        %add3A_461 = arith.constant 0 : i32
        %add3A_462 = arith.addi %add3A_460, %add3A_461 : i32
        %get3A_463 = arith.index_cast %add3A_462 : i32 to index
        %get3A_464 = arith.constant 48 : index
        %get3A_465 = tpu.vector_load %arg7[%get3A_463, %get3A_464] {strides = array<i32>} : memref<200x64xf32, #tpu.memory_space<vmem>>, vector<1x16xf32>,
        %get3A_466 = vector.shape_cast %get3A_465 : vector<1x16xf32> to vector<16xf32>
        %swap3A_467 = arith.index_cast %add3A_456 : i32 to index
        %swap3A_468 = arith.constant 48 : index
        %swap3A_469 = tpu.vector_load %arg9[%swap3A_467, %swap3A_468] {strides = array<i32>} : memref<100x128xf32, #tpu.memory_space<vmem>>, vector<1x16xf32>,
        %swap3A_470 = vector.shape_cast %swap3A_469 : vector<1x16xf32> to vector<16xf32>
        %swap3A_471 = vector.shape_cast %get3A_466 : vector<16xf32> to vector<1x16xf32>
        tpu.vector_store %arg9[%swap3A_467, %swap3A_468], %swap3A_471 {add = true, strides = array<i32>} : memref<100x128xf32, #tpu.memory_space<vmem>>, vector<1x16xf32>,
        %mul3A_472 = arith.constant 4 : i32
        %mul3A_473 = arith.muli %mul3A_472, %scan3A_397 : i32
        %add3A_474 = arith.constant 1 : i32
        %add3A_475 = arith.addi %mul3A_473, %add3A_474 : i32
        %mul3A_476 = arith.constant 4 : i32
        %mul3A_477 = arith.muli %mul3A_476, %scan3A_397 : i32
        %add3A_478 = arith.constant 100 : i32
        %add3A_479 = arith.addi %add3A_478, %mul3A_477 : i32
        %add3A_480 = arith.constant 1 : i32
        %add3A_481 = arith.addi %add3A_479, %add3A_480 : i32
        %get3A_482 = arith.index_cast %add3A_481 : i32 to index
        %get3A_483 = arith.constant 0 : index
        %get3A_484 = tpu.vector_load %arg7[%get3A_482, %get3A_483] {strides = array<i32>} : memref<200x64xf32, #tpu.memory_space<vmem>>, vector<1x16xf32>,
        %get3A_485 = vector.shape_cast %get3A_484 : vector<1x16xf32> to vector<16xf32>
        %swap3A_486 = arith.index_cast %add3A_475 : i32 to index
        %swap3A_487 = arith.constant 0 : index
        %swap3A_488 = tpu.vector_load %arg9[%swap3A_486, %swap3A_487] {strides = array<i32>} : memref<100x128xf32, #tpu.memory_space<vmem>>, vector<1x16xf32>,
        %swap3A_489 = vector.shape_cast %swap3A_488 : vector<1x16xf32> to vector<16xf32>
        %swap3A_490 = vector.shape_cast %get3A_485 : vector<16xf32> to vector<1x16xf32>
        tpu.vector_store %arg9[%swap3A_486, %swap3A_487], %swap3A_490 {add = true, strides = array<i32>} : memref<100x128xf32, #tpu.memory_space<vmem>>, vector<1x16xf32>,
        %mul3A_491 = arith.constant 4 : i32
        %mul3A_492 = arith.muli %mul3A_491, %scan3A_397 : i32
        %add3A_493 = arith.constant 1 : i32
        %add3A_494 = arith.addi %mul3A_492, %add3A_493 : i32
        %mul3A_495 = arith.constant 4 : i32
        %mul3A_496 = arith.muli %mul3A_495, %scan3A_397 : i32
        %add3A_497 = arith.constant 100 : i32
        %add3A_498 = arith.addi %add3A_497, %mul3A_496 : i32
        %add3A_499 = arith.constant 1 : i32
        %add3A_500 = arith.addi %add3A_498, %add3A_499 : i32
        %get3A_501 = arith.index_cast %add3A_500 : i32 to index
        %get3A_502 = arith.constant 16 : index
        %get3A_503 = tpu.vector_load %arg7[%get3A_501, %get3A_502] {strides = array<i32>} : memref<200x64xf32, #tpu.memory_space<vmem>>, vector<1x16xf32>,
        %get3A_504 = vector.shape_cast %get3A_503 : vector<1x16xf32> to vector<16xf32>
        %swap3A_505 = arith.index_cast %add3A_494 : i32 to index
        %swap3A_506 = arith.constant 16 : index
        %swap3A_507 = tpu.vector_load %arg9[%swap3A_505, %swap3A_506] {strides = array<i32>} : memref<100x128xf32, #tpu.memory_space<vmem>>, vector<1x16xf32>,
        %swap3A_508 = vector.shape_cast %swap3A_507 : vector<1x16xf32> to vector<16xf32>
        %swap3A_509 = vector.shape_cast %get3A_504 : vector<16xf32> to vector<1x16xf32>
        tpu.vector_store %arg9[%swap3A_505, %swap3A_506], %swap3A_509 {add = true, strides = array<i32>} : memref<100x128xf32, #tpu.memory_space<vmem>>, vector<1x16xf32>,
        %mul3A_510 = arith.constant 4 : i32
        %mul3A_511 = arith.muli %mul3A_510, %scan3A_397 : i32
        %add3A_512 = arith.constant 1 : i32
        %add3A_513 = arith.addi %mul3A_511, %add3A_512 : i32
        %mul3A_514 = arith.constant 4 : i32
        %mul3A_515 = arith.muli %mul3A_514, %scan3A_397 : i32
        %add3A_516 = arith.constant 100 : i32
        %add3A_517 = arith.addi %add3A_516, %mul3A_515 : i32
        %add3A_518 = arith.constant 1 : i32
        %add3A_519 = arith.addi %add3A_517, %add3A_518 : i32
        %get3A_520 = arith.index_cast %add3A_519 : i32 to index
        %get3A_521 = arith.constant 32 : index
        %get3A_522 = tpu.vector_load %arg7[%get3A_520, %get3A_521] {strides = array<i32>} : memref<200x64xf32, #tpu.memory_space<vmem>>, vector<1x16xf32>,
        %get3A_523 = vector.shape_cast %get3A_522 : vector<1x16xf32> to vector<16xf32>
        %swap3A_524 = arith.index_cast %add3A_513 : i32 to index
        %swap3A_525 = arith.constant 32 : index
        %swap3A_526 = tpu.vector_load %arg9[%swap3A_524, %swap3A_525] {strides = array<i32>} : memref<100x128xf32, #tpu.memory_space<vmem>>, vector<1x16xf32>,
        %swap3A_527 = vector.shape_cast %swap3A_526 : vector<1x16xf32> to vector<16xf32>
        %swap3A_528 = vector.shape_cast %get3A_523 : vector<16xf32> to vector<1x16xf32>
        tpu.vector_store %arg9[%swap3A_524, %swap3A_525], %swap3A_528 {add = true, strides = array<i32>} : memref<100x128xf32, #tpu.memory_space<vmem>>, vector<1x16xf32>,
        %mul3A_529 = arith.constant 4 : i32
        %mul3A_530 = arith.muli %mul3A_529, %scan3A_397 : i32
        %add3A_531 = arith.constant 1 : i32
        %add3A_532 = arith.addi %mul3A_530, %add3A_531 : i32
        %mul3A_533 = arith.constant 4 : i32
        %mul3A_534 = arith.muli %mul3A_533, %scan3A_397 : i32
        %add3A_535 = arith.constant 100 : i32
        %add3A_536 = arith.addi %add3A_535, %mul3A_534 : i32
        %add3A_537 = arith.constant 1 : i32
        %add3A_538 = arith.addi %add3A_536, %add3A_537 : i32
        %get3A_539 = arith.index_cast %add3A_538 : i32 to index
        %get3A_540 = arith.constant 48 : index
        %get3A_541 = tpu.vector_load %arg7[%get3A_539, %get3A_540] {strides = array<i32>} : memref<200x64xf32, #tpu.memory_space<vmem>>, vector<1x16xf32>,
        %get3A_542 = vector.shape_cast %get3A_541 : vector<1x16xf32> to vector<16xf32>
        %swap3A_543 = arith.index_cast %add3A_532 : i32 to index
        %swap3A_544 = arith.constant 48 : index
        %swap3A_545 = tpu.vector_load %arg9[%swap3A_543, %swap3A_544] {strides = array<i32>} : memref<100x128xf32, #tpu.memory_space<vmem>>, vector<1x16xf32>,
        %swap3A_546 = vector.shape_cast %swap3A_545 : vector<1x16xf32> to vector<16xf32>
        %swap3A_547 = vector.shape_cast %get3A_542 : vector<16xf32> to vector<1x16xf32>
        tpu.vector_store %arg9[%swap3A_543, %swap3A_544], %swap3A_547 {add = true, strides = array<i32>} : memref<100x128xf32, #tpu.memory_space<vmem>>, vector<1x16xf32>,
        %mul3A_548 = arith.constant 4 : i32
        %mul3A_549 = arith.muli %mul3A_548, %scan3A_397 : i32
        %add3A_550 = arith.constant 2 : i32
        %add3A_551 = arith.addi %mul3A_549, %add3A_550 : i32
        %mul3A_552 = arith.constant 4 : i32
        %mul3A_553 = arith.muli %mul3A_552, %scan3A_397 : i32
        %add3A_554 = arith.constant 100 : i32
        %add3A_555 = arith.addi %add3A_554, %mul3A_553 : i32
        %add3A_556 = arith.constant 2 : i32
        %add3A_557 = arith.addi %add3A_555, %add3A_556 : i32
        %get3A_558 = arith.index_cast %add3A_557 : i32 to index
        %get3A_559 = arith.constant 0 : index
        %get3A_560 = tpu.vector_load %arg7[%get3A_558, %get3A_559] {strides = array<i32>} : memref<200x64xf32, #tpu.memory_space<vmem>>, vector<1x16xf32>,
        %get3A_561 = vector.shape_cast %get3A_560 : vector<1x16xf32> to vector<16xf32>
        %swap3A_562 = arith.index_cast %add3A_551 : i32 to index
        %swap3A_563 = arith.constant 0 : index
        %swap3A_564 = tpu.vector_load %arg9[%swap3A_562, %swap3A_563] {strides = array<i32>} : memref<100x128xf32, #tpu.memory_space<vmem>>, vector<1x16xf32>,
        %swap3A_565 = vector.shape_cast %swap3A_564 : vector<1x16xf32> to vector<16xf32>
        %swap3A_566 = vector.shape_cast %get3A_561 : vector<16xf32> to vector<1x16xf32>
        tpu.vector_store %arg9[%swap3A_562, %swap3A_563], %swap3A_566 {add = true, strides = array<i32>} : memref<100x128xf32, #tpu.memory_space<vmem>>, vector<1x16xf32>,
        %mul3A_567 = arith.constant 4 : i32
        %mul3A_568 = arith.muli %mul3A_567, %scan3A_397 : i32
        %add3A_569 = arith.constant 2 : i32
        %add3A_570 = arith.addi %mul3A_568, %add3A_569 : i32
        %mul3A_571 = arith.constant 4 : i32
        %mul3A_572 = arith.muli %mul3A_571, %scan3A_397 : i32
        %add3A_573 = arith.constant 100 : i32
        %add3A_574 = arith.addi %add3A_573, %mul3A_572 : i32
        %add3A_575 = arith.constant 2 : i32
        %add3A_576 = arith.addi %add3A_574, %add3A_575 : i32
        %get3A_577 = arith.index_cast %add3A_576 : i32 to index
        %get3A_578 = arith.constant 16 : index
        %get3A_579 = tpu.vector_load %arg7[%get3A_577, %get3A_578] {strides = array<i32>} : memref<200x64xf32, #tpu.memory_space<vmem>>, vector<1x16xf32>,
        %get3A_580 = vector.shape_cast %get3A_579 : vector<1x16xf32> to vector<16xf32>
        %swap3A_581 = arith.index_cast %add3A_570 : i32 to index
        %swap3A_582 = arith.constant 16 : index
        %swap3A_583 = tpu.vector_load %arg9[%swap3A_581, %swap3A_582] {strides = array<i32>} : memref<100x128xf32, #tpu.memory_space<vmem>>, vector<1x16xf32>,
        %swap3A_584 = vector.shape_cast %swap3A_583 : vector<1x16xf32> to vector<16xf32>
        %swap3A_585 = vector.shape_cast %get3A_580 : vector<16xf32> to vector<1x16xf32>
        tpu.vector_store %arg9[%swap3A_581, %swap3A_582], %swap3A_585 {add = true, strides = array<i32>} : memref<100x128xf32, #tpu.memory_space<vmem>>, vector<1x16xf32>,
        %mul3A_586 = arith.constant 4 : i32
        %mul3A_587 = arith.muli %mul3A_586, %scan3A_397 : i32
        %add3A_588 = arith.constant 2 : i32
        %add3A_589 = arith.addi %mul3A_587, %add3A_588 : i32
        %mul3A_590 = arith.constant 4 : i32
        %mul3A_591 = arith.muli %mul3A_590, %scan3A_397 : i32
        %add3A_592 = arith.constant 100 : i32
        %add3A_593 = arith.addi %add3A_592, %mul3A_591 : i32
        %add3A_594 = arith.constant 2 : i32
        %add3A_595 = arith.addi %add3A_593, %add3A_594 : i32
        %get3A_596 = arith.index_cast %add3A_595 : i32 to index
        %get3A_597 = arith.constant 32 : index
        %get3A_598 = tpu.vector_load %arg7[%get3A_596, %get3A_597] {strides = array<i32>} : memref<200x64xf32, #tpu.memory_space<vmem>>, vector<1x16xf32>,
        %get3A_599 = vector.shape_cast %get3A_598 : vector<1x16xf32> to vector<16xf32>
        %swap3A_600 = arith.index_cast %add3A_589 : i32 to index
        %swap3A_601 = arith.constant 32 : index
        %swap3A_602 = tpu.vector_load %arg9[%swap3A_600, %swap3A_601] {strides = array<i32>} : memref<100x128xf32, #tpu.memory_space<vmem>>, vector<1x16xf32>,
        %swap3A_603 = vector.shape_cast %swap3A_602 : vector<1x16xf32> to vector<16xf32>
        %swap3A_604 = vector.shape_cast %get3A_599 : vector<16xf32> to vector<1x16xf32>
        tpu.vector_store %arg9[%swap3A_600, %swap3A_601], %swap3A_604 {add = true, strides = array<i32>} : memref<100x128xf32, #tpu.memory_space<vmem>>, vector<1x16xf32>,
        %mul3A_605 = arith.constant 4 : i32
        %mul3A_606 = arith.muli %mul3A_605, %scan3A_397 : i32
        %add3A_607 = arith.constant 2 : i32
        %add3A_608 = arith.addi %mul3A_606, %add3A_607 : i32
        %mul3A_609 = arith.constant 4 : i32
        %mul3A_610 = arith.muli %mul3A_609, %scan3A_397 : i32
        %add3A_611 = arith.constant 100 : i32
        %add3A_612 = arith.addi %add3A_611, %mul3A_610 : i32
        %add3A_613 = arith.constant 2 : i32
        %add3A_614 = arith.addi %add3A_612, %add3A_613 : i32
        %get3A_615 = arith.index_cast %add3A_614 : i32 to index
        %get3A_616 = arith.constant 48 : index
        %get3A_617 = tpu.vector_load %arg7[%get3A_615, %get3A_616] {strides = array<i32>} : memref<200x64xf32, #tpu.memory_space<vmem>>, vector<1x16xf32>,
        %get3A_618 = vector.shape_cast %get3A_617 : vector<1x16xf32> to vector<16xf32>
        %swap3A_619 = arith.index_cast %add3A_608 : i32 to index
        %swap3A_620 = arith.constant 48 : index
        %swap3A_621 = tpu.vector_load %arg9[%swap3A_619, %swap3A_620] {strides = array<i32>} : memref<100x128xf32, #tpu.memory_space<vmem>>, vector<1x16xf32>,
        %swap3A_622 = vector.shape_cast %swap3A_621 : vector<1x16xf32> to vector<16xf32>
        %swap3A_623 = vector.shape_cast %get3A_618 : vector<16xf32> to vector<1x16xf32>
        tpu.vector_store %arg9[%swap3A_619, %swap3A_620], %swap3A_623 {add = true, strides = array<i32>} : memref<100x128xf32, #tpu.memory_space<vmem>>, vector<1x16xf32>,
        %mul3A_624 = arith.constant 4 : i32
        %mul3A_625 = arith.muli %mul3A_624, %scan3A_397 : i32
        %add3A_626 = arith.constant 3 : i32
        %add3A_627 = arith.addi %mul3A_625, %add3A_626 : i32
        %mul3A_628 = arith.constant 4 : i32
        %mul3A_629 = arith.muli %mul3A_628, %scan3A_397 : i32
        %add3A_630 = arith.constant 100 : i32
        %add3A_631 = arith.addi %add3A_630, %mul3A_629 : i32
        %add3A_632 = arith.constant 3 : i32
        %add3A_633 = arith.addi %add3A_631, %add3A_632 : i32
        %get3A_634 = arith.index_cast %add3A_633 : i32 to index
        %get3A_635 = arith.constant 0 : index
        %get3A_636 = tpu.vector_load %arg7[%get3A_634, %get3A_635] {strides = array<i32>} : memref<200x64xf32, #tpu.memory_space<vmem>>, vector<1x16xf32>,
        %get3A_637 = vector.shape_cast %get3A_636 : vector<1x16xf32> to vector<16xf32>
        %swap3A_638 = arith.index_cast %add3A_627 : i32 to index
        %swap3A_639 = arith.constant 0 : index
        %swap3A_640 = tpu.vector_load %arg9[%swap3A_638, %swap3A_639] {strides = array<i32>} : memref<100x128xf32, #tpu.memory_space<vmem>>, vector<1x16xf32>,
        %swap3A_641 = vector.shape_cast %swap3A_640 : vector<1x16xf32> to vector<16xf32>
        %swap3A_642 = vector.shape_cast %get3A_637 : vector<16xf32> to vector<1x16xf32>
        tpu.vector_store %arg9[%swap3A_638, %swap3A_639], %swap3A_642 {add = true, strides = array<i32>} : memref<100x128xf32, #tpu.memory_space<vmem>>, vector<1x16xf32>,
        %mul3A_643 = arith.constant 4 : i32
        %mul3A_644 = arith.muli %mul3A_643, %scan3A_397 : i32
        %add3A_645 = arith.constant 3 : i32
        %add3A_646 = arith.addi %mul3A_644, %add3A_645 : i32
        %mul3A_647 = arith.constant 4 : i32
        %mul3A_648 = arith.muli %mul3A_647, %scan3A_397 : i32
        %add3A_649 = arith.constant 100 : i32
        %add3A_650 = arith.addi %add3A_649, %mul3A_648 : i32
        %add3A_651 = arith.constant 3 : i32
        %add3A_652 = arith.addi %add3A_650, %add3A_651 : i32
        %get3A_653 = arith.index_cast %add3A_652 : i32 to index
        %get3A_654 = arith.constant 16 : index
        %get3A_655 = tpu.vector_load %arg7[%get3A_653, %get3A_654] {strides = array<i32>} : memref<200x64xf32, #tpu.memory_space<vmem>>, vector<1x16xf32>,
        %get3A_656 = vector.shape_cast %get3A_655 : vector<1x16xf32> to vector<16xf32>
        %swap3A_657 = arith.index_cast %add3A_646 : i32 to index
        %swap3A_658 = arith.constant 16 : index
        %swap3A_659 = tpu.vector_load %arg9[%swap3A_657, %swap3A_658] {strides = array<i32>} : memref<100x128xf32, #tpu.memory_space<vmem>>, vector<1x16xf32>,
        %swap3A_660 = vector.shape_cast %swap3A_659 : vector<1x16xf32> to vector<16xf32>
        %swap3A_661 = vector.shape_cast %get3A_656 : vector<16xf32> to vector<1x16xf32>
        tpu.vector_store %arg9[%swap3A_657, %swap3A_658], %swap3A_661 {add = true, strides = array<i32>} : memref<100x128xf32, #tpu.memory_space<vmem>>, vector<1x16xf32>,
        %mul3A_662 = arith.constant 4 : i32
        %mul3A_663 = arith.muli %mul3A_662, %scan3A_397 : i32
        %add3A_664 = arith.constant 3 : i32
        %add3A_665 = arith.addi %mul3A_663, %add3A_664 : i32
        %mul3A_666 = arith.constant 4 : i32
        %mul3A_667 = arith.muli %mul3A_666, %scan3A_397 : i32
        %add3A_668 = arith.constant 100 : i32
        %add3A_669 = arith.addi %add3A_668, %mul3A_667 : i32
        %add3A_670 = arith.constant 3 : i32
        %add3A_671 = arith.addi %add3A_669, %add3A_670 : i32
        %get3A_672 = arith.index_cast %add3A_671 : i32 to index
        %get3A_673 = arith.constant 32 : index
        %get3A_674 = tpu.vector_load %arg7[%get3A_672, %get3A_673] {strides = array<i32>} : memref<200x64xf32, #tpu.memory_space<vmem>>, vector<1x16xf32>,
        %get3A_675 = vector.shape_cast %get3A_674 : vector<1x16xf32> to vector<16xf32>
        %swap3A_676 = arith.index_cast %add3A_665 : i32 to index
        %swap3A_677 = arith.constant 32 : index
        %swap3A_678 = tpu.vector_load %arg9[%swap3A_676, %swap3A_677] {strides = array<i32>} : memref<100x128xf32, #tpu.memory_space<vmem>>, vector<1x16xf32>,
        %swap3A_679 = vector.shape_cast %swap3A_678 : vector<1x16xf32> to vector<16xf32>
        %swap3A_680 = vector.shape_cast %get3A_675 : vector<16xf32> to vector<1x16xf32>
        tpu.vector_store %arg9[%swap3A_676, %swap3A_677], %swap3A_680 {add = true, strides = array<i32>} : memref<100x128xf32, #tpu.memory_space<vmem>>, vector<1x16xf32>,
        %mul3A_681 = arith.constant 4 : i32
        %mul3A_682 = arith.muli %mul3A_681, %scan3A_397 : i32
        %add3A_683 = arith.constant 3 : i32
        %add3A_684 = arith.addi %mul3A_682, %add3A_683 : i32
        %mul3A_685 = arith.constant 4 : i32
        %mul3A_686 = arith.muli %mul3A_685, %scan3A_397 : i32
        %add3A_687 = arith.constant 100 : i32
        %add3A_688 = arith.addi %add3A_687, %mul3A_686 : i32
        %add3A_689 = arith.constant 3 : i32
        %add3A_690 = arith.addi %add3A_688, %add3A_689 : i32
        %get3A_691 = arith.index_cast %add3A_690 : i32 to index
        %get3A_692 = arith.constant 48 : index
        %get3A_693 = tpu.vector_load %arg7[%get3A_691, %get3A_692] {strides = array<i32>} : memref<200x64xf32, #tpu.memory_space<vmem>>, vector<1x16xf32>,
        %get3A_694 = vector.shape_cast %get3A_693 : vector<1x16xf32> to vector<16xf32>
        %swap3A_695 = arith.index_cast %add3A_684 : i32 to index
        %swap3A_696 = arith.constant 48 : index
        %swap3A_697 = tpu.vector_load %arg9[%swap3A_695, %swap3A_696] {strides = array<i32>} : memref<100x128xf32, #tpu.memory_space<vmem>>, vector<1x16xf32>,
        %swap3A_698 = vector.shape_cast %swap3A_697 : vector<1x16xf32> to vector<16xf32>
        %swap3A_699 = vector.shape_cast %get3A_694 : vector<16xf32> to vector<1x16xf32>
        tpu.vector_store %arg9[%swap3A_695, %swap3A_696], %swap3A_699 {add = true, strides = array<i32>} : memref<100x128xf32, #tpu.memory_space<vmem>>, vector<1x16xf32>,
      }
      %scan3A_319 = arith.constant 25 : i32
      %mul3A_320 = arith.constant 100 : i32
      %mul3A_321 = arith.muli %add3A_293, %mul3A_320 : i32
      %add3A_322 = arith.addi %mul3A_2, %mul3A_321 : i32
      %dma_start3A_323 = arith.constant 0 : i32
      %dma_start3A_324 = tpu.memref_slice %arg5[%add3A_322, %dma_start3A_323] : memref<819200x128xf32, #tpu.memory_space<hbm>> -> memref<100x128xf32, #tpu.memory_space<hbm>>
      %dma_start3A_325 = arith.constant 0 : i32
      %dma_start3A_326 = tpu.memref_slice %arg5[%add3A_322, %dma_start3A_325] : memref<819200x128xf32, #tpu.memory_space<hbm>> -> memref<100x128xf32, #tpu.memory_space<hbm>>
      tpu.enqueue_dma source(%arg9 : memref<100x128xf32, #tpu.memory_space<vmem>>) target(%dma_start3A_326 : memref<100x128xf32, #tpu.memory_space<hbm>>) target_semaphore(%arg17 : memref<!tpu.dma_semaphore, #tpu.memory_space<semaphore_mem>>)
      %add3A_327 = arith.constant 2 : i32
      %add3A_328 = arith.addi %mul3A_256, %add3A_327 : i32
      %dma_wait3A_329 = arith.constant 0 : i32
      %dma_wait3A_330 = arith.constant 0 : i32
      %dma_wait3A_331 = tpu.memref_slice %arg3[%dma_wait3A_329, %dma_wait3A_330] : memref<1000000x128xf32, #tpu.memory_space<hbm>> -> memref<100x128xf32, #tpu.memory_space<hbm>>
      %dma_wait3A_332 = arith.constant 0 : i32
      %dma_wait3A_333 = arith.constant 0 : i32
      %dma_wait3A_334 = tpu.memref_slice %arg3[%dma_wait3A_332, %dma_wait3A_333] : memref<1000000x128xf32, #tpu.memory_space<hbm>> -> memref<100x128xf32, #tpu.memory_space<hbm>>
      tpu.wait_dma2 semaphore(%arg14 : memref<!tpu.dma_semaphore, #tpu.memory_space<semaphore_mem>>) src(%dma_wait3A_334 : memref<100x128xf32, #tpu.memory_space<hbm>>) dst(%arg10 : memref<100x128xf32, #tpu.memory_space<vmem>>)
      %dma_wait3A_335 = arith.constant 0 : i32
      %dma_wait3A_336 = arith.constant 0 : i32
      %dma_wait3A_337 = tpu.memref_slice %arg5[%dma_wait3A_335, %dma_wait3A_336] : memref<819200x128xf32, #tpu.memory_space<hbm>> -> memref<100x128xf32, #tpu.memory_space<hbm>>
      %dma_wait3A_338 = arith.constant 0 : i32
      %dma_wait3A_339 = arith.constant 0 : i32
      %dma_wait3A_340 = tpu.memref_slice %arg5[%dma_wait3A_338, %dma_wait3A_339] : memref<819200x128xf32, #tpu.memory_space<hbm>> -> memref<100x128xf32, #tpu.memory_space<hbm>>
      tpu.wait_dma2 semaphore(%arg16 : memref<!tpu.dma_semaphore, #tpu.memory_space<semaphore_mem>>) src(%arg8 : memref<100x128xf32, #tpu.memory_space<vmem>>) dst(%dma_wait3A_340 : memref<100x128xf32, #tpu.memory_space<hbm>>)
      %add3A_341 = arith.constant 2 : i32
      %add3A_342 = arith.addi %add3A_328, %add3A_341 : i32
      %dma_start3A_343 = arith.constant 0 : i32
      %dma_start3A_344 = tpu.memref_slice %arg6[%add3A_342, %dma_start3A_343] : memref<256x100xi32, #tpu.memory_space<vmem>> -> memref<1x100xi32, #tpu.memory_space<vmem>>
      %dma_start3A_345 = tpu.memref_squeeze %dma_start3A_344 : memref<1x100xi32, #tpu.memory_space<vmem>> -> memref<100xi32, #tpu.memory_space<vmem>>
      %dma_start3A_346 = arith.constant 0 : i32
      %dma_start3A_347 = arith.constant 0 : i32
      %dma_start3A_348 = tpu.memref_slice %arg3[%dma_start3A_346, %dma_start3A_347] : memref<1000000x128xf32, #tpu.memory_space<hbm>> -> memref<1000000x128xf32, #tpu.memory_space<hbm>>
      tpu.enqueue_indirect_dma source(%dma_start3A_348 : memref<1000000x128xf32, #tpu.memory_space<hbm>>) target(%arg8 : memref<100x128xf32, #tpu.memory_space<vmem>>) offsets(%dma_start3A_345 : memref<100xi32, #tpu.memory_space<vmem>>) semaphore(%arg12 : memref<!tpu.dma_semaphore, #tpu.memory_space<semaphore_mem>>)
      %scan3A_349 = arith.constant 0 : i32
      %scan3A_350 = arith.constant 0 : i32
      %scan3A_351 = arith.constant 25 : i32
      %scan3A_352 = arith.addi %scan3A_350, %scan3A_351 : i32
      %scan3A_353 = arith.constant 1 : i32
      scf.for %scan3A_397 = %scan3A_350 to %scan3A_352 step %scan3A_353  : i32 {
        %mul3A_398 = arith.constant 4 : i32
        %mul3A_399 = arith.muli %mul3A_398, %scan3A_397 : i32
        %add3A_400 = arith.constant 0 : i32
        %add3A_401 = arith.addi %mul3A_399, %add3A_400 : i32
        %mul3A_402 = arith.constant 4 : i32
        %mul3A_403 = arith.muli %mul3A_402, %scan3A_397 : i32
        %add3A_404 = arith.constant 0 : i32
        %add3A_405 = arith.addi %add3A_404, %mul3A_403 : i32
        %add3A_406 = arith.constant 0 : i32
        %add3A_407 = arith.addi %add3A_405, %add3A_406 : i32
        %get3A = arith.index_cast %add3A_407 : i32 to index
        %get3A_408 = arith.constant 0 : index
        %get3A_409 = tpu.vector_load %arg7[%get3A, %get3A_408] {strides = array<i32>} : memref<200x64xf32, #tpu.memory_space<vmem>>, vector<1x16xf32>,
        %get3A_410 = vector.shape_cast %get3A_409 : vector<1x16xf32> to vector<16xf32>
        %swap3A = arith.index_cast %add3A_401 : i32 to index
        %swap3A_411 = arith.constant 0 : index
        %swap3A_412 = tpu.vector_load %arg10[%swap3A, %swap3A_411] {strides = array<i32>} : memref<100x128xf32, #tpu.memory_space<vmem>>, vector<1x16xf32>,
        %swap3A_413 = vector.shape_cast %swap3A_412 : vector<1x16xf32> to vector<16xf32>
        %swap3A_414 = vector.shape_cast %get3A_410 : vector<16xf32> to vector<1x16xf32>
        tpu.vector_store %arg10[%swap3A, %swap3A_411], %swap3A_414 {add = true, strides = array<i32>} : memref<100x128xf32, #tpu.memory_space<vmem>>, vector<1x16xf32>,
        %mul3A_415 = arith.constant 4 : i32
        %mul3A_416 = arith.muli %mul3A_415, %scan3A_397 : i32
        %add3A_417 = arith.constant 0 : i32
        %add3A_418 = arith.addi %mul3A_416, %add3A_417 : i32
        %mul3A_419 = arith.constant 4 : i32
        %mul3A_420 = arith.muli %mul3A_419, %scan3A_397 : i32
        %add3A_421 = arith.constant 0 : i32
        %add3A_422 = arith.addi %add3A_421, %mul3A_420 : i32
        %add3A_423 = arith.constant 0 : i32
        %add3A_424 = arith.addi %add3A_422, %add3A_423 : i32
        %get3A_425 = arith.index_cast %add3A_424 : i32 to index
        %get3A_426 = arith.constant 16 : index
        %get3A_427 = tpu.vector_load %arg7[%get3A_425, %get3A_426] {strides = array<i32>} : memref<200x64xf32, #tpu.memory_space<vmem>>, vector<1x16xf32>,
        %get3A_428 = vector.shape_cast %get3A_427 : vector<1x16xf32> to vector<16xf32>
        %swap3A_429 = arith.index_cast %add3A_418 : i32 to index
        %swap3A_430 = arith.constant 16 : index
        %swap3A_431 = tpu.vector_load %arg10[%swap3A_429, %swap3A_430] {strides = array<i32>} : memref<100x128xf32, #tpu.memory_space<vmem>>, vector<1x16xf32>,
        %swap3A_432 = vector.shape_cast %swap3A_431 : vector<1x16xf32> to vector<16xf32>
        %swap3A_433 = vector.shape_cast %get3A_428 : vector<16xf32> to vector<1x16xf32>
        tpu.vector_store %arg10[%swap3A_429, %swap3A_430], %swap3A_433 {add = true, strides = array<i32>} : memref<100x128xf32, #tpu.memory_space<vmem>>, vector<1x16xf32>,
        %mul3A_434 = arith.constant 4 : i32
        %mul3A_435 = arith.muli %mul3A_434, %scan3A_397 : i32
        %add3A_436 = arith.constant 0 : i32
        %add3A_437 = arith.addi %mul3A_435, %add3A_436 : i32
        %mul3A_438 = arith.constant 4 : i32
        %mul3A_439 = arith.muli %mul3A_438, %scan3A_397 : i32
        %add3A_440 = arith.constant 0 : i32
        %add3A_441 = arith.addi %add3A_440, %mul3A_439 : i32
        %add3A_442 = arith.constant 0 : i32
        %add3A_443 = arith.addi %add3A_441, %add3A_442 : i32
        %get3A_444 = arith.index_cast %add3A_443 : i32 to index
        %get3A_445 = arith.constant 32 : index
        %get3A_446 = tpu.vector_load %arg7[%get3A_444, %get3A_445] {strides = array<i32>} : memref<200x64xf32, #tpu.memory_space<vmem>>, vector<1x16xf32>,
        %get3A_447 = vector.shape_cast %get3A_446 : vector<1x16xf32> to vector<16xf32>
        %swap3A_448 = arith.index_cast %add3A_437 : i32 to index
        %swap3A_449 = arith.constant 32 : index
        %swap3A_450 = tpu.vector_load %arg10[%swap3A_448, %swap3A_449] {strides = array<i32>} : memref<100x128xf32, #tpu.memory_space<vmem>>, vector<1x16xf32>,
        %swap3A_451 = vector.shape_cast %swap3A_450 : vector<1x16xf32> to vector<16xf32>
        %swap3A_452 = vector.shape_cast %get3A_447 : vector<16xf32> to vector<1x16xf32>
        tpu.vector_store %arg10[%swap3A_448, %swap3A_449], %swap3A_452 {add = true, strides = array<i32>} : memref<100x128xf32, #tpu.memory_space<vmem>>, vector<1x16xf32>,
        %mul3A_453 = arith.constant 4 : i32
        %mul3A_454 = arith.muli %mul3A_453, %scan3A_397 : i32
        %add3A_455 = arith.constant 0 : i32
        %add3A_456 = arith.addi %mul3A_454, %add3A_455 : i32
        %mul3A_457 = arith.constant 4 : i32
        %mul3A_458 = arith.muli %mul3A_457, %scan3A_397 : i32
        %add3A_459 = arith.constant 0 : i32
        %add3A_460 = arith.addi %add3A_459, %mul3A_458 : i32
        %add3A_461 = arith.constant 0 : i32
        %add3A_462 = arith.addi %add3A_460, %add3A_461 : i32
        %get3A_463 = arith.index_cast %add3A_462 : i32 to index
        %get3A_464 = arith.constant 48 : index
        %get3A_465 = tpu.vector_load %arg7[%get3A_463, %get3A_464] {strides = array<i32>} : memref<200x64xf32, #tpu.memory_space<vmem>>, vector<1x16xf32>,
        %get3A_466 = vector.shape_cast %get3A_465 : vector<1x16xf32> to vector<16xf32>
        %swap3A_467 = arith.index_cast %add3A_456 : i32 to index
        %swap3A_468 = arith.constant 48 : index
        %swap3A_469 = tpu.vector_load %arg10[%swap3A_467, %swap3A_468] {strides = array<i32>} : memref<100x128xf32, #tpu.memory_space<vmem>>, vector<1x16xf32>,
        %swap3A_470 = vector.shape_cast %swap3A_469 : vector<1x16xf32> to vector<16xf32>
        %swap3A_471 = vector.shape_cast %get3A_466 : vector<16xf32> to vector<1x16xf32>
        tpu.vector_store %arg10[%swap3A_467, %swap3A_468], %swap3A_471 {add = true, strides = array<i32>} : memref<100x128xf32, #tpu.memory_space<vmem>>, vector<1x16xf32>,
        %mul3A_472 = arith.constant 4 : i32
        %mul3A_473 = arith.muli %mul3A_472, %scan3A_397 : i32
        %add3A_474 = arith.constant 1 : i32
        %add3A_475 = arith.addi %mul3A_473, %add3A_474 : i32
        %mul3A_476 = arith.constant 4 : i32
        %mul3A_477 = arith.muli %mul3A_476, %scan3A_397 : i32
        %add3A_478 = arith.constant 0 : i32
        %add3A_479 = arith.addi %add3A_478, %mul3A_477 : i32
        %add3A_480 = arith.constant 1 : i32
        %add3A_481 = arith.addi %add3A_479, %add3A_480 : i32
        %get3A_482 = arith.index_cast %add3A_481 : i32 to index
        %get3A_483 = arith.constant 0 : index
        %get3A_484 = tpu.vector_load %arg7[%get3A_482, %get3A_483] {strides = array<i32>} : memref<200x64xf32, #tpu.memory_space<vmem>>, vector<1x16xf32>,
        %get3A_485 = vector.shape_cast %get3A_484 : vector<1x16xf32> to vector<16xf32>
        %swap3A_486 = arith.index_cast %add3A_475 : i32 to index
        %swap3A_487 = arith.constant 0 : index
        %swap3A_488 = tpu.vector_load %arg10[%swap3A_486, %swap3A_487] {strides = array<i32>} : memref<100x128xf32, #tpu.memory_space<vmem>>, vector<1x16xf32>,
        %swap3A_489 = vector.shape_cast %swap3A_488 : vector<1x16xf32> to vector<16xf32>
        %swap3A_490 = vector.shape_cast %get3A_485 : vector<16xf32> to vector<1x16xf32>
        tpu.vector_store %arg10[%swap3A_486, %swap3A_487], %swap3A_490 {add = true, strides = array<i32>} : memref<100x128xf32, #tpu.memory_space<vmem>>, vector<1x16xf32>,
        %mul3A_491 = arith.constant 4 : i32
        %mul3A_492 = arith.muli %mul3A_491, %scan3A_397 : i32
        %add3A_493 = arith.constant 1 : i32
        %add3A_494 = arith.addi %mul3A_492, %add3A_493 : i32
        %mul3A_495 = arith.constant 4 : i32
        %mul3A_496 = arith.muli %mul3A_495, %scan3A_397 : i32
        %add3A_497 = arith.constant 0 : i32
        %add3A_498 = arith.addi %add3A_497, %mul3A_496 : i32
        %add3A_499 = arith.constant 1 : i32
        %add3A_500 = arith.addi %add3A_498, %add3A_499 : i32
        %get3A_501 = arith.index_cast %add3A_500 : i32 to index
        %get3A_502 = arith.constant 16 : index
        %get3A_503 = tpu.vector_load %arg7[%get3A_501, %get3A_502] {strides = array<i32>} : memref<200x64xf32, #tpu.memory_space<vmem>>, vector<1x16xf32>,
        %get3A_504 = vector.shape_cast %get3A_503 : vector<1x16xf32> to vector<16xf32>
        %swap3A_505 = arith.index_cast %add3A_494 : i32 to index
        %swap3A_506 = arith.constant 16 : index
        %swap3A_507 = tpu.vector_load %arg10[%swap3A_505, %swap3A_506] {strides = array<i32>} : memref<100x128xf32, #tpu.memory_space<vmem>>, vector<1x16xf32>,
        %swap3A_508 = vector.shape_cast %swap3A_507 : vector<1x16xf32> to vector<16xf32>
        %swap3A_509 = vector.shape_cast %get3A_504 : vector<16xf32> to vector<1x16xf32>
        tpu.vector_store %arg10[%swap3A_505, %swap3A_506], %swap3A_509 {add = true, strides = array<i32>} : memref<100x128xf32, #tpu.memory_space<vmem>>, vector<1x16xf32>,
        %mul3A_510 = arith.constant 4 : i32
        %mul3A_511 = arith.muli %mul3A_510, %scan3A_397 : i32
        %add3A_512 = arith.constant 1 : i32
        %add3A_513 = arith.addi %mul3A_511, %add3A_512 : i32
        %mul3A_514 = arith.constant 4 : i32
        %mul3A_515 = arith.muli %mul3A_514, %scan3A_397 : i32
        %add3A_516 = arith.constant 0 : i32
        %add3A_517 = arith.addi %add3A_516, %mul3A_515 : i32
        %add3A_518 = arith.constant 1 : i32
        %add3A_519 = arith.addi %add3A_517, %add3A_518 : i32
        %get3A_520 = arith.index_cast %add3A_519 : i32 to index
        %get3A_521 = arith.constant 32 : index
        %get3A_522 = tpu.vector_load %arg7[%get3A_520, %get3A_521] {strides = array<i32>} : memref<200x64xf32, #tpu.memory_space<vmem>>, vector<1x16xf32>,
        %get3A_523 = vector.shape_cast %get3A_522 : vector<1x16xf32> to vector<16xf32>
        %swap3A_524 = arith.index_cast %add3A_513 : i32 to index
        %swap3A_525 = arith.constant 32 : index
        %swap3A_526 = tpu.vector_load %arg10[%swap3A_524, %swap3A_525] {strides = array<i32>} : memref<100x128xf32, #tpu.memory_space<vmem>>, vector<1x16xf32>,
        %swap3A_527 = vector.shape_cast %swap3A_526 : vector<1x16xf32> to vector<16xf32>
        %swap3A_528 = vector.shape_cast %get3A_523 : vector<16xf32> to vector<1x16xf32>
        tpu.vector_store %arg10[%swap3A_524, %swap3A_525], %swap3A_528 {add = true, strides = array<i32>} : memref<100x128xf32, #tpu.memory_space<vmem>>, vector<1x16xf32>,
        %mul3A_529 = arith.constant 4 : i32
        %mul3A_530 = arith.muli %mul3A_529, %scan3A_397 : i32
        %add3A_531 = arith.constant 1 : i32
        %add3A_532 = arith.addi %mul3A_530, %add3A_531 : i32
        %mul3A_533 = arith.constant 4 : i32
        %mul3A_534 = arith.muli %mul3A_533, %scan3A_397 : i32
        %add3A_535 = arith.constant 0 : i32
        %add3A_536 = arith.addi %add3A_535, %mul3A_534 : i32
        %add3A_537 = arith.constant 1 : i32
        %add3A_538 = arith.addi %add3A_536, %add3A_537 : i32
        %get3A_539 = arith.index_cast %add3A_538 : i32 to index
        %get3A_540 = arith.constant 48 : index
        %get3A_541 = tpu.vector_load %arg7[%get3A_539, %get3A_540] {strides = array<i32>} : memref<200x64xf32, #tpu.memory_space<vmem>>, vector<1x16xf32>,
        %get3A_542 = vector.shape_cast %get3A_541 : vector<1x16xf32> to vector<16xf32>
        %swap3A_543 = arith.index_cast %add3A_532 : i32 to index
        %swap3A_544 = arith.constant 48 : index
        %swap3A_545 = tpu.vector_load %arg10[%swap3A_543, %swap3A_544] {strides = array<i32>} : memref<100x128xf32, #tpu.memory_space<vmem>>, vector<1x16xf32>,
        %swap3A_546 = vector.shape_cast %swap3A_545 : vector<1x16xf32> to vector<16xf32>
        %swap3A_547 = vector.shape_cast %get3A_542 : vector<16xf32> to vector<1x16xf32>
        tpu.vector_store %arg10[%swap3A_543, %swap3A_544], %swap3A_547 {add = true, strides = array<i32>} : memref<100x128xf32, #tpu.memory_space<vmem>>, vector<1x16xf32>,
        %mul3A_548 = arith.constant 4 : i32
        %mul3A_549 = arith.muli %mul3A_548, %scan3A_397 : i32
        %add3A_550 = arith.constant 2 : i32
        %add3A_551 = arith.addi %mul3A_549, %add3A_550 : i32
        %mul3A_552 = arith.constant 4 : i32
        %mul3A_553 = arith.muli %mul3A_552, %scan3A_397 : i32
        %add3A_554 = arith.constant 0 : i32
        %add3A_555 = arith.addi %add3A_554, %mul3A_553 : i32
        %add3A_556 = arith.constant 2 : i32
        %add3A_557 = arith.addi %add3A_555, %add3A_556 : i32
        %get3A_558 = arith.index_cast %add3A_557 : i32 to index
        %get3A_559 = arith.constant 0 : index
        %get3A_560 = tpu.vector_load %arg7[%get3A_558, %get3A_559] {strides = array<i32>} : memref<200x64xf32, #tpu.memory_space<vmem>>, vector<1x16xf32>,
        %get3A_561 = vector.shape_cast %get3A_560 : vector<1x16xf32> to vector<16xf32>
        %swap3A_562 = arith.index_cast %add3A_551 : i32 to index
        %swap3A_563 = arith.constant 0 : index
        %swap3A_564 = tpu.vector_load %arg10[%swap3A_562, %swap3A_563] {strides = array<i32>} : memref<100x128xf32, #tpu.memory_space<vmem>>, vector<1x16xf32>,
        %swap3A_565 = vector.shape_cast %swap3A_564 : vector<1x16xf32> to vector<16xf32>
        %swap3A_566 = vector.shape_cast %get3A_561 : vector<16xf32> to vector<1x16xf32>
        tpu.vector_store %arg10[%swap3A_562, %swap3A_563], %swap3A_566 {add = true, strides = array<i32>} : memref<100x128xf32, #tpu.memory_space<vmem>>, vector<1x16xf32>,
        %mul3A_567 = arith.constant 4 : i32
        %mul3A_568 = arith.muli %mul3A_567, %scan3A_397 : i32
        %add3A_569 = arith.constant 2 : i32
        %add3A_570 = arith.addi %mul3A_568, %add3A_569 : i32
        %mul3A_571 = arith.constant 4 : i32
        %mul3A_572 = arith.muli %mul3A_571, %scan3A_397 : i32
        %add3A_573 = arith.constant 0 : i32
        %add3A_574 = arith.addi %add3A_573, %mul3A_572 : i32
        %add3A_575 = arith.constant 2 : i32
        %add3A_576 = arith.addi %add3A_574, %add3A_575 : i32
        %get3A_577 = arith.index_cast %add3A_576 : i32 to index
        %get3A_578 = arith.constant 16 : index
        %get3A_579 = tpu.vector_load %arg7[%get3A_577, %get3A_578] {strides = array<i32>} : memref<200x64xf32, #tpu.memory_space<vmem>>, vector<1x16xf32>,
        %get3A_580 = vector.shape_cast %get3A_579 : vector<1x16xf32> to vector<16xf32>
        %swap3A_581 = arith.index_cast %add3A_570 : i32 to index
        %swap3A_582 = arith.constant 16 : index
        %swap3A_583 = tpu.vector_load %arg10[%swap3A_581, %swap3A_582] {strides = array<i32>} : memref<100x128xf32, #tpu.memory_space<vmem>>, vector<1x16xf32>,
        %swap3A_584 = vector.shape_cast %swap3A_583 : vector<1x16xf32> to vector<16xf32>
        %swap3A_585 = vector.shape_cast %get3A_580 : vector<16xf32> to vector<1x16xf32>
        tpu.vector_store %arg10[%swap3A_581, %swap3A_582], %swap3A_585 {add = true, strides = array<i32>} : memref<100x128xf32, #tpu.memory_space<vmem>>, vector<1x16xf32>,
        %mul3A_586 = arith.constant 4 : i32
        %mul3A_587 = arith.muli %mul3A_586, %scan3A_397 : i32
        %add3A_588 = arith.constant 2 : i32
        %add3A_589 = arith.addi %mul3A_587, %add3A_588 : i32
        %mul3A_590 = arith.constant 4 : i32
        %mul3A_591 = arith.muli %mul3A_590, %scan3A_397 : i32
        %add3A_592 = arith.constant 0 : i32
        %add3A_593 = arith.addi %add3A_592, %mul3A_591 : i32
        %add3A_594 = arith.constant 2 : i32
        %add3A_595 = arith.addi %add3A_593, %add3A_594 : i32
        %get3A_596 = arith.index_cast %add3A_595 : i32 to index
        %get3A_597 = arith.constant 32 : index
        %get3A_598 = tpu.vector_load %arg7[%get3A_596, %get3A_597] {strides = array<i32>} : memref<200x64xf32, #tpu.memory_space<vmem>>, vector<1x16xf32>,
        %get3A_599 = vector.shape_cast %get3A_598 : vector<1x16xf32> to vector<16xf32>
        %swap3A_600 = arith.index_cast %add3A_589 : i32 to index
        %swap3A_601 = arith.constant 32 : index
        %swap3A_602 = tpu.vector_load %arg10[%swap3A_600, %swap3A_601] {strides = array<i32>} : memref<100x128xf32, #tpu.memory_space<vmem>>, vector<1x16xf32>,
        %swap3A_603 = vector.shape_cast %swap3A_602 : vector<1x16xf32> to vector<16xf32>
        %swap3A_604 = vector.shape_cast %get3A_599 : vector<16xf32> to vector<1x16xf32>
        tpu.vector_store %arg10[%swap3A_600, %swap3A_601], %swap3A_604 {add = true, strides = array<i32>} : memref<100x128xf32, #tpu.memory_space<vmem>>, vector<1x16xf32>,
        %mul3A_605 = arith.constant 4 : i32
        %mul3A_606 = arith.muli %mul3A_605, %scan3A_397 : i32
        %add3A_607 = arith.constant 2 : i32
        %add3A_608 = arith.addi %mul3A_606, %add3A_607 : i32
        %mul3A_609 = arith.constant 4 : i32
        %mul3A_610 = arith.muli %mul3A_609, %scan3A_397 : i32
        %add3A_611 = arith.constant 0 : i32
        %add3A_612 = arith.addi %add3A_611, %mul3A_610 : i32
        %add3A_613 = arith.constant 2 : i32
        %add3A_614 = arith.addi %add3A_612, %add3A_613 : i32
        %get3A_615 = arith.index_cast %add3A_614 : i32 to index
        %get3A_616 = arith.constant 48 : index
        %get3A_617 = tpu.vector_load %arg7[%get3A_615, %get3A_616] {strides = array<i32>} : memref<200x64xf32, #tpu.memory_space<vmem>>, vector<1x16xf32>,
        %get3A_618 = vector.shape_cast %get3A_617 : vector<1x16xf32> to vector<16xf32>
        %swap3A_619 = arith.index_cast %add3A_608 : i32 to index
        %swap3A_620 = arith.constant 48 : index
        %swap3A_621 = tpu.vector_load %arg10[%swap3A_619, %swap3A_620] {strides = array<i32>} : memref<100x128xf32, #tpu.memory_space<vmem>>, vector<1x16xf32>,
        %swap3A_622 = vector.shape_cast %swap3A_621 : vector<1x16xf32> to vector<16xf32>
        %swap3A_623 = vector.shape_cast %get3A_618 : vector<16xf32> to vector<1x16xf32>
        tpu.vector_store %arg10[%swap3A_619, %swap3A_620], %swap3A_623 {add = true, strides = array<i32>} : memref<100x128xf32, #tpu.memory_space<vmem>>, vector<1x16xf32>,
        %mul3A_624 = arith.constant 4 : i32
        %mul3A_625 = arith.muli %mul3A_624, %scan3A_397 : i32
        %add3A_626 = arith.constant 3 : i32
        %add3A_627 = arith.addi %mul3A_625, %add3A_626 : i32
        %mul3A_628 = arith.constant 4 : i32
        %mul3A_629 = arith.muli %mul3A_628, %scan3A_397 : i32
        %add3A_630 = arith.constant 0 : i32
        %add3A_631 = arith.addi %add3A_630, %mul3A_629 : i32
        %add3A_632 = arith.constant 3 : i32
        %add3A_633 = arith.addi %add3A_631, %add3A_632 : i32
        %get3A_634 = arith.index_cast %add3A_633 : i32 to index
        %get3A_635 = arith.constant 0 : index
        %get3A_636 = tpu.vector_load %arg7[%get3A_634, %get3A_635] {strides = array<i32>} : memref<200x64xf32, #tpu.memory_space<vmem>>, vector<1x16xf32>,
        %get3A_637 = vector.shape_cast %get3A_636 : vector<1x16xf32> to vector<16xf32>
        %swap3A_638 = arith.index_cast %add3A_627 : i32 to index
        %swap3A_639 = arith.constant 0 : index
        %swap3A_640 = tpu.vector_load %arg10[%swap3A_638, %swap3A_639] {strides = array<i32>} : memref<100x128xf32, #tpu.memory_space<vmem>>, vector<1x16xf32>,
        %swap3A_641 = vector.shape_cast %swap3A_640 : vector<1x16xf32> to vector<16xf32>
        %swap3A_642 = vector.shape_cast %get3A_637 : vector<16xf32> to vector<1x16xf32>
        tpu.vector_store %arg10[%swap3A_638, %swap3A_639], %swap3A_642 {add = true, strides = array<i32>} : memref<100x128xf32, #tpu.memory_space<vmem>>, vector<1x16xf32>,
        %mul3A_643 = arith.constant 4 : i32
        %mul3A_644 = arith.muli %mul3A_643, %scan3A_397 : i32
        %add3A_645 = arith.constant 3 : i32
        %add3A_646 = arith.addi %mul3A_644, %add3A_645 : i32
        %mul3A_647 = arith.constant 4 : i32
        %mul3A_648 = arith.muli %mul3A_647, %scan3A_397 : i32
        %add3A_649 = arith.constant 0 : i32
        %add3A_650 = arith.addi %add3A_649, %mul3A_648 : i32
        %add3A_651 = arith.constant 3 : i32
        %add3A_652 = arith.addi %add3A_650, %add3A_651 : i32
        %get3A_653 = arith.index_cast %add3A_652 : i32 to index
        %get3A_654 = arith.constant 16 : index
        %get3A_655 = tpu.vector_load %arg7[%get3A_653, %get3A_654] {strides = array<i32>} : memref<200x64xf32, #tpu.memory_space<vmem>>, vector<1x16xf32>,
        %get3A_656 = vector.shape_cast %get3A_655 : vector<1x16xf32> to vector<16xf32>
        %swap3A_657 = arith.index_cast %add3A_646 : i32 to index
        %swap3A_658 = arith.constant 16 : index
        %swap3A_659 = tpu.vector_load %arg10[%swap3A_657, %swap3A_658] {strides = array<i32>} : memref<100x128xf32, #tpu.memory_space<vmem>>, vector<1x16xf32>,
        %swap3A_660 = vector.shape_cast %swap3A_659 : vector<1x16xf32> to vector<16xf32>
        %swap3A_661 = vector.shape_cast %get3A_656 : vector<16xf32> to vector<1x16xf32>
        tpu.vector_store %arg10[%swap3A_657, %swap3A_658], %swap3A_661 {add = true, strides = array<i32>} : memref<100x128xf32, #tpu.memory_space<vmem>>, vector<1x16xf32>,
        %mul3A_662 = arith.constant 4 : i32
        %mul3A_663 = arith.muli %mul3A_662, %scan3A_397 : i32
        %add3A_664 = arith.constant 3 : i32
        %add3A_665 = arith.addi %mul3A_663, %add3A_664 : i32
        %mul3A_666 = arith.constant 4 : i32
        %mul3A_667 = arith.muli %mul3A_666, %scan3A_397 : i32
        %add3A_668 = arith.constant 0 : i32
        %add3A_669 = arith.addi %add3A_668, %mul3A_667 : i32
        %add3A_670 = arith.constant 3 : i32
        %add3A_671 = arith.addi %add3A_669, %add3A_670 : i32
        %get3A_672 = arith.index_cast %add3A_671 : i32 to index
        %get3A_673 = arith.constant 32 : index
        %get3A_674 = tpu.vector_load %arg7[%get3A_672, %get3A_673] {strides = array<i32>} : memref<200x64xf32, #tpu.memory_space<vmem>>, vector<1x16xf32>,
        %get3A_675 = vector.shape_cast %get3A_674 : vector<1x16xf32> to vector<16xf32>
        %swap3A_676 = arith.index_cast %add3A_665 : i32 to index
        %swap3A_677 = arith.constant 32 : index
        %swap3A_678 = tpu.vector_load %arg10[%swap3A_676, %swap3A_677] {strides = array<i32>} : memref<100x128xf32, #tpu.memory_space<vmem>>, vector<1x16xf32>,
        %swap3A_679 = vector.shape_cast %swap3A_678 : vector<1x16xf32> to vector<16xf32>
        %swap3A_680 = vector.shape_cast %get3A_675 : vector<16xf32> to vector<1x16xf32>
        tpu.vector_store %arg10[%swap3A_676, %swap3A_677], %swap3A_680 {add = true, strides = array<i32>} : memref<100x128xf32, #tpu.memory_space<vmem>>, vector<1x16xf32>,
        %mul3A_681 = arith.constant 4 : i32
        %mul3A_682 = arith.muli %mul3A_681, %scan3A_397 : i32
        %add3A_683 = arith.constant 3 : i32
        %add3A_684 = arith.addi %mul3A_682, %add3A_683 : i32
        %mul3A_685 = arith.constant 4 : i32
        %mul3A_686 = arith.muli %mul3A_685, %scan3A_397 : i32
        %add3A_687 = arith.constant 0 : i32
        %add3A_688 = arith.addi %add3A_687, %mul3A_686 : i32
        %add3A_689 = arith.constant 3 : i32
        %add3A_690 = arith.addi %add3A_688, %add3A_689 : i32
        %get3A_691 = arith.index_cast %add3A_690 : i32 to index
        %get3A_692 = arith.constant 48 : index
        %get3A_693 = tpu.vector_load %arg7[%get3A_691, %get3A_692] {strides = array<i32>} : memref<200x64xf32, #tpu.memory_space<vmem>>, vector<1x16xf32>,
        %get3A_694 = vector.shape_cast %get3A_693 : vector<1x16xf32> to vector<16xf32>
        %swap3A_695 = arith.index_cast %add3A_684 : i32 to index
        %swap3A_696 = arith.constant 48 : index
        %swap3A_697 = tpu.vector_load %arg10[%swap3A_695, %swap3A_696] {strides = array<i32>} : memref<100x128xf32, #tpu.memory_space<vmem>>, vector<1x16xf32>,
        %swap3A_698 = vector.shape_cast %swap3A_697 : vector<1x16xf32> to vector<16xf32>
        %swap3A_699 = vector.shape_cast %get3A_694 : vector<16xf32> to vector<1x16xf32>
        tpu.vector_store %arg10[%swap3A_695, %swap3A_696], %swap3A_699 {add = true, strides = array<i32>} : memref<100x128xf32, #tpu.memory_space<vmem>>, vector<1x16xf32>,
      }
      %scan3A_354 = arith.constant 25 : i32
      %mul3A_355 = arith.constant 100 : i32
      %mul3A_356 = arith.muli %add3A_328, %mul3A_355 : i32
      %add3A_357 = arith.addi %mul3A_2, %mul3A_356 : i32
      %dma_start3A_358 = arith.constant 0 : i32
      %dma_start3A_359 = tpu.memref_slice %arg5[%add3A_357, %dma_start3A_358] : memref<819200x128xf32, #tpu.memory_space<hbm>> -> memref<100x128xf32, #tpu.memory_space<hbm>>
      %dma_start3A_360 = arith.constant 0 : i32
      %dma_start3A_361 = tpu.memref_slice %arg5[%add3A_357, %dma_start3A_360] : memref<819200x128xf32, #tpu.memory_space<hbm>> -> memref<100x128xf32, #tpu.memory_space<hbm>>
      tpu.enqueue_dma source(%arg10 : memref<100x128xf32, #tpu.memory_space<vmem>>) target(%dma_start3A_361 : memref<100x128xf32, #tpu.memory_space<hbm>>) target_semaphore(%arg18 : memref<!tpu.dma_semaphore, #tpu.memory_space<semaphore_mem>>)
      %add3A_362 = arith.constant 3 : i32
      %add3A_363 = arith.addi %mul3A_256, %add3A_362 : i32
      %dma_wait3A_364 = arith.constant 0 : i32
      %dma_wait3A_365 = arith.constant 0 : i32
      %dma_wait3A_366 = tpu.memref_slice %arg3[%dma_wait3A_364, %dma_wait3A_365] : memref<1000000x128xf32, #tpu.memory_space<hbm>> -> memref<100x128xf32, #tpu.memory_space<hbm>>
      %dma_wait3A_367 = arith.constant 0 : i32
      %dma_wait3A_368 = arith.constant 0 : i32
      %dma_wait3A_369 = tpu.memref_slice %arg3[%dma_wait3A_367, %dma_wait3A_368] : memref<1000000x128xf32, #tpu.memory_space<hbm>> -> memref<100x128xf32, #tpu.memory_space<hbm>>
      tpu.wait_dma2 semaphore(%arg15 : memref<!tpu.dma_semaphore, #tpu.memory_space<semaphore_mem>>) src(%dma_wait3A_369 : memref<100x128xf32, #tpu.memory_space<hbm>>) dst(%arg11 : memref<100x128xf32, #tpu.memory_space<vmem>>)
      %dma_wait3A_370 = arith.constant 0 : i32
      %dma_wait3A_371 = arith.constant 0 : i32
      %dma_wait3A_372 = tpu.memref_slice %arg5[%dma_wait3A_370, %dma_wait3A_371] : memref<819200x128xf32, #tpu.memory_space<hbm>> -> memref<100x128xf32, #tpu.memory_space<hbm>>
      %dma_wait3A_373 = arith.constant 0 : i32
      %dma_wait3A_374 = arith.constant 0 : i32
      %dma_wait3A_375 = tpu.memref_slice %arg5[%dma_wait3A_373, %dma_wait3A_374] : memref<819200x128xf32, #tpu.memory_space<hbm>> -> memref<100x128xf32, #tpu.memory_space<hbm>>
      tpu.wait_dma2 semaphore(%arg17 : memref<!tpu.dma_semaphore, #tpu.memory_space<semaphore_mem>>) src(%arg9 : memref<100x128xf32, #tpu.memory_space<vmem>>) dst(%dma_wait3A_375 : memref<100x128xf32, #tpu.memory_space<hbm>>)
      %add3A_376 = arith.constant 2 : i32
      %add3A_377 = arith.addi %add3A_363, %add3A_376 : i32
      %dma_start3A_378 = arith.constant 0 : i32
      %dma_start3A_379 = tpu.memref_slice %arg6[%add3A_377, %dma_start3A_378] : memref<256x100xi32, #tpu.memory_space<vmem>> -> memref<1x100xi32, #tpu.memory_space<vmem>>
      %dma_start3A_380 = tpu.memref_squeeze %dma_start3A_379 : memref<1x100xi32, #tpu.memory_space<vmem>> -> memref<100xi32, #tpu.memory_space<vmem>>
      %dma_start3A_381 = arith.constant 0 : i32
      %dma_start3A_382 = arith.constant 0 : i32
      %dma_start3A_383 = tpu.memref_slice %arg3[%dma_start3A_381, %dma_start3A_382] : memref<1000000x128xf32, #tpu.memory_space<hbm>> -> memref<1000000x128xf32, #tpu.memory_space<hbm>>
      tpu.enqueue_indirect_dma source(%dma_start3A_383 : memref<1000000x128xf32, #tpu.memory_space<hbm>>) target(%arg9 : memref<100x128xf32, #tpu.memory_space<vmem>>) offsets(%dma_start3A_380 : memref<100xi32, #tpu.memory_space<vmem>>) semaphore(%arg13 : memref<!tpu.dma_semaphore, #tpu.memory_space<semaphore_mem>>)
      %scan3A_384 = arith.constant 0 : i32
      %scan3A_385 = arith.constant 0 : i32
      %scan3A_386 = arith.constant 25 : i32
      %scan3A_387 = arith.addi %scan3A_385, %scan3A_386 : i32
      %scan3A_388 = arith.constant 1 : i32
      scf.for %scan3A_397 = %scan3A_385 to %scan3A_387 step %scan3A_388  : i32 {
        %mul3A_398 = arith.constant 4 : i32
        %mul3A_399 = arith.muli %mul3A_398, %scan3A_397 : i32
        %add3A_400 = arith.constant 0 : i32
        %add3A_401 = arith.addi %mul3A_399, %add3A_400 : i32
        %mul3A_402 = arith.constant 4 : i32
        %mul3A_403 = arith.muli %mul3A_402, %scan3A_397 : i32
        %add3A_404 = arith.constant 100 : i32
        %add3A_405 = arith.addi %add3A_404, %mul3A_403 : i32
        %add3A_406 = arith.constant 0 : i32
        %add3A_407 = arith.addi %add3A_405, %add3A_406 : i32
        %get3A = arith.index_cast %add3A_407 : i32 to index
        %get3A_408 = arith.constant 0 : index
        %get3A_409 = tpu.vector_load %arg7[%get3A, %get3A_408] {strides = array<i32>} : memref<200x64xf32, #tpu.memory_space<vmem>>, vector<1x16xf32>,
        %get3A_410 = vector.shape_cast %get3A_409 : vector<1x16xf32> to vector<16xf32>
        %swap3A = arith.index_cast %add3A_401 : i32 to index
        %swap3A_411 = arith.constant 0 : index
        %swap3A_412 = tpu.vector_load %arg11[%swap3A, %swap3A_411] {strides = array<i32>} : memref<100x128xf32, #tpu.memory_space<vmem>>, vector<1x16xf32>,
        %swap3A_413 = vector.shape_cast %swap3A_412 : vector<1x16xf32> to vector<16xf32>
        %swap3A_414 = vector.shape_cast %get3A_410 : vector<16xf32> to vector<1x16xf32>
        tpu.vector_store %arg11[%swap3A, %swap3A_411], %swap3A_414 {add = true, strides = array<i32>} : memref<100x128xf32, #tpu.memory_space<vmem>>, vector<1x16xf32>,
        %mul3A_415 = arith.constant 4 : i32
        %mul3A_416 = arith.muli %mul3A_415, %scan3A_397 : i32
        %add3A_417 = arith.constant 0 : i32
        %add3A_418 = arith.addi %mul3A_416, %add3A_417 : i32
        %mul3A_419 = arith.constant 4 : i32
        %mul3A_420 = arith.muli %mul3A_419, %scan3A_397 : i32
        %add3A_421 = arith.constant 100 : i32
        %add3A_422 = arith.addi %add3A_421, %mul3A_420 : i32
        %add3A_423 = arith.constant 0 : i32
        %add3A_424 = arith.addi %add3A_422, %add3A_423 : i32
        %get3A_425 = arith.index_cast %add3A_424 : i32 to index
        %get3A_426 = arith.constant 16 : index
        %get3A_427 = tpu.vector_load %arg7[%get3A_425, %get3A_426] {strides = array<i32>} : memref<200x64xf32, #tpu.memory_space<vmem>>, vector<1x16xf32>,
        %get3A_428 = vector.shape_cast %get3A_427 : vector<1x16xf32> to vector<16xf32>
        %swap3A_429 = arith.index_cast %add3A_418 : i32 to index
        %swap3A_430 = arith.constant 16 : index
        %swap3A_431 = tpu.vector_load %arg11[%swap3A_429, %swap3A_430] {strides = array<i32>} : memref<100x128xf32, #tpu.memory_space<vmem>>, vector<1x16xf32>,
        %swap3A_432 = vector.shape_cast %swap3A_431 : vector<1x16xf32> to vector<16xf32>
        %swap3A_433 = vector.shape_cast %get3A_428 : vector<16xf32> to vector<1x16xf32>
        tpu.vector_store %arg11[%swap3A_429, %swap3A_430], %swap3A_433 {add = true, strides = array<i32>} : memref<100x128xf32, #tpu.memory_space<vmem>>, vector<1x16xf32>,
        %mul3A_434 = arith.constant 4 : i32
        %mul3A_435 = arith.muli %mul3A_434, %scan3A_397 : i32
        %add3A_436 = arith.constant 0 : i32
        %add3A_437 = arith.addi %mul3A_435, %add3A_436 : i32
        %mul3A_438 = arith.constant 4 : i32
        %mul3A_439 = arith.muli %mul3A_438, %scan3A_397 : i32
        %add3A_440 = arith.constant 100 : i32
        %add3A_441 = arith.addi %add3A_440, %mul3A_439 : i32
        %add3A_442 = arith.constant 0 : i32
        %add3A_443 = arith.addi %add3A_441, %add3A_442 : i32
        %get3A_444 = arith.index_cast %add3A_443 : i32 to index
        %get3A_445 = arith.constant 32 : index
        %get3A_446 = tpu.vector_load %arg7[%get3A_444, %get3A_445] {strides = array<i32>} : memref<200x64xf32, #tpu.memory_space<vmem>>, vector<1x16xf32>,
        %get3A_447 = vector.shape_cast %get3A_446 : vector<1x16xf32> to vector<16xf32>
        %swap3A_448 = arith.index_cast %add3A_437 : i32 to index
        %swap3A_449 = arith.constant 32 : index
        %swap3A_450 = tpu.vector_load %arg11[%swap3A_448, %swap3A_449] {strides = array<i32>} : memref<100x128xf32, #tpu.memory_space<vmem>>, vector<1x16xf32>,
        %swap3A_451 = vector.shape_cast %swap3A_450 : vector<1x16xf32> to vector<16xf32>
        %swap3A_452 = vector.shape_cast %get3A_447 : vector<16xf32> to vector<1x16xf32>
        tpu.vector_store %arg11[%swap3A_448, %swap3A_449], %swap3A_452 {add = true, strides = array<i32>} : memref<100x128xf32, #tpu.memory_space<vmem>>, vector<1x16xf32>,
        %mul3A_453 = arith.constant 4 : i32
        %mul3A_454 = arith.muli %mul3A_453, %scan3A_397 : i32
        %add3A_455 = arith.constant 0 : i32
        %add3A_456 = arith.addi %mul3A_454, %add3A_455 : i32
        %mul3A_457 = arith.constant 4 : i32
        %mul3A_458 = arith.muli %mul3A_457, %scan3A_397 : i32
        %add3A_459 = arith.constant 100 : i32
        %add3A_460 = arith.addi %add3A_459, %mul3A_458 : i32
        %add3A_461 = arith.constant 0 : i32
        %add3A_462 = arith.addi %add3A_460, %add3A_461 : i32
        %get3A_463 = arith.index_cast %add3A_462 : i32 to index
        %get3A_464 = arith.constant 48 : index
        %get3A_465 = tpu.vector_load %arg7[%get3A_463, %get3A_464] {strides = array<i32>} : memref<200x64xf32, #tpu.memory_space<vmem>>, vector<1x16xf32>,
        %get3A_466 = vector.shape_cast %get3A_465 : vector<1x16xf32> to vector<16xf32>
        %swap3A_467 = arith.index_cast %add3A_456 : i32 to index
        %swap3A_468 = arith.constant 48 : index
        %swap3A_469 = tpu.vector_load %arg11[%swap3A_467, %swap3A_468] {strides = array<i32>} : memref<100x128xf32, #tpu.memory_space<vmem>>, vector<1x16xf32>,
        %swap3A_470 = vector.shape_cast %swap3A_469 : vector<1x16xf32> to vector<16xf32>
        %swap3A_471 = vector.shape_cast %get3A_466 : vector<16xf32> to vector<1x16xf32>
        tpu.vector_store %arg11[%swap3A_467, %swap3A_468], %swap3A_471 {add = true, strides = array<i32>} : memref<100x128xf32, #tpu.memory_space<vmem>>, vector<1x16xf32>,
        %mul3A_472 = arith.constant 4 : i32
        %mul3A_473 = arith.muli %mul3A_472, %scan3A_397 : i32
        %add3A_474 = arith.constant 1 : i32
        %add3A_475 = arith.addi %mul3A_473, %add3A_474 : i32
        %mul3A_476 = arith.constant 4 : i32
        %mul3A_477 = arith.muli %mul3A_476, %scan3A_397 : i32
        %add3A_478 = arith.constant 100 : i32
        %add3A_479 = arith.addi %add3A_478, %mul3A_477 : i32
        %add3A_480 = arith.constant 1 : i32
        %add3A_481 = arith.addi %add3A_479, %add3A_480 : i32
        %get3A_482 = arith.index_cast %add3A_481 : i32 to index
        %get3A_483 = arith.constant 0 : index
        %get3A_484 = tpu.vector_load %arg7[%get3A_482, %get3A_483] {strides = array<i32>} : memref<200x64xf32, #tpu.memory_space<vmem>>, vector<1x16xf32>,
        %get3A_485 = vector.shape_cast %get3A_484 : vector<1x16xf32> to vector<16xf32>
        %swap3A_486 = arith.index_cast %add3A_475 : i32 to index
        %swap3A_487 = arith.constant 0 : index
        %swap3A_488 = tpu.vector_load %arg11[%swap3A_486, %swap3A_487] {strides = array<i32>} : memref<100x128xf32, #tpu.memory_space<vmem>>, vector<1x16xf32>,
        %swap3A_489 = vector.shape_cast %swap3A_488 : vector<1x16xf32> to vector<16xf32>
        %swap3A_490 = vector.shape_cast %get3A_485 : vector<16xf32> to vector<1x16xf32>
        tpu.vector_store %arg11[%swap3A_486, %swap3A_487], %swap3A_490 {add = true, strides = array<i32>} : memref<100x128xf32, #tpu.memory_space<vmem>>, vector<1x16xf32>,
        %mul3A_491 = arith.constant 4 : i32
        %mul3A_492 = arith.muli %mul3A_491, %scan3A_397 : i32
        %add3A_493 = arith.constant 1 : i32
        %add3A_494 = arith.addi %mul3A_492, %add3A_493 : i32
        %mul3A_495 = arith.constant 4 : i32
        %mul3A_496 = arith.muli %mul3A_495, %scan3A_397 : i32
        %add3A_497 = arith.constant 100 : i32
        %add3A_498 = arith.addi %add3A_497, %mul3A_496 : i32
        %add3A_499 = arith.constant 1 : i32
        %add3A_500 = arith.addi %add3A_498, %add3A_499 : i32
        %get3A_501 = arith.index_cast %add3A_500 : i32 to index
        %get3A_502 = arith.constant 16 : index
        %get3A_503 = tpu.vector_load %arg7[%get3A_501, %get3A_502] {strides = array<i32>} : memref<200x64xf32, #tpu.memory_space<vmem>>, vector<1x16xf32>,
        %get3A_504 = vector.shape_cast %get3A_503 : vector<1x16xf32> to vector<16xf32>
        %swap3A_505 = arith.index_cast %add3A_494 : i32 to index
        %swap3A_506 = arith.constant 16 : index
        %swap3A_507 = tpu.vector_load %arg11[%swap3A_505, %swap3A_506] {strides = array<i32>} : memref<100x128xf32, #tpu.memory_space<vmem>>, vector<1x16xf32>,
        %swap3A_508 = vector.shape_cast %swap3A_507 : vector<1x16xf32> to vector<16xf32>
        %swap3A_509 = vector.shape_cast %get3A_504 : vector<16xf32> to vector<1x16xf32>
        tpu.vector_store %arg11[%swap3A_505, %swap3A_506], %swap3A_509 {add = true, strides = array<i32>} : memref<100x128xf32, #tpu.memory_space<vmem>>, vector<1x16xf32>,
        %mul3A_510 = arith.constant 4 : i32
        %mul3A_511 = arith.muli %mul3A_510, %scan3A_397 : i32
        %add3A_512 = arith.constant 1 : i32
        %add3A_513 = arith.addi %mul3A_511, %add3A_512 : i32
        %mul3A_514 = arith.constant 4 : i32
        %mul3A_515 = arith.muli %mul3A_514, %scan3A_397 : i32
        %add3A_516 = arith.constant 100 : i32
        %add3A_517 = arith.addi %add3A_516, %mul3A_515 : i32
        %add3A_518 = arith.constant 1 : i32
        %add3A_519 = arith.addi %add3A_517, %add3A_518 : i32
        %get3A_520 = arith.index_cast %add3A_519 : i32 to index
        %get3A_521 = arith.constant 32 : index
        %get3A_522 = tpu.vector_load %arg7[%get3A_520, %get3A_521] {strides = array<i32>} : memref<200x64xf32, #tpu.memory_space<vmem>>, vector<1x16xf32>,
        %get3A_523 = vector.shape_cast %get3A_522 : vector<1x16xf32> to vector<16xf32>
        %swap3A_524 = arith.index_cast %add3A_513 : i32 to index
        %swap3A_525 = arith.constant 32 : index
        %swap3A_526 = tpu.vector_load %arg11[%swap3A_524, %swap3A_525] {strides = array<i32>} : memref<100x128xf32, #tpu.memory_space<vmem>>, vector<1x16xf32>,
        %swap3A_527 = vector.shape_cast %swap3A_526 : vector<1x16xf32> to vector<16xf32>
        %swap3A_528 = vector.shape_cast %get3A_523 : vector<16xf32> to vector<1x16xf32>
        tpu.vector_store %arg11[%swap3A_524, %swap3A_525], %swap3A_528 {add = true, strides = array<i32>} : memref<100x128xf32, #tpu.memory_space<vmem>>, vector<1x16xf32>,
        %mul3A_529 = arith.constant 4 : i32
        %mul3A_530 = arith.muli %mul3A_529, %scan3A_397 : i32
        %add3A_531 = arith.constant 1 : i32
        %add3A_532 = arith.addi %mul3A_530, %add3A_531 : i32
        %mul3A_533 = arith.constant 4 : i32
        %mul3A_534 = arith.muli %mul3A_533, %scan3A_397 : i32
        %add3A_535 = arith.constant 100 : i32
        %add3A_536 = arith.addi %add3A_535, %mul3A_534 : i32
        %add3A_537 = arith.constant 1 : i32
        %add3A_538 = arith.addi %add3A_536, %add3A_537 : i32
        %get3A_539 = arith.index_cast %add3A_538 : i32 to index
        %get3A_540 = arith.constant 48 : index
        %get3A_541 = tpu.vector_load %arg7[%get3A_539, %get3A_540] {strides = array<i32>} : memref<200x64xf32, #tpu.memory_space<vmem>>, vector<1x16xf32>,
        %get3A_542 = vector.shape_cast %get3A_541 : vector<1x16xf32> to vector<16xf32>
        %swap3A_543 = arith.index_cast %add3A_532 : i32 to index
        %swap3A_544 = arith.constant 48 : index
        %swap3A_545 = tpu.vector_load %arg11[%swap3A_543, %swap3A_544] {strides = array<i32>} : memref<100x128xf32, #tpu.memory_space<vmem>>, vector<1x16xf32>,
        %swap3A_546 = vector.shape_cast %swap3A_545 : vector<1x16xf32> to vector<16xf32>
        %swap3A_547 = vector.shape_cast %get3A_542 : vector<16xf32> to vector<1x16xf32>
        tpu.vector_store %arg11[%swap3A_543, %swap3A_544], %swap3A_547 {add = true, strides = array<i32>} : memref<100x128xf32, #tpu.memory_space<vmem>>, vector<1x16xf32>,
        %mul3A_548 = arith.constant 4 : i32
        %mul3A_549 = arith.muli %mul3A_548, %scan3A_397 : i32
        %add3A_550 = arith.constant 2 : i32
        %add3A_551 = arith.addi %mul3A_549, %add3A_550 : i32
        %mul3A_552 = arith.constant 4 : i32
        %mul3A_553 = arith.muli %mul3A_552, %scan3A_397 : i32
        %add3A_554 = arith.constant 100 : i32
        %add3A_555 = arith.addi %add3A_554, %mul3A_553 : i32
        %add3A_556 = arith.constant 2 : i32
        %add3A_557 = arith.addi %add3A_555, %add3A_556 : i32
        %get3A_558 = arith.index_cast %add3A_557 : i32 to index
        %get3A_559 = arith.constant 0 : index
        %get3A_560 = tpu.vector_load %arg7[%get3A_558, %get3A_559] {strides = array<i32>} : memref<200x64xf32, #tpu.memory_space<vmem>>, vector<1x16xf32>,
        %get3A_561 = vector.shape_cast %get3A_560 : vector<1x16xf32> to vector<16xf32>
        %swap3A_562 = arith.index_cast %add3A_551 : i32 to index
        %swap3A_563 = arith.constant 0 : index
        %swap3A_564 = tpu.vector_load %arg11[%swap3A_562, %swap3A_563] {strides = array<i32>} : memref<100x128xf32, #tpu.memory_space<vmem>>, vector<1x16xf32>,
        %swap3A_565 = vector.shape_cast %swap3A_564 : vector<1x16xf32> to vector<16xf32>
        %swap3A_566 = vector.shape_cast %get3A_561 : vector<16xf32> to vector<1x16xf32>
        tpu.vector_store %arg11[%swap3A_562, %swap3A_563], %swap3A_566 {add = true, strides = array<i32>} : memref<100x128xf32, #tpu.memory_space<vmem>>, vector<1x16xf32>,
        %mul3A_567 = arith.constant 4 : i32
        %mul3A_568 = arith.muli %mul3A_567, %scan3A_397 : i32
        %add3A_569 = arith.constant 2 : i32
        %add3A_570 = arith.addi %mul3A_568, %add3A_569 : i32
        %mul3A_571 = arith.constant 4 : i32
        %mul3A_572 = arith.muli %mul3A_571, %scan3A_397 : i32
        %add3A_573 = arith.constant 100 : i32
        %add3A_574 = arith.addi %add3A_573, %mul3A_572 : i32
        %add3A_575 = arith.constant 2 : i32
        %add3A_576 = arith.addi %add3A_574, %add3A_575 : i32
        %get3A_577 = arith.index_cast %add3A_576 : i32 to index
        %get3A_578 = arith.constant 16 : index
        %get3A_579 = tpu.vector_load %arg7[%get3A_577, %get3A_578] {strides = array<i32>} : memref<200x64xf32, #tpu.memory_space<vmem>>, vector<1x16xf32>,
        %get3A_580 = vector.shape_cast %get3A_579 : vector<1x16xf32> to vector<16xf32>
        %swap3A_581 = arith.index_cast %add3A_570 : i32 to index
        %swap3A_582 = arith.constant 16 : index
        %swap3A_583 = tpu.vector_load %arg11[%swap3A_581, %swap3A_582] {strides = array<i32>} : memref<100x128xf32, #tpu.memory_space<vmem>>, vector<1x16xf32>,
        %swap3A_584 = vector.shape_cast %swap3A_583 : vector<1x16xf32> to vector<16xf32>
        %swap3A_585 = vector.shape_cast %get3A_580 : vector<16xf32> to vector<1x16xf32>
        tpu.vector_store %arg11[%swap3A_581, %swap3A_582], %swap3A_585 {add = true, strides = array<i32>} : memref<100x128xf32, #tpu.memory_space<vmem>>, vector<1x16xf32>,
        %mul3A_586 = arith.constant 4 : i32
        %mul3A_587 = arith.muli %mul3A_586, %scan3A_397 : i32
        %add3A_588 = arith.constant 2 : i32
        %add3A_589 = arith.addi %mul3A_587, %add3A_588 : i32
        %mul3A_590 = arith.constant 4 : i32
        %mul3A_591 = arith.muli %mul3A_590, %scan3A_397 : i32
        %add3A_592 = arith.constant 100 : i32
        %add3A_593 = arith.addi %add3A_592, %mul3A_591 : i32
        %add3A_594 = arith.constant 2 : i32
        %add3A_595 = arith.addi %add3A_593, %add3A_594 : i32
        %get3A_596 = arith.index_cast %add3A_595 : i32 to index
        %get3A_597 = arith.constant 32 : index
        %get3A_598 = tpu.vector_load %arg7[%get3A_596, %get3A_597] {strides = array<i32>} : memref<200x64xf32, #tpu.memory_space<vmem>>, vector<1x16xf32>,
        %get3A_599 = vector.shape_cast %get3A_598 : vector<1x16xf32> to vector<16xf32>
        %swap3A_600 = arith.index_cast %add3A_589 : i32 to index
        %swap3A_601 = arith.constant 32 : index
        %swap3A_602 = tpu.vector_load %arg11[%swap3A_600, %swap3A_601] {strides = array<i32>} : memref<100x128xf32, #tpu.memory_space<vmem>>, vector<1x16xf32>,
        %swap3A_603 = vector.shape_cast %swap3A_602 : vector<1x16xf32> to vector<16xf32>
        %swap3A_604 = vector.shape_cast %get3A_599 : vector<16xf32> to vector<1x16xf32>
        tpu.vector_store %arg11[%swap3A_600, %swap3A_601], %swap3A_604 {add = true, strides = array<i32>} : memref<100x128xf32, #tpu.memory_space<vmem>>, vector<1x16xf32>,
        %mul3A_605 = arith.constant 4 : i32
        %mul3A_606 = arith.muli %mul3A_605, %scan3A_397 : i32
        %add3A_607 = arith.constant 2 : i32
        %add3A_608 = arith.addi %mul3A_606, %add3A_607 : i32
        %mul3A_609 = arith.constant 4 : i32
        %mul3A_610 = arith.muli %mul3A_609, %scan3A_397 : i32
        %add3A_611 = arith.constant 100 : i32
        %add3A_612 = arith.addi %add3A_611, %mul3A_610 : i32
        %add3A_613 = arith.constant 2 : i32
        %add3A_614 = arith.addi %add3A_612, %add3A_613 : i32
        %get3A_615 = arith.index_cast %add3A_614 : i32 to index
        %get3A_616 = arith.constant 48 : index
        %get3A_617 = tpu.vector_load %arg7[%get3A_615, %get3A_616] {strides = array<i32>} : memref<200x64xf32, #tpu.memory_space<vmem>>, vector<1x16xf32>,
        %get3A_618 = vector.shape_cast %get3A_617 : vector<1x16xf32> to vector<16xf32>
        %swap3A_619 = arith.index_cast %add3A_608 : i32 to index
        %swap3A_620 = arith.constant 48 : index
        %swap3A_621 = tpu.vector_load %arg11[%swap3A_619, %swap3A_620] {strides = array<i32>} : memref<100x128xf32, #tpu.memory_space<vmem>>, vector<1x16xf32>,
        %swap3A_622 = vector.shape_cast %swap3A_621 : vector<1x16xf32> to vector<16xf32>
        %swap3A_623 = vector.shape_cast %get3A_618 : vector<16xf32> to vector<1x16xf32>
        tpu.vector_store %arg11[%swap3A_619, %swap3A_620], %swap3A_623 {add = true, strides = array<i32>} : memref<100x128xf32, #tpu.memory_space<vmem>>, vector<1x16xf32>,
        %mul3A_624 = arith.constant 4 : i32
        %mul3A_625 = arith.muli %mul3A_624, %scan3A_397 : i32
        %add3A_626 = arith.constant 3 : i32
        %add3A_627 = arith.addi %mul3A_625, %add3A_626 : i32
        %mul3A_628 = arith.constant 4 : i32
        %mul3A_629 = arith.muli %mul3A_628, %scan3A_397 : i32
        %add3A_630 = arith.constant 100 : i32
        %add3A_631 = arith.addi %add3A_630, %mul3A_629 : i32
        %add3A_632 = arith.constant 3 : i32
        %add3A_633 = arith.addi %add3A_631, %add3A_632 : i32
        %get3A_634 = arith.index_cast %add3A_633 : i32 to index
        %get3A_635 = arith.constant 0 : index
        %get3A_636 = tpu.vector_load %arg7[%get3A_634, %get3A_635] {strides = array<i32>} : memref<200x64xf32, #tpu.memory_space<vmem>>, vector<1x16xf32>,
        %get3A_637 = vector.shape_cast %get3A_636 : vector<1x16xf32> to vector<16xf32>
        %swap3A_638 = arith.index_cast %add3A_627 : i32 to index
        %swap3A_639 = arith.constant 0 : index
        %swap3A_640 = tpu.vector_load %arg11[%swap3A_638, %swap3A_639] {strides = array<i32>} : memref<100x128xf32, #tpu.memory_space<vmem>>, vector<1x16xf32>,
        %swap3A_641 = vector.shape_cast %swap3A_640 : vector<1x16xf32> to vector<16xf32>
        %swap3A_642 = vector.shape_cast %get3A_637 : vector<16xf32> to vector<1x16xf32>
        tpu.vector_store %arg11[%swap3A_638, %swap3A_639], %swap3A_642 {add = true, strides = array<i32>} : memref<100x128xf32, #tpu.memory_space<vmem>>, vector<1x16xf32>,
        %mul3A_643 = arith.constant 4 : i32
        %mul3A_644 = arith.muli %mul3A_643, %scan3A_397 : i32
        %add3A_645 = arith.constant 3 : i32
        %add3A_646 = arith.addi %mul3A_644, %add3A_645 : i32
        %mul3A_647 = arith.constant 4 : i32
        %mul3A_648 = arith.muli %mul3A_647, %scan3A_397 : i32
        %add3A_649 = arith.constant 100 : i32
        %add3A_650 = arith.addi %add3A_649, %mul3A_648 : i32
        %add3A_651 = arith.constant 3 : i32
        %add3A_652 = arith.addi %add3A_650, %add3A_651 : i32
        %get3A_653 = arith.index_cast %add3A_652 : i32 to index
        %get3A_654 = arith.constant 16 : index
        %get3A_655 = tpu.vector_load %arg7[%get3A_653, %get3A_654] {strides = array<i32>} : memref<200x64xf32, #tpu.memory_space<vmem>>, vector<1x16xf32>,
        %get3A_656 = vector.shape_cast %get3A_655 : vector<1x16xf32> to vector<16xf32>
        %swap3A_657 = arith.index_cast %add3A_646 : i32 to index
        %swap3A_658 = arith.constant 16 : index
        %swap3A_659 = tpu.vector_load %arg11[%swap3A_657, %swap3A_658] {strides = array<i32>} : memref<100x128xf32, #tpu.memory_space<vmem>>, vector<1x16xf32>,
        %swap3A_660 = vector.shape_cast %swap3A_659 : vector<1x16xf32> to vector<16xf32>
        %swap3A_661 = vector.shape_cast %get3A_656 : vector<16xf32> to vector<1x16xf32>
        tpu.vector_store %arg11[%swap3A_657, %swap3A_658], %swap3A_661 {add = true, strides = array<i32>} : memref<100x128xf32, #tpu.memory_space<vmem>>, vector<1x16xf32>,
        %mul3A_662 = arith.constant 4 : i32
        %mul3A_663 = arith.muli %mul3A_662, %scan3A_397 : i32
        %add3A_664 = arith.constant 3 : i32
        %add3A_665 = arith.addi %mul3A_663, %add3A_664 : i32
        %mul3A_666 = arith.constant 4 : i32
        %mul3A_667 = arith.muli %mul3A_666, %scan3A_397 : i32
        %add3A_668 = arith.constant 100 : i32
        %add3A_669 = arith.addi %add3A_668, %mul3A_667 : i32
        %add3A_670 = arith.constant 3 : i32
        %add3A_671 = arith.addi %add3A_669, %add3A_670 : i32
        %get3A_672 = arith.index_cast %add3A_671 : i32 to index
        %get3A_673 = arith.constant 32 : index
        %get3A_674 = tpu.vector_load %arg7[%get3A_672, %get3A_673] {strides = array<i32>} : memref<200x64xf32, #tpu.memory_space<vmem>>, vector<1x16xf32>,
        %get3A_675 = vector.shape_cast %get3A_674 : vector<1x16xf32> to vector<16xf32>
        %swap3A_676 = arith.index_cast %add3A_665 : i32 to index
        %swap3A_677 = arith.constant 32 : index
        %swap3A_678 = tpu.vector_load %arg11[%swap3A_676, %swap3A_677] {strides = array<i32>} : memref<100x128xf32, #tpu.memory_space<vmem>>, vector<1x16xf32>,
        %swap3A_679 = vector.shape_cast %swap3A_678 : vector<1x16xf32> to vector<16xf32>
        %swap3A_680 = vector.shape_cast %get3A_675 : vector<16xf32> to vector<1x16xf32>
        tpu.vector_store %arg11[%swap3A_676, %swap3A_677], %swap3A_680 {add = true, strides = array<i32>} : memref<100x128xf32, #tpu.memory_space<vmem>>, vector<1x16xf32>,
        %mul3A_681 = arith.constant 4 : i32
        %mul3A_682 = arith.muli %mul3A_681, %scan3A_397 : i32
        %add3A_683 = arith.constant 3 : i32
        %add3A_684 = arith.addi %mul3A_682, %add3A_683 : i32
        %mul3A_685 = arith.constant 4 : i32
        %mul3A_686 = arith.muli %mul3A_685, %scan3A_397 : i32
        %add3A_687 = arith.constant 100 : i32
        %add3A_688 = arith.addi %add3A_687, %mul3A_686 : i32
        %add3A_689 = arith.constant 3 : i32
        %add3A_690 = arith.addi %add3A_688, %add3A_689 : i32
        %get3A_691 = arith.index_cast %add3A_690 : i32 to index
        %get3A_692 = arith.constant 48 : index
        %get3A_693 = tpu.vector_load %arg7[%get3A_691, %get3A_692] {strides = array<i32>} : memref<200x64xf32, #tpu.memory_space<vmem>>, vector<1x16xf32>,
        %get3A_694 = vector.shape_cast %get3A_693 : vector<1x16xf32> to vector<16xf32>
        %swap3A_695 = arith.index_cast %add3A_684 : i32 to index
        %swap3A_696 = arith.constant 48 : index
        %swap3A_697 = tpu.vector_load %arg11[%swap3A_695, %swap3A_696] {strides = array<i32>} : memref<100x128xf32, #tpu.memory_space<vmem>>, vector<1x16xf32>,
        %swap3A_698 = vector.shape_cast %swap3A_697 : vector<1x16xf32> to vector<16xf32>
        %swap3A_699 = vector.shape_cast %get3A_694 : vector<16xf32> to vector<1x16xf32>
        tpu.vector_store %arg11[%swap3A_695, %swap3A_696], %swap3A_699 {add = true, strides = array<i32>} : memref<100x128xf32, #tpu.memory_space<vmem>>, vector<1x16xf32>,
      }
      %scan3A_389 = arith.constant 25 : i32
      %mul3A_390 = arith.constant 100 : i32
      %mul3A_391 = arith.muli %add3A_363, %mul3A_390 : i32
      %add3A_392 = arith.addi %mul3A_2, %mul3A_391 : i32
      %dma_start3A_393 = arith.constant 0 : i32
      %dma_start3A_394 = tpu.memref_slice %arg5[%add3A_392, %dma_start3A_393] : memref<819200x128xf32, #tpu.memory_space<hbm>> -> memref<100x128xf32, #tpu.memory_space<hbm>>
      %dma_start3A_395 = arith.constant 0 : i32
      %dma_start3A_396 = tpu.memref_slice %arg5[%add3A_392, %dma_start3A_395] : memref<819200x128xf32, #tpu.memory_space<hbm>> -> memref<100x128xf32, #tpu.memory_space<hbm>>
      tpu.enqueue_dma source(%arg11 : memref<100x128xf32, #tpu.memory_space<vmem>>) target(%dma_start3A_396 : memref<100x128xf32, #tpu.memory_space<hbm>>) target_semaphore(%arg19 : memref<!tpu.dma_semaphore, #tpu.memory_space<semaphore_mem>>)
    }
    %scan3A_131 = arith.constant 62 : i32
    %dma_wait3A_132 = arith.constant 0 : i32
    %dma_wait3A_133 = arith.constant 0 : i32
    %dma_wait3A_134 = tpu.memref_slice %arg3[%dma_wait3A_132, %dma_wait3A_133] : memref<1000000x128xf32, #tpu.memory_space<hbm>> -> memref<100x128xf32, #tpu.memory_space<hbm>>
    %dma_wait3A_135 = arith.constant 0 : i32
    %dma_wait3A_136 = arith.constant 0 : i32
    %dma_wait3A_137 = tpu.memref_slice %arg3[%dma_wait3A_135, %dma_wait3A_136] : memref<1000000x128xf32, #tpu.memory_space<hbm>> -> memref<100x128xf32, #tpu.memory_space<hbm>>
    tpu.wait_dma2 semaphore(%arg12 : memref<!tpu.dma_semaphore, #tpu.memory_space<semaphore_mem>>) src(%dma_wait3A_137 : memref<100x128xf32, #tpu.memory_space<hbm>>) dst(%arg8 : memref<100x128xf32, #tpu.memory_space<vmem>>)
    %dma_wait3A_138 = arith.constant 0 : i32
    %dma_wait3A_139 = arith.constant 0 : i32
    %dma_wait3A_140 = tpu.memref_slice %arg5[%dma_wait3A_138, %dma_wait3A_139] : memref<819200x128xf32, #tpu.memory_space<hbm>> -> memref<100x128xf32, #tpu.memory_space<hbm>>
    %dma_wait3A_141 = arith.constant 0 : i32
    %dma_wait3A_142 = arith.constant 0 : i32
    %dma_wait3A_143 = tpu.memref_slice %arg5[%dma_wait3A_141, %dma_wait3A_142] : memref<819200x128xf32, #tpu.memory_space<hbm>> -> memref<100x128xf32, #tpu.memory_space<hbm>>
    tpu.wait_dma2 semaphore(%arg18 : memref<!tpu.dma_semaphore, #tpu.memory_space<semaphore_mem>>) src(%arg10 : memref<100x128xf32, #tpu.memory_space<vmem>>) dst(%dma_wait3A_143 : memref<100x128xf32, #tpu.memory_space<hbm>>)
    %dma_start3A_144 = arith.constant 254 : i32
    %dma_start3A_145 = arith.constant 0 : i32
    %dma_start3A_146 = tpu.memref_slice %arg6[%dma_start3A_144, %dma_start3A_145] : memref<256x100xi32, #tpu.memory_space<vmem>> -> memref<1x100xi32, #tpu.memory_space<vmem>>
    %dma_start3A_147 = tpu.memref_squeeze %dma_start3A_146 : memref<1x100xi32, #tpu.memory_space<vmem>> -> memref<100xi32, #tpu.memory_space<vmem>>
    %dma_start3A_148 = arith.constant 0 : i32
    %dma_start3A_149 = arith.constant 0 : i32
    %dma_start3A_150 = tpu.memref_slice %arg3[%dma_start3A_148, %dma_start3A_149] : memref<1000000x128xf32, #tpu.memory_space<hbm>> -> memref<1000000x128xf32, #tpu.memory_space<hbm>>
    tpu.enqueue_indirect_dma source(%dma_start3A_150 : memref<1000000x128xf32, #tpu.memory_space<hbm>>) target(%arg10 : memref<100x128xf32, #tpu.memory_space<vmem>>) offsets(%dma_start3A_147 : memref<100xi32, #tpu.memory_space<vmem>>) semaphore(%arg14 : memref<!tpu.dma_semaphore, #tpu.memory_space<semaphore_mem>>)
    %scan3A_151 = arith.constant 0 : i32
    %scan3A_152 = arith.constant 0 : i32
    %scan3A_153 = arith.constant 25 : i32
    %scan3A_154 = arith.addi %scan3A_152, %scan3A_153 : i32
    %scan3A_155 = arith.constant 1 : i32
    scf.for %scan3A_254 = %scan3A_152 to %scan3A_154 step %scan3A_155  : i32 {
      %mul3A_255 = arith.constant 4 : i32
      %mul3A_256 = arith.muli %mul3A_255, %scan3A_254 : i32
      %add3A_257 = arith.constant 0 : i32
      %add3A_258 = arith.addi %mul3A_256, %add3A_257 : i32
      %mul3A_259 = arith.constant 4 : i32
      %mul3A_260 = arith.muli %mul3A_259, %scan3A_254 : i32
      %add3A_261 = arith.constant 0 : i32
      %add3A_262 = arith.addi %add3A_261, %mul3A_260 : i32
      %add3A_263 = arith.constant 0 : i32
      %add3A_264 = arith.addi %add3A_262, %add3A_263 : i32
      %get3A = arith.index_cast %add3A_264 : i32 to index
      %get3A_265 = arith.constant 0 : index
      %get3A_266 = tpu.vector_load %arg7[%get3A, %get3A_265] {strides = array<i32>} : memref<200x64xf32, #tpu.memory_space<vmem>>, vector<1x16xf32>,
      %get3A_267 = vector.shape_cast %get3A_266 : vector<1x16xf32> to vector<16xf32>
      %swap3A = arith.index_cast %add3A_258 : i32 to index
      %swap3A_268 = arith.constant 0 : index
      %swap3A_269 = tpu.vector_load %arg8[%swap3A, %swap3A_268] {strides = array<i32>} : memref<100x128xf32, #tpu.memory_space<vmem>>, vector<1x16xf32>,
      %swap3A_270 = vector.shape_cast %swap3A_269 : vector<1x16xf32> to vector<16xf32>
      %swap3A_271 = vector.shape_cast %get3A_267 : vector<16xf32> to vector<1x16xf32>
      tpu.vector_store %arg8[%swap3A, %swap3A_268], %swap3A_271 {add = true, strides = array<i32>} : memref<100x128xf32, #tpu.memory_space<vmem>>, vector<1x16xf32>,
      %mul3A_272 = arith.constant 4 : i32
      %mul3A_273 = arith.muli %mul3A_272, %scan3A_254 : i32
      %add3A_274 = arith.constant 0 : i32
      %add3A_275 = arith.addi %mul3A_273, %add3A_274 : i32
      %mul3A_276 = arith.constant 4 : i32
      %mul3A_277 = arith.muli %mul3A_276, %scan3A_254 : i32
      %add3A_278 = arith.constant 0 : i32
      %add3A_279 = arith.addi %add3A_278, %mul3A_277 : i32
      %add3A_280 = arith.constant 0 : i32
      %add3A_281 = arith.addi %add3A_279, %add3A_280 : i32
      %get3A_282 = arith.index_cast %add3A_281 : i32 to index
      %get3A_283 = arith.constant 16 : index
      %get3A_284 = tpu.vector_load %arg7[%get3A_282, %get3A_283] {strides = array<i32>} : memref<200x64xf32, #tpu.memory_space<vmem>>, vector<1x16xf32>,
      %get3A_285 = vector.shape_cast %get3A_284 : vector<1x16xf32> to vector<16xf32>
      %swap3A_286 = arith.index_cast %add3A_275 : i32 to index
      %swap3A_287 = arith.constant 16 : index
      %swap3A_288 = tpu.vector_load %arg8[%swap3A_286, %swap3A_287] {strides = array<i32>} : memref<100x128xf32, #tpu.memory_space<vmem>>, vector<1x16xf32>,
      %swap3A_289 = vector.shape_cast %swap3A_288 : vector<1x16xf32> to vector<16xf32>
      %swap3A_290 = vector.shape_cast %get3A_285 : vector<16xf32> to vector<1x16xf32>
      tpu.vector_store %arg8[%swap3A_286, %swap3A_287], %swap3A_290 {add = true, strides = array<i32>} : memref<100x128xf32, #tpu.memory_space<vmem>>, vector<1x16xf32>,
      %mul3A_291 = arith.constant 4 : i32
      %mul3A_292 = arith.muli %mul3A_291, %scan3A_254 : i32
      %add3A_293 = arith.constant 0 : i32
      %add3A_294 = arith.addi %mul3A_292, %add3A_293 : i32
      %mul3A_295 = arith.constant 4 : i32
      %mul3A_296 = arith.muli %mul3A_295, %scan3A_254 : i32
      %add3A_297 = arith.constant 0 : i32
      %add3A_298 = arith.addi %add3A_297, %mul3A_296 : i32
      %add3A_299 = arith.constant 0 : i32
      %add3A_300 = arith.addi %add3A_298, %add3A_299 : i32
      %get3A_301 = arith.index_cast %add3A_300 : i32 to index
      %get3A_302 = arith.constant 32 : index
      %get3A_303 = tpu.vector_load %arg7[%get3A_301, %get3A_302] {strides = array<i32>} : memref<200x64xf32, #tpu.memory_space<vmem>>, vector<1x16xf32>,
      %get3A_304 = vector.shape_cast %get3A_303 : vector<1x16xf32> to vector<16xf32>
      %swap3A_305 = arith.index_cast %add3A_294 : i32 to index
      %swap3A_306 = arith.constant 32 : index
      %swap3A_307 = tpu.vector_load %arg8[%swap3A_305, %swap3A_306] {strides = array<i32>} : memref<100x128xf32, #tpu.memory_space<vmem>>, vector<1x16xf32>,
      %swap3A_308 = vector.shape_cast %swap3A_307 : vector<1x16xf32> to vector<16xf32>
      %swap3A_309 = vector.shape_cast %get3A_304 : vector<16xf32> to vector<1x16xf32>
      tpu.vector_store %arg8[%swap3A_305, %swap3A_306], %swap3A_309 {add = true, strides = array<i32>} : memref<100x128xf32, #tpu.memory_space<vmem>>, vector<1x16xf32>,
      %mul3A_310 = arith.constant 4 : i32
      %mul3A_311 = arith.muli %mul3A_310, %scan3A_254 : i32
      %add3A_312 = arith.constant 0 : i32
      %add3A_313 = arith.addi %mul3A_311, %add3A_312 : i32
      %mul3A_314 = arith.constant 4 : i32
      %mul3A_315 = arith.muli %mul3A_314, %scan3A_254 : i32
      %add3A_316 = arith.constant 0 : i32
      %add3A_317 = arith.addi %add3A_316, %mul3A_315 : i32
      %add3A_318 = arith.constant 0 : i32
      %add3A_319 = arith.addi %add3A_317, %add3A_318 : i32
      %get3A_320 = arith.index_cast %add3A_319 : i32 to index
      %get3A_321 = arith.constant 48 : index
      %get3A_322 = tpu.vector_load %arg7[%get3A_320, %get3A_321] {strides = array<i32>} : memref<200x64xf32, #tpu.memory_space<vmem>>, vector<1x16xf32>,
      %get3A_323 = vector.shape_cast %get3A_322 : vector<1x16xf32> to vector<16xf32>
      %swap3A_324 = arith.index_cast %add3A_313 : i32 to index
      %swap3A_325 = arith.constant 48 : index
      %swap3A_326 = tpu.vector_load %arg8[%swap3A_324, %swap3A_325] {strides = array<i32>} : memref<100x128xf32, #tpu.memory_space<vmem>>, vector<1x16xf32>,
      %swap3A_327 = vector.shape_cast %swap3A_326 : vector<1x16xf32> to vector<16xf32>
      %swap3A_328 = vector.shape_cast %get3A_323 : vector<16xf32> to vector<1x16xf32>
      tpu.vector_store %arg8[%swap3A_324, %swap3A_325], %swap3A_328 {add = true, strides = array<i32>} : memref<100x128xf32, #tpu.memory_space<vmem>>, vector<1x16xf32>,
      %mul3A_329 = arith.constant 4 : i32
      %mul3A_330 = arith.muli %mul3A_329, %scan3A_254 : i32
      %add3A_331 = arith.constant 1 : i32
      %add3A_332 = arith.addi %mul3A_330, %add3A_331 : i32
      %mul3A_333 = arith.constant 4 : i32
      %mul3A_334 = arith.muli %mul3A_333, %scan3A_254 : i32
      %add3A_335 = arith.constant 0 : i32
      %add3A_336 = arith.addi %add3A_335, %mul3A_334 : i32
      %add3A_337 = arith.constant 1 : i32
      %add3A_338 = arith.addi %add3A_336, %add3A_337 : i32
      %get3A_339 = arith.index_cast %add3A_338 : i32 to index
      %get3A_340 = arith.constant 0 : index
      %get3A_341 = tpu.vector_load %arg7[%get3A_339, %get3A_340] {strides = array<i32>} : memref<200x64xf32, #tpu.memory_space<vmem>>, vector<1x16xf32>,
      %get3A_342 = vector.shape_cast %get3A_341 : vector<1x16xf32> to vector<16xf32>
      %swap3A_343 = arith.index_cast %add3A_332 : i32 to index
      %swap3A_344 = arith.constant 0 : index
      %swap3A_345 = tpu.vector_load %arg8[%swap3A_343, %swap3A_344] {strides = array<i32>} : memref<100x128xf32, #tpu.memory_space<vmem>>, vector<1x16xf32>,
      %swap3A_346 = vector.shape_cast %swap3A_345 : vector<1x16xf32> to vector<16xf32>
      %swap3A_347 = vector.shape_cast %get3A_342 : vector<16xf32> to vector<1x16xf32>
      tpu.vector_store %arg8[%swap3A_343, %swap3A_344], %swap3A_347 {add = true, strides = array<i32>} : memref<100x128xf32, #tpu.memory_space<vmem>>, vector<1x16xf32>,
      %mul3A_348 = arith.constant 4 : i32
      %mul3A_349 = arith.muli %mul3A_348, %scan3A_254 : i32
      %add3A_350 = arith.constant 1 : i32
      %add3A_351 = arith.addi %mul3A_349, %add3A_350 : i32
      %mul3A_352 = arith.constant 4 : i32
      %mul3A_353 = arith.muli %mul3A_352, %scan3A_254 : i32
      %add3A_354 = arith.constant 0 : i32
      %add3A_355 = arith.addi %add3A_354, %mul3A_353 : i32
      %add3A_356 = arith.constant 1 : i32
      %add3A_357 = arith.addi %add3A_355, %add3A_356 : i32
      %get3A_358 = arith.index_cast %add3A_357 : i32 to index
      %get3A_359 = arith.constant 16 : index
      %get3A_360 = tpu.vector_load %arg7[%get3A_358, %get3A_359] {strides = array<i32>} : memref<200x64xf32, #tpu.memory_space<vmem>>, vector<1x16xf32>,
      %get3A_361 = vector.shape_cast %get3A_360 : vector<1x16xf32> to vector<16xf32>
      %swap3A_362 = arith.index_cast %add3A_351 : i32 to index
      %swap3A_363 = arith.constant 16 : index
      %swap3A_364 = tpu.vector_load %arg8[%swap3A_362, %swap3A_363] {strides = array<i32>} : memref<100x128xf32, #tpu.memory_space<vmem>>, vector<1x16xf32>,
      %swap3A_365 = vector.shape_cast %swap3A_364 : vector<1x16xf32> to vector<16xf32>
      %swap3A_366 = vector.shape_cast %get3A_361 : vector<16xf32> to vector<1x16xf32>
      tpu.vector_store %arg8[%swap3A_362, %swap3A_363], %swap3A_366 {add = true, strides = array<i32>} : memref<100x128xf32, #tpu.memory_space<vmem>>, vector<1x16xf32>,
      %mul3A_367 = arith.constant 4 : i32
      %mul3A_368 = arith.muli %mul3A_367, %scan3A_254 : i32
      %add3A_369 = arith.constant 1 : i32
      %add3A_370 = arith.addi %mul3A_368, %add3A_369 : i32
      %mul3A_371 = arith.constant 4 : i32
      %mul3A_372 = arith.muli %mul3A_371, %scan3A_254 : i32
      %add3A_373 = arith.constant 0 : i32
      %add3A_374 = arith.addi %add3A_373, %mul3A_372 : i32
      %add3A_375 = arith.constant 1 : i32
      %add3A_376 = arith.addi %add3A_374, %add3A_375 : i32
      %get3A_377 = arith.index_cast %add3A_376 : i32 to index
      %get3A_378 = arith.constant 32 : index
      %get3A_379 = tpu.vector_load %arg7[%get3A_377, %get3A_378] {strides = array<i32>} : memref<200x64xf32, #tpu.memory_space<vmem>>, vector<1x16xf32>,
      %get3A_380 = vector.shape_cast %get3A_379 : vector<1x16xf32> to vector<16xf32>
      %swap3A_381 = arith.index_cast %add3A_370 : i32 to index
      %swap3A_382 = arith.constant 32 : index
      %swap3A_383 = tpu.vector_load %arg8[%swap3A_381, %swap3A_382] {strides = array<i32>} : memref<100x128xf32, #tpu.memory_space<vmem>>, vector<1x16xf32>,
      %swap3A_384 = vector.shape_cast %swap3A_383 : vector<1x16xf32> to vector<16xf32>
      %swap3A_385 = vector.shape_cast %get3A_380 : vector<16xf32> to vector<1x16xf32>
      tpu.vector_store %arg8[%swap3A_381, %swap3A_382], %swap3A_385 {add = true, strides = array<i32>} : memref<100x128xf32, #tpu.memory_space<vmem>>, vector<1x16xf32>,
      %mul3A_386 = arith.constant 4 : i32
      %mul3A_387 = arith.muli %mul3A_386, %scan3A_254 : i32
      %add3A_388 = arith.constant 1 : i32
      %add3A_389 = arith.addi %mul3A_387, %add3A_388 : i32
      %mul3A_390 = arith.constant 4 : i32
      %mul3A_391 = arith.muli %mul3A_390, %scan3A_254 : i32
      %add3A_392 = arith.constant 0 : i32
      %add3A_393 = arith.addi %add3A_392, %mul3A_391 : i32
      %add3A_394 = arith.constant 1 : i32
      %add3A_395 = arith.addi %add3A_393, %add3A_394 : i32
      %get3A_396 = arith.index_cast %add3A_395 : i32 to index
      %get3A_397 = arith.constant 48 : index
      %get3A_398 = tpu.vector_load %arg7[%get3A_396, %get3A_397] {strides = array<i32>} : memref<200x64xf32, #tpu.memory_space<vmem>>, vector<1x16xf32>,
      %get3A_399 = vector.shape_cast %get3A_398 : vector<1x16xf32> to vector<16xf32>
      %swap3A_400 = arith.index_cast %add3A_389 : i32 to index
      %swap3A_401 = arith.constant 48 : index
      %swap3A_402 = tpu.vector_load %arg8[%swap3A_400, %swap3A_401] {strides = array<i32>} : memref<100x128xf32, #tpu.memory_space<vmem>>, vector<1x16xf32>,
      %swap3A_403 = vector.shape_cast %swap3A_402 : vector<1x16xf32> to vector<16xf32>
      %swap3A_404 = vector.shape_cast %get3A_399 : vector<16xf32> to vector<1x16xf32>
      tpu.vector_store %arg8[%swap3A_400, %swap3A_401], %swap3A_404 {add = true, strides = array<i32>} : memref<100x128xf32, #tpu.memory_space<vmem>>, vector<1x16xf32>,
      %mul3A_405 = arith.constant 4 : i32
      %mul3A_406 = arith.muli %mul3A_405, %scan3A_254 : i32
      %add3A_407 = arith.constant 2 : i32
      %add3A_408 = arith.addi %mul3A_406, %add3A_407 : i32
      %mul3A_409 = arith.constant 4 : i32
      %mul3A_410 = arith.muli %mul3A_409, %scan3A_254 : i32
      %add3A_411 = arith.constant 0 : i32
      %add3A_412 = arith.addi %add3A_411, %mul3A_410 : i32
      %add3A_413 = arith.constant 2 : i32
      %add3A_414 = arith.addi %add3A_412, %add3A_413 : i32
      %get3A_415 = arith.index_cast %add3A_414 : i32 to index
      %get3A_416 = arith.constant 0 : index
      %get3A_417 = tpu.vector_load %arg7[%get3A_415, %get3A_416] {strides = array<i32>} : memref<200x64xf32, #tpu.memory_space<vmem>>, vector<1x16xf32>,
      %get3A_418 = vector.shape_cast %get3A_417 : vector<1x16xf32> to vector<16xf32>
      %swap3A_419 = arith.index_cast %add3A_408 : i32 to index
      %swap3A_420 = arith.constant 0 : index
      %swap3A_421 = tpu.vector_load %arg8[%swap3A_419, %swap3A_420] {strides = array<i32>} : memref<100x128xf32, #tpu.memory_space<vmem>>, vector<1x16xf32>,
      %swap3A_422 = vector.shape_cast %swap3A_421 : vector<1x16xf32> to vector<16xf32>
      %swap3A_423 = vector.shape_cast %get3A_418 : vector<16xf32> to vector<1x16xf32>
      tpu.vector_store %arg8[%swap3A_419, %swap3A_420], %swap3A_423 {add = true, strides = array<i32>} : memref<100x128xf32, #tpu.memory_space<vmem>>, vector<1x16xf32>,
      %mul3A_424 = arith.constant 4 : i32
      %mul3A_425 = arith.muli %mul3A_424, %scan3A_254 : i32
      %add3A_426 = arith.constant 2 : i32
      %add3A_427 = arith.addi %mul3A_425, %add3A_426 : i32
      %mul3A_428 = arith.constant 4 : i32
      %mul3A_429 = arith.muli %mul3A_428, %scan3A_254 : i32
      %add3A_430 = arith.constant 0 : i32
      %add3A_431 = arith.addi %add3A_430, %mul3A_429 : i32
      %add3A_432 = arith.constant 2 : i32
      %add3A_433 = arith.addi %add3A_431, %add3A_432 : i32
      %get3A_434 = arith.index_cast %add3A_433 : i32 to index
      %get3A_435 = arith.constant 16 : index
      %get3A_436 = tpu.vector_load %arg7[%get3A_434, %get3A_435] {strides = array<i32>} : memref<200x64xf32, #tpu.memory_space<vmem>>, vector<1x16xf32>,
      %get3A_437 = vector.shape_cast %get3A_436 : vector<1x16xf32> to vector<16xf32>
      %swap3A_438 = arith.index_cast %add3A_427 : i32 to index
      %swap3A_439 = arith.constant 16 : index
      %swap3A_440 = tpu.vector_load %arg8[%swap3A_438, %swap3A_439] {strides = array<i32>} : memref<100x128xf32, #tpu.memory_space<vmem>>, vector<1x16xf32>,
      %swap3A_441 = vector.shape_cast %swap3A_440 : vector<1x16xf32> to vector<16xf32>
      %swap3A_442 = vector.shape_cast %get3A_437 : vector<16xf32> to vector<1x16xf32>
      tpu.vector_store %arg8[%swap3A_438, %swap3A_439], %swap3A_442 {add = true, strides = array<i32>} : memref<100x128xf32, #tpu.memory_space<vmem>>, vector<1x16xf32>,
      %mul3A_443 = arith.constant 4 : i32
      %mul3A_444 = arith.muli %mul3A_443, %scan3A_254 : i32
      %add3A_445 = arith.constant 2 : i32
      %add3A_446 = arith.addi %mul3A_444, %add3A_445 : i32
      %mul3A_447 = arith.constant 4 : i32
      %mul3A_448 = arith.muli %mul3A_447, %scan3A_254 : i32
      %add3A_449 = arith.constant 0 : i32
      %add3A_450 = arith.addi %add3A_449, %mul3A_448 : i32
      %add3A_451 = arith.constant 2 : i32
      %add3A_452 = arith.addi %add3A_450, %add3A_451 : i32
      %get3A_453 = arith.index_cast %add3A_452 : i32 to index
      %get3A_454 = arith.constant 32 : index
      %get3A_455 = tpu.vector_load %arg7[%get3A_453, %get3A_454] {strides = array<i32>} : memref<200x64xf32, #tpu.memory_space<vmem>>, vector<1x16xf32>,
      %get3A_456 = vector.shape_cast %get3A_455 : vector<1x16xf32> to vector<16xf32>
      %swap3A_457 = arith.index_cast %add3A_446 : i32 to index
      %swap3A_458 = arith.constant 32 : index
      %swap3A_459 = tpu.vector_load %arg8[%swap3A_457, %swap3A_458] {strides = array<i32>} : memref<100x128xf32, #tpu.memory_space<vmem>>, vector<1x16xf32>,
      %swap3A_460 = vector.shape_cast %swap3A_459 : vector<1x16xf32> to vector<16xf32>
      %swap3A_461 = vector.shape_cast %get3A_456 : vector<16xf32> to vector<1x16xf32>
      tpu.vector_store %arg8[%swap3A_457, %swap3A_458], %swap3A_461 {add = true, strides = array<i32>} : memref<100x128xf32, #tpu.memory_space<vmem>>, vector<1x16xf32>,
      %mul3A_462 = arith.constant 4 : i32
      %mul3A_463 = arith.muli %mul3A_462, %scan3A_254 : i32
      %add3A_464 = arith.constant 2 : i32
      %add3A_465 = arith.addi %mul3A_463, %add3A_464 : i32
      %mul3A_466 = arith.constant 4 : i32
      %mul3A_467 = arith.muli %mul3A_466, %scan3A_254 : i32
      %add3A_468 = arith.constant 0 : i32
      %add3A_469 = arith.addi %add3A_468, %mul3A_467 : i32
      %add3A_470 = arith.constant 2 : i32
      %add3A_471 = arith.addi %add3A_469, %add3A_470 : i32
      %get3A_472 = arith.index_cast %add3A_471 : i32 to index
      %get3A_473 = arith.constant 48 : index
      %get3A_474 = tpu.vector_load %arg7[%get3A_472, %get3A_473] {strides = array<i32>} : memref<200x64xf32, #tpu.memory_space<vmem>>, vector<1x16xf32>,
      %get3A_475 = vector.shape_cast %get3A_474 : vector<1x16xf32> to vector<16xf32>
      %swap3A_476 = arith.index_cast %add3A_465 : i32 to index
      %swap3A_477 = arith.constant 48 : index
      %swap3A_478 = tpu.vector_load %arg8[%swap3A_476, %swap3A_477] {strides = array<i32>} : memref<100x128xf32, #tpu.memory_space<vmem>>, vector<1x16xf32>,
      %swap3A_479 = vector.shape_cast %swap3A_478 : vector<1x16xf32> to vector<16xf32>
      %swap3A_480 = vector.shape_cast %get3A_475 : vector<16xf32> to vector<1x16xf32>
      tpu.vector_store %arg8[%swap3A_476, %swap3A_477], %swap3A_480 {add = true, strides = array<i32>} : memref<100x128xf32, #tpu.memory_space<vmem>>, vector<1x16xf32>,
      %mul3A_481 = arith.constant 4 : i32
      %mul3A_482 = arith.muli %mul3A_481, %scan3A_254 : i32
      %add3A_483 = arith.constant 3 : i32
      %add3A_484 = arith.addi %mul3A_482, %add3A_483 : i32
      %mul3A_485 = arith.constant 4 : i32
      %mul3A_486 = arith.muli %mul3A_485, %scan3A_254 : i32
      %add3A_487 = arith.constant 0 : i32
      %add3A_488 = arith.addi %add3A_487, %mul3A_486 : i32
      %add3A_489 = arith.constant 3 : i32
      %add3A_490 = arith.addi %add3A_488, %add3A_489 : i32
      %get3A_491 = arith.index_cast %add3A_490 : i32 to index
      %get3A_492 = arith.constant 0 : index
      %get3A_493 = tpu.vector_load %arg7[%get3A_491, %get3A_492] {strides = array<i32>} : memref<200x64xf32, #tpu.memory_space<vmem>>, vector<1x16xf32>,
      %get3A_494 = vector.shape_cast %get3A_493 : vector<1x16xf32> to vector<16xf32>
      %swap3A_495 = arith.index_cast %add3A_484 : i32 to index
      %swap3A_496 = arith.constant 0 : index
      %swap3A_497 = tpu.vector_load %arg8[%swap3A_495, %swap3A_496] {strides = array<i32>} : memref<100x128xf32, #tpu.memory_space<vmem>>, vector<1x16xf32>,
      %swap3A_498 = vector.shape_cast %swap3A_497 : vector<1x16xf32> to vector<16xf32>
      %swap3A_499 = vector.shape_cast %get3A_494 : vector<16xf32> to vector<1x16xf32>
      tpu.vector_store %arg8[%swap3A_495, %swap3A_496], %swap3A_499 {add = true, strides = array<i32>} : memref<100x128xf32, #tpu.memory_space<vmem>>, vector<1x16xf32>,
      %mul3A_500 = arith.constant 4 : i32
      %mul3A_501 = arith.muli %mul3A_500, %scan3A_254 : i32
      %add3A_502 = arith.constant 3 : i32
      %add3A_503 = arith.addi %mul3A_501, %add3A_502 : i32
      %mul3A_504 = arith.constant 4 : i32
      %mul3A_505 = arith.muli %mul3A_504, %scan3A_254 : i32
      %add3A_506 = arith.constant 0 : i32
      %add3A_507 = arith.addi %add3A_506, %mul3A_505 : i32
      %add3A_508 = arith.constant 3 : i32
      %add3A_509 = arith.addi %add3A_507, %add3A_508 : i32
      %get3A_510 = arith.index_cast %add3A_509 : i32 to index
      %get3A_511 = arith.constant 16 : index
      %get3A_512 = tpu.vector_load %arg7[%get3A_510, %get3A_511] {strides = array<i32>} : memref<200x64xf32, #tpu.memory_space<vmem>>, vector<1x16xf32>,
      %get3A_513 = vector.shape_cast %get3A_512 : vector<1x16xf32> to vector<16xf32>
      %swap3A_514 = arith.index_cast %add3A_503 : i32 to index
      %swap3A_515 = arith.constant 16 : index
      %swap3A_516 = tpu.vector_load %arg8[%swap3A_514, %swap3A_515] {strides = array<i32>} : memref<100x128xf32, #tpu.memory_space<vmem>>, vector<1x16xf32>,
      %swap3A_517 = vector.shape_cast %swap3A_516 : vector<1x16xf32> to vector<16xf32>
      %swap3A_518 = vector.shape_cast %get3A_513 : vector<16xf32> to vector<1x16xf32>
      tpu.vector_store %arg8[%swap3A_514, %swap3A_515], %swap3A_518 {add = true, strides = array<i32>} : memref<100x128xf32, #tpu.memory_space<vmem>>, vector<1x16xf32>,
      %mul3A_519 = arith.constant 4 : i32
      %mul3A_520 = arith.muli %mul3A_519, %scan3A_254 : i32
      %add3A_521 = arith.constant 3 : i32
      %add3A_522 = arith.addi %mul3A_520, %add3A_521 : i32
      %mul3A_523 = arith.constant 4 : i32
      %mul3A_524 = arith.muli %mul3A_523, %scan3A_254 : i32
      %add3A_525 = arith.constant 0 : i32
      %add3A_526 = arith.addi %add3A_525, %mul3A_524 : i32
      %add3A_527 = arith.constant 3 : i32
      %add3A_528 = arith.addi %add3A_526, %add3A_527 : i32
      %get3A_529 = arith.index_cast %add3A_528 : i32 to index
      %get3A_530 = arith.constant 32 : index
      %get3A_531 = tpu.vector_load %arg7[%get3A_529, %get3A_530] {strides = array<i32>} : memref<200x64xf32, #tpu.memory_space<vmem>>, vector<1x16xf32>,
      %get3A_532 = vector.shape_cast %get3A_531 : vector<1x16xf32> to vector<16xf32>
      %swap3A_533 = arith.index_cast %add3A_522 : i32 to index
      %swap3A_534 = arith.constant 32 : index
      %swap3A_535 = tpu.vector_load %arg8[%swap3A_533, %swap3A_534] {strides = array<i32>} : memref<100x128xf32, #tpu.memory_space<vmem>>, vector<1x16xf32>,
      %swap3A_536 = vector.shape_cast %swap3A_535 : vector<1x16xf32> to vector<16xf32>
      %swap3A_537 = vector.shape_cast %get3A_532 : vector<16xf32> to vector<1x16xf32>
      tpu.vector_store %arg8[%swap3A_533, %swap3A_534], %swap3A_537 {add = true, strides = array<i32>} : memref<100x128xf32, #tpu.memory_space<vmem>>, vector<1x16xf32>,
      %mul3A_538 = arith.constant 4 : i32
      %mul3A_539 = arith.muli %mul3A_538, %scan3A_254 : i32
      %add3A_540 = arith.constant 3 : i32
      %add3A_541 = arith.addi %mul3A_539, %add3A_540 : i32
      %mul3A_542 = arith.constant 4 : i32
      %mul3A_543 = arith.muli %mul3A_542, %scan3A_254 : i32
      %add3A_544 = arith.constant 0 : i32
      %add3A_545 = arith.addi %add3A_544, %mul3A_543 : i32
      %add3A_546 = arith.constant 3 : i32
      %add3A_547 = arith.addi %add3A_545, %add3A_546 : i32
      %get3A_548 = arith.index_cast %add3A_547 : i32 to index
      %get3A_549 = arith.constant 48 : index
      %get3A_550 = tpu.vector_load %arg7[%get3A_548, %get3A_549] {strides = array<i32>} : memref<200x64xf32, #tpu.memory_space<vmem>>, vector<1x16xf32>,
      %get3A_551 = vector.shape_cast %get3A_550 : vector<1x16xf32> to vector<16xf32>
      %swap3A_552 = arith.index_cast %add3A_541 : i32 to index
      %swap3A_553 = arith.constant 48 : index
      %swap3A_554 = tpu.vector_load %arg8[%swap3A_552, %swap3A_553] {strides = array<i32>} : memref<100x128xf32, #tpu.memory_space<vmem>>, vector<1x16xf32>,
      %swap3A_555 = vector.shape_cast %swap3A_554 : vector<1x16xf32> to vector<16xf32>
      %swap3A_556 = vector.shape_cast %get3A_551 : vector<16xf32> to vector<1x16xf32>
      tpu.vector_store %arg8[%swap3A_552, %swap3A_553], %swap3A_556 {add = true, strides = array<i32>} : memref<100x128xf32, #tpu.memory_space<vmem>>, vector<1x16xf32>,
    }
    %scan3A_156 = arith.constant 25 : i32
    %add3A_157 = arith.constant 25200 : i32
    %add3A_158 = arith.addi %mul3A_2, %add3A_157 : i32
    %dma_start3A_159 = arith.constant 0 : i32
    %dma_start3A_160 = tpu.memref_slice %arg5[%add3A_158, %dma_start3A_159] : memref<819200x128xf32, #tpu.memory_space<hbm>> -> memref<100x128xf32, #tpu.memory_space<hbm>>
    %dma_start3A_161 = arith.constant 0 : i32
    %dma_start3A_162 = tpu.memref_slice %arg5[%add3A_158, %dma_start3A_161] : memref<819200x128xf32, #tpu.memory_space<hbm>> -> memref<100x128xf32, #tpu.memory_space<hbm>>
    tpu.enqueue_dma source(%arg8 : memref<100x128xf32, #tpu.memory_space<vmem>>) target(%dma_start3A_162 : memref<100x128xf32, #tpu.memory_space<hbm>>) target_semaphore(%arg16 : memref<!tpu.dma_semaphore, #tpu.memory_space<semaphore_mem>>)
    %dma_wait3A_163 = arith.constant 0 : i32
    %dma_wait3A_164 = arith.constant 0 : i32
    %dma_wait3A_165 = tpu.memref_slice %arg3[%dma_wait3A_163, %dma_wait3A_164] : memref<1000000x128xf32, #tpu.memory_space<hbm>> -> memref<100x128xf32, #tpu.memory_space<hbm>>
    %dma_wait3A_166 = arith.constant 0 : i32
    %dma_wait3A_167 = arith.constant 0 : i32
    %dma_wait3A_168 = tpu.memref_slice %arg3[%dma_wait3A_166, %dma_wait3A_167] : memref<1000000x128xf32, #tpu.memory_space<hbm>> -> memref<100x128xf32, #tpu.memory_space<hbm>>
    tpu.wait_dma2 semaphore(%arg13 : memref<!tpu.dma_semaphore, #tpu.memory_space<semaphore_mem>>) src(%dma_wait3A_168 : memref<100x128xf32, #tpu.memory_space<hbm>>) dst(%arg9 : memref<100x128xf32, #tpu.memory_space<vmem>>)
    %dma_wait3A_169 = arith.constant 0 : i32
    %dma_wait3A_170 = arith.constant 0 : i32
    %dma_wait3A_171 = tpu.memref_slice %arg5[%dma_wait3A_169, %dma_wait3A_170] : memref<819200x128xf32, #tpu.memory_space<hbm>> -> memref<100x128xf32, #tpu.memory_space<hbm>>
    %dma_wait3A_172 = arith.constant 0 : i32
    %dma_wait3A_173 = arith.constant 0 : i32
    %dma_wait3A_174 = tpu.memref_slice %arg5[%dma_wait3A_172, %dma_wait3A_173] : memref<819200x128xf32, #tpu.memory_space<hbm>> -> memref<100x128xf32, #tpu.memory_space<hbm>>
    tpu.wait_dma2 semaphore(%arg19 : memref<!tpu.dma_semaphore, #tpu.memory_space<semaphore_mem>>) src(%arg11 : memref<100x128xf32, #tpu.memory_space<vmem>>) dst(%dma_wait3A_174 : memref<100x128xf32, #tpu.memory_space<hbm>>)
    %dma_start3A_175 = arith.constant 255 : i32
    %dma_start3A_176 = arith.constant 0 : i32
    %dma_start3A_177 = tpu.memref_slice %arg6[%dma_start3A_175, %dma_start3A_176] : memref<256x100xi32, #tpu.memory_space<vmem>> -> memref<1x100xi32, #tpu.memory_space<vmem>>
    %dma_start3A_178 = tpu.memref_squeeze %dma_start3A_177 : memref<1x100xi32, #tpu.memory_space<vmem>> -> memref<100xi32, #tpu.memory_space<vmem>>
    %dma_start3A_179 = arith.constant 0 : i32
    %dma_start3A_180 = arith.constant 0 : i32
    %dma_start3A_181 = tpu.memref_slice %arg3[%dma_start3A_179, %dma_start3A_180] : memref<1000000x128xf32, #tpu.memory_space<hbm>> -> memref<1000000x128xf32, #tpu.memory_space<hbm>>
    tpu.enqueue_indirect_dma source(%dma_start3A_181 : memref<1000000x128xf32, #tpu.memory_space<hbm>>) target(%arg11 : memref<100x128xf32, #tpu.memory_space<vmem>>) offsets(%dma_start3A_178 : memref<100xi32, #tpu.memory_space<vmem>>) semaphore(%arg15 : memref<!tpu.dma_semaphore, #tpu.memory_space<semaphore_mem>>)
    %scan3A_182 = arith.constant 0 : i32
    %scan3A_183 = arith.constant 0 : i32
    %scan3A_184 = arith.constant 25 : i32
    %scan3A_185 = arith.addi %scan3A_183, %scan3A_184 : i32
    %scan3A_186 = arith.constant 1 : i32
    scf.for %scan3A_254 = %scan3A_183 to %scan3A_185 step %scan3A_186  : i32 {
      %mul3A_255 = arith.constant 4 : i32
      %mul3A_256 = arith.muli %mul3A_255, %scan3A_254 : i32
      %add3A_257 = arith.constant 0 : i32
      %add3A_258 = arith.addi %mul3A_256, %add3A_257 : i32
      %mul3A_259 = arith.constant 4 : i32
      %mul3A_260 = arith.muli %mul3A_259, %scan3A_254 : i32
      %add3A_261 = arith.constant 100 : i32
      %add3A_262 = arith.addi %add3A_261, %mul3A_260 : i32
      %add3A_263 = arith.constant 0 : i32
      %add3A_264 = arith.addi %add3A_262, %add3A_263 : i32
      %get3A = arith.index_cast %add3A_264 : i32 to index
      %get3A_265 = arith.constant 0 : index
      %get3A_266 = tpu.vector_load %arg7[%get3A, %get3A_265] {strides = array<i32>} : memref<200x64xf32, #tpu.memory_space<vmem>>, vector<1x16xf32>,
      %get3A_267 = vector.shape_cast %get3A_266 : vector<1x16xf32> to vector<16xf32>
      %swap3A = arith.index_cast %add3A_258 : i32 to index
      %swap3A_268 = arith.constant 0 : index
      %swap3A_269 = tpu.vector_load %arg9[%swap3A, %swap3A_268] {strides = array<i32>} : memref<100x128xf32, #tpu.memory_space<vmem>>, vector<1x16xf32>,
      %swap3A_270 = vector.shape_cast %swap3A_269 : vector<1x16xf32> to vector<16xf32>
      %swap3A_271 = vector.shape_cast %get3A_267 : vector<16xf32> to vector<1x16xf32>
      tpu.vector_store %arg9[%swap3A, %swap3A_268], %swap3A_271 {add = true, strides = array<i32>} : memref<100x128xf32, #tpu.memory_space<vmem>>, vector<1x16xf32>,
      %mul3A_272 = arith.constant 4 : i32
      %mul3A_273 = arith.muli %mul3A_272, %scan3A_254 : i32
      %add3A_274 = arith.constant 0 : i32
      %add3A_275 = arith.addi %mul3A_273, %add3A_274 : i32
      %mul3A_276 = arith.constant 4 : i32
      %mul3A_277 = arith.muli %mul3A_276, %scan3A_254 : i32
      %add3A_278 = arith.constant 100 : i32
      %add3A_279 = arith.addi %add3A_278, %mul3A_277 : i32
      %add3A_280 = arith.constant 0 : i32
      %add3A_281 = arith.addi %add3A_279, %add3A_280 : i32
      %get3A_282 = arith.index_cast %add3A_281 : i32 to index
      %get3A_283 = arith.constant 16 : index
      %get3A_284 = tpu.vector_load %arg7[%get3A_282, %get3A_283] {strides = array<i32>} : memref<200x64xf32, #tpu.memory_space<vmem>>, vector<1x16xf32>,
      %get3A_285 = vector.shape_cast %get3A_284 : vector<1x16xf32> to vector<16xf32>
      %swap3A_286 = arith.index_cast %add3A_275 : i32 to index
      %swap3A_287 = arith.constant 16 : index
      %swap3A_288 = tpu.vector_load %arg9[%swap3A_286, %swap3A_287] {strides = array<i32>} : memref<100x128xf32, #tpu.memory_space<vmem>>, vector<1x16xf32>,
      %swap3A_289 = vector.shape_cast %swap3A_288 : vector<1x16xf32> to vector<16xf32>
      %swap3A_290 = vector.shape_cast %get3A_285 : vector<16xf32> to vector<1x16xf32>
      tpu.vector_store %arg9[%swap3A_286, %swap3A_287], %swap3A_290 {add = true, strides = array<i32>} : memref<100x128xf32, #tpu.memory_space<vmem>>, vector<1x16xf32>,
      %mul3A_291 = arith.constant 4 : i32
      %mul3A_292 = arith.muli %mul3A_291, %scan3A_254 : i32
      %add3A_293 = arith.constant 0 : i32
      %add3A_294 = arith.addi %mul3A_292, %add3A_293 : i32
      %mul3A_295 = arith.constant 4 : i32
      %mul3A_296 = arith.muli %mul3A_295, %scan3A_254 : i32
      %add3A_297 = arith.constant 100 : i32
      %add3A_298 = arith.addi %add3A_297, %mul3A_296 : i32
      %add3A_299 = arith.constant 0 : i32
      %add3A_300 = arith.addi %add3A_298, %add3A_299 : i32
      %get3A_301 = arith.index_cast %add3A_300 : i32 to index
      %get3A_302 = arith.constant 32 : index
      %get3A_303 = tpu.vector_load %arg7[%get3A_301, %get3A_302] {strides = array<i32>} : memref<200x64xf32, #tpu.memory_space<vmem>>, vector<1x16xf32>,
      %get3A_304 = vector.shape_cast %get3A_303 : vector<1x16xf32> to vector<16xf32>
      %swap3A_305 = arith.index_cast %add3A_294 : i32 to index
      %swap3A_306 = arith.constant 32 : index
      %swap3A_307 = tpu.vector_load %arg9[%swap3A_305, %swap3A_306] {strides = array<i32>} : memref<100x128xf32, #tpu.memory_space<vmem>>, vector<1x16xf32>,
      %swap3A_308 = vector.shape_cast %swap3A_307 : vector<1x16xf32> to vector<16xf32>
      %swap3A_309 = vector.shape_cast %get3A_304 : vector<16xf32> to vector<1x16xf32>
      tpu.vector_store %arg9[%swap3A_305, %swap3A_306], %swap3A_309 {add = true, strides = array<i32>} : memref<100x128xf32, #tpu.memory_space<vmem>>, vector<1x16xf32>,
      %mul3A_310 = arith.constant 4 : i32
      %mul3A_311 = arith.muli %mul3A_310, %scan3A_254 : i32
      %add3A_312 = arith.constant 0 : i32
      %add3A_313 = arith.addi %mul3A_311, %add3A_312 : i32
      %mul3A_314 = arith.constant 4 : i32
      %mul3A_315 = arith.muli %mul3A_314, %scan3A_254 : i32
      %add3A_316 = arith.constant 100 : i32
      %add3A_317 = arith.addi %add3A_316, %mul3A_315 : i32
      %add3A_318 = arith.constant 0 : i32
      %add3A_319 = arith.addi %add3A_317, %add3A_318 : i32
      %get3A_320 = arith.index_cast %add3A_319 : i32 to index
      %get3A_321 = arith.constant 48 : index
      %get3A_322 = tpu.vector_load %arg7[%get3A_320, %get3A_321] {strides = array<i32>} : memref<200x64xf32, #tpu.memory_space<vmem>>, vector<1x16xf32>,
      %get3A_323 = vector.shape_cast %get3A_322 : vector<1x16xf32> to vector<16xf32>
      %swap3A_324 = arith.index_cast %add3A_313 : i32 to index
      %swap3A_325 = arith.constant 48 : index
      %swap3A_326 = tpu.vector_load %arg9[%swap3A_324, %swap3A_325] {strides = array<i32>} : memref<100x128xf32, #tpu.memory_space<vmem>>, vector<1x16xf32>,
      %swap3A_327 = vector.shape_cast %swap3A_326 : vector<1x16xf32> to vector<16xf32>
      %swap3A_328 = vector.shape_cast %get3A_323 : vector<16xf32> to vector<1x16xf32>
      tpu.vector_store %arg9[%swap3A_324, %swap3A_325], %swap3A_328 {add = true, strides = array<i32>} : memref<100x128xf32, #tpu.memory_space<vmem>>, vector<1x16xf32>,
      %mul3A_329 = arith.constant 4 : i32
      %mul3A_330 = arith.muli %mul3A_329, %scan3A_254 : i32
      %add3A_331 = arith.constant 1 : i32
      %add3A_332 = arith.addi %mul3A_330, %add3A_331 : i32
      %mul3A_333 = arith.constant 4 : i32
      %mul3A_334 = arith.muli %mul3A_333, %scan3A_254 : i32
      %add3A_335 = arith.constant 100 : i32
      %add3A_336 = arith.addi %add3A_335, %mul3A_334 : i32
      %add3A_337 = arith.constant 1 : i32
      %add3A_338 = arith.addi %add3A_336, %add3A_337 : i32
      %get3A_339 = arith.index_cast %add3A_338 : i32 to index
      %get3A_340 = arith.constant 0 : index
      %get3A_341 = tpu.vector_load %arg7[%get3A_339, %get3A_340] {strides = array<i32>} : memref<200x64xf32, #tpu.memory_space<vmem>>, vector<1x16xf32>,
      %get3A_342 = vector.shape_cast %get3A_341 : vector<1x16xf32> to vector<16xf32>
      %swap3A_343 = arith.index_cast %add3A_332 : i32 to index
      %swap3A_344 = arith.constant 0 : index
      %swap3A_345 = tpu.vector_load %arg9[%swap3A_343, %swap3A_344] {strides = array<i32>} : memref<100x128xf32, #tpu.memory_space<vmem>>, vector<1x16xf32>,
      %swap3A_346 = vector.shape_cast %swap3A_345 : vector<1x16xf32> to vector<16xf32>
      %swap3A_347 = vector.shape_cast %get3A_342 : vector<16xf32> to vector<1x16xf32>
      tpu.vector_store %arg9[%swap3A_343, %swap3A_344], %swap3A_347 {add = true, strides = array<i32>} : memref<100x128xf32, #tpu.memory_space<vmem>>, vector<1x16xf32>,
      %mul3A_348 = arith.constant 4 : i32
      %mul3A_349 = arith.muli %mul3A_348, %scan3A_254 : i32
      %add3A_350 = arith.constant 1 : i32
      %add3A_351 = arith.addi %mul3A_349, %add3A_350 : i32
      %mul3A_352 = arith.constant 4 : i32
      %mul3A_353 = arith.muli %mul3A_352, %scan3A_254 : i32
      %add3A_354 = arith.constant 100 : i32
      %add3A_355 = arith.addi %add3A_354, %mul3A_353 : i32
      %add3A_356 = arith.constant 1 : i32
      %add3A_357 = arith.addi %add3A_355, %add3A_356 : i32
      %get3A_358 = arith.index_cast %add3A_357 : i32 to index
      %get3A_359 = arith.constant 16 : index
      %get3A_360 = tpu.vector_load %arg7[%get3A_358, %get3A_359] {strides = array<i32>} : memref<200x64xf32, #tpu.memory_space<vmem>>, vector<1x16xf32>,
      %get3A_361 = vector.shape_cast %get3A_360 : vector<1x16xf32> to vector<16xf32>
      %swap3A_362 = arith.index_cast %add3A_351 : i32 to index
      %swap3A_363 = arith.constant 16 : index
      %swap3A_364 = tpu.vector_load %arg9[%swap3A_362, %swap3A_363] {strides = array<i32>} : memref<100x128xf32, #tpu.memory_space<vmem>>, vector<1x16xf32>,
      %swap3A_365 = vector.shape_cast %swap3A_364 : vector<1x16xf32> to vector<16xf32>
      %swap3A_366 = vector.shape_cast %get3A_361 : vector<16xf32> to vector<1x16xf32>
      tpu.vector_store %arg9[%swap3A_362, %swap3A_363], %swap3A_366 {add = true, strides = array<i32>} : memref<100x128xf32, #tpu.memory_space<vmem>>, vector<1x16xf32>,
      %mul3A_367 = arith.constant 4 : i32
      %mul3A_368 = arith.muli %mul3A_367, %scan3A_254 : i32
      %add3A_369 = arith.constant 1 : i32
      %add3A_370 = arith.addi %mul3A_368, %add3A_369 : i32
      %mul3A_371 = arith.constant 4 : i32
      %mul3A_372 = arith.muli %mul3A_371, %scan3A_254 : i32
      %add3A_373 = arith.constant 100 : i32
      %add3A_374 = arith.addi %add3A_373, %mul3A_372 : i32
      %add3A_375 = arith.constant 1 : i32
      %add3A_376 = arith.addi %add3A_374, %add3A_375 : i32
      %get3A_377 = arith.index_cast %add3A_376 : i32 to index
      %get3A_378 = arith.constant 32 : index
      %get3A_379 = tpu.vector_load %arg7[%get3A_377, %get3A_378] {strides = array<i32>} : memref<200x64xf32, #tpu.memory_space<vmem>>, vector<1x16xf32>,
      %get3A_380 = vector.shape_cast %get3A_379 : vector<1x16xf32> to vector<16xf32>
      %swap3A_381 = arith.index_cast %add3A_370 : i32 to index
      %swap3A_382 = arith.constant 32 : index
      %swap3A_383 = tpu.vector_load %arg9[%swap3A_381, %swap3A_382] {strides = array<i32>} : memref<100x128xf32, #tpu.memory_space<vmem>>, vector<1x16xf32>,
      %swap3A_384 = vector.shape_cast %swap3A_383 : vector<1x16xf32> to vector<16xf32>
      %swap3A_385 = vector.shape_cast %get3A_380 : vector<16xf32> to vector<1x16xf32>
      tpu.vector_store %arg9[%swap3A_381, %swap3A_382], %swap3A_385 {add = true, strides = array<i32>} : memref<100x128xf32, #tpu.memory_space<vmem>>, vector<1x16xf32>,
      %mul3A_386 = arith.constant 4 : i32
      %mul3A_387 = arith.muli %mul3A_386, %scan3A_254 : i32
      %add3A_388 = arith.constant 1 : i32
      %add3A_389 = arith.addi %mul3A_387, %add3A_388 : i32
      %mul3A_390 = arith.constant 4 : i32
      %mul3A_391 = arith.muli %mul3A_390, %scan3A_254 : i32
      %add3A_392 = arith.constant 100 : i32
      %add3A_393 = arith.addi %add3A_392, %mul3A_391 : i32
      %add3A_394 = arith.constant 1 : i32
      %add3A_395 = arith.addi %add3A_393, %add3A_394 : i32
      %get3A_396 = arith.index_cast %add3A_395 : i32 to index
      %get3A_397 = arith.constant 48 : index
      %get3A_398 = tpu.vector_load %arg7[%get3A_396, %get3A_397] {strides = array<i32>} : memref<200x64xf32, #tpu.memory_space<vmem>>, vector<1x16xf32>,
      %get3A_399 = vector.shape_cast %get3A_398 : vector<1x16xf32> to vector<16xf32>
      %swap3A_400 = arith.index_cast %add3A_389 : i32 to index
      %swap3A_401 = arith.constant 48 : index
      %swap3A_402 = tpu.vector_load %arg9[%swap3A_400, %swap3A_401] {strides = array<i32>} : memref<100x128xf32, #tpu.memory_space<vmem>>, vector<1x16xf32>,
      %swap3A_403 = vector.shape_cast %swap3A_402 : vector<1x16xf32> to vector<16xf32>
      %swap3A_404 = vector.shape_cast %get3A_399 : vector<16xf32> to vector<1x16xf32>
      tpu.vector_store %arg9[%swap3A_400, %swap3A_401], %swap3A_404 {add = true, strides = array<i32>} : memref<100x128xf32, #tpu.memory_space<vmem>>, vector<1x16xf32>,
      %mul3A_405 = arith.constant 4 : i32
      %mul3A_406 = arith.muli %mul3A_405, %scan3A_254 : i32
      %add3A_407 = arith.constant 2 : i32
      %add3A_408 = arith.addi %mul3A_406, %add3A_407 : i32
      %mul3A_409 = arith.constant 4 : i32
      %mul3A_410 = arith.muli %mul3A_409, %scan3A_254 : i32
      %add3A_411 = arith.constant 100 : i32
      %add3A_412 = arith.addi %add3A_411, %mul3A_410 : i32
      %add3A_413 = arith.constant 2 : i32
      %add3A_414 = arith.addi %add3A_412, %add3A_413 : i32
      %get3A_415 = arith.index_cast %add3A_414 : i32 to index
      %get3A_416 = arith.constant 0 : index
      %get3A_417 = tpu.vector_load %arg7[%get3A_415, %get3A_416] {strides = array<i32>} : memref<200x64xf32, #tpu.memory_space<vmem>>, vector<1x16xf32>,
      %get3A_418 = vector.shape_cast %get3A_417 : vector<1x16xf32> to vector<16xf32>
      %swap3A_419 = arith.index_cast %add3A_408 : i32 to index
      %swap3A_420 = arith.constant 0 : index
      %swap3A_421 = tpu.vector_load %arg9[%swap3A_419, %swap3A_420] {strides = array<i32>} : memref<100x128xf32, #tpu.memory_space<vmem>>, vector<1x16xf32>,
      %swap3A_422 = vector.shape_cast %swap3A_421 : vector<1x16xf32> to vector<16xf32>
      %swap3A_423 = vector.shape_cast %get3A_418 : vector<16xf32> to vector<1x16xf32>
      tpu.vector_store %arg9[%swap3A_419, %swap3A_420], %swap3A_423 {add = true, strides = array<i32>} : memref<100x128xf32, #tpu.memory_space<vmem>>, vector<1x16xf32>,
      %mul3A_424 = arith.constant 4 : i32
      %mul3A_425 = arith.muli %mul3A_424, %scan3A_254 : i32
      %add3A_426 = arith.constant 2 : i32
      %add3A_427 = arith.addi %mul3A_425, %add3A_426 : i32
      %mul3A_428 = arith.constant 4 : i32
      %mul3A_429 = arith.muli %mul3A_428, %scan3A_254 : i32
      %add3A_430 = arith.constant 100 : i32
      %add3A_431 = arith.addi %add3A_430, %mul3A_429 : i32
      %add3A_432 = arith.constant 2 : i32
      %add3A_433 = arith.addi %add3A_431, %add3A_432 : i32
      %get3A_434 = arith.index_cast %add3A_433 : i32 to index
      %get3A_435 = arith.constant 16 : index
      %get3A_436 = tpu.vector_load %arg7[%get3A_434, %get3A_435] {strides = array<i32>} : memref<200x64xf32, #tpu.memory_space<vmem>>, vector<1x16xf32>,
      %get3A_437 = vector.shape_cast %get3A_436 : vector<1x16xf32> to vector<16xf32>
      %swap3A_438 = arith.index_cast %add3A_427 : i32 to index
      %swap3A_439 = arith.constant 16 : index
      %swap3A_440 = tpu.vector_load %arg9[%swap3A_438, %swap3A_439] {strides = array<i32>} : memref<100x128xf32, #tpu.memory_space<vmem>>, vector<1x16xf32>,
      %swap3A_441 = vector.shape_cast %swap3A_440 : vector<1x16xf32> to vector<16xf32>
      %swap3A_442 = vector.shape_cast %get3A_437 : vector<16xf32> to vector<1x16xf32>
      tpu.vector_store %arg9[%swap3A_438, %swap3A_439], %swap3A_442 {add = true, strides = array<i32>} : memref<100x128xf32, #tpu.memory_space<vmem>>, vector<1x16xf32>,
      %mul3A_443 = arith.constant 4 : i32
      %mul3A_444 = arith.muli %mul3A_443, %scan3A_254 : i32
      %add3A_445 = arith.constant 2 : i32
      %add3A_446 = arith.addi %mul3A_444, %add3A_445 : i32
      %mul3A_447 = arith.constant 4 : i32
      %mul3A_448 = arith.muli %mul3A_447, %scan3A_254 : i32
      %add3A_449 = arith.constant 100 : i32
      %add3A_450 = arith.addi %add3A_449, %mul3A_448 : i32
      %add3A_451 = arith.constant 2 : i32
      %add3A_452 = arith.addi %add3A_450, %add3A_451 : i32
      %get3A_453 = arith.index_cast %add3A_452 : i32 to index
      %get3A_454 = arith.constant 32 : index
      %get3A_455 = tpu.vector_load %arg7[%get3A_453, %get3A_454] {strides = array<i32>} : memref<200x64xf32, #tpu.memory_space<vmem>>, vector<1x16xf32>,
      %get3A_456 = vector.shape_cast %get3A_455 : vector<1x16xf32> to vector<16xf32>
      %swap3A_457 = arith.index_cast %add3A_446 : i32 to index
      %swap3A_458 = arith.constant 32 : index
      %swap3A_459 = tpu.vector_load %arg9[%swap3A_457, %swap3A_458] {strides = array<i32>} : memref<100x128xf32, #tpu.memory_space<vmem>>, vector<1x16xf32>,
      %swap3A_460 = vector.shape_cast %swap3A_459 : vector<1x16xf32> to vector<16xf32>
      %swap3A_461 = vector.shape_cast %get3A_456 : vector<16xf32> to vector<1x16xf32>
      tpu.vector_store %arg9[%swap3A_457, %swap3A_458], %swap3A_461 {add = true, strides = array<i32>} : memref<100x128xf32, #tpu.memory_space<vmem>>, vector<1x16xf32>,
      %mul3A_462 = arith.constant 4 : i32
      %mul3A_463 = arith.muli %mul3A_462, %scan3A_254 : i32
      %add3A_464 = arith.constant 2 : i32
      %add3A_465 = arith.addi %mul3A_463, %add3A_464 : i32
      %mul3A_466 = arith.constant 4 : i32
      %mul3A_467 = arith.muli %mul3A_466, %scan3A_254 : i32
      %add3A_468 = arith.constant 100 : i32
      %add3A_469 = arith.addi %add3A_468, %mul3A_467 : i32
      %add3A_470 = arith.constant 2 : i32
      %add3A_471 = arith.addi %add3A_469, %add3A_470 : i32
      %get3A_472 = arith.index_cast %add3A_471 : i32 to index
      %get3A_473 = arith.constant 48 : index
      %get3A_474 = tpu.vector_load %arg7[%get3A_472, %get3A_473] {strides = array<i32>} : memref<200x64xf32, #tpu.memory_space<vmem>>, vector<1x16xf32>,
      %get3A_475 = vector.shape_cast %get3A_474 : vector<1x16xf32> to vector<16xf32>
      %swap3A_476 = arith.index_cast %add3A_465 : i32 to index
      %swap3A_477 = arith.constant 48 : index
      %swap3A_478 = tpu.vector_load %arg9[%swap3A_476, %swap3A_477] {strides = array<i32>} : memref<100x128xf32, #tpu.memory_space<vmem>>, vector<1x16xf32>,
      %swap3A_479 = vector.shape_cast %swap3A_478 : vector<1x16xf32> to vector<16xf32>
      %swap3A_480 = vector.shape_cast %get3A_475 : vector<16xf32> to vector<1x16xf32>
      tpu.vector_store %arg9[%swap3A_476, %swap3A_477], %swap3A_480 {add = true, strides = array<i32>} : memref<100x128xf32, #tpu.memory_space<vmem>>, vector<1x16xf32>,
      %mul3A_481 = arith.constant 4 : i32
      %mul3A_482 = arith.muli %mul3A_481, %scan3A_254 : i32
      %add3A_483 = arith.constant 3 : i32
      %add3A_484 = arith.addi %mul3A_482, %add3A_483 : i32
      %mul3A_485 = arith.constant 4 : i32
      %mul3A_486 = arith.muli %mul3A_485, %scan3A_254 : i32
      %add3A_487 = arith.constant 100 : i32
      %add3A_488 = arith.addi %add3A_487, %mul3A_486 : i32
      %add3A_489 = arith.constant 3 : i32
      %add3A_490 = arith.addi %add3A_488, %add3A_489 : i32
      %get3A_491 = arith.index_cast %add3A_490 : i32 to index
      %get3A_492 = arith.constant 0 : index
      %get3A_493 = tpu.vector_load %arg7[%get3A_491, %get3A_492] {strides = array<i32>} : memref<200x64xf32, #tpu.memory_space<vmem>>, vector<1x16xf32>,
      %get3A_494 = vector.shape_cast %get3A_493 : vector<1x16xf32> to vector<16xf32>
      %swap3A_495 = arith.index_cast %add3A_484 : i32 to index
      %swap3A_496 = arith.constant 0 : index
      %swap3A_497 = tpu.vector_load %arg9[%swap3A_495, %swap3A_496] {strides = array<i32>} : memref<100x128xf32, #tpu.memory_space<vmem>>, vector<1x16xf32>,
      %swap3A_498 = vector.shape_cast %swap3A_497 : vector<1x16xf32> to vector<16xf32>
      %swap3A_499 = vector.shape_cast %get3A_494 : vector<16xf32> to vector<1x16xf32>
      tpu.vector_store %arg9[%swap3A_495, %swap3A_496], %swap3A_499 {add = true, strides = array<i32>} : memref<100x128xf32, #tpu.memory_space<vmem>>, vector<1x16xf32>,
      %mul3A_500 = arith.constant 4 : i32
      %mul3A_501 = arith.muli %mul3A_500, %scan3A_254 : i32
      %add3A_502 = arith.constant 3 : i32
      %add3A_503 = arith.addi %mul3A_501, %add3A_502 : i32
      %mul3A_504 = arith.constant 4 : i32
      %mul3A_505 = arith.muli %mul3A_504, %scan3A_254 : i32
      %add3A_506 = arith.constant 100 : i32
      %add3A_507 = arith.addi %add3A_506, %mul3A_505 : i32
      %add3A_508 = arith.constant 3 : i32
      %add3A_509 = arith.addi %add3A_507, %add3A_508 : i32
      %get3A_510 = arith.index_cast %add3A_509 : i32 to index
      %get3A_511 = arith.constant 16 : index
      %get3A_512 = tpu.vector_load %arg7[%get3A_510, %get3A_511] {strides = array<i32>} : memref<200x64xf32, #tpu.memory_space<vmem>>, vector<1x16xf32>,
      %get3A_513 = vector.shape_cast %get3A_512 : vector<1x16xf32> to vector<16xf32>
      %swap3A_514 = arith.index_cast %add3A_503 : i32 to index
      %swap3A_515 = arith.constant 16 : index
      %swap3A_516 = tpu.vector_load %arg9[%swap3A_514, %swap3A_515] {strides = array<i32>} : memref<100x128xf32, #tpu.memory_space<vmem>>, vector<1x16xf32>,
      %swap3A_517 = vector.shape_cast %swap3A_516 : vector<1x16xf32> to vector<16xf32>
      %swap3A_518 = vector.shape_cast %get3A_513 : vector<16xf32> to vector<1x16xf32>
      tpu.vector_store %arg9[%swap3A_514, %swap3A_515], %swap3A_518 {add = true, strides = array<i32>} : memref<100x128xf32, #tpu.memory_space<vmem>>, vector<1x16xf32>,
      %mul3A_519 = arith.constant 4 : i32
      %mul3A_520 = arith.muli %mul3A_519, %scan3A_254 : i32
      %add3A_521 = arith.constant 3 : i32
      %add3A_522 = arith.addi %mul3A_520, %add3A_521 : i32
      %mul3A_523 = arith.constant 4 : i32
      %mul3A_524 = arith.muli %mul3A_523, %scan3A_254 : i32
      %add3A_525 = arith.constant 100 : i32
      %add3A_526 = arith.addi %add3A_525, %mul3A_524 : i32
      %add3A_527 = arith.constant 3 : i32
      %add3A_528 = arith.addi %add3A_526, %add3A_527 : i32
      %get3A_529 = arith.index_cast %add3A_528 : i32 to index
      %get3A_530 = arith.constant 32 : index
      %get3A_531 = tpu.vector_load %arg7[%get3A_529, %get3A_530] {strides = array<i32>} : memref<200x64xf32, #tpu.memory_space<vmem>>, vector<1x16xf32>,
      %get3A_532 = vector.shape_cast %get3A_531 : vector<1x16xf32> to vector<16xf32>
      %swap3A_533 = arith.index_cast %add3A_522 : i32 to index
      %swap3A_534 = arith.constant 32 : index
      %swap3A_535 = tpu.vector_load %arg9[%swap3A_533, %swap3A_534] {strides = array<i32>} : memref<100x128xf32, #tpu.memory_space<vmem>>, vector<1x16xf32>,
      %swap3A_536 = vector.shape_cast %swap3A_535 : vector<1x16xf32> to vector<16xf32>
      %swap3A_537 = vector.shape_cast %get3A_532 : vector<16xf32> to vector<1x16xf32>
      tpu.vector_store %arg9[%swap3A_533, %swap3A_534], %swap3A_537 {add = true, strides = array<i32>} : memref<100x128xf32, #tpu.memory_space<vmem>>, vector<1x16xf32>,
      %mul3A_538 = arith.constant 4 : i32
      %mul3A_539 = arith.muli %mul3A_538, %scan3A_254 : i32
      %add3A_540 = arith.constant 3 : i32
      %add3A_541 = arith.addi %mul3A_539, %add3A_540 : i32
      %mul3A_542 = arith.constant 4 : i32
      %mul3A_543 = arith.muli %mul3A_542, %scan3A_254 : i32
      %add3A_544 = arith.constant 100 : i32
      %add3A_545 = arith.addi %add3A_544, %mul3A_543 : i32
      %add3A_546 = arith.constant 3 : i32
      %add3A_547 = arith.addi %add3A_545, %add3A_546 : i32
      %get3A_548 = arith.index_cast %add3A_547 : i32 to index
      %get3A_549 = arith.constant 48 : index
      %get3A_550 = tpu.vector_load %arg7[%get3A_548, %get3A_549] {strides = array<i32>} : memref<200x64xf32, #tpu.memory_space<vmem>>, vector<1x16xf32>,
      %get3A_551 = vector.shape_cast %get3A_550 : vector<1x16xf32> to vector<16xf32>
      %swap3A_552 = arith.index_cast %add3A_541 : i32 to index
      %swap3A_553 = arith.constant 48 : index
      %swap3A_554 = tpu.vector_load %arg9[%swap3A_552, %swap3A_553] {strides = array<i32>} : memref<100x128xf32, #tpu.memory_space<vmem>>, vector<1x16xf32>,
      %swap3A_555 = vector.shape_cast %swap3A_554 : vector<1x16xf32> to vector<16xf32>
      %swap3A_556 = vector.shape_cast %get3A_551 : vector<16xf32> to vector<1x16xf32>
      tpu.vector_store %arg9[%swap3A_552, %swap3A_553], %swap3A_556 {add = true, strides = array<i32>} : memref<100x128xf32, #tpu.memory_space<vmem>>, vector<1x16xf32>,
    }
    %scan3A_187 = arith.constant 25 : i32
    %add3A_188 = arith.constant 25300 : i32
    %add3A_189 = arith.addi %mul3A_2, %add3A_188 : i32
    %dma_start3A_190 = arith.constant 0 : i32
    %dma_start3A_191 = tpu.memref_slice %arg5[%add3A_189, %dma_start3A_190] : memref<819200x128xf32, #tpu.memory_space<hbm>> -> memref<100x128xf32, #tpu.memory_space<hbm>>
    %dma_start3A_192 = arith.constant 0 : i32
    %dma_start3A_193 = tpu.memref_slice %arg5[%add3A_189, %dma_start3A_192] : memref<819200x128xf32, #tpu.memory_space<hbm>> -> memref<100x128xf32, #tpu.memory_space<hbm>>
    tpu.enqueue_dma source(%arg9 : memref<100x128xf32, #tpu.memory_space<vmem>>) target(%dma_start3A_193 : memref<100x128xf32, #tpu.memory_space<hbm>>) target_semaphore(%arg17 : memref<!tpu.dma_semaphore, #tpu.memory_space<semaphore_mem>>)
    %dma_wait3A_194 = arith.constant 0 : i32
    %dma_wait3A_195 = arith.constant 0 : i32
    %dma_wait3A_196 = tpu.memref_slice %arg3[%dma_wait3A_194, %dma_wait3A_195] : memref<1000000x128xf32, #tpu.memory_space<hbm>> -> memref<100x128xf32, #tpu.memory_space<hbm>>
    %dma_wait3A_197 = arith.constant 0 : i32
    %dma_wait3A_198 = arith.constant 0 : i32
    %dma_wait3A_199 = tpu.memref_slice %arg3[%dma_wait3A_197, %dma_wait3A_198] : memref<1000000x128xf32, #tpu.memory_space<hbm>> -> memref<100x128xf32, #tpu.memory_space<hbm>>
    tpu.wait_dma2 semaphore(%arg14 : memref<!tpu.dma_semaphore, #tpu.memory_space<semaphore_mem>>) src(%dma_wait3A_199 : memref<100x128xf32, #tpu.memory_space<hbm>>) dst(%arg10 : memref<100x128xf32, #tpu.memory_space<vmem>>)
    %dma_wait3A_200 = arith.constant 0 : i32
    %dma_wait3A_201 = arith.constant 0 : i32
    %dma_wait3A_202 = tpu.memref_slice %arg5[%dma_wait3A_200, %dma_wait3A_201] : memref<819200x128xf32, #tpu.memory_space<hbm>> -> memref<100x128xf32, #tpu.memory_space<hbm>>
    %dma_wait3A_203 = arith.constant 0 : i32
    %dma_wait3A_204 = arith.constant 0 : i32
    %dma_wait3A_205 = tpu.memref_slice %arg5[%dma_wait3A_203, %dma_wait3A_204] : memref<819200x128xf32, #tpu.memory_space<hbm>> -> memref<100x128xf32, #tpu.memory_space<hbm>>
    tpu.wait_dma2 semaphore(%arg16 : memref<!tpu.dma_semaphore, #tpu.memory_space<semaphore_mem>>) src(%arg8 : memref<100x128xf32, #tpu.memory_space<vmem>>) dst(%dma_wait3A_205 : memref<100x128xf32, #tpu.memory_space<hbm>>)
    %scan3A_206 = arith.constant 0 : i32
    %scan3A_207 = arith.constant 0 : i32
    %scan3A_208 = arith.constant 25 : i32
    %scan3A_209 = arith.addi %scan3A_207, %scan3A_208 : i32
    %scan3A_210 = arith.constant 1 : i32
    scf.for %scan3A_254 = %scan3A_207 to %scan3A_209 step %scan3A_210  : i32 {
      %mul3A_255 = arith.constant 4 : i32
      %mul3A_256 = arith.muli %mul3A_255, %scan3A_254 : i32
      %add3A_257 = arith.constant 0 : i32
      %add3A_258 = arith.addi %mul3A_256, %add3A_257 : i32
      %mul3A_259 = arith.constant 4 : i32
      %mul3A_260 = arith.muli %mul3A_259, %scan3A_254 : i32
      %add3A_261 = arith.constant 0 : i32
      %add3A_262 = arith.addi %add3A_261, %mul3A_260 : i32
      %add3A_263 = arith.constant 0 : i32
      %add3A_264 = arith.addi %add3A_262, %add3A_263 : i32
      %get3A = arith.index_cast %add3A_264 : i32 to index
      %get3A_265 = arith.constant 0 : index
      %get3A_266 = tpu.vector_load %arg7[%get3A, %get3A_265] {strides = array<i32>} : memref<200x64xf32, #tpu.memory_space<vmem>>, vector<1x16xf32>,
      %get3A_267 = vector.shape_cast %get3A_266 : vector<1x16xf32> to vector<16xf32>
      %swap3A = arith.index_cast %add3A_258 : i32 to index
      %swap3A_268 = arith.constant 0 : index
      %swap3A_269 = tpu.vector_load %arg10[%swap3A, %swap3A_268] {strides = array<i32>} : memref<100x128xf32, #tpu.memory_space<vmem>>, vector<1x16xf32>,
      %swap3A_270 = vector.shape_cast %swap3A_269 : vector<1x16xf32> to vector<16xf32>
      %swap3A_271 = vector.shape_cast %get3A_267 : vector<16xf32> to vector<1x16xf32>
      tpu.vector_store %arg10[%swap3A, %swap3A_268], %swap3A_271 {add = true, strides = array<i32>} : memref<100x128xf32, #tpu.memory_space<vmem>>, vector<1x16xf32>,
      %mul3A_272 = arith.constant 4 : i32
      %mul3A_273 = arith.muli %mul3A_272, %scan3A_254 : i32
      %add3A_274 = arith.constant 0 : i32
      %add3A_275 = arith.addi %mul3A_273, %add3A_274 : i32
      %mul3A_276 = arith.constant 4 : i32
      %mul3A_277 = arith.muli %mul3A_276, %scan3A_254 : i32
      %add3A_278 = arith.constant 0 : i32
      %add3A_279 = arith.addi %add3A_278, %mul3A_277 : i32
      %add3A_280 = arith.constant 0 : i32
      %add3A_281 = arith.addi %add3A_279, %add3A_280 : i32
      %get3A_282 = arith.index_cast %add3A_281 : i32 to index
      %get3A_283 = arith.constant 16 : index
      %get3A_284 = tpu.vector_load %arg7[%get3A_282, %get3A_283] {strides = array<i32>} : memref<200x64xf32, #tpu.memory_space<vmem>>, vector<1x16xf32>,
      %get3A_285 = vector.shape_cast %get3A_284 : vector<1x16xf32> to vector<16xf32>
      %swap3A_286 = arith.index_cast %add3A_275 : i32 to index
      %swap3A_287 = arith.constant 16 : index
      %swap3A_288 = tpu.vector_load %arg10[%swap3A_286, %swap3A_287] {strides = array<i32>} : memref<100x128xf32, #tpu.memory_space<vmem>>, vector<1x16xf32>,
      %swap3A_289 = vector.shape_cast %swap3A_288 : vector<1x16xf32> to vector<16xf32>
      %swap3A_290 = vector.shape_cast %get3A_285 : vector<16xf32> to vector<1x16xf32>
      tpu.vector_store %arg10[%swap3A_286, %swap3A_287], %swap3A_290 {add = true, strides = array<i32>} : memref<100x128xf32, #tpu.memory_space<vmem>>, vector<1x16xf32>,
      %mul3A_291 = arith.constant 4 : i32
      %mul3A_292 = arith.muli %mul3A_291, %scan3A_254 : i32
      %add3A_293 = arith.constant 0 : i32
      %add3A_294 = arith.addi %mul3A_292, %add3A_293 : i32
      %mul3A_295 = arith.constant 4 : i32
      %mul3A_296 = arith.muli %mul3A_295, %scan3A_254 : i32
      %add3A_297 = arith.constant 0 : i32
      %add3A_298 = arith.addi %add3A_297, %mul3A_296 : i32
      %add3A_299 = arith.constant 0 : i32
      %add3A_300 = arith.addi %add3A_298, %add3A_299 : i32
      %get3A_301 = arith.index_cast %add3A_300 : i32 to index
      %get3A_302 = arith.constant 32 : index
      %get3A_303 = tpu.vector_load %arg7[%get3A_301, %get3A_302] {strides = array<i32>} : memref<200x64xf32, #tpu.memory_space<vmem>>, vector<1x16xf32>,
      %get3A_304 = vector.shape_cast %get3A_303 : vector<1x16xf32> to vector<16xf32>
      %swap3A_305 = arith.index_cast %add3A_294 : i32 to index
      %swap3A_306 = arith.constant 32 : index
      %swap3A_307 = tpu.vector_load %arg10[%swap3A_305, %swap3A_306] {strides = array<i32>} : memref<100x128xf32, #tpu.memory_space<vmem>>, vector<1x16xf32>,
      %swap3A_308 = vector.shape_cast %swap3A_307 : vector<1x16xf32> to vector<16xf32>
      %swap3A_309 = vector.shape_cast %get3A_304 : vector<16xf32> to vector<1x16xf32>
      tpu.vector_store %arg10[%swap3A_305, %swap3A_306], %swap3A_309 {add = true, strides = array<i32>} : memref<100x128xf32, #tpu.memory_space<vmem>>, vector<1x16xf32>,
      %mul3A_310 = arith.constant 4 : i32
      %mul3A_311 = arith.muli %mul3A_310, %scan3A_254 : i32
      %add3A_312 = arith.constant 0 : i32
      %add3A_313 = arith.addi %mul3A_311, %add3A_312 : i32
      %mul3A_314 = arith.constant 4 : i32
      %mul3A_315 = arith.muli %mul3A_314, %scan3A_254 : i32
      %add3A_316 = arith.constant 0 : i32
      %add3A_317 = arith.addi %add3A_316, %mul3A_315 : i32
      %add3A_318 = arith.constant 0 : i32
      %add3A_319 = arith.addi %add3A_317, %add3A_318 : i32
      %get3A_320 = arith.index_cast %add3A_319 : i32 to index
      %get3A_321 = arith.constant 48 : index
      %get3A_322 = tpu.vector_load %arg7[%get3A_320, %get3A_321] {strides = array<i32>} : memref<200x64xf32, #tpu.memory_space<vmem>>, vector<1x16xf32>,
      %get3A_323 = vector.shape_cast %get3A_322 : vector<1x16xf32> to vector<16xf32>
      %swap3A_324 = arith.index_cast %add3A_313 : i32 to index
      %swap3A_325 = arith.constant 48 : index
      %swap3A_326 = tpu.vector_load %arg10[%swap3A_324, %swap3A_325] {strides = array<i32>} : memref<100x128xf32, #tpu.memory_space<vmem>>, vector<1x16xf32>,
      %swap3A_327 = vector.shape_cast %swap3A_326 : vector<1x16xf32> to vector<16xf32>
      %swap3A_328 = vector.shape_cast %get3A_323 : vector<16xf32> to vector<1x16xf32>
      tpu.vector_store %arg10[%swap3A_324, %swap3A_325], %swap3A_328 {add = true, strides = array<i32>} : memref<100x128xf32, #tpu.memory_space<vmem>>, vector<1x16xf32>,
      %mul3A_329 = arith.constant 4 : i32
      %mul3A_330 = arith.muli %mul3A_329, %scan3A_254 : i32
      %add3A_331 = arith.constant 1 : i32
      %add3A_332 = arith.addi %mul3A_330, %add3A_331 : i32
      %mul3A_333 = arith.constant 4 : i32
      %mul3A_334 = arith.muli %mul3A_333, %scan3A_254 : i32
      %add3A_335 = arith.constant 0 : i32
      %add3A_336 = arith.addi %add3A_335, %mul3A_334 : i32
      %add3A_337 = arith.constant 1 : i32
      %add3A_338 = arith.addi %add3A_336, %add3A_337 : i32
      %get3A_339 = arith.index_cast %add3A_338 : i32 to index
      %get3A_340 = arith.constant 0 : index
      %get3A_341 = tpu.vector_load %arg7[%get3A_339, %get3A_340] {strides = array<i32>} : memref<200x64xf32, #tpu.memory_space<vmem>>, vector<1x16xf32>,
      %get3A_342 = vector.shape_cast %get3A_341 : vector<1x16xf32> to vector<16xf32>
      %swap3A_343 = arith.index_cast %add3A_332 : i32 to index
      %swap3A_344 = arith.constant 0 : index
      %swap3A_345 = tpu.vector_load %arg10[%swap3A_343, %swap3A_344] {strides = array<i32>} : memref<100x128xf32, #tpu.memory_space<vmem>>, vector<1x16xf32>,
      %swap3A_346 = vector.shape_cast %swap3A_345 : vector<1x16xf32> to vector<16xf32>
      %swap3A_347 = vector.shape_cast %get3A_342 : vector<16xf32> to vector<1x16xf32>
      tpu.vector_store %arg10[%swap3A_343, %swap3A_344], %swap3A_347 {add = true, strides = array<i32>} : memref<100x128xf32, #tpu.memory_space<vmem>>, vector<1x16xf32>,
      %mul3A_348 = arith.constant 4 : i32
      %mul3A_349 = arith.muli %mul3A_348, %scan3A_254 : i32
      %add3A_350 = arith.constant 1 : i32
      %add3A_351 = arith.addi %mul3A_349, %add3A_350 : i32
      %mul3A_352 = arith.constant 4 : i32
      %mul3A_353 = arith.muli %mul3A_352, %scan3A_254 : i32
      %add3A_354 = arith.constant 0 : i32
      %add3A_355 = arith.addi %add3A_354, %mul3A_353 : i32
      %add3A_356 = arith.constant 1 : i32
      %add3A_357 = arith.addi %add3A_355, %add3A_356 : i32
      %get3A_358 = arith.index_cast %add3A_357 : i32 to index
      %get3A_359 = arith.constant 16 : index
      %get3A_360 = tpu.vector_load %arg7[%get3A_358, %get3A_359] {strides = array<i32>} : memref<200x64xf32, #tpu.memory_space<vmem>>, vector<1x16xf32>,
      %get3A_361 = vector.shape_cast %get3A_360 : vector<1x16xf32> to vector<16xf32>
      %swap3A_362 = arith.index_cast %add3A_351 : i32 to index
      %swap3A_363 = arith.constant 16 : index
      %swap3A_364 = tpu.vector_load %arg10[%swap3A_362, %swap3A_363] {strides = array<i32>} : memref<100x128xf32, #tpu.memory_space<vmem>>, vector<1x16xf32>,
      %swap3A_365 = vector.shape_cast %swap3A_364 : vector<1x16xf32> to vector<16xf32>
      %swap3A_366 = vector.shape_cast %get3A_361 : vector<16xf32> to vector<1x16xf32>
      tpu.vector_store %arg10[%swap3A_362, %swap3A_363], %swap3A_366 {add = true, strides = array<i32>} : memref<100x128xf32, #tpu.memory_space<vmem>>, vector<1x16xf32>,
      %mul3A_367 = arith.constant 4 : i32
      %mul3A_368 = arith.muli %mul3A_367, %scan3A_254 : i32
      %add3A_369 = arith.constant 1 : i32
      %add3A_370 = arith.addi %mul3A_368, %add3A_369 : i32
      %mul3A_371 = arith.constant 4 : i32
      %mul3A_372 = arith.muli %mul3A_371, %scan3A_254 : i32
      %add3A_373 = arith.constant 0 : i32
      %add3A_374 = arith.addi %add3A_373, %mul3A_372 : i32
      %add3A_375 = arith.constant 1 : i32
      %add3A_376 = arith.addi %add3A_374, %add3A_375 : i32
      %get3A_377 = arith.index_cast %add3A_376 : i32 to index
      %get3A_378 = arith.constant 32 : index
      %get3A_379 = tpu.vector_load %arg7[%get3A_377, %get3A_378] {strides = array<i32>} : memref<200x64xf32, #tpu.memory_space<vmem>>, vector<1x16xf32>,
      %get3A_380 = vector.shape_cast %get3A_379 : vector<1x16xf32> to vector<16xf32>
      %swap3A_381 = arith.index_cast %add3A_370 : i32 to index
      %swap3A_382 = arith.constant 32 : index
      %swap3A_383 = tpu.vector_load %arg10[%swap3A_381, %swap3A_382] {strides = array<i32>} : memref<100x128xf32, #tpu.memory_space<vmem>>, vector<1x16xf32>,
      %swap3A_384 = vector.shape_cast %swap3A_383 : vector<1x16xf32> to vector<16xf32>
      %swap3A_385 = vector.shape_cast %get3A_380 : vector<16xf32> to vector<1x16xf32>
      tpu.vector_store %arg10[%swap3A_381, %swap3A_382], %swap3A_385 {add = true, strides = array<i32>} : memref<100x128xf32, #tpu.memory_space<vmem>>, vector<1x16xf32>,
      %mul3A_386 = arith.constant 4 : i32
      %mul3A_387 = arith.muli %mul3A_386, %scan3A_254 : i32
      %add3A_388 = arith.constant 1 : i32
      %add3A_389 = arith.addi %mul3A_387, %add3A_388 : i32
      %mul3A_390 = arith.constant 4 : i32
      %mul3A_391 = arith.muli %mul3A_390, %scan3A_254 : i32
      %add3A_392 = arith.constant 0 : i32
      %add3A_393 = arith.addi %add3A_392, %mul3A_391 : i32
      %add3A_394 = arith.constant 1 : i32
      %add3A_395 = arith.addi %add3A_393, %add3A_394 : i32
      %get3A_396 = arith.index_cast %add3A_395 : i32 to index
      %get3A_397 = arith.constant 48 : index
      %get3A_398 = tpu.vector_load %arg7[%get3A_396, %get3A_397] {strides = array<i32>} : memref<200x64xf32, #tpu.memory_space<vmem>>, vector<1x16xf32>,
      %get3A_399 = vector.shape_cast %get3A_398 : vector<1x16xf32> to vector<16xf32>
      %swap3A_400 = arith.index_cast %add3A_389 : i32 to index
      %swap3A_401 = arith.constant 48 : index
      %swap3A_402 = tpu.vector_load %arg10[%swap3A_400, %swap3A_401] {strides = array<i32>} : memref<100x128xf32, #tpu.memory_space<vmem>>, vector<1x16xf32>,
      %swap3A_403 = vector.shape_cast %swap3A_402 : vector<1x16xf32> to vector<16xf32>
      %swap3A_404 = vector.shape_cast %get3A_399 : vector<16xf32> to vector<1x16xf32>
      tpu.vector_store %arg10[%swap3A_400, %swap3A_401], %swap3A_404 {add = true, strides = array<i32>} : memref<100x128xf32, #tpu.memory_space<vmem>>, vector<1x16xf32>,
      %mul3A_405 = arith.constant 4 : i32
      %mul3A_406 = arith.muli %mul3A_405, %scan3A_254 : i32
      %add3A_407 = arith.constant 2 : i32
      %add3A_408 = arith.addi %mul3A_406, %add3A_407 : i32
      %mul3A_409 = arith.constant 4 : i32
      %mul3A_410 = arith.muli %mul3A_409, %scan3A_254 : i32
      %add3A_411 = arith.constant 0 : i32
      %add3A_412 = arith.addi %add3A_411, %mul3A_410 : i32
      %add3A_413 = arith.constant 2 : i32
      %add3A_414 = arith.addi %add3A_412, %add3A_413 : i32
      %get3A_415 = arith.index_cast %add3A_414 : i32 to index
      %get3A_416 = arith.constant 0 : index
      %get3A_417 = tpu.vector_load %arg7[%get3A_415, %get3A_416] {strides = array<i32>} : memref<200x64xf32, #tpu.memory_space<vmem>>, vector<1x16xf32>,
      %get3A_418 = vector.shape_cast %get3A_417 : vector<1x16xf32> to vector<16xf32>
      %swap3A_419 = arith.index_cast %add3A_408 : i32 to index
      %swap3A_420 = arith.constant 0 : index
      %swap3A_421 = tpu.vector_load %arg10[%swap3A_419, %swap3A_420] {strides = array<i32>} : memref<100x128xf32, #tpu.memory_space<vmem>>, vector<1x16xf32>,
      %swap3A_422 = vector.shape_cast %swap3A_421 : vector<1x16xf32> to vector<16xf32>
      %swap3A_423 = vector.shape_cast %get3A_418 : vector<16xf32> to vector<1x16xf32>
      tpu.vector_store %arg10[%swap3A_419, %swap3A_420], %swap3A_423 {add = true, strides = array<i32>} : memref<100x128xf32, #tpu.memory_space<vmem>>, vector<1x16xf32>,
      %mul3A_424 = arith.constant 4 : i32
      %mul3A_425 = arith.muli %mul3A_424, %scan3A_254 : i32
      %add3A_426 = arith.constant 2 : i32
      %add3A_427 = arith.addi %mul3A_425, %add3A_426 : i32
      %mul3A_428 = arith.constant 4 : i32
      %mul3A_429 = arith.muli %mul3A_428, %scan3A_254 : i32
      %add3A_430 = arith.constant 0 : i32
      %add3A_431 = arith.addi %add3A_430, %mul3A_429 : i32
      %add3A_432 = arith.constant 2 : i32
      %add3A_433 = arith.addi %add3A_431, %add3A_432 : i32
      %get3A_434 = arith.index_cast %add3A_433 : i32 to index
      %get3A_435 = arith.constant 16 : index
      %get3A_436 = tpu.vector_load %arg7[%get3A_434, %get3A_435] {strides = array<i32>} : memref<200x64xf32, #tpu.memory_space<vmem>>, vector<1x16xf32>,
      %get3A_437 = vector.shape_cast %get3A_436 : vector<1x16xf32> to vector<16xf32>
      %swap3A_438 = arith.index_cast %add3A_427 : i32 to index
      %swap3A_439 = arith.constant 16 : index
      %swap3A_440 = tpu.vector_load %arg10[%swap3A_438, %swap3A_439] {strides = array<i32>} : memref<100x128xf32, #tpu.memory_space<vmem>>, vector<1x16xf32>,
      %swap3A_441 = vector.shape_cast %swap3A_440 : vector<1x16xf32> to vector<16xf32>
      %swap3A_442 = vector.shape_cast %get3A_437 : vector<16xf32> to vector<1x16xf32>
      tpu.vector_store %arg10[%swap3A_438, %swap3A_439], %swap3A_442 {add = true, strides = array<i32>} : memref<100x128xf32, #tpu.memory_space<vmem>>, vector<1x16xf32>,
      %mul3A_443 = arith.constant 4 : i32
      %mul3A_444 = arith.muli %mul3A_443, %scan3A_254 : i32
      %add3A_445 = arith.constant 2 : i32
      %add3A_446 = arith.addi %mul3A_444, %add3A_445 : i32
      %mul3A_447 = arith.constant 4 : i32
      %mul3A_448 = arith.muli %mul3A_447, %scan3A_254 : i32
      %add3A_449 = arith.constant 0 : i32
      %add3A_450 = arith.addi %add3A_449, %mul3A_448 : i32
      %add3A_451 = arith.constant 2 : i32
      %add3A_452 = arith.addi %add3A_450, %add3A_451 : i32
      %get3A_453 = arith.index_cast %add3A_452 : i32 to index
      %get3A_454 = arith.constant 32 : index
      %get3A_455 = tpu.vector_load %arg7[%get3A_453, %get3A_454] {strides = array<i32>} : memref<200x64xf32, #tpu.memory_space<vmem>>, vector<1x16xf32>,
      %get3A_456 = vector.shape_cast %get3A_455 : vector<1x16xf32> to vector<16xf32>
      %swap3A_457 = arith.index_cast %add3A_446 : i32 to index
      %swap3A_458 = arith.constant 32 : index
      %swap3A_459 = tpu.vector_load %arg10[%swap3A_457, %swap3A_458] {strides = array<i32>} : memref<100x128xf32, #tpu.memory_space<vmem>>, vector<1x16xf32>,
      %swap3A_460 = vector.shape_cast %swap3A_459 : vector<1x16xf32> to vector<16xf32>
      %swap3A_461 = vector.shape_cast %get3A_456 : vector<16xf32> to vector<1x16xf32>
      tpu.vector_store %arg10[%swap3A_457, %swap3A_458], %swap3A_461 {add = true, strides = array<i32>} : memref<100x128xf32, #tpu.memory_space<vmem>>, vector<1x16xf32>,
      %mul3A_462 = arith.constant 4 : i32
      %mul3A_463 = arith.muli %mul3A_462, %scan3A_254 : i32
      %add3A_464 = arith.constant 2 : i32
      %add3A_465 = arith.addi %mul3A_463, %add3A_464 : i32
      %mul3A_466 = arith.constant 4 : i32
      %mul3A_467 = arith.muli %mul3A_466, %scan3A_254 : i32
      %add3A_468 = arith.constant 0 : i32
      %add3A_469 = arith.addi %add3A_468, %mul3A_467 : i32
      %add3A_470 = arith.constant 2 : i32
      %add3A_471 = arith.addi %add3A_469, %add3A_470 : i32
      %get3A_472 = arith.index_cast %add3A_471 : i32 to index
      %get3A_473 = arith.constant 48 : index
      %get3A_474 = tpu.vector_load %arg7[%get3A_472, %get3A_473] {strides = array<i32>} : memref<200x64xf32, #tpu.memory_space<vmem>>, vector<1x16xf32>,
      %get3A_475 = vector.shape_cast %get3A_474 : vector<1x16xf32> to vector<16xf32>
      %swap3A_476 = arith.index_cast %add3A_465 : i32 to index
      %swap3A_477 = arith.constant 48 : index
      %swap3A_478 = tpu.vector_load %arg10[%swap3A_476, %swap3A_477] {strides = array<i32>} : memref<100x128xf32, #tpu.memory_space<vmem>>, vector<1x16xf32>,
      %swap3A_479 = vector.shape_cast %swap3A_478 : vector<1x16xf32> to vector<16xf32>
      %swap3A_480 = vector.shape_cast %get3A_475 : vector<16xf32> to vector<1x16xf32>
      tpu.vector_store %arg10[%swap3A_476, %swap3A_477], %swap3A_480 {add = true, strides = array<i32>} : memref<100x128xf32, #tpu.memory_space<vmem>>, vector<1x16xf32>,
      %mul3A_481 = arith.constant 4 : i32
      %mul3A_482 = arith.muli %mul3A_481, %scan3A_254 : i32
      %add3A_483 = arith.constant 3 : i32
      %add3A_484 = arith.addi %mul3A_482, %add3A_483 : i32
      %mul3A_485 = arith.constant 4 : i32
      %mul3A_486 = arith.muli %mul3A_485, %scan3A_254 : i32
      %add3A_487 = arith.constant 0 : i32
      %add3A_488 = arith.addi %add3A_487, %mul3A_486 : i32
      %add3A_489 = arith.constant 3 : i32
      %add3A_490 = arith.addi %add3A_488, %add3A_489 : i32
      %get3A_491 = arith.index_cast %add3A_490 : i32 to index
      %get3A_492 = arith.constant 0 : index
      %get3A_493 = tpu.vector_load %arg7[%get3A_491, %get3A_492] {strides = array<i32>} : memref<200x64xf32, #tpu.memory_space<vmem>>, vector<1x16xf32>,
      %get3A_494 = vector.shape_cast %get3A_493 : vector<1x16xf32> to vector<16xf32>
      %swap3A_495 = arith.index_cast %add3A_484 : i32 to index
      %swap3A_496 = arith.constant 0 : index
      %swap3A_497 = tpu.vector_load %arg10[%swap3A_495, %swap3A_496] {strides = array<i32>} : memref<100x128xf32, #tpu.memory_space<vmem>>, vector<1x16xf32>,
      %swap3A_498 = vector.shape_cast %swap3A_497 : vector<1x16xf32> to vector<16xf32>
      %swap3A_499 = vector.shape_cast %get3A_494 : vector<16xf32> to vector<1x16xf32>
      tpu.vector_store %arg10[%swap3A_495, %swap3A_496], %swap3A_499 {add = true, strides = array<i32>} : memref<100x128xf32, #tpu.memory_space<vmem>>, vector<1x16xf32>,
      %mul3A_500 = arith.constant 4 : i32
      %mul3A_501 = arith.muli %mul3A_500, %scan3A_254 : i32
      %add3A_502 = arith.constant 3 : i32
      %add3A_503 = arith.addi %mul3A_501, %add3A_502 : i32
      %mul3A_504 = arith.constant 4 : i32
      %mul3A_505 = arith.muli %mul3A_504, %scan3A_254 : i32
      %add3A_506 = arith.constant 0 : i32
      %add3A_507 = arith.addi %add3A_506, %mul3A_505 : i32
      %add3A_508 = arith.constant 3 : i32
      %add3A_509 = arith.addi %add3A_507, %add3A_508 : i32
      %get3A_510 = arith.index_cast %add3A_509 : i32 to index
      %get3A_511 = arith.constant 16 : index
      %get3A_512 = tpu.vector_load %arg7[%get3A_510, %get3A_511] {strides = array<i32>} : memref<200x64xf32, #tpu.memory_space<vmem>>, vector<1x16xf32>,
      %get3A_513 = vector.shape_cast %get3A_512 : vector<1x16xf32> to vector<16xf32>
      %swap3A_514 = arith.index_cast %add3A_503 : i32 to index
      %swap3A_515 = arith.constant 16 : index
      %swap3A_516 = tpu.vector_load %arg10[%swap3A_514, %swap3A_515] {strides = array<i32>} : memref<100x128xf32, #tpu.memory_space<vmem>>, vector<1x16xf32>,
      %swap3A_517 = vector.shape_cast %swap3A_516 : vector<1x16xf32> to vector<16xf32>
      %swap3A_518 = vector.shape_cast %get3A_513 : vector<16xf32> to vector<1x16xf32>
      tpu.vector_store %arg10[%swap3A_514, %swap3A_515], %swap3A_518 {add = true, strides = array<i32>} : memref<100x128xf32, #tpu.memory_space<vmem>>, vector<1x16xf32>,
      %mul3A_519 = arith.constant 4 : i32
      %mul3A_520 = arith.muli %mul3A_519, %scan3A_254 : i32
      %add3A_521 = arith.constant 3 : i32
      %add3A_522 = arith.addi %mul3A_520, %add3A_521 : i32
      %mul3A_523 = arith.constant 4 : i32
      %mul3A_524 = arith.muli %mul3A_523, %scan3A_254 : i32
      %add3A_525 = arith.constant 0 : i32
      %add3A_526 = arith.addi %add3A_525, %mul3A_524 : i32
      %add3A_527 = arith.constant 3 : i32
      %add3A_528 = arith.addi %add3A_526, %add3A_527 : i32
      %get3A_529 = arith.index_cast %add3A_528 : i32 to index
      %get3A_530 = arith.constant 32 : index
      %get3A_531 = tpu.vector_load %arg7[%get3A_529, %get3A_530] {strides = array<i32>} : memref<200x64xf32, #tpu.memory_space<vmem>>, vector<1x16xf32>,
      %get3A_532 = vector.shape_cast %get3A_531 : vector<1x16xf32> to vector<16xf32>
      %swap3A_533 = arith.index_cast %add3A_522 : i32 to index
      %swap3A_534 = arith.constant 32 : index
      %swap3A_535 = tpu.vector_load %arg10[%swap3A_533, %swap3A_534] {strides = array<i32>} : memref<100x128xf32, #tpu.memory_space<vmem>>, vector<1x16xf32>,
      %swap3A_536 = vector.shape_cast %swap3A_535 : vector<1x16xf32> to vector<16xf32>
      %swap3A_537 = vector.shape_cast %get3A_532 : vector<16xf32> to vector<1x16xf32>
      tpu.vector_store %arg10[%swap3A_533, %swap3A_534], %swap3A_537 {add = true, strides = array<i32>} : memref<100x128xf32, #tpu.memory_space<vmem>>, vector<1x16xf32>,
      %mul3A_538 = arith.constant 4 : i32
      %mul3A_539 = arith.muli %mul3A_538, %scan3A_254 : i32
      %add3A_540 = arith.constant 3 : i32
      %add3A_541 = arith.addi %mul3A_539, %add3A_540 : i32
      %mul3A_542 = arith.constant 4 : i32
      %mul3A_543 = arith.muli %mul3A_542, %scan3A_254 : i32
      %add3A_544 = arith.constant 0 : i32
      %add3A_545 = arith.addi %add3A_544, %mul3A_543 : i32
      %add3A_546 = arith.constant 3 : i32
      %add3A_547 = arith.addi %add3A_545, %add3A_546 : i32
      %get3A_548 = arith.index_cast %add3A_547 : i32 to index
      %get3A_549 = arith.constant 48 : index
      %get3A_550 = tpu.vector_load %arg7[%get3A_548, %get3A_549] {strides = array<i32>} : memref<200x64xf32, #tpu.memory_space<vmem>>, vector<1x16xf32>,
      %get3A_551 = vector.shape_cast %get3A_550 : vector<1x16xf32> to vector<16xf32>
      %swap3A_552 = arith.index_cast %add3A_541 : i32 to index
      %swap3A_553 = arith.constant 48 : index
      %swap3A_554 = tpu.vector_load %arg10[%swap3A_552, %swap3A_553] {strides = array<i32>} : memref<100x128xf32, #tpu.memory_space<vmem>>, vector<1x16xf32>,
      %swap3A_555 = vector.shape_cast %swap3A_554 : vector<1x16xf32> to vector<16xf32>
      %swap3A_556 = vector.shape_cast %get3A_551 : vector<16xf32> to vector<1x16xf32>
      tpu.vector_store %arg10[%swap3A_552, %swap3A_553], %swap3A_556 {add = true, strides = array<i32>} : memref<100x128xf32, #tpu.memory_space<vmem>>, vector<1x16xf32>,
    }
    %scan3A_211 = arith.constant 25 : i32
    %add3A_212 = arith.constant 25400 : i32
    %add3A_213 = arith.addi %mul3A_2, %add3A_212 : i32
    %dma_start3A_214 = arith.constant 0 : i32
    %dma_start3A_215 = tpu.memref_slice %arg5[%add3A_213, %dma_start3A_214] : memref<819200x128xf32, #tpu.memory_space<hbm>> -> memref<100x128xf32, #tpu.memory_space<hbm>>
    %dma_start3A_216 = arith.constant 0 : i32
    %dma_start3A_217 = tpu.memref_slice %arg5[%add3A_213, %dma_start3A_216] : memref<819200x128xf32, #tpu.memory_space<hbm>> -> memref<100x128xf32, #tpu.memory_space<hbm>>
    tpu.enqueue_dma source(%arg10 : memref<100x128xf32, #tpu.memory_space<vmem>>) target(%dma_start3A_217 : memref<100x128xf32, #tpu.memory_space<hbm>>) target_semaphore(%arg18 : memref<!tpu.dma_semaphore, #tpu.memory_space<semaphore_mem>>)
    %dma_wait3A_218 = arith.constant 0 : i32
    %dma_wait3A_219 = arith.constant 0 : i32
    %dma_wait3A_220 = tpu.memref_slice %arg3[%dma_wait3A_218, %dma_wait3A_219] : memref<1000000x128xf32, #tpu.memory_space<hbm>> -> memref<100x128xf32, #tpu.memory_space<hbm>>
    %dma_wait3A_221 = arith.constant 0 : i32
    %dma_wait3A_222 = arith.constant 0 : i32
    %dma_wait3A_223 = tpu.memref_slice %arg3[%dma_wait3A_221, %dma_wait3A_222] : memref<1000000x128xf32, #tpu.memory_space<hbm>> -> memref<100x128xf32, #tpu.memory_space<hbm>>
    tpu.wait_dma2 semaphore(%arg15 : memref<!tpu.dma_semaphore, #tpu.memory_space<semaphore_mem>>) src(%dma_wait3A_223 : memref<100x128xf32, #tpu.memory_space<hbm>>) dst(%arg11 : memref<100x128xf32, #tpu.memory_space<vmem>>)
    %dma_wait3A_224 = arith.constant 0 : i32
    %dma_wait3A_225 = arith.constant 0 : i32
    %dma_wait3A_226 = tpu.memref_slice %arg5[%dma_wait3A_224, %dma_wait3A_225] : memref<819200x128xf32, #tpu.memory_space<hbm>> -> memref<100x128xf32, #tpu.memory_space<hbm>>
    %dma_wait3A_227 = arith.constant 0 : i32
    %dma_wait3A_228 = arith.constant 0 : i32
    %dma_wait3A_229 = tpu.memref_slice %arg5[%dma_wait3A_227, %dma_wait3A_228] : memref<819200x128xf32, #tpu.memory_space<hbm>> -> memref<100x128xf32, #tpu.memory_space<hbm>>
    tpu.wait_dma2 semaphore(%arg17 : memref<!tpu.dma_semaphore, #tpu.memory_space<semaphore_mem>>) src(%arg9 : memref<100x128xf32, #tpu.memory_space<vmem>>) dst(%dma_wait3A_229 : memref<100x128xf32, #tpu.memory_space<hbm>>)
    %scan3A_230 = arith.constant 0 : i32
    %scan3A_231 = arith.constant 0 : i32
    %scan3A_232 = arith.constant 25 : i32
    %scan3A_233 = arith.addi %scan3A_231, %scan3A_232 : i32
    %scan3A_234 = arith.constant 1 : i32
    scf.for %scan3A_254 = %scan3A_231 to %scan3A_233 step %scan3A_234  : i32 {
      %mul3A_255 = arith.constant 4 : i32
      %mul3A_256 = arith.muli %mul3A_255, %scan3A_254 : i32
      %add3A_257 = arith.constant 0 : i32
      %add3A_258 = arith.addi %mul3A_256, %add3A_257 : i32
      %mul3A_259 = arith.constant 4 : i32
      %mul3A_260 = arith.muli %mul3A_259, %scan3A_254 : i32
      %add3A_261 = arith.constant 100 : i32
      %add3A_262 = arith.addi %add3A_261, %mul3A_260 : i32
      %add3A_263 = arith.constant 0 : i32
      %add3A_264 = arith.addi %add3A_262, %add3A_263 : i32
      %get3A = arith.index_cast %add3A_264 : i32 to index
      %get3A_265 = arith.constant 0 : index
      %get3A_266 = tpu.vector_load %arg7[%get3A, %get3A_265] {strides = array<i32>} : memref<200x64xf32, #tpu.memory_space<vmem>>, vector<1x16xf32>,
      %get3A_267 = vector.shape_cast %get3A_266 : vector<1x16xf32> to vector<16xf32>
      %swap3A = arith.index_cast %add3A_258 : i32 to index
      %swap3A_268 = arith.constant 0 : index
      %swap3A_269 = tpu.vector_load %arg11[%swap3A, %swap3A_268] {strides = array<i32>} : memref<100x128xf32, #tpu.memory_space<vmem>>, vector<1x16xf32>,
      %swap3A_270 = vector.shape_cast %swap3A_269 : vector<1x16xf32> to vector<16xf32>
      %swap3A_271 = vector.shape_cast %get3A_267 : vector<16xf32> to vector<1x16xf32>
      tpu.vector_store %arg11[%swap3A, %swap3A_268], %swap3A_271 {add = true, strides = array<i32>} : memref<100x128xf32, #tpu.memory_space<vmem>>, vector<1x16xf32>,
      %mul3A_272 = arith.constant 4 : i32
      %mul3A_273 = arith.muli %mul3A_272, %scan3A_254 : i32
      %add3A_274 = arith.constant 0 : i32
      %add3A_275 = arith.addi %mul3A_273, %add3A_274 : i32
      %mul3A_276 = arith.constant 4 : i32
      %mul3A_277 = arith.muli %mul3A_276, %scan3A_254 : i32
      %add3A_278 = arith.constant 100 : i32
      %add3A_279 = arith.addi %add3A_278, %mul3A_277 : i32
      %add3A_280 = arith.constant 0 : i32
      %add3A_281 = arith.addi %add3A_279, %add3A_280 : i32
      %get3A_282 = arith.index_cast %add3A_281 : i32 to index
      %get3A_283 = arith.constant 16 : index
      %get3A_284 = tpu.vector_load %arg7[%get3A_282, %get3A_283] {strides = array<i32>} : memref<200x64xf32, #tpu.memory_space<vmem>>, vector<1x16xf32>,
      %get3A_285 = vector.shape_cast %get3A_284 : vector<1x16xf32> to vector<16xf32>
      %swap3A_286 = arith.index_cast %add3A_275 : i32 to index
      %swap3A_287 = arith.constant 16 : index
      %swap3A_288 = tpu.vector_load %arg11[%swap3A_286, %swap3A_287] {strides = array<i32>} : memref<100x128xf32, #tpu.memory_space<vmem>>, vector<1x16xf32>,
      %swap3A_289 = vector.shape_cast %swap3A_288 : vector<1x16xf32> to vector<16xf32>
      %swap3A_290 = vector.shape_cast %get3A_285 : vector<16xf32> to vector<1x16xf32>
      tpu.vector_store %arg11[%swap3A_286, %swap3A_287], %swap3A_290 {add = true, strides = array<i32>} : memref<100x128xf32, #tpu.memory_space<vmem>>, vector<1x16xf32>,
      %mul3A_291 = arith.constant 4 : i32
      %mul3A_292 = arith.muli %mul3A_291, %scan3A_254 : i32
      %add3A_293 = arith.constant 0 : i32
      %add3A_294 = arith.addi %mul3A_292, %add3A_293 : i32
      %mul3A_295 = arith.constant 4 : i32
      %mul3A_296 = arith.muli %mul3A_295, %scan3A_254 : i32
      %add3A_297 = arith.constant 100 : i32
      %add3A_298 = arith.addi %add3A_297, %mul3A_296 : i32
      %add3A_299 = arith.constant 0 : i32
      %add3A_300 = arith.addi %add3A_298, %add3A_299 : i32
      %get3A_301 = arith.index_cast %add3A_300 : i32 to index
      %get3A_302 = arith.constant 32 : index
      %get3A_303 = tpu.vector_load %arg7[%get3A_301, %get3A_302] {strides = array<i32>} : memref<200x64xf32, #tpu.memory_space<vmem>>, vector<1x16xf32>,
      %get3A_304 = vector.shape_cast %get3A_303 : vector<1x16xf32> to vector<16xf32>
      %swap3A_305 = arith.index_cast %add3A_294 : i32 to index
      %swap3A_306 = arith.constant 32 : index
      %swap3A_307 = tpu.vector_load %arg11[%swap3A_305, %swap3A_306] {strides = array<i32>} : memref<100x128xf32, #tpu.memory_space<vmem>>, vector<1x16xf32>,
      %swap3A_308 = vector.shape_cast %swap3A_307 : vector<1x16xf32> to vector<16xf32>
      %swap3A_309 = vector.shape_cast %get3A_304 : vector<16xf32> to vector<1x16xf32>
      tpu.vector_store %arg11[%swap3A_305, %swap3A_306], %swap3A_309 {add = true, strides = array<i32>} : memref<100x128xf32, #tpu.memory_space<vmem>>, vector<1x16xf32>,
      %mul3A_310 = arith.constant 4 : i32
      %mul3A_311 = arith.muli %mul3A_310, %scan3A_254 : i32
      %add3A_312 = arith.constant 0 : i32
      %add3A_313 = arith.addi %mul3A_311, %add3A_312 : i32
      %mul3A_314 = arith.constant 4 : i32
      %mul3A_315 = arith.muli %mul3A_314, %scan3A_254 : i32
      %add3A_316 = arith.constant 100 : i32
      %add3A_317 = arith.addi %add3A_316, %mul3A_315 : i32
      %add3A_318 = arith.constant 0 : i32
      %add3A_319 = arith.addi %add3A_317, %add3A_318 : i32
      %get3A_320 = arith.index_cast %add3A_319 : i32 to index
      %get3A_321 = arith.constant 48 : index
      %get3A_322 = tpu.vector_load %arg7[%get3A_320, %get3A_321] {strides = array<i32>} : memref<200x64xf32, #tpu.memory_space<vmem>>, vector<1x16xf32>,
      %get3A_323 = vector.shape_cast %get3A_322 : vector<1x16xf32> to vector<16xf32>
      %swap3A_324 = arith.index_cast %add3A_313 : i32 to index
      %swap3A_325 = arith.constant 48 : index
      %swap3A_326 = tpu.vector_load %arg11[%swap3A_324, %swap3A_325] {strides = array<i32>} : memref<100x128xf32, #tpu.memory_space<vmem>>, vector<1x16xf32>,
      %swap3A_327 = vector.shape_cast %swap3A_326 : vector<1x16xf32> to vector<16xf32>
      %swap3A_328 = vector.shape_cast %get3A_323 : vector<16xf32> to vector<1x16xf32>
      tpu.vector_store %arg11[%swap3A_324, %swap3A_325], %swap3A_328 {add = true, strides = array<i32>} : memref<100x128xf32, #tpu.memory_space<vmem>>, vector<1x16xf32>,
      %mul3A_329 = arith.constant 4 : i32
      %mul3A_330 = arith.muli %mul3A_329, %scan3A_254 : i32
      %add3A_331 = arith.constant 1 : i32
      %add3A_332 = arith.addi %mul3A_330, %add3A_331 : i32
      %mul3A_333 = arith.constant 4 : i32
      %mul3A_334 = arith.muli %mul3A_333, %scan3A_254 : i32
      %add3A_335 = arith.constant 100 : i32
      %add3A_336 = arith.addi %add3A_335, %mul3A_334 : i32
      %add3A_337 = arith.constant 1 : i32
      %add3A_338 = arith.addi %add3A_336, %add3A_337 : i32
      %get3A_339 = arith.index_cast %add3A_338 : i32 to index
      %get3A_340 = arith.constant 0 : index
      %get3A_341 = tpu.vector_load %arg7[%get3A_339, %get3A_340] {strides = array<i32>} : memref<200x64xf32, #tpu.memory_space<vmem>>, vector<1x16xf32>,
      %get3A_342 = vector.shape_cast %get3A_341 : vector<1x16xf32> to vector<16xf32>
      %swap3A_343 = arith.index_cast %add3A_332 : i32 to index
      %swap3A_344 = arith.constant 0 : index
      %swap3A_345 = tpu.vector_load %arg11[%swap3A_343, %swap3A_344] {strides = array<i32>} : memref<100x128xf32, #tpu.memory_space<vmem>>, vector<1x16xf32>,
      %swap3A_346 = vector.shape_cast %swap3A_345 : vector<1x16xf32> to vector<16xf32>
      %swap3A_347 = vector.shape_cast %get3A_342 : vector<16xf32> to vector<1x16xf32>
      tpu.vector_store %arg11[%swap3A_343, %swap3A_344], %swap3A_347 {add = true, strides = array<i32>} : memref<100x128xf32, #tpu.memory_space<vmem>>, vector<1x16xf32>,
      %mul3A_348 = arith.constant 4 : i32
      %mul3A_349 = arith.muli %mul3A_348, %scan3A_254 : i32
      %add3A_350 = arith.constant 1 : i32
      %add3A_351 = arith.addi %mul3A_349, %add3A_350 : i32
      %mul3A_352 = arith.constant 4 : i32
      %mul3A_353 = arith.muli %mul3A_352, %scan3A_254 : i32
      %add3A_354 = arith.constant 100 : i32
      %add3A_355 = arith.addi %add3A_354, %mul3A_353 : i32
      %add3A_356 = arith.constant 1 : i32
      %add3A_357 = arith.addi %add3A_355, %add3A_356 : i32
      %get3A_358 = arith.index_cast %add3A_357 : i32 to index
      %get3A_359 = arith.constant 16 : index
      %get3A_360 = tpu.vector_load %arg7[%get3A_358, %get3A_359] {strides = array<i32>} : memref<200x64xf32, #tpu.memory_space<vmem>>, vector<1x16xf32>,
      %get3A_361 = vector.shape_cast %get3A_360 : vector<1x16xf32> to vector<16xf32>
      %swap3A_362 = arith.index_cast %add3A_351 : i32 to index
      %swap3A_363 = arith.constant 16 : index
      %swap3A_364 = tpu.vector_load %arg11[%swap3A_362, %swap3A_363] {strides = array<i32>} : memref<100x128xf32, #tpu.memory_space<vmem>>, vector<1x16xf32>,
      %swap3A_365 = vector.shape_cast %swap3A_364 : vector<1x16xf32> to vector<16xf32>
      %swap3A_366 = vector.shape_cast %get3A_361 : vector<16xf32> to vector<1x16xf32>
      tpu.vector_store %arg11[%swap3A_362, %swap3A_363], %swap3A_366 {add = true, strides = array<i32>} : memref<100x128xf32, #tpu.memory_space<vmem>>, vector<1x16xf32>,
      %mul3A_367 = arith.constant 4 : i32
      %mul3A_368 = arith.muli %mul3A_367, %scan3A_254 : i32
      %add3A_369 = arith.constant 1 : i32
      %add3A_370 = arith.addi %mul3A_368, %add3A_369 : i32
      %mul3A_371 = arith.constant 4 : i32
      %mul3A_372 = arith.muli %mul3A_371, %scan3A_254 : i32
      %add3A_373 = arith.constant 100 : i32
      %add3A_374 = arith.addi %add3A_373, %mul3A_372 : i32
      %add3A_375 = arith.constant 1 : i32
      %add3A_376 = arith.addi %add3A_374, %add3A_375 : i32
      %get3A_377 = arith.index_cast %add3A_376 : i32 to index
      %get3A_378 = arith.constant 32 : index
      %get3A_379 = tpu.vector_load %arg7[%get3A_377, %get3A_378] {strides = array<i32>} : memref<200x64xf32, #tpu.memory_space<vmem>>, vector<1x16xf32>,
      %get3A_380 = vector.shape_cast %get3A_379 : vector<1x16xf32> to vector<16xf32>
      %swap3A_381 = arith.index_cast %add3A_370 : i32 to index
      %swap3A_382 = arith.constant 32 : index
      %swap3A_383 = tpu.vector_load %arg11[%swap3A_381, %swap3A_382] {strides = array<i32>} : memref<100x128xf32, #tpu.memory_space<vmem>>, vector<1x16xf32>,
      %swap3A_384 = vector.shape_cast %swap3A_383 : vector<1x16xf32> to vector<16xf32>
      %swap3A_385 = vector.shape_cast %get3A_380 : vector<16xf32> to vector<1x16xf32>
      tpu.vector_store %arg11[%swap3A_381, %swap3A_382], %swap3A_385 {add = true, strides = array<i32>} : memref<100x128xf32, #tpu.memory_space<vmem>>, vector<1x16xf32>,
      %mul3A_386 = arith.constant 4 : i32
      %mul3A_387 = arith.muli %mul3A_386, %scan3A_254 : i32
      %add3A_388 = arith.constant 1 : i32
      %add3A_389 = arith.addi %mul3A_387, %add3A_388 : i32
      %mul3A_390 = arith.constant 4 : i32
      %mul3A_391 = arith.muli %mul3A_390, %scan3A_254 : i32
      %add3A_392 = arith.constant 100 : i32
      %add3A_393 = arith.addi %add3A_392, %mul3A_391 : i32
      %add3A_394 = arith.constant 1 : i32
      %add3A_395 = arith.addi %add3A_393, %add3A_394 : i32
      %get3A_396 = arith.index_cast %add3A_395 : i32 to index
      %get3A_397 = arith.constant 48 : index
      %get3A_398 = tpu.vector_load %arg7[%get3A_396, %get3A_397] {strides = array<i32>} : memref<200x64xf32, #tpu.memory_space<vmem>>, vector<1x16xf32>,
      %get3A_399 = vector.shape_cast %get3A_398 : vector<1x16xf32> to vector<16xf32>
      %swap3A_400 = arith.index_cast %add3A_389 : i32 to index
      %swap3A_401 = arith.constant 48 : index
      %swap3A_402 = tpu.vector_load %arg11[%swap3A_400, %swap3A_401] {strides = array<i32>} : memref<100x128xf32, #tpu.memory_space<vmem>>, vector<1x16xf32>,
      %swap3A_403 = vector.shape_cast %swap3A_402 : vector<1x16xf32> to vector<16xf32>
      %swap3A_404 = vector.shape_cast %get3A_399 : vector<16xf32> to vector<1x16xf32>
      tpu.vector_store %arg11[%swap3A_400, %swap3A_401], %swap3A_404 {add = true, strides = array<i32>} : memref<100x128xf32, #tpu.memory_space<vmem>>, vector<1x16xf32>,
      %mul3A_405 = arith.constant 4 : i32
      %mul3A_406 = arith.muli %mul3A_405, %scan3A_254 : i32
      %add3A_407 = arith.constant 2 : i32
      %add3A_408 = arith.addi %mul3A_406, %add3A_407 : i32
      %mul3A_409 = arith.constant 4 : i32
      %mul3A_410 = arith.muli %mul3A_409, %scan3A_254 : i32
      %add3A_411 = arith.constant 100 : i32
      %add3A_412 = arith.addi %add3A_411, %mul3A_410 : i32
      %add3A_413 = arith.constant 2 : i32
      %add3A_414 = arith.addi %add3A_412, %add3A_413 : i32
      %get3A_415 = arith.index_cast %add3A_414 : i32 to index
      %get3A_416 = arith.constant 0 : index
      %get3A_417 = tpu.vector_load %arg7[%get3A_415, %get3A_416] {strides = array<i32>} : memref<200x64xf32, #tpu.memory_space<vmem>>, vector<1x16xf32>,
      %get3A_418 = vector.shape_cast %get3A_417 : vector<1x16xf32> to vector<16xf32>
      %swap3A_419 = arith.index_cast %add3A_408 : i32 to index
      %swap3A_420 = arith.constant 0 : index
      %swap3A_421 = tpu.vector_load %arg11[%swap3A_419, %swap3A_420] {strides = array<i32>} : memref<100x128xf32, #tpu.memory_space<vmem>>, vector<1x16xf32>,
      %swap3A_422 = vector.shape_cast %swap3A_421 : vector<1x16xf32> to vector<16xf32>
      %swap3A_423 = vector.shape_cast %get3A_418 : vector<16xf32> to vector<1x16xf32>
      tpu.vector_store %arg11[%swap3A_419, %swap3A_420], %swap3A_423 {add = true, strides = array<i32>} : memref<100x128xf32, #tpu.memory_space<vmem>>, vector<1x16xf32>,
      %mul3A_424 = arith.constant 4 : i32
      %mul3A_425 = arith.muli %mul3A_424, %scan3A_254 : i32
      %add3A_426 = arith.constant 2 : i32
      %add3A_427 = arith.addi %mul3A_425, %add3A_426 : i32
      %mul3A_428 = arith.constant 4 : i32
      %mul3A_429 = arith.muli %mul3A_428, %scan3A_254 : i32
      %add3A_430 = arith.constant 100 : i32
      %add3A_431 = arith.addi %add3A_430, %mul3A_429 : i32
      %add3A_432 = arith.constant 2 : i32
      %add3A_433 = arith.addi %add3A_431, %add3A_432 : i32
      %get3A_434 = arith.index_cast %add3A_433 : i32 to index
      %get3A_435 = arith.constant 16 : index
      %get3A_436 = tpu.vector_load %arg7[%get3A_434, %get3A_435] {strides = array<i32>} : memref<200x64xf32, #tpu.memory_space<vmem>>, vector<1x16xf32>,
      %get3A_437 = vector.shape_cast %get3A_436 : vector<1x16xf32> to vector<16xf32>
      %swap3A_438 = arith.index_cast %add3A_427 : i32 to index
      %swap3A_439 = arith.constant 16 : index
      %swap3A_440 = tpu.vector_load %arg11[%swap3A_438, %swap3A_439] {strides = array<i32>} : memref<100x128xf32, #tpu.memory_space<vmem>>, vector<1x16xf32>,
      %swap3A_441 = vector.shape_cast %swap3A_440 : vector<1x16xf32> to vector<16xf32>
      %swap3A_442 = vector.shape_cast %get3A_437 : vector<16xf32> to vector<1x16xf32>
      tpu.vector_store %arg11[%swap3A_438, %swap3A_439], %swap3A_442 {add = true, strides = array<i32>} : memref<100x128xf32, #tpu.memory_space<vmem>>, vector<1x16xf32>,
      %mul3A_443 = arith.constant 4 : i32
      %mul3A_444 = arith.muli %mul3A_443, %scan3A_254 : i32
      %add3A_445 = arith.constant 2 : i32
      %add3A_446 = arith.addi %mul3A_444, %add3A_445 : i32
      %mul3A_447 = arith.constant 4 : i32
      %mul3A_448 = arith.muli %mul3A_447, %scan3A_254 : i32
      %add3A_449 = arith.constant 100 : i32
      %add3A_450 = arith.addi %add3A_449, %mul3A_448 : i32
      %add3A_451 = arith.constant 2 : i32
      %add3A_452 = arith.addi %add3A_450, %add3A_451 : i32
      %get3A_453 = arith.index_cast %add3A_452 : i32 to index
      %get3A_454 = arith.constant 32 : index
      %get3A_455 = tpu.vector_load %arg7[%get3A_453, %get3A_454] {strides = array<i32>} : memref<200x64xf32, #tpu.memory_space<vmem>>, vector<1x16xf32>,
      %get3A_456 = vector.shape_cast %get3A_455 : vector<1x16xf32> to vector<16xf32>
      %swap3A_457 = arith.index_cast %add3A_446 : i32 to index
      %swap3A_458 = arith.constant 32 : index
      %swap3A_459 = tpu.vector_load %arg11[%swap3A_457, %swap3A_458] {strides = array<i32>} : memref<100x128xf32, #tpu.memory_space<vmem>>, vector<1x16xf32>,
      %swap3A_460 = vector.shape_cast %swap3A_459 : vector<1x16xf32> to vector<16xf32>
      %swap3A_461 = vector.shape_cast %get3A_456 : vector<16xf32> to vector<1x16xf32>
      tpu.vector_store %arg11[%swap3A_457, %swap3A_458], %swap3A_461 {add = true, strides = array<i32>} : memref<100x128xf32, #tpu.memory_space<vmem>>, vector<1x16xf32>,
      %mul3A_462 = arith.constant 4 : i32
      %mul3A_463 = arith.muli %mul3A_462, %scan3A_254 : i32
      %add3A_464 = arith.constant 2 : i32
      %add3A_465 = arith.addi %mul3A_463, %add3A_464 : i32
      %mul3A_466 = arith.constant 4 : i32
      %mul3A_467 = arith.muli %mul3A_466, %scan3A_254 : i32
      %add3A_468 = arith.constant 100 : i32
      %add3A_469 = arith.addi %add3A_468, %mul3A_467 : i32
      %add3A_470 = arith.constant 2 : i32
      %add3A_471 = arith.addi %add3A_469, %add3A_470 : i32
      %get3A_472 = arith.index_cast %add3A_471 : i32 to index
      %get3A_473 = arith.constant 48 : index
      %get3A_474 = tpu.vector_load %arg7[%get3A_472, %get3A_473] {strides = array<i32>} : memref<200x64xf32, #tpu.memory_space<vmem>>, vector<1x16xf32>,
      %get3A_475 = vector.shape_cast %get3A_474 : vector<1x16xf32> to vector<16xf32>
      %swap3A_476 = arith.index_cast %add3A_465 : i32 to index
      %swap3A_477 = arith.constant 48 : index
      %swap3A_478 = tpu.vector_load %arg11[%swap3A_476, %swap3A_477] {strides = array<i32>} : memref<100x128xf32, #tpu.memory_space<vmem>>, vector<1x16xf32>,
      %swap3A_479 = vector.shape_cast %swap3A_478 : vector<1x16xf32> to vector<16xf32>
      %swap3A_480 = vector.shape_cast %get3A_475 : vector<16xf32> to vector<1x16xf32>
      tpu.vector_store %arg11[%swap3A_476, %swap3A_477], %swap3A_480 {add = true, strides = array<i32>} : memref<100x128xf32, #tpu.memory_space<vmem>>, vector<1x16xf32>,
      %mul3A_481 = arith.constant 4 : i32
      %mul3A_482 = arith.muli %mul3A_481, %scan3A_254 : i32
      %add3A_483 = arith.constant 3 : i32
      %add3A_484 = arith.addi %mul3A_482, %add3A_483 : i32
      %mul3A_485 = arith.constant 4 : i32
      %mul3A_486 = arith.muli %mul3A_485, %scan3A_254 : i32
      %add3A_487 = arith.constant 100 : i32
      %add3A_488 = arith.addi %add3A_487, %mul3A_486 : i32
      %add3A_489 = arith.constant 3 : i32
      %add3A_490 = arith.addi %add3A_488, %add3A_489 : i32
      %get3A_491 = arith.index_cast %add3A_490 : i32 to index
      %get3A_492 = arith.constant 0 : index
      %get3A_493 = tpu.vector_load %arg7[%get3A_491, %get3A_492] {strides = array<i32>} : memref<200x64xf32, #tpu.memory_space<vmem>>, vector<1x16xf32>,
      %get3A_494 = vector.shape_cast %get3A_493 : vector<1x16xf32> to vector<16xf32>
      %swap3A_495 = arith.index_cast %add3A_484 : i32 to index
      %swap3A_496 = arith.constant 0 : index
      %swap3A_497 = tpu.vector_load %arg11[%swap3A_495, %swap3A_496] {strides = array<i32>} : memref<100x128xf32, #tpu.memory_space<vmem>>, vector<1x16xf32>,
      %swap3A_498 = vector.shape_cast %swap3A_497 : vector<1x16xf32> to vector<16xf32>
      %swap3A_499 = vector.shape_cast %get3A_494 : vector<16xf32> to vector<1x16xf32>
      tpu.vector_store %arg11[%swap3A_495, %swap3A_496], %swap3A_499 {add = true, strides = array<i32>} : memref<100x128xf32, #tpu.memory_space<vmem>>, vector<1x16xf32>,
      %mul3A_500 = arith.constant 4 : i32
      %mul3A_501 = arith.muli %mul3A_500, %scan3A_254 : i32
      %add3A_502 = arith.constant 3 : i32
      %add3A_503 = arith.addi %mul3A_501, %add3A_502 : i32
      %mul3A_504 = arith.constant 4 : i32
      %mul3A_505 = arith.muli %mul3A_504, %scan3A_254 : i32
      %add3A_506 = arith.constant 100 : i32
      %add3A_507 = arith.addi %add3A_506, %mul3A_505 : i32
      %add3A_508 = arith.constant 3 : i32
      %add3A_509 = arith.addi %add3A_507, %add3A_508 : i32
      %get3A_510 = arith.index_cast %add3A_509 : i32 to index
      %get3A_511 = arith.constant 16 : index
      %get3A_512 = tpu.vector_load %arg7[%get3A_510, %get3A_511] {strides = array<i32>} : memref<200x64xf32, #tpu.memory_space<vmem>>, vector<1x16xf32>,
      %get3A_513 = vector.shape_cast %get3A_512 : vector<1x16xf32> to vector<16xf32>
      %swap3A_514 = arith.index_cast %add3A_503 : i32 to index
      %swap3A_515 = arith.constant 16 : index
      %swap3A_516 = tpu.vector_load %arg11[%swap3A_514, %swap3A_515] {strides = array<i32>} : memref<100x128xf32, #tpu.memory_space<vmem>>, vector<1x16xf32>,
      %swap3A_517 = vector.shape_cast %swap3A_516 : vector<1x16xf32> to vector<16xf32>
      %swap3A_518 = vector.shape_cast %get3A_513 : vector<16xf32> to vector<1x16xf32>
      tpu.vector_store %arg11[%swap3A_514, %swap3A_515], %swap3A_518 {add = true, strides = array<i32>} : memref<100x128xf32, #tpu.memory_space<vmem>>, vector<1x16xf32>,
      %mul3A_519 = arith.constant 4 : i32
      %mul3A_520 = arith.muli %mul3A_519, %scan3A_254 : i32
      %add3A_521 = arith.constant 3 : i32
      %add3A_522 = arith.addi %mul3A_520, %add3A_521 : i32
      %mul3A_523 = arith.constant 4 : i32
      %mul3A_524 = arith.muli %mul3A_523, %scan3A_254 : i32
      %add3A_525 = arith.constant 100 : i32
      %add3A_526 = arith.addi %add3A_525, %mul3A_524 : i32
      %add3A_527 = arith.constant 3 : i32
      %add3A_528 = arith.addi %add3A_526, %add3A_527 : i32
      %get3A_529 = arith.index_cast %add3A_528 : i32 to index
      %get3A_530 = arith.constant 32 : index
      %get3A_531 = tpu.vector_load %arg7[%get3A_529, %get3A_530] {strides = array<i32>} : memref<200x64xf32, #tpu.memory_space<vmem>>, vector<1x16xf32>,
      %get3A_532 = vector.shape_cast %get3A_531 : vector<1x16xf32> to vector<16xf32>
      %swap3A_533 = arith.index_cast %add3A_522 : i32 to index
      %swap3A_534 = arith.constant 32 : index
      %swap3A_535 = tpu.vector_load %arg11[%swap3A_533, %swap3A_534] {strides = array<i32>} : memref<100x128xf32, #tpu.memory_space<vmem>>, vector<1x16xf32>,
      %swap3A_536 = vector.shape_cast %swap3A_535 : vector<1x16xf32> to vector<16xf32>
      %swap3A_537 = vector.shape_cast %get3A_532 : vector<16xf32> to vector<1x16xf32>
      tpu.vector_store %arg11[%swap3A_533, %swap3A_534], %swap3A_537 {add = true, strides = array<i32>} : memref<100x128xf32, #tpu.memory_space<vmem>>, vector<1x16xf32>,
      %mul3A_538 = arith.constant 4 : i32
      %mul3A_539 = arith.muli %mul3A_538, %scan3A_254 : i32
      %add3A_540 = arith.constant 3 : i32
      %add3A_541 = arith.addi %mul3A_539, %add3A_540 : i32
      %mul3A_542 = arith.constant 4 : i32
      %mul3A_543 = arith.muli %mul3A_542, %scan3A_254 : i32
      %add3A_544 = arith.constant 100 : i32
      %add3A_545 = arith.addi %add3A_544, %mul3A_543 : i32
      %add3A_546 = arith.constant 3 : i32
      %add3A_547 = arith.addi %add3A_545, %add3A_546 : i32
      %get3A_548 = arith.index_cast %add3A_547 : i32 to index
      %get3A_549 = arith.constant 48 : index
      %get3A_550 = tpu.vector_load %arg7[%get3A_548, %get3A_549] {strides = array<i32>} : memref<200x64xf32, #tpu.memory_space<vmem>>, vector<1x16xf32>,
      %get3A_551 = vector.shape_cast %get3A_550 : vector<1x16xf32> to vector<16xf32>
      %swap3A_552 = arith.index_cast %add3A_541 : i32 to index
      %swap3A_553 = arith.constant 48 : index
      %swap3A_554 = tpu.vector_load %arg11[%swap3A_552, %swap3A_553] {strides = array<i32>} : memref<100x128xf32, #tpu.memory_space<vmem>>, vector<1x16xf32>,
      %swap3A_555 = vector.shape_cast %swap3A_554 : vector<1x16xf32> to vector<16xf32>
      %swap3A_556 = vector.shape_cast %get3A_551 : vector<16xf32> to vector<1x16xf32>
      tpu.vector_store %arg11[%swap3A_552, %swap3A_553], %swap3A_556 {add = true, strides = array<i32>} : memref<100x128xf32, #tpu.memory_space<vmem>>, vector<1x16xf32>,
    }
    %scan3A_235 = arith.constant 25 : i32
    %add3A_236 = arith.constant 25500 : i32
    %add3A_237 = arith.addi %mul3A_2, %add3A_236 : i32
    %dma_start3A_238 = arith.constant 0 : i32
    %dma_start3A_239 = tpu.memref_slice %arg5[%add3A_237, %dma_start3A_238] : memref<819200x128xf32, #tpu.memory_space<hbm>> -> memref<100x128xf32, #tpu.memory_space<hbm>>
    %dma_start3A_240 = arith.constant 0 : i32
    %dma_start3A_241 = tpu.memref_slice %arg5[%add3A_237, %dma_start3A_240] : memref<819200x128xf32, #tpu.memory_space<hbm>> -> memref<100x128xf32, #tpu.memory_space<hbm>>
    tpu.enqueue_dma source(%arg11 : memref<100x128xf32, #tpu.memory_space<vmem>>) target(%dma_start3A_241 : memref<100x128xf32, #tpu.memory_space<hbm>>) target_semaphore(%arg19 : memref<!tpu.dma_semaphore, #tpu.memory_space<semaphore_mem>>)
    %dma_wait3A_242 = arith.constant 0 : i32
    %dma_wait3A_243 = arith.constant 0 : i32
    %dma_wait3A_244 = tpu.memref_slice %arg5[%dma_wait3A_242, %dma_wait3A_243] : memref<819200x128xf32, #tpu.memory_space<hbm>> -> memref<100x128xf32, #tpu.memory_space<hbm>>
    %dma_wait3A_245 = arith.constant 0 : i32
    %dma_wait3A_246 = arith.constant 0 : i32
    %dma_wait3A_247 = tpu.memref_slice %arg5[%dma_wait3A_245, %dma_wait3A_246] : memref<819200x128xf32, #tpu.memory_space<hbm>> -> memref<100x128xf32, #tpu.memory_space<hbm>>
    tpu.wait_dma2 semaphore(%arg18 : memref<!tpu.dma_semaphore, #tpu.memory_space<semaphore_mem>>) src(%arg10 : memref<100x128xf32, #tpu.memory_space<vmem>>) dst(%dma_wait3A_247 : memref<100x128xf32, #tpu.memory_space<hbm>>)
    %dma_wait3A_248 = arith.constant 0 : i32
    %dma_wait3A_249 = arith.constant 0 : i32
    %dma_wait3A_250 = tpu.memref_slice %arg5[%dma_wait3A_248, %dma_wait3A_249] : memref<819200x128xf32, #tpu.memory_space<hbm>> -> memref<100x128xf32, #tpu.memory_space<hbm>>
    %dma_wait3A_251 = arith.constant 0 : i32
    %dma_wait3A_252 = arith.constant 0 : i32
    %dma_wait3A_253 = tpu.memref_slice %arg5[%dma_wait3A_251, %dma_wait3A_252] : memref<819200x128xf32, #tpu.memory_space<hbm>> -> memref<100x128xf32, #tpu.memory_space<hbm>>
    tpu.wait_dma2 semaphore(%arg19 : memref<!tpu.dma_semaphore, #tpu.memory_space<semaphore_mem>>) src(%arg11 : memref<100x128xf32, #tpu.memory_space<vmem>>) dst(%dma_wait3A_253 : memref<100x128xf32, #tpu.memory_space<hbm>>)
    return
  }
}

</mosaic_0001>

<sc_bundles>
// kernel: kernel.3.cloned.1.call-start
scs
__scs_entry_jumppad:
0x0: {  	(pc) =	sbr.rel $0x88, $3  }
0x1: {  	(tag) =	ssettag $0x0;
	lr =	simm.s32 $0x1  }
0x2: {  	[smem:$0x3F9E] =	sst lr;
	_ =	strace $0xD0000000  }
0x3: {  	_ = 	snop  }
0x4: {  	_ = 	snop  }
0x5: {  	_ = 	snop  }
0x6: {  	_ = 	snop  }
0x7: {  	_ = 	snop  }
__scs_overlays_trampoline_lowered:
0x8: {  	[smem:$0x3FAD] =	sst s0  }
0x9: {  	[smem:$0x3FAE] =	sst s1  }
0xa: {  	[smem:$0x3FAF] =	sst s2  }
0xb: {  	[smem:$0x3FB0] =	sst s3  }
0xc: {  	[smem:$0x3FB1] =	sst s4  }
0xd: {  	[smem:$0x3FB2] =	sst s5  }
0xe: {  	[smem:$0x3FB3] =	sst s6  }
0xf: {  	[smem:$0x3FB4] =	sst s7  }
0x10: {  	[smem:$0x3FB5] =	sst s8  }
0x11: {  	[smem:$0x3FB6] =	sst s9;
	s0 =	simm.s32 @!p0 $0x0  }
0x12: {  	s1 =	sld [smem:$0x3F9C];
	s0 =	simm.s32 @p0 $0x1  }
0x13: {  	[smem:$0x3FB7] =	sst s0;
	s0 =	simm.s32 @!p1 $0x0  }
0x14: {  	s2 =	sld [smem:$0x3F9B];
	s0 =	simm.s32 @p1 $0x1  }
0x15: {  	[smem:$0x3FB8] =	sst s0;
	s0 =	simm.s32 @!p2 $0x0  }
0x16: {  	s3 =	sld [smem:$0x3FDB];
	s0 =	simm.s32 @p2 $0x1  }
0x17: {  	s4 =	simm.s32 $0x1BF5;
	[smem:$0x3FBA] =	sst s0  }
0x18: {  	s0 =	sld [smem:$0x3F9D];
	_ =	swait.ge [sflag:s4], $0x0  }
0x19: {  	s7 =	sld [smem:$0x3F9E]  }
0x1a: {  	s8 =	sadd.s32 $0xFFFFE003, lr  }
0x1b: {  	s9 =	sadd.s32 $0xFFFFFEF7, lr;
	s5 =	simm.s32 $0xFFFFFFFF;
	p2 =	slt.u32 s8, $0xFFFFF086  }
0x1c: {  	p1 =	slt.u32 s9, $0xF7A;
	s5 =	simm.s32 @!p2 $0x0  }
0x1d: {  	s5 =	simm.s32 @p1 $0x1;
	p0 =	seq.s32 s7, s2  }
0x1e: {  	s7 =	smul.u32 @!p0 $0xF7A, s2;
	p2 =	seq.s32 @!p0 s5, $0x0  }
0x1f: {  	s9 =	smul.u32 $0xF7A, s1;
	s8 =	simm.s32 @!p0 $0x1BF5;
	p2 =	por !p2, p0  }
0x20: {  	[sflag:s8] =	ssyncset.s32 @!p0 $0xFFFFF086;
	s6 =	sadd.s32 @!p0 s3, s7;
	s7 =	simm.s32 @!p0 $0x108  }
0x21: {  	s3 =	sadd.s32 s3, s9;
	s6 =	sadd.s32 @!p0 $0x88, s6;
	s7 =	simm.s32 @p2 $0x1082  }
0x22: {  	[simem:s7], [sflag:s8] =	dma.local @!p0 [hbm:s6], $0xF7A  }
0x23: {  	s9 =	sor.u32 $0xD0000000, s2;
	s6 =	simm.s32 $0x108;
	_ =	swait.ge @!p0 [sflag:s8], $0x0  }
0x24: {  	s3 =	sadd.s32 $0x88, s3;
	s6 =	simm.s32 @!p1 $0x1082;
	[sflag:s4] =	ssyncset.s32 $0xFFFFF086  }
0x25: {  	[simem:s6], [sflag:s4] =	dma.local [hbm:s3], $0xF7A  }
0x26: {  	[smem:$0x3F9E] =	sst s1;
	(tag) =	ssettag s2;
	_ =	strace s9  }
0x27: {  	s1 =	sld [smem:$0x3FAE]  }
0x28: {  	s2 =	sld [smem:$0x3FAF]  }
0x29: {  	s4 =	sld [smem:$0x3FB1]  }
0x2a: {  	p0 =	seq.s32 s5, $0x0;
	s5 =	sld [smem:$0x3FB2]  }
0x2b: {  	s6 =	sld [smem:$0x3FB3]  }
0x2c: {  	s7 =	sld [smem:$0x3FB4]  }
0x2d: {  	s3 =	simm.s32 $0x108;
	s8 =	sld [smem:$0x3FB5]  }
0x2e: {  	s3 =	simm.s32 @!p0 $0x1082;
	s9 =	sld [smem:$0x3FB6]  }
0x2f: {  	lr =	sadd.s32 s0, s3;
	s0 =	sld [smem:$0x3FAD]  }
0x30: {  	s3 =	sld [smem:$0x3FB0]  }
0x31: {  	[smem:$0x3FB9] =	sst s10  }
0x32: {  	s10 =	sld [smem:$0x3FB7];
	_ =	sdelay $0x3  }
0x33: {  	p0 =	seq.s32 s10, $0x1;
	s10 =	sld [smem:$0x3FB9];
	_ =	sdelay $0x3  }
0x34: {  	[smem:$0x3FB9] =	sst s10  }
0x35: {  	s10 =	sld [smem:$0x3FB8];
	_ =	sdelay $0x3  }
0x36: {  	p1 =	seq.s32 s10, $0x1;
	s10 =	sld [smem:$0x3FB9];
	_ =	sdelay $0x3  }
0x37: {  	[smem:$0x3FB9] =	sst s10  }
0x38: {  	s10 =	sld [smem:$0x3FBA]  }
0x39: {  	_ = 	snop;
	(pc) =	sbr.ind lr, $3  }
0x3a: {  	_ = 	snop  }
0x3b: {  	_ = 	snop  }
0x3c: {  	p2 =	seq.s32 s10, $0x1;
	s10 =	sld [smem:$0x3FB9]  }
0x3d: {  	_ =	shalt  }
0x3e: {  	_ =	shalt  }
0x3f: {  	_ =	shalt  }
0x40: {  	_ =	shalt  }
0x41: {  	_ =	shalt  }
0x42: {  	_ =	shalt  }
0x43: {  	_ =	shalt  }
0x44: {  	_ =	shalt  }
0x45: {  	_ =	shalt  }
0x46: {  	_ =	shalt  }
0x47: {  	_ =	shalt  }
0x48: {  	_ =	shalt  }
0x49: {  	_ =	shalt  }
0x4a: {  	_ =	shalt  }
0x4b: {  	_ =	shalt  }
0x4c: {  	_ =	shalt  }
0x4d: {  	_ =	shalt  }
0x4e: {  	_ =	shalt  }
0x4f: {  	_ =	shalt  }
0x50: {  	_ =	shalt  }
0x51: {  	_ =	shalt  }
0x52: {  	_ =	shalt  }
0x53: {  	_ =	shalt  }
0x54: {  	_ =	shalt  }
0x55: {  	_ =	shalt  }
0x56: {  	_ =	shalt  }
0x57: {  	_ =	shalt  }
0x58: {  	_ =	shalt  }
0x59: {  	_ =	shalt  }
0x5a: {  	_ =	shalt  }
0x5b: {  	_ =	shalt  }
0x5c: {  	_ =	shalt  }
0x5d: {  	_ =	shalt  }
0x5e: {  	_ =	shalt  }
0x5f: {  	_ =	shalt  }
0x60: {  	_ =	shalt  }
0x61: {  	_ =	shalt  }
0x62: {  	_ =	shalt  }
0x63: {  	_ =	shalt  }
0x64: {  	_ =	shalt  }
0x65: {  	_ =	shalt  }
0x66: {  	_ =	shalt  }
0x67: {  	_ =	shalt  }
0x68: {  	_ =	shalt  }
0x69: {  	_ =	shalt  }
0x6a: {  	_ =	shalt  }
0x6b: {  	_ =	shalt  }
0x6c: {  	_ =	shalt  }
0x6d: {  	_ =	shalt  }
0x6e: {  	_ =	shalt  }
0x6f: {  	_ =	shalt  }
0x70: {  	_ =	shalt  }
0x71: {  	_ =	shalt  }
0x72: {  	_ =	shalt  }
0x73: {  	_ =	shalt  }
0x74: {  	_ =	shalt  }
0x75: {  	_ =	shalt  }
0x76: {  	_ =	shalt  }
0x77: {  	_ =	shalt  }
0x78: {  	_ =	shalt  }
0x79: {  	_ =	shalt  }
0x7a: {  	_ =	shalt  }
0x7b: {  	_ =	shalt  }
0x7c: {  	_ =	shalt  }
0x7d: {  	_ =	shalt  }
0x7e: {  	_ =	shalt  }
0x7f: {  	_ =	shalt  }
0x80: {  	_ =	shalt  }
0x81: {  	_ =	shalt  }
0x82: {  	_ =	shalt  }
0x83: {  	_ =	shalt  }
0x84: {  	_ =	shalt  }
0x85: {  	_ =	shalt  }
0x86: {  	_ =	shalt  }
0x87: {  	_ =	shalt  }
.Lfunc_end0:
.L_simem_size_0:
called_computation.1_lowered:
.L_overlay_start_0:
0x88: {  	s2 =	sld [smem:$0x3FD9]  }
0x89: {  	s3 =	sld [smem:$0x3FFE];
	_ =	sdelay $0x1  }
0x8a: {  	s1 =	srdreg.scid  }
0x8b: {  	s0 =	sand.u32 $0x1, s1  }
0x8c: {  	s17 =	sshll.u32 s0, $0xA;
	s2 =	sadd.s32 s3, s2  }
0x8d: {  	s2 =	sadd.s32 s2, s17  }
0x8e: {  	[smem:$0x3FC5] =	sst s2  }
0x8f: {  	_ = 	snop  }
0x90: {  	s2 =	sld [smem:$0x3FD0];
	(tm) =	ssettm $0x1  }
0x91: {  	s18 =	sld [smem:$0x3FFB];
	_ =	sdelay $0x3  }
0x92: {  	_ =	strace s18  }
0x93: {  	s3 =	sld [smem:$0x3FFC];
	_ =	sdelay $0x3  }
0x94: {  	_ =	strace s3  }
0x95: {  	s3 =	sld [smem:$0x3FFD];
	_ =	sdelay $0x3  }
0x96: {  	_ =	strace s3  }
0x97: {  	_ =	strace $0x8FFFFFFF  }
0x98: {  	s19 =	sld [smem:$0x3FDB];
	_ =	sdelay $0x1  }
0x99: {  	s4 =	simm.s32 $_scs_section_size  }
0x9a: {  	s5 =	simm.s32 $_size__tile_overlayer_lowered;
	s6 =	simm.s32 $_tile_overlayer_lowered  }
0x9b: {  	s22 =	simm.s32 $0x1BFF;
	s21 =	sshll.u32 s6, $0x1;
	s3 =	sadd.s32 s4, s19  }
0x9c: {  	s7 =	simm.s32 $0x0;
	s20 =	sshll.u32 s5, $0x1;
	s5 =	sadd.s32 s21, s3  }
0x9d: {  	[timem:s7], [sflag:s22] =	dma.local [hbm:s5], s20  }
0x9e: {  	_ =	swait.ge [sflag:s22], s20  }
0x9f: {  	s4 =	ssub.s32 $0x0, s20;
	[sflag:s22] =	ssyncset.done $0x0  }
0xa0: {  	[sflag:s22] =	ssyncadd.s32 s4;
	_ =	sdelay $0x1  }
0xa1: {  	s23 =	simm.s32 $0x1B8B  }
0xa2: {  	_ =	swait.ge [sflag:s23], $0x1  }
0xa3: {  	[sflag:s23] =	ssyncset.done $0x0  }
0xa4: {  	s25 =	simm.s32 $0x1B8E;
	s24 =	sld [smem:$0x3FFE];
	[sflag:s23] =	ssyncadd.s32 $0xFFFFFFFF  }
0xa5: {  	s26 =	simm.s32 $execute0_lowered;
	[smem:$0x3FD2] =	sst s25  }
0xa6: {  	s5 =	sshll.u32 s26, $0x1;
	_ =	strace $0x80000046;
	[dreg:$0x1] =	wrdreg $0xFFFFFFFF  }
0xa7: {  	s28 =	simm.s32 $_size_execute0_lowered;
	s3 =	sadd.s32 s3, s5;
	[dreg:$0x0] =	wrdreg $0x0  }
0xa8: {  	s5 =	sshll.u32 s28, $0x1;
	[dreg:$0x2] =	wrdreg s3  }
0xa9: {  	[dreg:$0x3] =	wrdreg s5  }
0xaa: {  	[dreg:$0x4] =	wrdreg $0xC0  }
0xab: {  	_ =	task [dreg:s7], $0x5FFFF  }
0xac: {  	[dreg:$0x1] =	wrdreg $0xFFFFFFFF  }
0xad: {  	[dreg:$0x0] =	wrdreg $0x60  }
0xae: {  	[dreg:$0x2] =	wrdreg s2  }
0xaf: {  	[dreg:$0x3] =	wrdreg s24  }
0xb0: {  	[dreg:$0x4] =	wrdreg $0x9  }
0xb1: {  	_ =	task.clear_ibuf [dreg:s7], $0x5FFFF;
	_ =	strace $0x90000046  }
0xb2: {  	s29 =	simm.s32 $0x9;
	_ =	strace $0x80000048  }
0xb3: {  	_ =	swait.ge [sflag:s29], $0x1  }
0xb4: {  	[sflag:s29] =	ssyncadd.s32 $0xFFFFFFFF  }
0xb5: {  	_ =	strace $0x90000048  }
0xb6: {  	_ =	sfence  }
0xb7: {  	s30 =	sld [smem:$0x0];
	_ =	sdelay $0x2  }
0xb8: {  	s31 =	sshll.u32 s1, $0xD;
	s1 =	sshrl.u32 s1, $0x2  }
0xb9: {  	s3 =	sand.u32 $0x4000, s31;
	s1 =	sadd.s32 s1, s30  }
0xba: {  	s0 =	sor.u32 s3, s0;
	s1 =	sshll.u32 s1, $0x11  }
0xbb: {  	s0 =	sor.u32 s1, s0  }
0xbc: {  	s0 =	sadd.s32 $0x8F2B, s0  }
0xbd: {  	[sflag:s0] =	ssyncadd.remote.s32 $0x1  }
0xbe: {  	_ =	sfence.sel $0xFFFF  }
0xbf: {  	[dreg:$0x0] =	wrdreg $0xFFFFFFFF;
	(pc) =	sbr.abs _section_cstart, $3  }
0xc0: {  	[dreg:$0x1] =	wrdreg $0xFFFFFFFF  }
0xc1: {  	_ =	task.clear_ibuf [dreg:s7], $0x2FFFF;
	_ =	strace $0x9FFFFFFF  }
0xc2: {  	(tm) =	ssettm $0x7FFFFFFF  }
0xc3: {  	_ =	shalt  }
tec
execute0_lowered:
.L_overlay_start_1:
0x0: {  	(tag) =	ssettag $0x1  }
0x1: {  	s0 =	rddreg [dreg:$0x0]  }
0x2: {  	s1 =	rddreg [dreg:$0x1]  }
0x3: {  	s3 =	srdreg.scid;
	s5 =	stileid.u32;
	s2 =	simm.s32 $0x0  }
0x4: {  	s28 =	simm.s32 $0x2;
	s30 =	simm.s32 $0x13000;
	s31 =	simm.s32 $0x3  }
0x5: {  	s29 =	simm.s32 $0x7;
	s4 =	sand.u32 $0x1, s3;
	s17 =	sshll.u32 s5, $0x1  }
0x6: {  	[smem:$0x7FF] =	sst s2;
	s3 =	sadd.s32 $0xF43800, s1;
	s6 =	sor.u32 s4, s17  }
0x7: {  	s18 =	sadd.s32 $0xF43000, s1;
	s5 =	sadd.s32 $0xC00, s1;
	s7 =	smul.u32 $0xD00, s6  }
0x8: {  	s1 =	simm.s32 $0x8;
	_ =	strace $0x80000047;
	s8 =	smul.u32 $0x64000, s6  }
0x9: {  	s4 =	ssub.s32 $0x2, s4;
	[dreg:$0x3] =	wrdreg s18;
	s10 =	smul.u32 $0x320000, s6  }
0xa: {  	s18 =	simm.s32 $0x9;
	s9 =	sshrl.u32 s4, $0x1;
	s6 =	smul.u32 $0x6400, s6  }
0xb: {  	s19 =	ssub.s32 s4, s9;
	s0 =	sadd.s32 s0, s7;
	s8 =	sadd.s32 s5, s8  }
0xc: {  	s20 =	sshrl.u32 s10, $0x3;
	s12 =	sor.u32 $0x64, s6;
	s17 =	smax.u32 s19, $0x1  }
0xd: {  	s19 =	simm.s32 $0x4;
	[dreg:$0x4] =	wrdreg s0;
	s21 =	sadd.s32 $0x640, s8  }
0xe: {  	s22 =	sadd.s32 $0xC80, s8;
	s0 =	sadd.s32 s5, s20;
	[dreg:$0x5] =	wrdreg s21  }
0xf: {  	s23 =	sadd.s32 $0x12C0, s8;
	s20 =	simm.s32 $0x64;
	[dreg:$0x6] =	wrdreg s22  }
0x10: {  	[dreg:$0x7] =	wrdreg s23;
	s24 =	sadd.s32 $0x62700, s0;
	s25 =	sadd.s32 $0x62D40, s0  }
0x11: {  	s26 =	sadd.s32 $0x63380, s0;
	s16 =	sadd.s32 $0x639C0, s0;
	[dreg:$0x8] =	wrdreg s24  }
0x12: {  	s21 =	simm.s32 $0x9A00;
	s23 =	simm.s32 $0xCC00;
	[dreg:$0x9] =	wrdreg s25  }
0x13: {  	s0 =	simm.s32 $0x5;
	s22 =	simm.s32 $0x6;
	[dreg:$0xa] =	wrdreg s26  }
0x14: {  	s24 =	simm.s32 $0x1;
	s26 =	simm.s32 $0xFE00;
	s25 =	simm.s32 $0x0  }
.LBB2_1:
0x15: {  	s4 =	rddreg [dreg:$0x4]  }
0x16: {  	[tilespmem:s2], [sflag:$0x9] =	stream.linear.gather [hbm4b:s4+s2], $0x6800, $0x38;
	[tilespmem:$0x16200] =	vst v63  }
0x17: {  	_ =	swait.ge [sflag:s18], $0x6800  }
0x18: {  	[sflag:s18] =	ssyncset.done $0x0  }
0x19: {  	s7 =	simm.s32 $0x6800;
	s13 =	rddreg [dreg:$0x3];
	[sflag:s18] =	ssyncadd.s32 $0xFFFF9800  }
0x1a: {  	[tilespmem:s7], [sflag:$0x9] =	stream.linear.gather [hbm4b:s13+s2], $0x3200, $0x38;
	[tilespmem:$0x16200] =	vst v63  }
0x1b: {  	_ =	swait.ge [sflag:s18], $0x3200  }
0x1c: {  	[sflag:s18] =	ssyncset.done $0x0  }
0x1d: {  	[sflag:s18] =	ssyncadd.s32 $0xFFFFCE00  }
0x1e: {  	[tilespmem:s21], [sflag:$0x1] =	stream.indirect.gather [hbm4b:s3+s20], $0x80, s2, s20, $0xb8;
	[tilespmem:$0x16200] =	vst v63  }
0x1f: {  	s14 =	simm.s32 $0x68  }
0x20: {  	[tilespmem:s23], [sflag:$0x2] =	stream.indirect.gather [hbm4b:s3+s20], $0x80, s14, s20, $0xb8;
	[tilespmem:$0x16200] =	vst v63  }
0x21: {  	_ =	swait.ge [sflag:s24], $0x3200  }
0x22: {  	[sflag:s24] =	ssyncset.done $0x0  }
0x23: {  	s15 =	simm.s32 $0xD0;
	s4 =	simm.s32 $0x6880;
	[sflag:s24] =	ssyncadd.s32 $0xFFFFCE00  }
0x24: {  	[tilespmem:s26], [sflag:$0x3] =	stream.indirect.gather [hbm4b:s3+s20], $0x80, s15, s20, $0xb8;
	[tilespmem:$0x16200] =	vst v63  }
0x25: {  	s9 =	simm.s32 $0x0;
	s7 =	simm.s32 $0x800;
	v0 =	vld [tilespmem:s4+$0xFFFFFF80]  }
.LBB2_2:
0x26: {  	p0 =	sne.s32 s7, $0xC000;
	_ =	sdelay $0x2  }
0x27: {  	s10 =	sshra.s32 s9, $0x2;
	s9 =	smov.u32 s7  }
0x28: {  	[tilespmem:s10+$0x9A00] =	vst.add.f32.msk $0xffff, v0  }
0x29: {  	v0 =	vld [tilespmem:s4+$0xFFFFFF90];
	_ =	sdelay $0x4  }
0x2a: {  	[tilespmem:s10+$0x9A10] =	vst.add.f32.msk $0xffff, v0  }
0x2b: {  	v0 =	vld [tilespmem:s4+$0xFFFFFFA0];
	_ =	sdelay $0x4  }
0x2c: {  	[tilespmem:s10+$0x9A20] =	vst.add.f32.msk $0xffff, v0  }
0x2d: {  	v0 =	vld [tilespmem:s4+$0xFFFFFFB0];
	_ =	sdelay $0x4  }
0x2e: {  	[tilespmem:s10+$0x9A30] =	vst.add.f32.msk $0xffff, v0  }
0x2f: {  	v0 =	vld [tilespmem:s4+$0xFFFFFFC0];
	_ =	sdelay $0x4  }
0x30: {  	[tilespmem:s10+$0x9A80] =	vst.add.f32.msk $0xffff, v0  }
0x31: {  	v0 =	vld [tilespmem:s4+$0xFFFFFFD0];
	_ =	sdelay $0x4  }
0x32: {  	[tilespmem:s10+$0x9A90] =	vst.add.f32.msk $0xffff, v0  }
0x33: {  	v0 =	vld [tilespmem:s4+$0xFFFFFFE0];
	_ =	sdelay $0x4  }
0x34: {  	[tilespmem:s10+$0x9AA0] =	vst.add.f32.msk $0xffff, v0  }
0x35: {  	v0 =	vld [tilespmem:s4+$0xFFFFFFF0];
	_ =	sdelay $0x4  }
0x36: {  	[tilespmem:s10+$0x9AB0] =	vst.add.f32.msk $0xffff, v0  }
0x37: {  	v0 =	vld [tilespmem:s4+$0x0];
	_ =	sdelay $0x4  }
0x38: {  	[tilespmem:s10+$0x9B00] =	vst.add.f32.msk $0xffff, v0  }
0x39: {  	v0 =	vld [tilespmem:s4+$0x10];
	_ =	sdelay $0x4  }
0x3a: {  	[tilespmem:s10+$0x9B10] =	vst.add.f32.msk $0xffff, v0  }
0x3b: {  	v0 =	vld [tilespmem:s4+$0x20];
	_ =	sdelay $0x4  }
0x3c: {  	[tilespmem:s10+$0x9B20] =	vst.add.f32.msk $0xffff, v0  }
0x3d: {  	v0 =	vld [tilespmem:s4+$0x30];
	_ =	sdelay $0x4  }
0x3e: {  	[tilespmem:s10+$0x9B30] =	vst.add.f32.msk $0xffff, v0  }
0x3f: {  	v0 =	vld [tilespmem:s4+$0x40];
	_ =	sdelay $0x4  }
0x40: {  	[tilespmem:s10+$0x9B80] =	vst.add.f32.msk $0xffff, v0  }
0x41: {  	v0 =	vld [tilespmem:s4+$0x50];
	_ =	sdelay $0x4  }
0x42: {  	[tilespmem:s10+$0x9B90] =	vst.add.f32.msk $0xffff, v0  }
0x43: {  	v0 =	vld [tilespmem:s4+$0x60];
	_ =	sdelay $0x4  }
0x44: {  	[tilespmem:s10+$0x9BA0] =	vst.add.f32.msk $0xffff, v0  }
0x45: {  	v0 =	vld [tilespmem:s4+$0x70];
	_ =	sdelay $0x1  }
.Ltmp0:
0x46: {  	(pc) =	sbr.rel @p0 .LBB2_2-.Ltmp0, $3  }
0x47: {  	_ =	sdelay $0x1  }
0x48: {  	s4 =	sadd.s32 $0x100, s4;
	[tilespmem:s10+$0x9BB0] =	vst.add.f32.msk $0xffff, v0  }
0x49: {  	s7 =	sadd.s32 $0x800, s7;
	v0 =	vld [tilespmem:s4+$0xFFFFFF80]  }
0x4a: {  	_ =	sdelay $0x2  }
0x4b: {  	s7 =	sshra.s32 s9, $0x2  }
0x4c: {  	[tilespmem:s7+$0x9A00] =	vst.add.f32.msk $0xffff, v0  }
0x4d: {  	v0 =	vld [tilespmem:s4+$0xFFFFFF90];
	_ =	sdelay $0x4  }
0x4e: {  	[tilespmem:s7+$0x9A10] =	vst.add.f32.msk $0xffff, v0  }
0x4f: {  	v0 =	vld [tilespmem:s4+$0xFFFFFFA0];
	_ =	sdelay $0x4  }
0x50: {  	[tilespmem:s7+$0x9A20] =	vst.add.f32.msk $0xffff, v0  }
0x51: {  	v0 =	vld [tilespmem:s4+$0xFFFFFFB0];
	_ =	sdelay $0x4  }
0x52: {  	[tilespmem:s7+$0x9A30] =	vst.add.f32.msk $0xffff, v0  }
0x53: {  	v0 =	vld [tilespmem:s4+$0xFFFFFFC0];
	_ =	sdelay $0x4  }
0x54: {  	[tilespmem:s7+$0x9A80] =	vst.add.f32.msk $0xffff, v0  }
0x55: {  	v0 =	vld [tilespmem:s4+$0xFFFFFFD0];
	_ =	sdelay $0x4  }
0x56: {  	[tilespmem:s7+$0x9A90] =	vst.add.f32.msk $0xffff, v0  }
0x57: {  	v0 =	vld [tilespmem:s4+$0xFFFFFFE0];
	_ =	sdelay $0x4  }
0x58: {  	[tilespmem:s7+$0x9AA0] =	vst.add.f32.msk $0xffff, v0  }
0x59: {  	v0 =	vld [tilespmem:s4+$0xFFFFFFF0];
	_ =	sdelay $0x4  }
0x5a: {  	[tilespmem:s7+$0x9AB0] =	vst.add.f32.msk $0xffff, v0  }
0x5b: {  	v0 =	vld [tilespmem:s4+$0x0];
	_ =	sdelay $0x4  }
0x5c: {  	[tilespmem:s7+$0x9B00] =	vst.add.f32.msk $0xffff, v0  }
0x5d: {  	v0 =	vld [tilespmem:s4+$0x10];
	_ =	sdelay $0x4  }
0x5e: {  	[tilespmem:s7+$0x9B10] =	vst.add.f32.msk $0xffff, v0  }
0x5f: {  	v0 =	vld [tilespmem:s4+$0x20];
	_ =	sdelay $0x4  }
0x60: {  	[tilespmem:s7+$0x9B20] =	vst.add.f32.msk $0xffff, v0  }
0x61: {  	v0 =	vld [tilespmem:s4+$0x30];
	_ =	sdelay $0x4  }
0x62: {  	[tilespmem:s7+$0x9B30] =	vst.add.f32.msk $0xffff, v0  }
0x63: {  	v0 =	vld [tilespmem:s4+$0x40];
	_ =	sdelay $0x4  }
0x64: {  	[tilespmem:s7+$0x9B80] =	vst.add.f32.msk $0xffff, v0  }
0x65: {  	v0 =	vld [tilespmem:s4+$0x50];
	_ =	sdelay $0x4  }
0x66: {  	[tilespmem:s7+$0x9B90] =	vst.add.f32.msk $0xffff, v0  }
0x67: {  	v0 =	vld [tilespmem:s4+$0x60];
	_ =	sdelay $0x4  }
0x68: {  	[tilespmem:s7+$0x9BA0] =	vst.add.f32.msk $0xffff, v0  }
0x69: {  	v0 =	vld [tilespmem:s4+$0x70];
	_ =	sdelay $0x4  }
0x6a: {  	[tilespmem:s7+$0x9BB0] =	vst.add.f32.msk $0xffff, v0;
	s7 =	simm.s32 $0x0  }
0x6b: {  	[hbm4b:s8+s7] =	stream.linear.scatter [tilespmem:s21], [sflag:$0x5], $0x3200, $0x38;
	[tilespmem:$0x16200] =	vst v63  }
0x6c: {  	_ =	swait.ge [sflag:s28], $0x3200  }
0x6d: {  	[sflag:s28] =	ssyncset.done $0x0  }
0x6e: {  	s15 =	simm.s32 $0x138;
	s4 =	simm.s32 $0x81F0;
	[sflag:s28] =	ssyncadd.s32 $0xFFFFCE00  }
0x6f: {  	[tilespmem:s30], [sflag:$0x4] =	stream.indirect.gather [hbm4b:s3+s20], $0x80, s15, s20, $0xb8;
	[tilespmem:$0x16200] =	vst v63  }
0x70: {  	s9 =	simm.s32 $0x800;
	v0 =	vld [tilespmem:s4+$0xFFFFFF10]  }
.LBB2_4:
0x71: {  	p0 =	sne.s32 s9, $0xC000;
	_ =	sdelay $0x2  }
0x72: {  	s10 =	sshra.s32 s7, $0x2;
	s7 =	smov.u32 s9  }
0x73: {  	[tilespmem:s10+$0xCC00] =	vst.add.f32.msk $0xffff, v0  }
0x74: {  	v0 =	vld [tilespmem:s4+$0xFFFFFF20];
	_ =	sdelay $0x4  }
0x75: {  	[tilespmem:s10+$0xCC10] =	vst.add.f32.msk $0xffff, v0  }
0x76: {  	v0 =	vld [tilespmem:s4+$0xFFFFFF30];
	_ =	sdelay $0x4  }
0x77: {  	[tilespmem:s10+$0xCC20] =	vst.add.f32.msk $0xffff, v0  }
0x78: {  	v0 =	vld [tilespmem:s4+$0xFFFFFF40];
	_ =	sdelay $0x4  }
0x79: {  	[tilespmem:s10+$0xCC30] =	vst.add.f32.msk $0xffff, v0  }
0x7a: {  	v0 =	vld [tilespmem:s4+$0xFFFFFF50];
	_ =	sdelay $0x4  }
0x7b: {  	[tilespmem:s10+$0xCC80] =	vst.add.f32.msk $0xffff, v0  }
0x7c: {  	v0 =	vld [tilespmem:s4+$0xFFFFFF60];
	_ =	sdelay $0x4  }
0x7d: {  	[tilespmem:s10+$0xCC90] =	vst.add.f32.msk $0xffff, v0  }
0x7e: {  	v0 =	vld [tilespmem:s4+$0xFFFFFF70];
	_ =	sdelay $0x4  }
0x7f: {  	[tilespmem:s10+$0xCCA0] =	vst.add.f32.msk $0xffff, v0  }
0x80: {  	v0 =	vld [tilespmem:s4+$0xFFFFFF80];
	_ =	sdelay $0x4  }
0x81: {  	[tilespmem:s10+$0xCCB0] =	vst.add.f32.msk $0xffff, v0  }
0x82: {  	v0 =	vld [tilespmem:s4+$0xFFFFFF90];
	_ =	sdelay $0x4  }
0x83: {  	[tilespmem:s10+$0xCD00] =	vst.add.f32.msk $0xffff, v0  }
0x84: {  	v0 =	vld [tilespmem:s4+$0xFFFFFFA0];
	_ =	sdelay $0x4  }
0x85: {  	[tilespmem:s10+$0xCD10] =	vst.add.f32.msk $0xffff, v0  }
0x86: {  	v0 =	vld [tilespmem:s4+$0xFFFFFFB0];
	_ =	sdelay $0x4  }
0x87: {  	[tilespmem:s10+$0xCD20] =	vst.add.f32.msk $0xffff, v0  }
0x88: {  	v0 =	vld [tilespmem:s4+$0xFFFFFFC0];
	_ =	sdelay $0x4  }
0x89: {  	[tilespmem:s10+$0xCD30] =	vst.add.f32.msk $0xffff, v0  }
0x8a: {  	v0 =	vld [tilespmem:s4+$0xFFFFFFD0];
	_ =	sdelay $0x4  }
0x8b: {  	[tilespmem:s10+$0xCD80] =	vst.add.f32.msk $0xffff, v0  }
0x8c: {  	v0 =	vld [tilespmem:s4+$0xFFFFFFE0];
	_ =	sdelay $0x4  }
0x8d: {  	[tilespmem:s10+$0xCD90] =	vst.add.f32.msk $0xffff, v0  }
0x8e: {  	v0 =	vld [tilespmem:s4+$0xFFFFFFF0];
	_ =	sdelay $0x4  }
0x8f: {  	[tilespmem:s10+$0xCDA0] =	vst.add.f32.msk $0xffff, v0  }
0x90: {  	v0 =	vld [tilespmem:s4+$0x0];
	_ =	sdelay $0x1  }
.Ltmp1:
0x91: {  	(pc) =	sbr.rel @p0 .LBB2_4-.Ltmp1, $3  }
0x92: {  	_ =	sdelay $0x1  }
0x93: {  	s4 =	sadd.s32 $0x100, s4;
	[tilespmem:s10+$0xCDB0] =	vst.add.f32.msk $0xffff, v0  }
0x94: {  	s9 =	sadd.s32 $0x800, s9;
	v0 =	vld [tilespmem:s4+$0xFFFFFF10]  }
0x95: {  	_ =	sdelay $0x2  }
0x96: {  	s7 =	sshra.s32 s7, $0x2  }
0x97: {  	[tilespmem:s7+$0xCC00] =	vst.add.f32.msk $0xffff, v0  }
0x98: {  	v0 =	vld [tilespmem:s4+$0xFFFFFF20];
	_ =	sdelay $0x4  }
0x99: {  	[tilespmem:s7+$0xCC10] =	vst.add.f32.msk $0xffff, v0  }
0x9a: {  	v0 =	vld [tilespmem:s4+$0xFFFFFF30];
	_ =	sdelay $0x4  }
0x9b: {  	[tilespmem:s7+$0xCC20] =	vst.add.f32.msk $0xffff, v0  }
0x9c: {  	v0 =	vld [tilespmem:s4+$0xFFFFFF40];
	_ =	sdelay $0x4  }
0x9d: {  	[tilespmem:s7+$0xCC30] =	vst.add.f32.msk $0xffff, v0  }
0x9e: {  	v0 =	vld [tilespmem:s4+$0xFFFFFF50];
	_ =	sdelay $0x4  }
0x9f: {  	[tilespmem:s7+$0xCC80] =	vst.add.f32.msk $0xffff, v0  }
0xa0: {  	v0 =	vld [tilespmem:s4+$0xFFFFFF60];
	_ =	sdelay $0x4  }
0xa1: {  	[tilespmem:s7+$0xCC90] =	vst.add.f32.msk $0xffff, v0  }
0xa2: {  	v0 =	vld [tilespmem:s4+$0xFFFFFF70];
	_ =	sdelay $0x4  }
0xa3: {  	[tilespmem:s7+$0xCCA0] =	vst.add.f32.msk $0xffff, v0  }
0xa4: {  	v0 =	vld [tilespmem:s4+$0xFFFFFF80];
	_ =	sdelay $0x4  }
0xa5: {  	[tilespmem:s7+$0xCCB0] =	vst.add.f32.msk $0xffff, v0  }
0xa6: {  	v0 =	vld [tilespmem:s4+$0xFFFFFF90];
	_ =	sdelay $0x4  }
0xa7: {  	[tilespmem:s7+$0xCD00] =	vst.add.f32.msk $0xffff, v0  }
0xa8: {  	v0 =	vld [tilespmem:s4+$0xFFFFFFA0];
	_ =	sdelay $0x4  }
0xa9: {  	[tilespmem:s7+$0xCD10] =	vst.add.f32.msk $0xffff, v0  }
0xaa: {  	v0 =	vld [tilespmem:s4+$0xFFFFFFB0];
	_ =	sdelay $0x4  }
0xab: {  	[tilespmem:s7+$0xCD20] =	vst.add.f32.msk $0xffff, v0  }
0xac: {  	v0 =	vld [tilespmem:s4+$0xFFFFFFC0];
	_ =	sdelay $0x4  }
0xad: {  	[tilespmem:s7+$0xCD30] =	vst.add.f32.msk $0xffff, v0  }
0xae: {  	v0 =	vld [tilespmem:s4+$0xFFFFFFD0];
	_ =	sdelay $0x4  }
0xaf: {  	[tilespmem:s7+$0xCD80] =	vst.add.f32.msk $0xffff, v0  }
0xb0: {  	v0 =	vld [tilespmem:s4+$0xFFFFFFE0];
	_ =	sdelay $0x4  }
0xb1: {  	[tilespmem:s7+$0xCD90] =	vst.add.f32.msk $0xffff, v0  }
0xb2: {  	v0 =	vld [tilespmem:s4+$0xFFFFFFF0];
	_ =	sdelay $0x4  }
0xb3: {  	[tilespmem:s7+$0xCDA0] =	vst.add.f32.msk $0xffff, v0  }
0xb4: {  	v0 =	vld [tilespmem:s4+$0x0];
	_ =	sdelay $0x4  }
0xb5: {  	s14 =	rddreg [dreg:$0x5];
	[tilespmem:s7+$0xCDB0] =	vst.add.f32.msk $0xffff, v0;
	s7 =	simm.s32 $0x0  }
0xb6: {  	[hbm4b:s14+s7] =	stream.linear.scatter [tilespmem:s23], [sflag:$0x6], $0x3200, $0x38;
	[tilespmem:$0x16200] =	vst v63  }
0xb7: {  	_ =	swait.ge [sflag:s31], $0x3200  }
0xb8: {  	[sflag:s31] =	ssyncset.done $0x0  }
0xb9: {  	[sflag:s31] =	ssyncadd.s32 $0xFFFFCE00  }
0xba: {  	_ =	swait.ge [sflag:s0], $0x3200  }
0xbb: {  	[sflag:s0] =	ssyncset.done $0x0  }
0xbc: {  	s15 =	simm.s32 $0x1A0;
	s4 =	simm.s32 $0x6880;
	[sflag:s0] =	ssyncadd.s32 $0xFFFFCE00  }
0xbd: {  	[tilespmem:s21], [sflag:$0x1] =	stream.indirect.gather [hbm4b:s3+s20], $0x80, s15, s20, $0xb8;
	[tilespmem:$0x16200] =	vst v63  }
0xbe: {  	s9 =	simm.s32 $0x800;
	v0 =	vld [tilespmem:s4+$0xFFFFFF80]  }
.LBB2_6:
0xbf: {  	p0 =	sne.s32 s9, $0xC000;
	_ =	sdelay $0x2  }
0xc0: {  	s10 =	sshra.s32 s7, $0x2;
	s7 =	smov.u32 s9  }
0xc1: {  	[tilespmem:s10+$0xFE00] =	vst.add.f32.msk $0xffff, v0  }
0xc2: {  	v0 =	vld [tilespmem:s4+$0xFFFFFF90];
	_ =	sdelay $0x4  }
0xc3: {  	[tilespmem:s10+$0xFE10] =	vst.add.f32.msk $0xffff, v0  }
0xc4: {  	v0 =	vld [tilespmem:s4+$0xFFFFFFA0];
	_ =	sdelay $0x4  }
0xc5: {  	[tilespmem:s10+$0xFE20] =	vst.add.f32.msk $0xffff, v0  }
0xc6: {  	v0 =	vld [tilespmem:s4+$0xFFFFFFB0];
	_ =	sdelay $0x4  }
0xc7: {  	[tilespmem:s10+$0xFE30] =	vst.add.f32.msk $0xffff, v0  }
0xc8: {  	v0 =	vld [tilespmem:s4+$0xFFFFFFC0];
	_ =	sdelay $0x4  }
0xc9: {  	[tilespmem:s10+$0xFE80] =	vst.add.f32.msk $0xffff, v0  }
0xca: {  	v0 =	vld [tilespmem:s4+$0xFFFFFFD0];
	_ =	sdelay $0x4  }
0xcb: {  	[tilespmem:s10+$0xFE90] =	vst.add.f32.msk $0xffff, v0  }
0xcc: {  	v0 =	vld [tilespmem:s4+$0xFFFFFFE0];
	_ =	sdelay $0x4  }
0xcd: {  	[tilespmem:s10+$0xFEA0] =	vst.add.f32.msk $0xffff, v0  }
0xce: {  	v0 =	vld [tilespmem:s4+$0xFFFFFFF0];
	_ =	sdelay $0x4  }
0xcf: {  	[tilespmem:s10+$0xFEB0] =	vst.add.f32.msk $0xffff, v0  }
0xd0: {  	v0 =	vld [tilespmem:s4+$0x0];
	_ =	sdelay $0x4  }
0xd1: {  	[tilespmem:s10+$0xFF00] =	vst.add.f32.msk $0xffff, v0  }
0xd2: {  	v0 =	vld [tilespmem:s4+$0x10];
	_ =	sdelay $0x4  }
0xd3: {  	[tilespmem:s10+$0xFF10] =	vst.add.f32.msk $0xffff, v0  }
0xd4: {  	v0 =	vld [tilespmem:s4+$0x20];
	_ =	sdelay $0x4  }
0xd5: {  	[tilespmem:s10+$0xFF20] =	vst.add.f32.msk $0xffff, v0  }
0xd6: {  	v0 =	vld [tilespmem:s4+$0x30];
	_ =	sdelay $0x4  }
0xd7: {  	[tilespmem:s10+$0xFF30] =	vst.add.f32.msk $0xffff, v0  }
0xd8: {  	v0 =	vld [tilespmem:s4+$0x40];
	_ =	sdelay $0x4  }
0xd9: {  	[tilespmem:s10+$0xFF80] =	vst.add.f32.msk $0xffff, v0  }
0xda: {  	v0 =	vld [tilespmem:s4+$0x50];
	_ =	sdelay $0x4  }
0xdb: {  	[tilespmem:s10+$0xFF90] =	vst.add.f32.msk $0xffff, v0  }
0xdc: {  	v0 =	vld [tilespmem:s4+$0x60];
	_ =	sdelay $0x4  }
0xdd: {  	[tilespmem:s10+$0xFFA0] =	vst.add.f32.msk $0xffff, v0  }
0xde: {  	v0 =	vld [tilespmem:s4+$0x70];
	_ =	sdelay $0x1  }
.Ltmp2:
0xdf: {  	(pc) =	sbr.rel @p0 .LBB2_6-.Ltmp2, $3  }
0xe0: {  	_ =	sdelay $0x1  }
0xe1: {  	s4 =	sadd.s32 $0x100, s4;
	[tilespmem:s10+$0xFFB0] =	vst.add.f32.msk $0xffff, v0  }
0xe2: {  	s9 =	sadd.s32 $0x800, s9;
	v0 =	vld [tilespmem:s4+$0xFFFFFF80]  }
0xe3: {  	_ =	sdelay $0x2  }
0xe4: {  	s7 =	sshra.s32 s7, $0x2  }
0xe5: {  	[tilespmem:s7+$0xFE00] =	vst.add.f32.msk $0xffff, v0  }
0xe6: {  	v0 =	vld [tilespmem:s4+$0xFFFFFF90];
	_ =	sdelay $0x4  }
0xe7: {  	[tilespmem:s7+$0xFE10] =	vst.add.f32.msk $0xffff, v0  }
0xe8: {  	v0 =	vld [tilespmem:s4+$0xFFFFFFA0];
	_ =	sdelay $0x4  }
0xe9: {  	[tilespmem:s7+$0xFE20] =	vst.add.f32.msk $0xffff, v0  }
0xea: {  	v0 =	vld [tilespmem:s4+$0xFFFFFFB0];
	_ =	sdelay $0x4  }
0xeb: {  	[tilespmem:s7+$0xFE30] =	vst.add.f32.msk $0xffff, v0  }
0xec: {  	v0 =	vld [tilespmem:s4+$0xFFFFFFC0];
	_ =	sdelay $0x4  }
0xed: {  	[tilespmem:s7+$0xFE80] =	vst.add.f32.msk $0xffff, v0  }
0xee: {  	v0 =	vld [tilespmem:s4+$0xFFFFFFD0];
	_ =	sdelay $0x4  }
0xef: {  	[tilespmem:s7+$0xFE90] =	vst.add.f32.msk $0xffff, v0  }
0xf0: {  	v0 =	vld [tilespmem:s4+$0xFFFFFFE0];
	_ =	sdelay $0x4  }
0xf1: {  	[tilespmem:s7+$0xFEA0] =	vst.add.f32.msk $0xffff, v0  }
0xf2: {  	v0 =	vld [tilespmem:s4+$0xFFFFFFF0];
	_ =	sdelay $0x4  }
0xf3: {  	[tilespmem:s7+$0xFEB0] =	vst.add.f32.msk $0xffff, v0  }
0xf4: {  	v0 =	vld [tilespmem:s4+$0x0];
	_ =	sdelay $0x4  }
0xf5: {  	[tilespmem:s7+$0xFF00] =	vst.add.f32.msk $0xffff, v0  }
0xf6: {  	v0 =	vld [tilespmem:s4+$0x10];
	_ =	sdelay $0x4  }
0xf7: {  	[tilespmem:s7+$0xFF10] =	vst.add.f32.msk $0xffff, v0  }
0xf8: {  	v0 =	vld [tilespmem:s4+$0x20];
	_ =	sdelay $0x4  }
0xf9: {  	[tilespmem:s7+$0xFF20] =	vst.add.f32.msk $0xffff, v0  }
0xfa: {  	v0 =	vld [tilespmem:s4+$0x30];
	_ =	sdelay $0x4  }
0xfb: {  	[tilespmem:s7+$0xFF30] =	vst.add.f32.msk $0xffff, v0  }
0xfc: {  	v0 =	vld [tilespmem:s4+$0x40];
	_ =	sdelay $0x4  }
0xfd: {  	[tilespmem:s7+$0xFF80] =	vst.add.f32.msk $0xffff, v0  }
0xfe: {  	v0 =	vld [tilespmem:s4+$0x50];
	_ =	sdelay $0x4  }
0xff: {  	[tilespmem:s7+$0xFF90] =	vst.add.f32.msk $0xffff, v0  }
0x100: {  	v0 =	vld [tilespmem:s4+$0x60];
	_ =	sdelay $0x4  }
0x101: {  	[tilespmem:s7+$0xFFA0] =	vst.add.f32.msk $0xffff, v0  }
0x102: {  	v0 =	vld [tilespmem:s4+$0x70];
	_ =	sdelay $0x4  }
0x103: {  	s14 =	rddreg [dreg:$0x6];
	[tilespmem:s7+$0xFFB0] =	vst.add.f32.msk $0xffff, v0;
	s7 =	simm.s32 $0x0  }
0x104: {  	[hbm4b:s14+s7] =	stream.linear.scatter [tilespmem:s26], [sflag:$0x7], $0x3200, $0x38;
	[tilespmem:$0x16200] =	vst v63  }
0x105: {  	_ =	swait.ge [sflag:s19], $0x3200  }
0x106: {  	[sflag:s19] =	ssyncset.done $0x0  }
0x107: {  	[sflag:s19] =	ssyncadd.s32 $0xFFFFCE00  }
0x108: {  	_ =	swait.ge [sflag:s22], $0x3200  }
0x109: {  	[sflag:s22] =	ssyncset.done $0x0  }
0x10a: {  	s15 =	simm.s32 $0x208;
	s4 =	simm.s32 $0x81F0;
	[sflag:s22] =	ssyncadd.s32 $0xFFFFCE00  }
0x10b: {  	[tilespmem:s23], [sflag:$0x2] =	stream.indirect.gather [hbm4b:s3+s20], $0x80, s15, s20, $0xb8;
	[tilespmem:$0x16200] =	vst v63  }
0x10c: {  	s9 =	simm.s32 $0x800;
	v0 =	vld [tilespmem:s4+$0xFFFFFF10]  }
.LBB2_8:
0x10d: {  	p0 =	sne.s32 s9, $0xC000;
	_ =	sdelay $0x2  }
0x10e: {  	s10 =	sshra.s32 s7, $0x2;
	s7 =	smov.u32 s9  }
0x10f: {  	[tilespmem:s10+$0x13000] =	vst.add.f32.msk $0xffff, v0  }
0x110: {  	v0 =	vld [tilespmem:s4+$0xFFFFFF20];
	_ =	sdelay $0x4  }
0x111: {  	[tilespmem:s10+$0x13010] =	vst.add.f32.msk $0xffff, v0  }
0x112: {  	v0 =	vld [tilespmem:s4+$0xFFFFFF30];
	_ =	sdelay $0x4  }
0x113: {  	[tilespmem:s10+$0x13020] =	vst.add.f32.msk $0xffff, v0  }
0x114: {  	v0 =	vld [tilespmem:s4+$0xFFFFFF40];
	_ =	sdelay $0x4  }
0x115: {  	[tilespmem:s10+$0x13030] =	vst.add.f32.msk $0xffff, v0  }
0x116: {  	v0 =	vld [tilespmem:s4+$0xFFFFFF50];
	_ =	sdelay $0x4  }
0x117: {  	[tilespmem:s10+$0x13080] =	vst.add.f32.msk $0xffff, v0  }
0x118: {  	v0 =	vld [tilespmem:s4+$0xFFFFFF60];
	_ =	sdelay $0x4  }
0x119: {  	[tilespmem:s10+$0x13090] =	vst.add.f32.msk $0xffff, v0  }
0x11a: {  	v0 =	vld [tilespmem:s4+$0xFFFFFF70];
	_ =	sdelay $0x4  }
0x11b: {  	[tilespmem:s10+$0x130A0] =	vst.add.f32.msk $0xffff, v0  }
0x11c: {  	v0 =	vld [tilespmem:s4+$0xFFFFFF80];
	_ =	sdelay $0x4  }
0x11d: {  	[tilespmem:s10+$0x130B0] =	vst.add.f32.msk $0xffff, v0  }
0x11e: {  	v0 =	vld [tilespmem:s4+$0xFFFFFF90];
	_ =	sdelay $0x4  }
0x11f: {  	[tilespmem:s10+$0x13100] =	vst.add.f32.msk $0xffff, v0  }
0x120: {  	v0 =	vld [tilespmem:s4+$0xFFFFFFA0];
	_ =	sdelay $0x4  }
0x121: {  	[tilespmem:s10+$0x13110] =	vst.add.f32.msk $0xffff, v0  }
0x122: {  	v0 =	vld [tilespmem:s4+$0xFFFFFFB0];
	_ =	sdelay $0x4  }
0x123: {  	[tilespmem:s10+$0x13120] =	vst.add.f32.msk $0xffff, v0  }
0x124: {  	v0 =	vld [tilespmem:s4+$0xFFFFFFC0];
	_ =	sdelay $0x4  }
0x125: {  	[tilespmem:s10+$0x13130] =	vst.add.f32.msk $0xffff, v0  }
0x126: {  	v0 =	vld [tilespmem:s4+$0xFFFFFFD0];
	_ =	sdelay $0x4  }
0x127: {  	[tilespmem:s10+$0x13180] =	vst.add.f32.msk $0xffff, v0  }
0x128: {  	v0 =	vld [tilespmem:s4+$0xFFFFFFE0];
	_ =	sdelay $0x4  }
0x129: {  	[tilespmem:s10+$0x13190] =	vst.add.f32.msk $0xffff, v0  }
0x12a: {  	v0 =	vld [tilespmem:s4+$0xFFFFFFF0];
	_ =	sdelay $0x4  }
0x12b: {  	[tilespmem:s10+$0x131A0] =	vst.add.f32.msk $0xffff, v0  }
0x12c: {  	v0 =	vld [tilespmem:s4+$0x0];
	_ =	sdelay $0x1  }
.Ltmp3:
0x12d: {  	(pc) =	sbr.rel @p0 .LBB2_8-.Ltmp3, $3  }
0x12e: {  	_ =	sdelay $0x1  }
0x12f: {  	s4 =	sadd.s32 $0x100, s4;
	[tilespmem:s10+$0x131B0] =	vst.add.f32.msk $0xffff, v0  }
0x130: {  	s9 =	sadd.s32 $0x800, s9;
	v0 =	vld [tilespmem:s4+$0xFFFFFF10]  }
0x131: {  	_ =	sdelay $0x2  }
0x132: {  	s7 =	sshra.s32 s7, $0x2  }
0x133: {  	[tilespmem:s7+$0x13000] =	vst.add.f32.msk $0xffff, v0  }
0x134: {  	v0 =	vld [tilespmem:s4+$0xFFFFFF20];
	_ =	sdelay $0x4  }
0x135: {  	[tilespmem:s7+$0x13010] =	vst.add.f32.msk $0xffff, v0  }
0x136: {  	v0 =	vld [tilespmem:s4+$0xFFFFFF30];
	_ =	sdelay $0x4  }
0x137: {  	[tilespmem:s7+$0x13020] =	vst.add.f32.msk $0xffff, v0  }
0x138: {  	v0 =	vld [tilespmem:s4+$0xFFFFFF40];
	_ =	sdelay $0x4  }
0x139: {  	[tilespmem:s7+$0x13030] =	vst.add.f32.msk $0xffff, v0  }
0x13a: {  	v0 =	vld [tilespmem:s4+$0xFFFFFF50];
	_ =	sdelay $0x4  }
0x13b: {  	[tilespmem:s7+$0x13080] =	vst.add.f32.msk $0xffff, v0  }
0x13c: {  	v0 =	vld [tilespmem:s4+$0xFFFFFF60];
	_ =	sdelay $0x4  }
0x13d: {  	[tilespmem:s7+$0x13090] =	vst.add.f32.msk $0xffff, v0  }
0x13e: {  	v0 =	vld [tilespmem:s4+$0xFFFFFF70];
	_ =	sdelay $0x4  }
0x13f: {  	[tilespmem:s7+$0x130A0] =	vst.add.f32.msk $0xffff, v0  }
0x140: {  	v0 =	vld [tilespmem:s4+$0xFFFFFF80];
	_ =	sdelay $0x4  }
0x141: {  	[tilespmem:s7+$0x130B0] =	vst.add.f32.msk $0xffff, v0  }
0x142: {  	v0 =	vld [tilespmem:s4+$0xFFFFFF90];
	_ =	sdelay $0x4  }
0x143: {  	[tilespmem:s7+$0x13100] =	vst.add.f32.msk $0xffff, v0  }
0x144: {  	v0 =	vld [tilespmem:s4+$0xFFFFFFA0];
	_ =	sdelay $0x4  }
0x145: {  	[tilespmem:s7+$0x13110] =	vst.add.f32.msk $0xffff, v0  }
0x146: {  	v0 =	vld [tilespmem:s4+$0xFFFFFFB0];
	_ =	sdelay $0x4  }
0x147: {  	[tilespmem:s7+$0x13120] =	vst.add.f32.msk $0xffff, v0  }
0x148: {  	v0 =	vld [tilespmem:s4+$0xFFFFFFC0];
	_ =	sdelay $0x4  }
0x149: {  	[tilespmem:s7+$0x13130] =	vst.add.f32.msk $0xffff, v0  }
0x14a: {  	v0 =	vld [tilespmem:s4+$0xFFFFFFD0];
	_ =	sdelay $0x4  }
0x14b: {  	[tilespmem:s7+$0x13180] =	vst.add.f32.msk $0xffff, v0  }
0x14c: {  	v0 =	vld [tilespmem:s4+$0xFFFFFFE0];
	_ =	sdelay $0x4  }
0x14d: {  	[tilespmem:s7+$0x13190] =	vst.add.f32.msk $0xffff, v0  }
0x14e: {  	v0 =	vld [tilespmem:s4+$0xFFFFFFF0];
	_ =	sdelay $0x4  }
0x14f: {  	[tilespmem:s7+$0x131A0] =	vst.add.f32.msk $0xffff, v0  }
0x150: {  	v0 =	vld [tilespmem:s4+$0x0];
	_ =	sdelay $0x4  }
0x151: {  	s15 =	rddreg [dreg:$0x7];
	s4 =	simm.s32 $0x1;
	[tilespmem:s7+$0x131B0] =	vst.add.f32.msk $0xffff, v0  }
0x152: {  	[hbm4b:s15+s2] =	stream.linear.scatter [tilespmem:s30], [sflag:$0x8], $0x3200, $0x38;
	[tilespmem:$0x16200] =	vst v63  }
.LBB2_10:
0x153: {  	_ =	swait.ge [sflag:s24], $0x3200  }
0x154: {  	s9 =	sshll.u32 s4, $0x2;
	[sflag:s24] =	ssyncset.done $0x0  }
0x155: {  	s7 =	sor.u32 $0x2, s9;
	[sflag:s24] =	ssyncadd.s32 $0xFFFFCE00  }
0x156: {  	s10 =	smul.u32 $0x1A0, s7;
	_ =	swait.ge [sflag:s29], $0x3200  }
0x157: {  	[sflag:s29] =	ssyncset.done $0x0  }
0x158: {  	s10 =	sshra.s32 s10, $0x2;
	[sflag:s29] =	ssyncadd.s32 $0xFFFFCE00  }
0x159: {  	[tilespmem:s26], [sflag:$0x3] =	stream.indirect.gather [hbm4b:s3+s20], $0x80, s10, s20, $0xb8;
	[tilespmem:$0x16200] =	vst v63  }
0x15a: {  	s10 =	simm.s32 $0x6880  }
0x15b: {  	s11 =	simm.s32 $0x0;
	s13 =	simm.s32 $0x800;
	v0 =	vld [tilespmem:s10+$0xFFFFFF80]  }
.LBB2_11:
0x15c: {  	p0 =	sne.s32 s13, $0xC000;
	_ =	sdelay $0x2  }
0x15d: {  	s14 =	sshra.s32 s11, $0x2;
	s11 =	smov.u32 s13  }
0x15e: {  	[tilespmem:s14+$0x9A00] =	vst.add.f32.msk $0xffff, v0  }
0x15f: {  	v0 =	vld [tilespmem:s10+$0xFFFFFF90];
	_ =	sdelay $0x4  }
0x160: {  	[tilespmem:s14+$0x9A10] =	vst.add.f32.msk $0xffff, v0  }
0x161: {  	v0 =	vld [tilespmem:s10+$0xFFFFFFA0];
	_ =	sdelay $0x4  }
0x162: {  	[tilespmem:s14+$0x9A20] =	vst.add.f32.msk $0xffff, v0  }
0x163: {  	v0 =	vld [tilespmem:s10+$0xFFFFFFB0];
	_ =	sdelay $0x4  }
0x164: {  	[tilespmem:s14+$0x9A30] =	vst.add.f32.msk $0xffff, v0  }
0x165: {  	v0 =	vld [tilespmem:s10+$0xFFFFFFC0];
	_ =	sdelay $0x4  }
0x166: {  	[tilespmem:s14+$0x9A80] =	vst.add.f32.msk $0xffff, v0  }
0x167: {  	v0 =	vld [tilespmem:s10+$0xFFFFFFD0];
	_ =	sdelay $0x4  }
0x168: {  	[tilespmem:s14+$0x9A90] =	vst.add.f32.msk $0xffff, v0  }
0x169: {  	v0 =	vld [tilespmem:s10+$0xFFFFFFE0];
	_ =	sdelay $0x4  }
0x16a: {  	[tilespmem:s14+$0x9AA0] =	vst.add.f32.msk $0xffff, v0  }
0x16b: {  	v0 =	vld [tilespmem:s10+$0xFFFFFFF0];
	_ =	sdelay $0x4  }
0x16c: {  	[tilespmem:s14+$0x9AB0] =	vst.add.f32.msk $0xffff, v0  }
0x16d: {  	v0 =	vld [tilespmem:s10+$0x0];
	_ =	sdelay $0x4  }
0x16e: {  	[tilespmem:s14+$0x9B00] =	vst.add.f32.msk $0xffff, v0  }
0x16f: {  	v0 =	vld [tilespmem:s10+$0x10];
	_ =	sdelay $0x4  }
0x170: {  	[tilespmem:s14+$0x9B10] =	vst.add.f32.msk $0xffff, v0  }
0x171: {  	v0 =	vld [tilespmem:s10+$0x20];
	_ =	sdelay $0x4  }
0x172: {  	[tilespmem:s14+$0x9B20] =	vst.add.f32.msk $0xffff, v0  }
0x173: {  	v0 =	vld [tilespmem:s10+$0x30];
	_ =	sdelay $0x4  }
0x174: {  	[tilespmem:s14+$0x9B30] =	vst.add.f32.msk $0xffff, v0  }
0x175: {  	v0 =	vld [tilespmem:s10+$0x40];
	_ =	sdelay $0x4  }
0x176: {  	[tilespmem:s14+$0x9B80] =	vst.add.f32.msk $0xffff, v0  }
0x177: {  	v0 =	vld [tilespmem:s10+$0x50];
	_ =	sdelay $0x4  }
0x178: {  	[tilespmem:s14+$0x9B90] =	vst.add.f32.msk $0xffff, v0  }
0x179: {  	v0 =	vld [tilespmem:s10+$0x60];
	_ =	sdelay $0x4  }
0x17a: {  	[tilespmem:s14+$0x9BA0] =	vst.add.f32.msk $0xffff, v0  }
0x17b: {  	v0 =	vld [tilespmem:s10+$0x70];
	_ =	sdelay $0x1  }
.Ltmp4:
0x17c: {  	(pc) =	sbr.rel @p0 .LBB2_11-.Ltmp4, $3  }
0x17d: {  	_ =	sdelay $0x1  }
0x17e: {  	s10 =	sadd.s32 $0x100, s10;
	[tilespmem:s14+$0x9BB0] =	vst.add.f32.msk $0xffff, v0  }
0x17f: {  	s13 =	sadd.s32 $0x800, s13;
	v0 =	vld [tilespmem:s10+$0xFFFFFF80]  }
0x180: {  	_ =	sdelay $0x2  }
0x181: {  	s11 =	sshra.s32 s11, $0x2  }
0x182: {  	[tilespmem:s11+$0x9A00] =	vst.add.f32.msk $0xffff, v0  }
0x183: {  	v0 =	vld [tilespmem:s10+$0xFFFFFF90];
	_ =	sdelay $0x4  }
0x184: {  	[tilespmem:s11+$0x9A10] =	vst.add.f32.msk $0xffff, v0  }
0x185: {  	v0 =	vld [tilespmem:s10+$0xFFFFFFA0];
	_ =	sdelay $0x4  }
0x186: {  	[tilespmem:s11+$0x9A20] =	vst.add.f32.msk $0xffff, v0  }
0x187: {  	v0 =	vld [tilespmem:s10+$0xFFFFFFB0];
	_ =	sdelay $0x4  }
0x188: {  	[tilespmem:s11+$0x9A30] =	vst.add.f32.msk $0xffff, v0  }
0x189: {  	v0 =	vld [tilespmem:s10+$0xFFFFFFC0];
	_ =	sdelay $0x4  }
0x18a: {  	[tilespmem:s11+$0x9A80] =	vst.add.f32.msk $0xffff, v0  }
0x18b: {  	v0 =	vld [tilespmem:s10+$0xFFFFFFD0];
	_ =	sdelay $0x4  }
0x18c: {  	[tilespmem:s11+$0x9A90] =	vst.add.f32.msk $0xffff, v0  }
0x18d: {  	v0 =	vld [tilespmem:s10+$0xFFFFFFE0];
	_ =	sdelay $0x4  }
0x18e: {  	[tilespmem:s11+$0x9AA0] =	vst.add.f32.msk $0xffff, v0  }
0x18f: {  	v0 =	vld [tilespmem:s10+$0xFFFFFFF0];
	_ =	sdelay $0x4  }
0x190: {  	[tilespmem:s11+$0x9AB0] =	vst.add.f32.msk $0xffff, v0  }
0x191: {  	v0 =	vld [tilespmem:s10+$0x0];
	_ =	sdelay $0x4  }
0x192: {  	[tilespmem:s11+$0x9B00] =	vst.add.f32.msk $0xffff, v0  }
0x193: {  	v0 =	vld [tilespmem:s10+$0x10];
	_ =	sdelay $0x4  }
0x194: {  	[tilespmem:s11+$0x9B10] =	vst.add.f32.msk $0xffff, v0  }
0x195: {  	v0 =	vld [tilespmem:s10+$0x20];
	_ =	sdelay $0x4  }
0x196: {  	[tilespmem:s11+$0x9B20] =	vst.add.f32.msk $0xffff, v0  }
0x197: {  	v0 =	vld [tilespmem:s10+$0x30];
	_ =	sdelay $0x4  }
0x198: {  	[tilespmem:s11+$0x9B30] =	vst.add.f32.msk $0xffff, v0  }
0x199: {  	v0 =	vld [tilespmem:s10+$0x40];
	_ =	sdelay $0x4  }
0x19a: {  	[tilespmem:s11+$0x9B80] =	vst.add.f32.msk $0xffff, v0  }
0x19b: {  	v0 =	vld [tilespmem:s10+$0x50];
	_ =	sdelay $0x4  }
0x19c: {  	[tilespmem:s11+$0x9B90] =	vst.add.f32.msk $0xffff, v0  }
0x19d: {  	v0 =	vld [tilespmem:s10+$0x60];
	_ =	sdelay $0x4  }
0x19e: {  	[tilespmem:s11+$0x9BA0] =	vst.add.f32.msk $0xffff, v0  }
0x19f: {  	v0 =	vld [tilespmem:s10+$0x70];
	s10 =	smul.u32 $0x190, s4;
	_ =	sdelay $0x1  }
0x1a0: {  	s13 =	sadd.s32 s6, s10  }
0x1a1: {  	s13 =	sshll.u32 s13, $0x4  }
0x1a2: {  	s13 =	sand.u32 $0x1FFFFF00, s13  }
0x1a3: {  	[tilespmem:s11+$0x9BB0] =	vst.add.f32.msk $0xffff, v0;
	s14 =	sadd.s32 s5, s13;
	s13 =	simm.s32 $0x0  }
0x1a4: {  	[hbm4b:s14+s13] =	stream.linear.scatter [tilespmem:s21], [sflag:$0x5], $0x3200, $0x38;
	[tilespmem:$0x16200] =	vst v63  }
0x1a5: {  	_ =	swait.ge [sflag:s28], $0x3200  }
0x1a6: {  	[sflag:s28] =	ssyncset.done $0x0  }
0x1a7: {  	s9 =	sor.u32 $0x3, s9;
	[sflag:s28] =	ssyncadd.s32 $0xFFFFCE00  }
0x1a8: {  	s15 =	smul.u32 $0x1A0, s9;
	_ =	swait.ge [sflag:s1], $0x3200  }
0x1a9: {  	[sflag:s1] =	ssyncset.done $0x0  }
0x1aa: {  	s11 =	sshra.s32 s15, $0x2;
	[sflag:s1] =	ssyncadd.s32 $0xFFFFCE00  }
0x1ab: {  	[tilespmem:s30], [sflag:$0x4] =	stream.indirect.gather [hbm4b:s3+s20], $0x80, s11, s20, $0xb8;
	[tilespmem:$0x16200] =	vst v63  }
0x1ac: {  	s11 =	simm.s32 $0x81F0  }
0x1ad: {  	s14 =	simm.s32 $0x800;
	v0 =	vld [tilespmem:s11+$0xFFFFFF10]  }
.LBB2_13:
0x1ae: {  	p0 =	sne.s32 s14, $0xC000;
	_ =	sdelay $0x2  }
0x1af: {  	s15 =	sshra.s32 s13, $0x2;
	s13 =	smov.u32 s14  }
0x1b0: {  	[tilespmem:s15+$0xCC00] =	vst.add.f32.msk $0xffff, v0  }
0x1b1: {  	v0 =	vld [tilespmem:s11+$0xFFFFFF20];
	_ =	sdelay $0x4  }
0x1b2: {  	[tilespmem:s15+$0xCC10] =	vst.add.f32.msk $0xffff, v0  }
0x1b3: {  	v0 =	vld [tilespmem:s11+$0xFFFFFF30];
	_ =	sdelay $0x4  }
0x1b4: {  	[tilespmem:s15+$0xCC20] =	vst.add.f32.msk $0xffff, v0  }
0x1b5: {  	v0 =	vld [tilespmem:s11+$0xFFFFFF40];
	_ =	sdelay $0x4  }
0x1b6: {  	[tilespmem:s15+$0xCC30] =	vst.add.f32.msk $0xffff, v0  }
0x1b7: {  	v0 =	vld [tilespmem:s11+$0xFFFFFF50];
	_ =	sdelay $0x4  }
0x1b8: {  	[tilespmem:s15+$0xCC80] =	vst.add.f32.msk $0xffff, v0  }
0x1b9: {  	v0 =	vld [tilespmem:s11+$0xFFFFFF60];
	_ =	sdelay $0x4  }
0x1ba: {  	[tilespmem:s15+$0xCC90] =	vst.add.f32.msk $0xffff, v0  }
0x1bb: {  	v0 =	vld [tilespmem:s11+$0xFFFFFF70];
	_ =	sdelay $0x4  }
0x1bc: {  	[tilespmem:s15+$0xCCA0] =	vst.add.f32.msk $0xffff, v0  }
0x1bd: {  	v0 =	vld [tilespmem:s11+$0xFFFFFF80];
	_ =	sdelay $0x4  }
0x1be: {  	[tilespmem:s15+$0xCCB0] =	vst.add.f32.msk $0xffff, v0  }
0x1bf: {  	v0 =	vld [tilespmem:s11+$0xFFFFFF90];
	_ =	sdelay $0x4  }
0x1c0: {  	[tilespmem:s15+$0xCD00] =	vst.add.f32.msk $0xffff, v0  }
0x1c1: {  	v0 =	vld [tilespmem:s11+$0xFFFFFFA0];
	_ =	sdelay $0x4  }
0x1c2: {  	[tilespmem:s15+$0xCD10] =	vst.add.f32.msk $0xffff, v0  }
0x1c3: {  	v0 =	vld [tilespmem:s11+$0xFFFFFFB0];
	_ =	sdelay $0x4  }
0x1c4: {  	[tilespmem:s15+$0xCD20] =	vst.add.f32.msk $0xffff, v0  }
0x1c5: {  	v0 =	vld [tilespmem:s11+$0xFFFFFFC0];
	_ =	sdelay $0x4  }
0x1c6: {  	[tilespmem:s15+$0xCD30] =	vst.add.f32.msk $0xffff, v0  }
0x1c7: {  	v0 =	vld [tilespmem:s11+$0xFFFFFFD0];
	_ =	sdelay $0x4  }
0x1c8: {  	[tilespmem:s15+$0xCD80] =	vst.add.f32.msk $0xffff, v0  }
0x1c9: {  	v0 =	vld [tilespmem:s11+$0xFFFFFFE0];
	_ =	sdelay $0x4  }
0x1ca: {  	[tilespmem:s15+$0xCD90] =	vst.add.f32.msk $0xffff, v0  }
0x1cb: {  	v0 =	vld [tilespmem:s11+$0xFFFFFFF0];
	_ =	sdelay $0x4  }
0x1cc: {  	[tilespmem:s15+$0xCDA0] =	vst.add.f32.msk $0xffff, v0  }
0x1cd: {  	v0 =	vld [tilespmem:s11+$0x0];
	_ =	sdelay $0x1  }
.Ltmp5:
0x1ce: {  	(pc) =	sbr.rel @p0 .LBB2_13-.Ltmp5, $3  }
0x1cf: {  	_ =	sdelay $0x1  }
0x1d0: {  	s11 =	sadd.s32 $0x100, s11;
	[tilespmem:s15+$0xCDB0] =	vst.add.f32.msk $0xffff, v0  }
0x1d1: {  	s14 =	sadd.s32 $0x800, s14;
	v0 =	vld [tilespmem:s11+$0xFFFFFF10]  }
0x1d2: {  	_ =	sdelay $0x2  }
0x1d3: {  	s13 =	sshra.s32 s13, $0x2  }
0x1d4: {  	[tilespmem:s13+$0xCC00] =	vst.add.f32.msk $0xffff, v0  }
0x1d5: {  	v0 =	vld [tilespmem:s11+$0xFFFFFF20];
	_ =	sdelay $0x4  }
0x1d6: {  	[tilespmem:s13+$0xCC10] =	vst.add.f32.msk $0xffff, v0  }
0x1d7: {  	v0 =	vld [tilespmem:s11+$0xFFFFFF30];
	_ =	sdelay $0x4  }
0x1d8: {  	[tilespmem:s13+$0xCC20] =	vst.add.f32.msk $0xffff, v0  }
0x1d9: {  	v0 =	vld [tilespmem:s11+$0xFFFFFF40];
	_ =	sdelay $0x4  }
0x1da: {  	[tilespmem:s13+$0xCC30] =	vst.add.f32.msk $0xffff, v0  }
0x1db: {  	v0 =	vld [tilespmem:s11+$0xFFFFFF50];
	_ =	sdelay $0x4  }
0x1dc: {  	[tilespmem:s13+$0xCC80] =	vst.add.f32.msk $0xffff, v0  }
0x1dd: {  	v0 =	vld [tilespmem:s11+$0xFFFFFF60];
	_ =	sdelay $0x4  }
0x1de: {  	[tilespmem:s13+$0xCC90] =	vst.add.f32.msk $0xffff, v0  }
0x1df: {  	v0 =	vld [tilespmem:s11+$0xFFFFFF70];
	_ =	sdelay $0x4  }
0x1e0: {  	[tilespmem:s13+$0xCCA0] =	vst.add.f32.msk $0xffff, v0  }
0x1e1: {  	v0 =	vld [tilespmem:s11+$0xFFFFFF80];
	_ =	sdelay $0x4  }
0x1e2: {  	[tilespmem:s13+$0xCCB0] =	vst.add.f32.msk $0xffff, v0  }
0x1e3: {  	v0 =	vld [tilespmem:s11+$0xFFFFFF90];
	_ =	sdelay $0x4  }
0x1e4: {  	[tilespmem:s13+$0xCD00] =	vst.add.f32.msk $0xffff, v0  }
0x1e5: {  	v0 =	vld [tilespmem:s11+$0xFFFFFFA0];
	_ =	sdelay $0x4  }
0x1e6: {  	[tilespmem:s13+$0xCD10] =	vst.add.f32.msk $0xffff, v0  }
0x1e7: {  	v0 =	vld [tilespmem:s11+$0xFFFFFFB0];
	_ =	sdelay $0x4  }
0x1e8: {  	[tilespmem:s13+$0xCD20] =	vst.add.f32.msk $0xffff, v0  }
0x1e9: {  	v0 =	vld [tilespmem:s11+$0xFFFFFFC0];
	_ =	sdelay $0x4  }
0x1ea: {  	[tilespmem:s13+$0xCD30] =	vst.add.f32.msk $0xffff, v0  }
0x1eb: {  	v0 =	vld [tilespmem:s11+$0xFFFFFFD0];
	_ =	sdelay $0x4  }
0x1ec: {  	[tilespmem:s13+$0xCD80] =	vst.add.f32.msk $0xffff, v0  }
0x1ed: {  	v0 =	vld [tilespmem:s11+$0xFFFFFFE0];
	_ =	sdelay $0x4  }
0x1ee: {  	[tilespmem:s13+$0xCD90] =	vst.add.f32.msk $0xffff, v0  }
0x1ef: {  	v0 =	vld [tilespmem:s11+$0xFFFFFFF0];
	_ =	sdelay $0x4  }
0x1f0: {  	[tilespmem:s13+$0xCDA0] =	vst.add.f32.msk $0xffff, v0  }
0x1f1: {  	v0 =	vld [tilespmem:s11+$0x0];
	_ =	sdelay $0x1  }
0x1f2: {  	s10 =	sadd.s32 s10, s12  }
0x1f3: {  	s10 =	sshll.u32 s10, $0x4  }
0x1f4: {  	s10 =	sand.u32 $0x1FFFFF40, s10  }
0x1f5: {  	s10 =	sadd.s32 s5, s10;
	[tilespmem:s13+$0xCDB0] =	vst.add.f32.msk $0xffff, v0;
	s13 =	simm.s32 $0x0  }
0x1f6: {  	[hbm4b:s10+s13] =	stream.linear.scatter [tilespmem:s23], [sflag:$0x6], $0x3200, $0x38;
	[tilespmem:$0x16200] =	vst v63  }
0x1f7: {  	_ =	swait.ge [sflag:s31], $0x3200  }
0x1f8: {  	[sflag:s31] =	ssyncset.done $0x0  }
0x1f9: {  	s14 =	smul.u32 $0x680, s4;
	[sflag:s31] =	ssyncadd.s32 $0xFFFFCE00  }
0x1fa: {  	_ =	swait.ge [sflag:s0], $0x3200  }
0x1fb: {  	s10 =	sshra.s32 s14, $0x2;
	[sflag:s0] =	ssyncset.done $0x0  }
0x1fc: {  	s11 =	simm.s32 $0x6880;
	s15 =	sadd.s32 $0x1A0, s10;
	[sflag:s0] =	ssyncadd.s32 $0xFFFFCE00  }
0x1fd: {  	[tilespmem:s21], [sflag:$0x1] =	stream.indirect.gather [hbm4b:s3+s20], $0x80, s15, s20, $0xb8;
	[tilespmem:$0x16200] =	vst v63  }
0x1fe: {  	s14 =	simm.s32 $0x800;
	v0 =	vld [tilespmem:s11+$0xFFFFFF80]  }
.LBB2_15:
0x1ff: {  	p0 =	sne.s32 s14, $0xC000;
	_ =	sdelay $0x2  }
0x200: {  	s15 =	sshra.s32 s13, $0x2;
	s13 =	smov.u32 s14  }
0x201: {  	[tilespmem:s15+$0xFE00] =	vst.add.f32.msk $0xffff, v0  }
0x202: {  	v0 =	vld [tilespmem:s11+$0xFFFFFF90];
	_ =	sdelay $0x4  }
0x203: {  	[tilespmem:s15+$0xFE10] =	vst.add.f32.msk $0xffff, v0  }
0x204: {  	v0 =	vld [tilespmem:s11+$0xFFFFFFA0];
	_ =	sdelay $0x4  }
0x205: {  	[tilespmem:s15+$0xFE20] =	vst.add.f32.msk $0xffff, v0  }
0x206: {  	v0 =	vld [tilespmem:s11+$0xFFFFFFB0];
	_ =	sdelay $0x4  }
0x207: {  	[tilespmem:s15+$0xFE30] =	vst.add.f32.msk $0xffff, v0  }
0x208: {  	v0 =	vld [tilespmem:s11+$0xFFFFFFC0];
	_ =	sdelay $0x4  }
0x209: {  	[tilespmem:s15+$0xFE80] =	vst.add.f32.msk $0xffff, v0  }
0x20a: {  	v0 =	vld [tilespmem:s11+$0xFFFFFFD0];
	_ =	sdelay $0x4  }
0x20b: {  	[tilespmem:s15+$0xFE90] =	vst.add.f32.msk $0xffff, v0  }
0x20c: {  	v0 =	vld [tilespmem:s11+$0xFFFFFFE0];
	_ =	sdelay $0x4  }
0x20d: {  	[tilespmem:s15+$0xFEA0] =	vst.add.f32.msk $0xffff, v0  }
0x20e: {  	v0 =	vld [tilespmem:s11+$0xFFFFFFF0];
	_ =	sdelay $0x4  }
0x20f: {  	[tilespmem:s15+$0xFEB0] =	vst.add.f32.msk $0xffff, v0  }
0x210: {  	v0 =	vld [tilespmem:s11+$0x0];
	_ =	sdelay $0x4  }
0x211: {  	[tilespmem:s15+$0xFF00] =	vst.add.f32.msk $0xffff, v0  }
0x212: {  	v0 =	vld [tilespmem:s11+$0x10];
	_ =	sdelay $0x4  }
0x213: {  	[tilespmem:s15+$0xFF10] =	vst.add.f32.msk $0xffff, v0  }
0x214: {  	v0 =	vld [tilespmem:s11+$0x20];
	_ =	sdelay $0x4  }
0x215: {  	[tilespmem:s15+$0xFF20] =	vst.add.f32.msk $0xffff, v0  }
0x216: {  	v0 =	vld [tilespmem:s11+$0x30];
	_ =	sdelay $0x4  }
0x217: {  	[tilespmem:s15+$0xFF30] =	vst.add.f32.msk $0xffff, v0  }
0x218: {  	v0 =	vld [tilespmem:s11+$0x40];
	_ =	sdelay $0x4  }
0x219: {  	[tilespmem:s15+$0xFF80] =	vst.add.f32.msk $0xffff, v0  }
0x21a: {  	v0 =	vld [tilespmem:s11+$0x50];
	_ =	sdelay $0x4  }
0x21b: {  	[tilespmem:s15+$0xFF90] =	vst.add.f32.msk $0xffff, v0  }
0x21c: {  	v0 =	vld [tilespmem:s11+$0x60];
	_ =	sdelay $0x4  }
0x21d: {  	[tilespmem:s15+$0xFFA0] =	vst.add.f32.msk $0xffff, v0  }
0x21e: {  	v0 =	vld [tilespmem:s11+$0x70];
	_ =	sdelay $0x1  }
.Ltmp6:
0x21f: {  	(pc) =	sbr.rel @p0 .LBB2_15-.Ltmp6, $3  }
0x220: {  	_ =	sdelay $0x1  }
0x221: {  	s11 =	sadd.s32 $0x100, s11;
	[tilespmem:s15+$0xFFB0] =	vst.add.f32.msk $0xffff, v0  }
0x222: {  	s14 =	sadd.s32 $0x800, s14;
	v0 =	vld [tilespmem:s11+$0xFFFFFF80]  }
0x223: {  	_ =	sdelay $0x2  }
0x224: {  	s13 =	sshra.s32 s13, $0x2  }
0x225: {  	[tilespmem:s13+$0xFE00] =	vst.add.f32.msk $0xffff, v0  }
0x226: {  	v0 =	vld [tilespmem:s11+$0xFFFFFF90];
	_ =	sdelay $0x4  }
0x227: {  	[tilespmem:s13+$0xFE10] =	vst.add.f32.msk $0xffff, v0  }
0x228: {  	v0 =	vld [tilespmem:s11+$0xFFFFFFA0];
	_ =	sdelay $0x4  }
0x229: {  	[tilespmem:s13+$0xFE20] =	vst.add.f32.msk $0xffff, v0  }
0x22a: {  	v0 =	vld [tilespmem:s11+$0xFFFFFFB0];
	_ =	sdelay $0x4  }
0x22b: {  	[tilespmem:s13+$0xFE30] =	vst.add.f32.msk $0xffff, v0  }
0x22c: {  	v0 =	vld [tilespmem:s11+$0xFFFFFFC0];
	_ =	sdelay $0x4  }
0x22d: {  	[tilespmem:s13+$0xFE80] =	vst.add.f32.msk $0xffff, v0  }
0x22e: {  	v0 =	vld [tilespmem:s11+$0xFFFFFFD0];
	_ =	sdelay $0x4  }
0x22f: {  	[tilespmem:s13+$0xFE90] =	vst.add.f32.msk $0xffff, v0  }
0x230: {  	v0 =	vld [tilespmem:s11+$0xFFFFFFE0];
	_ =	sdelay $0x4  }
0x231: {  	[tilespmem:s13+$0xFEA0] =	vst.add.f32.msk $0xffff, v0  }
0x232: {  	v0 =	vld [tilespmem:s11+$0xFFFFFFF0];
	_ =	sdelay $0x4  }
0x233: {  	[tilespmem:s13+$0xFEB0] =	vst.add.f32.msk $0xffff, v0  }
0x234: {  	v0 =	vld [tilespmem:s11+$0x0];
	_ =	sdelay $0x4  }
0x235: {  	[tilespmem:s13+$0xFF00] =	vst.add.f32.msk $0xffff, v0  }
0x236: {  	v0 =	vld [tilespmem:s11+$0x10];
	_ =	sdelay $0x4  }
0x237: {  	[tilespmem:s13+$0xFF10] =	vst.add.f32.msk $0xffff, v0  }
0x238: {  	v0 =	vld [tilespmem:s11+$0x20];
	_ =	sdelay $0x4  }
0x239: {  	[tilespmem:s13+$0xFF20] =	vst.add.f32.msk $0xffff, v0  }
0x23a: {  	v0 =	vld [tilespmem:s11+$0x30];
	_ =	sdelay $0x4  }
0x23b: {  	[tilespmem:s13+$0xFF30] =	vst.add.f32.msk $0xffff, v0  }
0x23c: {  	v0 =	vld [tilespmem:s11+$0x40];
	_ =	sdelay $0x4  }
0x23d: {  	[tilespmem:s13+$0xFF80] =	vst.add.f32.msk $0xffff, v0  }
0x23e: {  	v0 =	vld [tilespmem:s11+$0x50];
	_ =	sdelay $0x4  }
0x23f: {  	[tilespmem:s13+$0xFF90] =	vst.add.f32.msk $0xffff, v0  }
0x240: {  	v0 =	vld [tilespmem:s11+$0x60];
	_ =	sdelay $0x4  }
0x241: {  	[tilespmem:s13+$0xFFA0] =	vst.add.f32.msk $0xffff, v0  }
0x242: {  	s7 =	smul.u32 $0x64, s7;
	v0 =	vld [tilespmem:s11+$0x70];
	_ =	sdelay $0x1  }
0x243: {  	s7 =	sadd.s32 s6, s7  }
0x244: {  	s7 =	sshll.u32 s7, $0x4  }
0x245: {  	s7 =	sand.u32 $0x1FFFFF80, s7  }
0x246: {  	s7 =	sadd.s32 s5, s7;
	s11 =	simm.s32 $0x0;
	[tilespmem:s13+$0xFFB0] =	vst.add.f32.msk $0xffff, v0  }
0x247: {  	[hbm4b:s7+s11] =	stream.linear.scatter [tilespmem:s26], [sflag:$0x7], $0x3200, $0x38;
	[tilespmem:$0x16200] =	vst v63  }
0x248: {  	_ =	swait.ge [sflag:s19], $0x3200  }
0x249: {  	[sflag:s19] =	ssyncset.done $0x0  }
0x24a: {  	[sflag:s19] =	ssyncadd.s32 $0xFFFFCE00  }
0x24b: {  	_ =	swait.ge [sflag:s22], $0x3200  }
0x24c: {  	[sflag:s22] =	ssyncset.done $0x0  }
0x24d: {  	s15 =	sadd.s32 $0x208, s10;
	s7 =	simm.s32 $0x81F0;
	[sflag:s22] =	ssyncadd.s32 $0xFFFFCE00  }
0x24e: {  	[tilespmem:s23], [sflag:$0x2] =	stream.indirect.gather [hbm4b:s3+s20], $0x80, s15, s20, $0xb8;
	[tilespmem:$0x16200] =	vst v63  }
0x24f: {  	s10 =	simm.s32 $0x800;
	v0 =	vld [tilespmem:s7+$0xFFFFFF10]  }
.LBB2_17:
0x250: {  	p0 =	sne.s32 s10, $0xC000;
	_ =	sdelay $0x2  }
0x251: {  	s13 =	sshra.s32 s11, $0x2;
	s11 =	smov.u32 s10  }
0x252: {  	[tilespmem:s13+$0x13000] =	vst.add.f32.msk $0xffff, v0  }
0x253: {  	v0 =	vld [tilespmem:s7+$0xFFFFFF20];
	_ =	sdelay $0x4  }
0x254: {  	[tilespmem:s13+$0x13010] =	vst.add.f32.msk $0xffff, v0  }
0x255: {  	v0 =	vld [tilespmem:s7+$0xFFFFFF30];
	_ =	sdelay $0x4  }
0x256: {  	[tilespmem:s13+$0x13020] =	vst.add.f32.msk $0xffff, v0  }
0x257: {  	v0 =	vld [tilespmem:s7+$0xFFFFFF40];
	_ =	sdelay $0x4  }
0x258: {  	[tilespmem:s13+$0x13030] =	vst.add.f32.msk $0xffff, v0  }
0x259: {  	v0 =	vld [tilespmem:s7+$0xFFFFFF50];
	_ =	sdelay $0x4  }
0x25a: {  	[tilespmem:s13+$0x13080] =	vst.add.f32.msk $0xffff, v0  }
0x25b: {  	v0 =	vld [tilespmem:s7+$0xFFFFFF60];
	_ =	sdelay $0x4  }
0x25c: {  	[tilespmem:s13+$0x13090] =	vst.add.f32.msk $0xffff, v0  }
0x25d: {  	v0 =	vld [tilespmem:s7+$0xFFFFFF70];
	_ =	sdelay $0x4  }
0x25e: {  	[tilespmem:s13+$0x130A0] =	vst.add.f32.msk $0xffff, v0  }
0x25f: {  	v0 =	vld [tilespmem:s7+$0xFFFFFF80];
	_ =	sdelay $0x4  }
0x260: {  	[tilespmem:s13+$0x130B0] =	vst.add.f32.msk $0xffff, v0  }
0x261: {  	v0 =	vld [tilespmem:s7+$0xFFFFFF90];
	_ =	sdelay $0x4  }
0x262: {  	[tilespmem:s13+$0x13100] =	vst.add.f32.msk $0xffff, v0  }
0x263: {  	v0 =	vld [tilespmem:s7+$0xFFFFFFA0];
	_ =	sdelay $0x4  }
0x264: {  	[tilespmem:s13+$0x13110] =	vst.add.f32.msk $0xffff, v0  }
0x265: {  	v0 =	vld [tilespmem:s7+$0xFFFFFFB0];
	_ =	sdelay $0x4  }
0x266: {  	[tilespmem:s13+$0x13120] =	vst.add.f32.msk $0xffff, v0  }
0x267: {  	v0 =	vld [tilespmem:s7+$0xFFFFFFC0];
	_ =	sdelay $0x4  }
0x268: {  	[tilespmem:s13+$0x13130] =	vst.add.f32.msk $0xffff, v0  }
0x269: {  	v0 =	vld [tilespmem:s7+$0xFFFFFFD0];
	_ =	sdelay $0x4  }
0x26a: {  	[tilespmem:s13+$0x13180] =	vst.add.f32.msk $0xffff, v0  }
0x26b: {  	v0 =	vld [tilespmem:s7+$0xFFFFFFE0];
	_ =	sdelay $0x4  }
0x26c: {  	[tilespmem:s13+$0x13190] =	vst.add.f32.msk $0xffff, v0  }
0x26d: {  	v0 =	vld [tilespmem:s7+$0xFFFFFFF0];
	_ =	sdelay $0x4  }
0x26e: {  	[tilespmem:s13+$0x131A0] =	vst.add.f32.msk $0xffff, v0  }
0x26f: {  	v0 =	vld [tilespmem:s7+$0x0];
	_ =	sdelay $0x1  }
.Ltmp7:
0x270: {  	(pc) =	sbr.rel @p0 .LBB2_17-.Ltmp7, $3  }
0x271: {  	_ =	sdelay $0x1  }
0x272: {  	s7 =	sadd.s32 $0x100, s7;
	[tilespmem:s13+$0x131B0] =	vst.add.f32.msk $0xffff, v0  }
0x273: {  	s10 =	sadd.s32 $0x800, s10;
	v0 =	vld [tilespmem:s7+$0xFFFFFF10]  }
0x274: {  	_ =	sdelay $0x2  }
0x275: {  	s10 =	sshra.s32 s11, $0x2  }
0x276: {  	[tilespmem:s10+$0x13000] =	vst.add.f32.msk $0xffff, v0  }
0x277: {  	v0 =	vld [tilespmem:s7+$0xFFFFFF20];
	_ =	sdelay $0x4  }
0x278: {  	[tilespmem:s10+$0x13010] =	vst.add.f32.msk $0xffff, v0  }
0x279: {  	v0 =	vld [tilespmem:s7+$0xFFFFFF30];
	_ =	sdelay $0x4  }
0x27a: {  	[tilespmem:s10+$0x13020] =	vst.add.f32.msk $0xffff, v0  }
0x27b: {  	v0 =	vld [tilespmem:s7+$0xFFFFFF40];
	_ =	sdelay $0x4  }
0x27c: {  	[tilespmem:s10+$0x13030] =	vst.add.f32.msk $0xffff, v0  }
0x27d: {  	v0 =	vld [tilespmem:s7+$0xFFFFFF50];
	_ =	sdelay $0x4  }
0x27e: {  	[tilespmem:s10+$0x13080] =	vst.add.f32.msk $0xffff, v0  }
0x27f: {  	v0 =	vld [tilespmem:s7+$0xFFFFFF60];
	_ =	sdelay $0x4  }
0x280: {  	[tilespmem:s10+$0x13090] =	vst.add.f32.msk $0xffff, v0  }
0x281: {  	v0 =	vld [tilespmem:s7+$0xFFFFFF70];
	_ =	sdelay $0x4  }
0x282: {  	[tilespmem:s10+$0x130A0] =	vst.add.f32.msk $0xffff, v0  }
0x283: {  	v0 =	vld [tilespmem:s7+$0xFFFFFF80];
	_ =	sdelay $0x4  }
0x284: {  	[tilespmem:s10+$0x130B0] =	vst.add.f32.msk $0xffff, v0  }
0x285: {  	v0 =	vld [tilespmem:s7+$0xFFFFFF90];
	_ =	sdelay $0x4  }
0x286: {  	[tilespmem:s10+$0x13100] =	vst.add.f32.msk $0xffff, v0  }
0x287: {  	v0 =	vld [tilespmem:s7+$0xFFFFFFA0];
	_ =	sdelay $0x4  }
0x288: {  	[tilespmem:s10+$0x13110] =	vst.add.f32.msk $0xffff, v0  }
0x289: {  	v0 =	vld [tilespmem:s7+$0xFFFFFFB0];
	_ =	sdelay $0x4  }
0x28a: {  	[tilespmem:s10+$0x13120] =	vst.add.f32.msk $0xffff, v0  }
0x28b: {  	v0 =	vld [tilespmem:s7+$0xFFFFFFC0];
	_ =	sdelay $0x4  }
0x28c: {  	[tilespmem:s10+$0x13130] =	vst.add.f32.msk $0xffff, v0  }
0x28d: {  	v0 =	vld [tilespmem:s7+$0xFFFFFFD0];
	_ =	sdelay $0x4  }
0x28e: {  	[tilespmem:s10+$0x13180] =	vst.add.f32.msk $0xffff, v0  }
0x28f: {  	v0 =	vld [tilespmem:s7+$0xFFFFFFE0];
	_ =	sdelay $0x4  }
0x290: {  	[tilespmem:s10+$0x13190] =	vst.add.f32.msk $0xffff, v0  }
0x291: {  	v0 =	vld [tilespmem:s7+$0xFFFFFFF0];
	_ =	sdelay $0x4  }
0x292: {  	[tilespmem:s10+$0x131A0] =	vst.add.f32.msk $0xffff, v0  }
0x293: {  	s15 =	smul.u32 $0x64, s9;
	s4 =	sadd.s32 $0x1, s4;
	v0 =	vld [tilespmem:s7+$0x0]  }
0x294: {  	p0 =	sne.s32 s4, $0x3F  }
.Ltmp8:
0x295: {  	s7 =	sadd.s32 s6, s15;
	(pc) =	sbr.rel @p0 .LBB2_10-.Ltmp8, $4  }
0x296: {  	s7 =	sshll.u32 s7, $0x4  }
0x297: {  	s7 =	sand.u32 $0x1FFFFFC0, s7  }
0x298: {  	s7 =	sadd.s32 s5, s7;
	[tilespmem:s10+$0x131B0] =	vst.add.f32.msk $0xffff, v0  }
0x299: {  	[hbm4b:s7+s2] =	stream.linear.scatter [tilespmem:s30], [sflag:$0x8], $0x3200, $0x38;
	[tilespmem:$0x16200] =	vst v63  }
0x29a: {  	_ =	swait.ge [sflag:s24], $0x3200  }
0x29b: {  	[sflag:s24] =	ssyncset.done $0x0  }
0x29c: {  	[sflag:s24] =	ssyncadd.s32 $0xFFFFCE00  }
0x29d: {  	_ =	swait.ge [sflag:s29], $0x3200  }
0x29e: {  	[sflag:s29] =	ssyncset.done $0x0  }
0x29f: {  	s4 =	simm.s32 $0x6730;
	[sflag:s29] =	ssyncadd.s32 $0xFFFFCE00  }
0x2a0: {  	[tilespmem:s26], [sflag:$0x3] =	stream.indirect.gather [hbm4b:s3+s20], $0x80, s4, s20, $0xb8;
	[tilespmem:$0x16200] =	vst v63  }
0x2a1: {  	s4 =	simm.s32 $0x6880  }
0x2a2: {  	s7 =	simm.s32 $0x0;
	s9 =	simm.s32 $0x800;
	v0 =	vld [tilespmem:s4+$0xFFFFFF80]  }
.LBB2_20:
0x2a3: {  	p0 =	sne.s32 s9, $0xC000;
	_ =	sdelay $0x2  }
0x2a4: {  	s10 =	sshra.s32 s7, $0x2;
	s7 =	smov.u32 s9  }
0x2a5: {  	[tilespmem:s10+$0x9A00] =	vst.add.f32.msk $0xffff, v0  }
0x2a6: {  	v0 =	vld [tilespmem:s4+$0xFFFFFF90];
	_ =	sdelay $0x4  }
0x2a7: {  	[tilespmem:s10+$0x9A10] =	vst.add.f32.msk $0xffff, v0  }
0x2a8: {  	v0 =	vld [tilespmem:s4+$0xFFFFFFA0];
	_ =	sdelay $0x4  }
0x2a9: {  	[tilespmem:s10+$0x9A20] =	vst.add.f32.msk $0xffff, v0  }
0x2aa: {  	v0 =	vld [tilespmem:s4+$0xFFFFFFB0];
	_ =	sdelay $0x4  }
0x2ab: {  	[tilespmem:s10+$0x9A30] =	vst.add.f32.msk $0xffff, v0  }
0x2ac: {  	v0 =	vld [tilespmem:s4+$0xFFFFFFC0];
	_ =	sdelay $0x4  }
0x2ad: {  	[tilespmem:s10+$0x9A80] =	vst.add.f32.msk $0xffff, v0  }
0x2ae: {  	v0 =	vld [tilespmem:s4+$0xFFFFFFD0];
	_ =	sdelay $0x4  }
0x2af: {  	[tilespmem:s10+$0x9A90] =	vst.add.f32.msk $0xffff, v0  }
0x2b0: {  	v0 =	vld [tilespmem:s4+$0xFFFFFFE0];
	_ =	sdelay $0x4  }
0x2b1: {  	[tilespmem:s10+$0x9AA0] =	vst.add.f32.msk $0xffff, v0  }
0x2b2: {  	v0 =	vld [tilespmem:s4+$0xFFFFFFF0];
	_ =	sdelay $0x4  }
0x2b3: {  	[tilespmem:s10+$0x9AB0] =	vst.add.f32.msk $0xffff, v0  }
0x2b4: {  	v0 =	vld [tilespmem:s4+$0x0];
	_ =	sdelay $0x4  }
0x2b5: {  	[tilespmem:s10+$0x9B00] =	vst.add.f32.msk $0xffff, v0  }
0x2b6: {  	v0 =	vld [tilespmem:s4+$0x10];
	_ =	sdelay $0x4  }
0x2b7: {  	[tilespmem:s10+$0x9B10] =	vst.add.f32.msk $0xffff, v0  }
0x2b8: {  	v0 =	vld [tilespmem:s4+$0x20];
	_ =	sdelay $0x4  }
0x2b9: {  	[tilespmem:s10+$0x9B20] =	vst.add.f32.msk $0xffff, v0  }
0x2ba: {  	v0 =	vld [tilespmem:s4+$0x30];
	_ =	sdelay $0x4  }
0x2bb: {  	[tilespmem:s10+$0x9B30] =	vst.add.f32.msk $0xffff, v0  }
0x2bc: {  	v0 =	vld [tilespmem:s4+$0x40];
	_ =	sdelay $0x4  }
0x2bd: {  	[tilespmem:s10+$0x9B80] =	vst.add.f32.msk $0xffff, v0  }
0x2be: {  	v0 =	vld [tilespmem:s4+$0x50];
	_ =	sdelay $0x4  }
0x2bf: {  	[tilespmem:s10+$0x9B90] =	vst.add.f32.msk $0xffff, v0  }
0x2c0: {  	v0 =	vld [tilespmem:s4+$0x60];
	_ =	sdelay $0x4  }
0x2c1: {  	[tilespmem:s10+$0x9BA0] =	vst.add.f32.msk $0xffff, v0  }
0x2c2: {  	v0 =	vld [tilespmem:s4+$0x70];
	_ =	sdelay $0x1  }
.Ltmp9:
0x2c3: {  	(pc) =	sbr.rel @p0 .LBB2_20-.Ltmp9, $3  }
0x2c4: {  	_ =	sdelay $0x1  }
0x2c5: {  	s4 =	sadd.s32 $0x100, s4;
	[tilespmem:s10+$0x9BB0] =	vst.add.f32.msk $0xffff, v0  }
0x2c6: {  	s9 =	sadd.s32 $0x800, s9;
	v0 =	vld [tilespmem:s4+$0xFFFFFF80]  }
0x2c7: {  	_ =	sdelay $0x2  }
0x2c8: {  	s7 =	sshra.s32 s7, $0x2  }
0x2c9: {  	[tilespmem:s7+$0x9A00] =	vst.add.f32.msk $0xffff, v0  }
0x2ca: {  	v0 =	vld [tilespmem:s4+$0xFFFFFF90];
	_ =	sdelay $0x4  }
0x2cb: {  	[tilespmem:s7+$0x9A10] =	vst.add.f32.msk $0xffff, v0  }
0x2cc: {  	v0 =	vld [tilespmem:s4+$0xFFFFFFA0];
	_ =	sdelay $0x4  }
0x2cd: {  	[tilespmem:s7+$0x9A20] =	vst.add.f32.msk $0xffff, v0  }
0x2ce: {  	v0 =	vld [tilespmem:s4+$0xFFFFFFB0];
	_ =	sdelay $0x4  }
0x2cf: {  	[tilespmem:s7+$0x9A30] =	vst.add.f32.msk $0xffff, v0  }
0x2d0: {  	v0 =	vld [tilespmem:s4+$0xFFFFFFC0];
	_ =	sdelay $0x4  }
0x2d1: {  	[tilespmem:s7+$0x9A80] =	vst.add.f32.msk $0xffff, v0  }
0x2d2: {  	v0 =	vld [tilespmem:s4+$0xFFFFFFD0];
	_ =	sdelay $0x4  }
0x2d3: {  	[tilespmem:s7+$0x9A90] =	vst.add.f32.msk $0xffff, v0  }
0x2d4: {  	v0 =	vld [tilespmem:s4+$0xFFFFFFE0];
	_ =	sdelay $0x4  }
0x2d5: {  	[tilespmem:s7+$0x9AA0] =	vst.add.f32.msk $0xffff, v0  }
0x2d6: {  	v0 =	vld [tilespmem:s4+$0xFFFFFFF0];
	_ =	sdelay $0x4  }
0x2d7: {  	[tilespmem:s7+$0x9AB0] =	vst.add.f32.msk $0xffff, v0  }
0x2d8: {  	v0 =	vld [tilespmem:s4+$0x0];
	_ =	sdelay $0x4  }
0x2d9: {  	[tilespmem:s7+$0x9B00] =	vst.add.f32.msk $0xffff, v0  }
0x2da: {  	v0 =	vld [tilespmem:s4+$0x10];
	_ =	sdelay $0x4  }
0x2db: {  	[tilespmem:s7+$0x9B10] =	vst.add.f32.msk $0xffff, v0  }
0x2dc: {  	v0 =	vld [tilespmem:s4+$0x20];
	_ =	sdelay $0x4  }
0x2dd: {  	[tilespmem:s7+$0x9B20] =	vst.add.f32.msk $0xffff, v0  }
0x2de: {  	v0 =	vld [tilespmem:s4+$0x30];
	_ =	sdelay $0x4  }
0x2df: {  	[tilespmem:s7+$0x9B30] =	vst.add.f32.msk $0xffff, v0  }
0x2e0: {  	v0 =	vld [tilespmem:s4+$0x40];
	_ =	sdelay $0x4  }
0x2e1: {  	[tilespmem:s7+$0x9B80] =	vst.add.f32.msk $0xffff, v0  }
0x2e2: {  	v0 =	vld [tilespmem:s4+$0x50];
	_ =	sdelay $0x4  }
0x2e3: {  	[tilespmem:s7+$0x9B90] =	vst.add.f32.msk $0xffff, v0  }
0x2e4: {  	v0 =	vld [tilespmem:s4+$0x60];
	_ =	sdelay $0x4  }
0x2e5: {  	[tilespmem:s7+$0x9BA0] =	vst.add.f32.msk $0xffff, v0  }
0x2e6: {  	v0 =	vld [tilespmem:s4+$0x70];
	_ =	sdelay $0x4  }
0x2e7: {  	s14 =	rddreg [dreg:$0x8];
	[tilespmem:s7+$0x9BB0] =	vst.add.f32.msk $0xffff, v0;
	s7 =	simm.s32 $0x0  }
0x2e8: {  	[hbm4b:s14+s7] =	stream.linear.scatter [tilespmem:s21], [sflag:$0x5], $0x3200, $0x38;
	[tilespmem:$0x16200] =	vst v63  }
0x2e9: {  	_ =	swait.ge [sflag:s28], $0x3200  }
0x2ea: {  	[sflag:s28] =	ssyncset.done $0x0  }
0x2eb: {  	[sflag:s28] =	ssyncadd.s32 $0xFFFFCE00  }
0x2ec: {  	_ =	swait.ge [sflag:s1], $0x3200  }
0x2ed: {  	[sflag:s1] =	ssyncset.done $0x0  }
0x2ee: {  	s15 =	simm.s32 $0x6798;
	s4 =	simm.s32 $0x81F0;
	[sflag:s1] =	ssyncadd.s32 $0xFFFFCE00  }
0x2ef: {  	[tilespmem:s30], [sflag:$0x4] =	stream.indirect.gather [hbm4b:s3+s20], $0x80, s15, s20, $0xb8;
	[tilespmem:$0x16200] =	vst v63  }
0x2f0: {  	s9 =	simm.s32 $0x800;
	v0 =	vld [tilespmem:s4+$0xFFFFFF10]  }
.LBB2_22:
0x2f1: {  	p0 =	sne.s32 s9, $0xC000;
	_ =	sdelay $0x2  }
0x2f2: {  	s10 =	sshra.s32 s7, $0x2;
	s7 =	smov.u32 s9  }
0x2f3: {  	[tilespmem:s10+$0xCC00] =	vst.add.f32.msk $0xffff, v0  }
0x2f4: {  	v0 =	vld [tilespmem:s4+$0xFFFFFF20];
	_ =	sdelay $0x4  }
0x2f5: {  	[tilespmem:s10+$0xCC10] =	vst.add.f32.msk $0xffff, v0  }
0x2f6: {  	v0 =	vld [tilespmem:s4+$0xFFFFFF30];
	_ =	sdelay $0x4  }
0x2f7: {  	[tilespmem:s10+$0xCC20] =	vst.add.f32.msk $0xffff, v0  }
0x2f8: {  	v0 =	vld [tilespmem:s4+$0xFFFFFF40];
	_ =	sdelay $0x4  }
0x2f9: {  	[tilespmem:s10+$0xCC30] =	vst.add.f32.msk $0xffff, v0  }
0x2fa: {  	v0 =	vld [tilespmem:s4+$0xFFFFFF50];
	_ =	sdelay $0x4  }
0x2fb: {  	[tilespmem:s10+$0xCC80] =	vst.add.f32.msk $0xffff, v0  }
0x2fc: {  	v0 =	vld [tilespmem:s4+$0xFFFFFF60];
	_ =	sdelay $0x4  }
0x2fd: {  	[tilespmem:s10+$0xCC90] =	vst.add.f32.msk $0xffff, v0  }
0x2fe: {  	v0 =	vld [tilespmem:s4+$0xFFFFFF70];
	_ =	sdelay $0x4  }
0x2ff: {  	[tilespmem:s10+$0xCCA0] =	vst.add.f32.msk $0xffff, v0  }
0x300: {  	v0 =	vld [tilespmem:s4+$0xFFFFFF80];
	_ =	sdelay $0x4  }
0x301: {  	[tilespmem:s10+$0xCCB0] =	vst.add.f32.msk $0xffff, v0  }
0x302: {  	v0 =	vld [tilespmem:s4+$0xFFFFFF90];
	_ =	sdelay $0x4  }
0x303: {  	[tilespmem:s10+$0xCD00] =	vst.add.f32.msk $0xffff, v0  }
0x304: {  	v0 =	vld [tilespmem:s4+$0xFFFFFFA0];
	_ =	sdelay $0x4  }
0x305: {  	[tilespmem:s10+$0xCD10] =	vst.add.f32.msk $0xffff, v0  }
0x306: {  	v0 =	vld [tilespmem:s4+$0xFFFFFFB0];
	_ =	sdelay $0x4  }
0x307: {  	[tilespmem:s10+$0xCD20] =	vst.add.f32.msk $0xffff, v0  }
0x308: {  	v0 =	vld [tilespmem:s4+$0xFFFFFFC0];
	_ =	sdelay $0x4  }
0x309: {  	[tilespmem:s10+$0xCD30] =	vst.add.f32.msk $0xffff, v0  }
0x30a: {  	v0 =	vld [tilespmem:s4+$0xFFFFFFD0];
	_ =	sdelay $0x4  }
0x30b: {  	[tilespmem:s10+$0xCD80] =	vst.add.f32.msk $0xffff, v0  }
0x30c: {  	v0 =	vld [tilespmem:s4+$0xFFFFFFE0];
	_ =	sdelay $0x4  }
0x30d: {  	[tilespmem:s10+$0xCD90] =	vst.add.f32.msk $0xffff, v0  }
0x30e: {  	v0 =	vld [tilespmem:s4+$0xFFFFFFF0];
	_ =	sdelay $0x4  }
0x30f: {  	[tilespmem:s10+$0xCDA0] =	vst.add.f32.msk $0xffff, v0  }
0x310: {  	v0 =	vld [tilespmem:s4+$0x0];
	_ =	sdelay $0x1  }
.Ltmp10:
0x311: {  	(pc) =	sbr.rel @p0 .LBB2_22-.Ltmp10, $3  }
0x312: {  	_ =	sdelay $0x1  }
0x313: {  	s4 =	sadd.s32 $0x100, s4;
	[tilespmem:s10+$0xCDB0] =	vst.add.f32.msk $0xffff, v0  }
0x314: {  	s9 =	sadd.s32 $0x800, s9;
	v0 =	vld [tilespmem:s4+$0xFFFFFF10]  }
0x315: {  	_ =	sdelay $0x2  }
0x316: {  	s7 =	sshra.s32 s7, $0x2  }
0x317: {  	[tilespmem:s7+$0xCC00] =	vst.add.f32.msk $0xffff, v0  }
0x318: {  	v0 =	vld [tilespmem:s4+$0xFFFFFF20];
	_ =	sdelay $0x4  }
0x319: {  	[tilespmem:s7+$0xCC10] =	vst.add.f32.msk $0xffff, v0  }
0x31a: {  	v0 =	vld [tilespmem:s4+$0xFFFFFF30];
	_ =	sdelay $0x4  }
0x31b: {  	[tilespmem:s7+$0xCC20] =	vst.add.f32.msk $0xffff, v0  }
0x31c: {  	v0 =	vld [tilespmem:s4+$0xFFFFFF40];
	_ =	sdelay $0x4  }
0x31d: {  	[tilespmem:s7+$0xCC30] =	vst.add.f32.msk $0xffff, v0  }
0x31e: {  	v0 =	vld [tilespmem:s4+$0xFFFFFF50];
	_ =	sdelay $0x4  }
0x31f: {  	[tilespmem:s7+$0xCC80] =	vst.add.f32.msk $0xffff, v0  }
0x320: {  	v0 =	vld [tilespmem:s4+$0xFFFFFF60];
	_ =	sdelay $0x4  }
0x321: {  	[tilespmem:s7+$0xCC90] =	vst.add.f32.msk $0xffff, v0  }
0x322: {  	v0 =	vld [tilespmem:s4+$0xFFFFFF70];
	_ =	sdelay $0x4  }
0x323: {  	[tilespmem:s7+$0xCCA0] =	vst.add.f32.msk $0xffff, v0  }
0x324: {  	v0 =	vld [tilespmem:s4+$0xFFFFFF80];
	_ =	sdelay $0x4  }
0x325: {  	[tilespmem:s7+$0xCCB0] =	vst.add.f32.msk $0xffff, v0  }
0x326: {  	v0 =	vld [tilespmem:s4+$0xFFFFFF90];
	_ =	sdelay $0x4  }
0x327: {  	[tilespmem:s7+$0xCD00] =	vst.add.f32.msk $0xffff, v0  }
0x328: {  	v0 =	vld [tilespmem:s4+$0xFFFFFFA0];
	_ =	sdelay $0x4  }
0x329: {  	[tilespmem:s7+$0xCD10] =	vst.add.f32.msk $0xffff, v0  }
0x32a: {  	v0 =	vld [tilespmem:s4+$0xFFFFFFB0];
	_ =	sdelay $0x4  }
0x32b: {  	[tilespmem:s7+$0xCD20] =	vst.add.f32.msk $0xffff, v0  }
0x32c: {  	v0 =	vld [tilespmem:s4+$0xFFFFFFC0];
	_ =	sdelay $0x4  }
0x32d: {  	[tilespmem:s7+$0xCD30] =	vst.add.f32.msk $0xffff, v0  }
0x32e: {  	v0 =	vld [tilespmem:s4+$0xFFFFFFD0];
	_ =	sdelay $0x4  }
0x32f: {  	[tilespmem:s7+$0xCD80] =	vst.add.f32.msk $0xffff, v0  }
0x330: {  	v0 =	vld [tilespmem:s4+$0xFFFFFFE0];
	_ =	sdelay $0x4  }
0x331: {  	[tilespmem:s7+$0xCD90] =	vst.add.f32.msk $0xffff, v0  }
0x332: {  	v0 =	vld [tilespmem:s4+$0xFFFFFFF0];
	_ =	sdelay $0x4  }
0x333: {  	[tilespmem:s7+$0xCDA0] =	vst.add.f32.msk $0xffff, v0  }
0x334: {  	v0 =	vld [tilespmem:s4+$0x0];
	_ =	sdelay $0x4  }
0x335: {  	s15 =	rddreg [dreg:$0x9];
	[tilespmem:s7+$0xCDB0] =	vst.add.f32.msk $0xffff, v0;
	s7 =	simm.s32 $0x0  }
0x336: {  	[hbm4b:s15+s7] =	stream.linear.scatter [tilespmem:s23], [sflag:$0x6], $0x3200, $0x38;
	[tilespmem:$0x16200] =	vst v63  }
0x337: {  	_ =	swait.ge [sflag:s31], $0x3200  }
0x338: {  	[sflag:s31] =	ssyncset.done $0x0  }
0x339: {  	[sflag:s31] =	ssyncadd.s32 $0xFFFFCE00  }
0x33a: {  	_ =	swait.ge [sflag:s0], $0x3200  }
0x33b: {  	[sflag:s0] =	ssyncset.done $0x0  }
0x33c: {  	s4 =	simm.s32 $0x6880;
	[sflag:s0] =	ssyncadd.s32 $0xFFFFCE00  }
0x33d: {  	s9 =	simm.s32 $0x800;
	v0 =	vld [tilespmem:s4+$0xFFFFFF80]  }
.LBB2_24:
0x33e: {  	p0 =	sne.s32 s9, $0xC000;
	_ =	sdelay $0x2  }
0x33f: {  	s10 =	sshra.s32 s7, $0x2;
	s7 =	smov.u32 s9  }
0x340: {  	[tilespmem:s10+$0xFE00] =	vst.add.f32.msk $0xffff, v0  }
0x341: {  	v0 =	vld [tilespmem:s4+$0xFFFFFF90];
	_ =	sdelay $0x4  }
0x342: {  	[tilespmem:s10+$0xFE10] =	vst.add.f32.msk $0xffff, v0  }
0x343: {  	v0 =	vld [tilespmem:s4+$0xFFFFFFA0];
	_ =	sdelay $0x4  }
0x344: {  	[tilespmem:s10+$0xFE20] =	vst.add.f32.msk $0xffff, v0  }
0x345: {  	v0 =	vld [tilespmem:s4+$0xFFFFFFB0];
	_ =	sdelay $0x4  }
0x346: {  	[tilespmem:s10+$0xFE30] =	vst.add.f32.msk $0xffff, v0  }
0x347: {  	v0 =	vld [tilespmem:s4+$0xFFFFFFC0];
	_ =	sdelay $0x4  }
0x348: {  	[tilespmem:s10+$0xFE80] =	vst.add.f32.msk $0xffff, v0  }
0x349: {  	v0 =	vld [tilespmem:s4+$0xFFFFFFD0];
	_ =	sdelay $0x4  }
0x34a: {  	[tilespmem:s10+$0xFE90] =	vst.add.f32.msk $0xffff, v0  }
0x34b: {  	v0 =	vld [tilespmem:s4+$0xFFFFFFE0];
	_ =	sdelay $0x4  }
0x34c: {  	[tilespmem:s10+$0xFEA0] =	vst.add.f32.msk $0xffff, v0  }
0x34d: {  	v0 =	vld [tilespmem:s4+$0xFFFFFFF0];
	_ =	sdelay $0x4  }
0x34e: {  	[tilespmem:s10+$0xFEB0] =	vst.add.f32.msk $0xffff, v0  }
0x34f: {  	v0 =	vld [tilespmem:s4+$0x0];
	_ =	sdelay $0x4  }
0x350: {  	[tilespmem:s10+$0xFF00] =	vst.add.f32.msk $0xffff, v0  }
0x351: {  	v0 =	vld [tilespmem:s4+$0x10];
	_ =	sdelay $0x4  }
0x352: {  	[tilespmem:s10+$0xFF10] =	vst.add.f32.msk $0xffff, v0  }
0x353: {  	v0 =	vld [tilespmem:s4+$0x20];
	_ =	sdelay $0x4  }
0x354: {  	[tilespmem:s10+$0xFF20] =	vst.add.f32.msk $0xffff, v0  }
0x355: {  	v0 =	vld [tilespmem:s4+$0x30];
	_ =	sdelay $0x4  }
0x356: {  	[tilespmem:s10+$0xFF30] =	vst.add.f32.msk $0xffff, v0  }
0x357: {  	v0 =	vld [tilespmem:s4+$0x40];
	_ =	sdelay $0x4  }
0x358: {  	[tilespmem:s10+$0xFF80] =	vst.add.f32.msk $0xffff, v0  }
0x359: {  	v0 =	vld [tilespmem:s4+$0x50];
	_ =	sdelay $0x4  }
0x35a: {  	[tilespmem:s10+$0xFF90] =	vst.add.f32.msk $0xffff, v0  }
0x35b: {  	v0 =	vld [tilespmem:s4+$0x60];
	_ =	sdelay $0x4  }
0x35c: {  	[tilespmem:s10+$0xFFA0] =	vst.add.f32.msk $0xffff, v0  }
0x35d: {  	v0 =	vld [tilespmem:s4+$0x70];
	_ =	sdelay $0x1  }
.Ltmp11:
0x35e: {  	(pc) =	sbr.rel @p0 .LBB2_24-.Ltmp11, $3  }
0x35f: {  	_ =	sdelay $0x1  }
0x360: {  	s4 =	sadd.s32 $0x100, s4;
	[tilespmem:s10+$0xFFB0] =	vst.add.f32.msk $0xffff, v0  }
0x361: {  	s9 =	sadd.s32 $0x800, s9;
	v0 =	vld [tilespmem:s4+$0xFFFFFF80]  }
0x362: {  	_ =	sdelay $0x2  }
0x363: {  	s7 =	sshra.s32 s7, $0x2  }
0x364: {  	[tilespmem:s7+$0xFE00] =	vst.add.f32.msk $0xffff, v0  }
0x365: {  	v0 =	vld [tilespmem:s4+$0xFFFFFF90];
	_ =	sdelay $0x4  }
0x366: {  	[tilespmem:s7+$0xFE10] =	vst.add.f32.msk $0xffff, v0  }
0x367: {  	v0 =	vld [tilespmem:s4+$0xFFFFFFA0];
	_ =	sdelay $0x4  }
0x368: {  	[tilespmem:s7+$0xFE20] =	vst.add.f32.msk $0xffff, v0  }
0x369: {  	v0 =	vld [tilespmem:s4+$0xFFFFFFB0];
	_ =	sdelay $0x4  }
0x36a: {  	[tilespmem:s7+$0xFE30] =	vst.add.f32.msk $0xffff, v0  }
0x36b: {  	v0 =	vld [tilespmem:s4+$0xFFFFFFC0];
	_ =	sdelay $0x4  }
0x36c: {  	[tilespmem:s7+$0xFE80] =	vst.add.f32.msk $0xffff, v0  }
0x36d: {  	v0 =	vld [tilespmem:s4+$0xFFFFFFD0];
	_ =	sdelay $0x4  }
0x36e: {  	[tilespmem:s7+$0xFE90] =	vst.add.f32.msk $0xffff, v0  }
0x36f: {  	v0 =	vld [tilespmem:s4+$0xFFFFFFE0];
	_ =	sdelay $0x4  }
0x370: {  	[tilespmem:s7+$0xFEA0] =	vst.add.f32.msk $0xffff, v0  }
0x371: {  	v0 =	vld [tilespmem:s4+$0xFFFFFFF0];
	_ =	sdelay $0x4  }
0x372: {  	[tilespmem:s7+$0xFEB0] =	vst.add.f32.msk $0xffff, v0  }
0x373: {  	v0 =	vld [tilespmem:s4+$0x0];
	_ =	sdelay $0x4  }
0x374: {  	[tilespmem:s7+$0xFF00] =	vst.add.f32.msk $0xffff, v0  }
0x375: {  	v0 =	vld [tilespmem:s4+$0x10];
	_ =	sdelay $0x4  }
0x376: {  	[tilespmem:s7+$0xFF10] =	vst.add.f32.msk $0xffff, v0  }
0x377: {  	v0 =	vld [tilespmem:s4+$0x20];
	_ =	sdelay $0x4  }
0x378: {  	[tilespmem:s7+$0xFF20] =	vst.add.f32.msk $0xffff, v0  }
0x379: {  	v0 =	vld [tilespmem:s4+$0x30];
	_ =	sdelay $0x4  }
0x37a: {  	[tilespmem:s7+$0xFF30] =	vst.add.f32.msk $0xffff, v0  }
0x37b: {  	v0 =	vld [tilespmem:s4+$0x40];
	_ =	sdelay $0x4  }
0x37c: {  	[tilespmem:s7+$0xFF80] =	vst.add.f32.msk $0xffff, v0  }
0x37d: {  	v0 =	vld [tilespmem:s4+$0x50];
	_ =	sdelay $0x4  }
0x37e: {  	[tilespmem:s7+$0xFF90] =	vst.add.f32.msk $0xffff, v0  }
0x37f: {  	v0 =	vld [tilespmem:s4+$0x60];
	_ =	sdelay $0x4  }
0x380: {  	[tilespmem:s7+$0xFFA0] =	vst.add.f32.msk $0xffff, v0  }
0x381: {  	v0 =	vld [tilespmem:s4+$0x70];
	_ =	sdelay $0x4  }
0x382: {  	s15 =	rddreg [dreg:$0xa];
	[tilespmem:s7+$0xFFB0] =	vst.add.f32.msk $0xffff, v0;
	s7 =	simm.s32 $0x0  }
0x383: {  	[hbm4b:s15+s7] =	stream.linear.scatter [tilespmem:s26], [sflag:$0x7], $0x3200, $0x38;
	[tilespmem:$0x16200] =	vst v63  }
0x384: {  	_ =	swait.ge [sflag:s19], $0x3200  }
0x385: {  	[sflag:s19] =	ssyncset.done $0x0  }
0x386: {  	[sflag:s19] =	ssyncadd.s32 $0xFFFFCE00  }
0x387: {  	_ =	swait.ge [sflag:s22], $0x3200  }
0x388: {  	[sflag:s22] =	ssyncset.done $0x0  }
0x389: {  	s4 =	simm.s32 $0x81F0;
	[sflag:s22] =	ssyncadd.s32 $0xFFFFCE00  }
0x38a: {  	s9 =	simm.s32 $0x800;
	v0 =	vld [tilespmem:s4+$0xFFFFFF10]  }
.LBB2_26:
0x38b: {  	p0 =	sne.s32 s9, $0xC000;
	_ =	sdelay $0x2  }
0x38c: {  	s10 =	sshra.s32 s7, $0x2;
	s7 =	smov.u32 s9  }
0x38d: {  	[tilespmem:s10+$0x13000] =	vst.add.f32.msk $0xffff, v0  }
0x38e: {  	v0 =	vld [tilespmem:s4+$0xFFFFFF20];
	_ =	sdelay $0x4  }
0x38f: {  	[tilespmem:s10+$0x13010] =	vst.add.f32.msk $0xffff, v0  }
0x390: {  	v0 =	vld [tilespmem:s4+$0xFFFFFF30];
	_ =	sdelay $0x4  }
0x391: {  	[tilespmem:s10+$0x13020] =	vst.add.f32.msk $0xffff, v0  }
0x392: {  	v0 =	vld [tilespmem:s4+$0xFFFFFF40];
	_ =	sdelay $0x4  }
0x393: {  	[tilespmem:s10+$0x13030] =	vst.add.f32.msk $0xffff, v0  }
0x394: {  	v0 =	vld [tilespmem:s4+$0xFFFFFF50];
	_ =	sdelay $0x4  }
0x395: {  	[tilespmem:s10+$0x13080] =	vst.add.f32.msk $0xffff, v0  }
0x396: {  	v0 =	vld [tilespmem:s4+$0xFFFFFF60];
	_ =	sdelay $0x4  }
0x397: {  	[tilespmem:s10+$0x13090] =	vst.add.f32.msk $0xffff, v0  }
0x398: {  	v0 =	vld [tilespmem:s4+$0xFFFFFF70];
	_ =	sdelay $0x4  }
0x399: {  	[tilespmem:s10+$0x130A0] =	vst.add.f32.msk $0xffff, v0  }
0x39a: {  	v0 =	vld [tilespmem:s4+$0xFFFFFF80];
	_ =	sdelay $0x4  }
0x39b: {  	[tilespmem:s10+$0x130B0] =	vst.add.f32.msk $0xffff, v0  }
0x39c: {  	v0 =	vld [tilespmem:s4+$0xFFFFFF90];
	_ =	sdelay $0x4  }
0x39d: {  	[tilespmem:s10+$0x13100] =	vst.add.f32.msk $0xffff, v0  }
0x39e: {  	v0 =	vld [tilespmem:s4+$0xFFFFFFA0];
	_ =	sdelay $0x4  }
0x39f: {  	[tilespmem:s10+$0x13110] =	vst.add.f32.msk $0xffff, v0  }
0x3a0: {  	v0 =	vld [tilespmem:s4+$0xFFFFFFB0];
	_ =	sdelay $0x4  }
0x3a1: {  	[tilespmem:s10+$0x13120] =	vst.add.f32.msk $0xffff, v0  }
0x3a2: {  	v0 =	vld [tilespmem:s4+$0xFFFFFFC0];
	_ =	sdelay $0x4  }
0x3a3: {  	[tilespmem:s10+$0x13130] =	vst.add.f32.msk $0xffff, v0  }
0x3a4: {  	v0 =	vld [tilespmem:s4+$0xFFFFFFD0];
	_ =	sdelay $0x4  }
0x3a5: {  	[tilespmem:s10+$0x13180] =	vst.add.f32.msk $0xffff, v0  }
0x3a6: {  	v0 =	vld [tilespmem:s4+$0xFFFFFFE0];
	_ =	sdelay $0x4  }
0x3a7: {  	[tilespmem:s10+$0x13190] =	vst.add.f32.msk $0xffff, v0  }
0x3a8: {  	v0 =	vld [tilespmem:s4+$0xFFFFFFF0];
	_ =	sdelay $0x4  }
0x3a9: {  	[tilespmem:s10+$0x131A0] =	vst.add.f32.msk $0xffff, v0  }
0x3aa: {  	v0 =	vld [tilespmem:s4+$0x0];
	_ =	sdelay $0x1  }
.Ltmp12:
0x3ab: {  	(pc) =	sbr.rel @p0 .LBB2_26-.Ltmp12, $3  }
0x3ac: {  	_ =	sdelay $0x1  }
0x3ad: {  	s4 =	sadd.s32 $0x100, s4;
	[tilespmem:s10+$0x131B0] =	vst.add.f32.msk $0xffff, v0  }
0x3ae: {  	s9 =	sadd.s32 $0x800, s9;
	v0 =	vld [tilespmem:s4+$0xFFFFFF10]  }
0x3af: {  	_ =	sdelay $0x2  }
0x3b0: {  	s7 =	sshra.s32 s7, $0x2  }
0x3b1: {  	[tilespmem:s7+$0x13000] =	vst.add.f32.msk $0xffff, v0  }
0x3b2: {  	v0 =	vld [tilespmem:s4+$0xFFFFFF20];
	_ =	sdelay $0x4  }
0x3b3: {  	[tilespmem:s7+$0x13010] =	vst.add.f32.msk $0xffff, v0  }
0x3b4: {  	v0 =	vld [tilespmem:s4+$0xFFFFFF30];
	_ =	sdelay $0x4  }
0x3b5: {  	[tilespmem:s7+$0x13020] =	vst.add.f32.msk $0xffff, v0  }
0x3b6: {  	v0 =	vld [tilespmem:s4+$0xFFFFFF40];
	_ =	sdelay $0x4  }
0x3b7: {  	[tilespmem:s7+$0x13030] =	vst.add.f32.msk $0xffff, v0  }
0x3b8: {  	v0 =	vld [tilespmem:s4+$0xFFFFFF50];
	_ =	sdelay $0x4  }
0x3b9: {  	[tilespmem:s7+$0x13080] =	vst.add.f32.msk $0xffff, v0  }
0x3ba: {  	v0 =	vld [tilespmem:s4+$0xFFFFFF60];
	_ =	sdelay $0x4  }
0x3bb: {  	[tilespmem:s7+$0x13090] =	vst.add.f32.msk $0xffff, v0  }
0x3bc: {  	v0 =	vld [tilespmem:s4+$0xFFFFFF70];
	_ =	sdelay $0x4  }
0x3bd: {  	[tilespmem:s7+$0x130A0] =	vst.add.f32.msk $0xffff, v0  }
0x3be: {  	v0 =	vld [tilespmem:s4+$0xFFFFFF80];
	_ =	sdelay $0x4  }
0x3bf: {  	[tilespmem:s7+$0x130B0] =	vst.add.f32.msk $0xffff, v0  }
0x3c0: {  	v0 =	vld [tilespmem:s4+$0xFFFFFF90];
	_ =	sdelay $0x4  }
0x3c1: {  	[tilespmem:s7+$0x13100] =	vst.add.f32.msk $0xffff, v0  }
0x3c2: {  	v0 =	vld [tilespmem:s4+$0xFFFFFFA0];
	_ =	sdelay $0x4  }
0x3c3: {  	[tilespmem:s7+$0x13110] =	vst.add.f32.msk $0xffff, v0  }
0x3c4: {  	v0 =	vld [tilespmem:s4+$0xFFFFFFB0];
	_ =	sdelay $0x4  }
0x3c5: {  	[tilespmem:s7+$0x13120] =	vst.add.f32.msk $0xffff, v0  }
0x3c6: {  	v0 =	vld [tilespmem:s4+$0xFFFFFFC0];
	_ =	sdelay $0x4  }
0x3c7: {  	[tilespmem:s7+$0x13130] =	vst.add.f32.msk $0xffff, v0  }
0x3c8: {  	v0 =	vld [tilespmem:s4+$0xFFFFFFD0];
	_ =	sdelay $0x4  }
0x3c9: {  	[tilespmem:s7+$0x13180] =	vst.add.f32.msk $0xffff, v0  }
0x3ca: {  	v0 =	vld [tilespmem:s4+$0xFFFFFFE0];
	_ =	sdelay $0x4  }
0x3cb: {  	[tilespmem:s7+$0x13190] =	vst.add.f32.msk $0xffff, v0  }
0x3cc: {  	v0 =	vld [tilespmem:s4+$0xFFFFFFF0];
	_ =	sdelay $0x4  }
0x3cd: {  	[tilespmem:s7+$0x131A0] =	vst.add.f32.msk $0xffff, v0  }
0x3ce: {  	v0 =	vld [tilespmem:s4+$0x0];
	_ =	sdelay $0x4  }
0x3cf: {  	s25 =	sadd.s32 $0x1, s25;
	[tilespmem:s7+$0x131B0] =	vst.add.f32.msk $0xffff, v0  }
0x3d0: {  	[hbm4b:s16+s2] =	stream.linear.scatter [tilespmem:s30], [sflag:$0x8], $0x3200, $0x38;
	[tilespmem:$0x16200] =	vst v63  }
0x3d1: {  	p0 =	sne.s32 s25, s17;
	_ =	swait.ge [sflag:s29], $0x3200  }
.Ltmp13:
0x3d2: {  	[sflag:s29] =	ssyncset.done $0x0;
	(pc) =	sbr.rel @p0 .LBB2_1-.Ltmp13, $4  }
0x3d3: {  	[sflag:s29] =	ssyncadd.s32 $0xFFFFCE00  }
0x3d4: {  	_ =	swait.ge [sflag:s1], $0x3200  }
0x3d5: {  	[sflag:s1] =	ssyncset.done $0x0  }
0x3d6: {  	[sflag:s1] =	ssyncadd.s32 $0xFFFFCE00  }
0x3d7: {  	_ =	sfence.sel $0x180000  }
0x3d8: {  	[bflag:$0x0] =	sbarrier.arrive $0xFFFF  }
0x3d9: {  	_ =	strace $0x90000047  }
0x3da: {  	s0 =	stileid.u32;
	[bflag:$0x2] =	sbarrier.arrive $0xFFFF  }
0x3db: {  	p0 =	sne.s32 s0, $0x0;
	s0 =	rddreg [dreg:$0x2]  }
0x3dc: {  	s0 =	sadd.s32 @!p0 $0x100000, s0  }
0x3dd: {  	[sflag:s0] =	ssyncadd.tile.s32 @!p0 $0x1;
	_ =	shalt  }
.Lfunc_end2:
_tile_overlayer_lowered:
.L_overlay_start_2:
0x3de: {  	(tag) =	ssettag $0x2  }
0x3df: {  	s0 =	rddreg [dreg:$0x0];
	s2 =	stileid.u32  }
0x3e0: {  	s1 =	rddreg [dreg:$0x1];
	p0 =	sne.s32 s2, $0x0  }
0x3e1: {  	s3 =	rddreg [dreg:$0x2];
	[bflag:$0x3] =	sbarrier.arrive $0xFFFF;
	s2 =	simm.s32 @!p0 $0x1C09  }
0x3e2: {  	[timem:s3], [sflag:s2] =	dma.local @!p0 [hbm:s0], s1  }
0x3e3: {  	s0 =	simm.s32 @!p0 $0x9  }
0x3e4: {  	_ =	swait.ge @!p0 [sflag:s0], s1  }
0x3e5: {  	s1 =	ssub.s32 @!p0 $0x0, s1;
	[sflag:s0] =	ssyncset.done @!p0 $0x0  }
0x3e6: {  	[sflag:s0] =	ssyncadd.s32 @!p0 s1  }
0x3e7: {  	[bflag:$0x3] =	sbarrier.arrive $0xFFFF  }
0x3e8: {  	_ =	shalt  }

// kernel: sparse-core-data-format-call.cloned.1.call-start
scs
called_computation_lowered:
.L_overlay_start_0:
0x0: {  	s2 =	sld [smem:$0x3FD9]  }
0x1: {  	s3 =	sld [smem:$0x3FFE];
	_ =	sdelay $0x1  }
0x2: {  	s1 =	srdreg.scid  }
0x3: {  	s0 =	sand.u32 $0x1, s1  }
0x4: {  	s18 =	sshll.u32 s0, $0xA;
	s2 =	sadd.s32 s3, s2  }
0x5: {  	s2 =	sadd.s32 s2, s18  }
0x6: {  	[smem:$0x3FC5] =	sst s2  }
0x7: {  	_ = 	snop  }
0x8: {  	s2 =	sld [smem:$0x3FD0];
	(tm) =	ssettm $0x1  }
0x9: {  	s19 =	sld [smem:$0x3FFB];
	_ =	sdelay $0x3  }
0xa: {  	_ =	strace s19  }
0xb: {  	s3 =	sld [smem:$0x3FFC];
	_ =	sdelay $0x3  }
0xc: {  	_ =	strace s3  }
0xd: {  	s3 =	sld [smem:$0x3FFD];
	_ =	sdelay $0x3  }
0xe: {  	_ =	strace s3  }
0xf: {  	_ =	strace $0x8FFFFFFF  }
0x10: {  	s20 =	sld [smem:$0x3FDB];
	_ =	sdelay $0x1  }
0x11: {  	s4 =	simm.s32 $_scs_section_size  }
0x12: {  	s5 =	simm.s32 $_size__tile_overlayer_lowered;
	s6 =	simm.s32 $_tile_overlayer_lowered  }
0x13: {  	s23 =	simm.s32 $0x1BFF;
	s22 =	sshll.u32 s6, $0x1;
	s3 =	sadd.s32 s4, s20  }
0x14: {  	s7 =	simm.s32 $0x0;
	s21 =	sshll.u32 s5, $0x1;
	s5 =	sadd.s32 s22, s3  }
0x15: {  	[timem:s7], [sflag:s23] =	dma.local [hbm:s5], s21  }
0x16: {  	_ =	swait.ge [sflag:s23], s21  }
0x17: {  	s4 =	ssub.s32 $0x0, s21;
	[sflag:s23] =	ssyncset.done $0x0  }
0x18: {  	[sflag:s23] =	ssyncadd.s32 s4;
	_ =	sdelay $0x1  }
0x19: {  	s24 =	simm.s32 $0x1B8B  }
0x1a: {  	_ =	swait.ge [sflag:s24], $0x1  }
0x1b: {  	[sflag:s24] =	ssyncset.done $0x0  }
0x1c: {  	s26 =	simm.s32 $0x1B8E;
	s25 =	sld [smem:$0x3FFE];
	[sflag:s24] =	ssyncadd.s32 $0xFFFFFFFF  }
0x1d: {  	s27 =	simm.s32 $execute0_lowered;
	[smem:$0x3FD2] =	sst s26  }
0x1e: {  	s5 =	sshll.u32 s27, $0x1;
	_ =	strace $0x80000049;
	[dreg:$0x1] =	wrdreg $0xFFFFFFFF  }
0x1f: {  	s28 =	simm.s32 $_size_execute0_lowered;
	s3 =	sadd.s32 s3, s5;
	[dreg:$0x0] =	wrdreg $0x0  }
0x20: {  	s5 =	sshll.u32 s28, $0x1;
	[dreg:$0x2] =	wrdreg s3  }
0x21: {  	[dreg:$0x3] =	wrdreg s5  }
0x22: {  	[dreg:$0x4] =	wrdreg $0xC0  }
0x23: {  	_ =	task [dreg:s7], $0x5FFFF  }
0x24: {  	[dreg:$0x1] =	wrdreg $0xFFFFFFFF  }
0x25: {  	[dreg:$0x0] =	wrdreg $0x60  }
0x26: {  	[dreg:$0x2] =	wrdreg s25  }
0x27: {  	[dreg:$0x3] =	wrdreg s2  }
0x28: {  	[dreg:$0x4] =	wrdreg $0x9  }
0x29: {  	_ =	task.clear_ibuf [dreg:s7], $0x5FFFF;
	_ =	strace $0x90000049  }
0x2a: {  	s29 =	simm.s32 $0x9;
	_ =	strace $0x8000004B  }
0x2b: {  	_ =	swait.ge [sflag:s29], $0x1  }
0x2c: {  	[sflag:s29] =	ssyncadd.s32 $0xFFFFFFFF  }
0x2d: {  	_ =	strace $0x9000004B  }
0x2e: {  	_ =	sfence  }
0x2f: {  	s30 =	sld [smem:$0x0];
	_ =	sdelay $0x2  }
0x30: {  	s31 =	sshll.u32 s1, $0xD;
	s1 =	sshrl.u32 s1, $0x2  }
0x31: {  	s3 =	sand.u32 $0x4000, s31;
	s1 =	sadd.s32 s1, s30  }
0x32: {  	s0 =	sor.u32 s3, s0;
	s1 =	sshll.u32 s1, $0x11  }
0x33: {  	s0 =	sor.u32 s1, s0  }
0x34: {  	s0 =	sadd.s32 $0x8F2B, s0  }
0x35: {  	[sflag:s0] =	ssyncadd.remote.s32 $0x1  }
0x36: {  	_ =	sfence.sel $0xFFFF  }
0x37: {  	[dreg:$0x0] =	wrdreg $0xFFFFFFFF;
	(pc) =	sbr.abs _section_cstart, $3  }
0x38: {  	[dreg:$0x1] =	wrdreg $0xFFFFFFFF  }
0x39: {  	_ =	task.clear_ibuf [dreg:s7], $0x2FFFF;
	_ =	strace $0x9FFFFFFF  }
0x3a: {  	(tm) =	ssettm $0x7FFFFFFF  }
0x3b: {  	_ =	shalt  }
tec
execute0_lowered:
.L_overlay_start_1:
0x0: {  	(tag) =	ssettag $0x1  }
0x1: {  	s0 =	srdreg.scid  }
0x2: {  	s1 =	sshll.u32 s0, $0x4  }
0x3: {  	s0 =	stileid.u32;
	s1 =	sand.u32 $0x10, s1  }
0x4: {  	s1 =	sor.u32 s0, s1  }
0x5: {  	s6 =	rddreg [dreg:$0x0];
	s4 =	simm.s32 $0x1;
	s2 =	sshll.u32 s1, $0x7  }
0x6: {  	s7 =	simm.s32 $0x2;
	s12 =	simm.s32 $0x0;
	s1 =	ssub.s32 $0x1000, s2  }
0x7: {  	s8 =	simm.s32 $0x8000;
	s13 =	simm.s32 $0x0;
	s3 =	sand.u32 $0xF80, s1  }
0x8: {  	s9 =	simm.s32 $0x0;
	s5 =	sshrl.u32 s1, $0xC;
	p0 =	sne.s32 s3, $0x0  }
.Ltmp0:
0x9: {  	s1 =	rddreg [dreg:$0x2];
	s4 =	simm.s32 @!p0 $0x0;
	(pc) =	sbr.rel .LBB1_1-.Ltmp0, $4  }
0xa: {  	s11 =	simm.s32 $0x0;
	s3 =	rddreg [dreg:$0x1];
	s5 =	sadd.s32 s4, s5  }
0xb: {  	_ =	strace $0x8000004A;
	s4 =	simm.s32 $0x1;
	s5 =	smul.u32 $0xC8, s5  }
0xc: {  	s6 =	sadd.s32 $0xC00, s6;
	s10 =	smov.u32 s2;
	[sflag:s4] =	ssyncpa.u1 $0x0  }
0xd: {  	p0 =	por $0x0, $0x0;
	[sflag:s7] =	ssyncpa.u1 $0x0;
	s7 =	sor.u32 $0x1, s5  }
.LBB1_4:
0xe: {  	s16 =	sshll.u32 s13, $0x3;
	s17 =	sand.u32 $0x78, s13  }
0xf: {  	s30 =	sand.u32 $0x7E00, s13;
	s12 =	sshll.u32 s12, $0xF;
	s16 =	sand.u32 $0xC00, s16  }
0x10: {  	[tilespmem:s15+$0x810 ss:$0x81] =	vst.msk $0xffff, v2;
	s31 =	sand.u32 $0x7, s13;
	s16 =	sor.u32 s17, s16;
	s17 =	sadd.s32 s3, s30  }
0x11: {  	[tilespmem:s15+$0x1020 ss:$0x81] =	vst.msk $0xffff, v0;
	s13 =	sshll.u32 s31, $0x12;
	s12 =	sadd.s32 s12, s17;
	s16 =	sshrl.u32 s16, $0x3  }
0x12: {  	[tilespmem:s15+$0x0 ss:$0x81] =	vst.msk $0xffff, v1;
	s13 =	sor.u32 $0x400, s13;
	s12 =	sadd.s32 s16, s12  }
0x13: {  	[hbm4b:s12+s13] =	stream.strided.scatter [tilespmem:s14], [sflag:$0x2], $0x2000, s8, s13, $0x20;
	[tilespmem:$0x8080] =	vst v63  }
.LBB1_5:
0x14: {  	s14 =	sadd.s32 $0x1, s9  }
0x15: {  	s12 =	sadd.s32 $0x1000, s10;
	s16 =	smov.u32 s10;
	p2 =	sgt.s32 s14, $0xC7  }
0x16: {  	s16 =	smov.u32 @p2 s12  }
0x17: {  	s14 =	simm.s32 @p2 $0x0;
	p2 =	sgt.s32 s16, $0xFFF  }
0x18: {  	s16 =	smov.u32 @p2 s2;
	p2 =	sne.s32 s11, s7  }
.Ltmp1:
0x19: {  	p1 =	slt.u32 s11, $0x2;
	(pc) =	sbr.rel @!p2 .LBB1_6-.Ltmp1, $4  }
0x1a: {  	s15 =	simm.s32 @!p1 $0x2  }
0x1b: {  	s13 =	smov.u32 s10;
	p0 =	por !p0, !p0;
	_ =	swait.ge @!p1 [sflag:s15], $0x2000  }
0x1c: {  	s12 =	smov.u32 s9;
	[sflag:s15] =	ssyncset.done @!p1 $0x0;
	s9 =	smov.u32 s14  }
0x1d: {  	s11 =	sadd.s32 $0x1, s11;
	[sflag:s15] =	ssyncadd.s32 @!p1 $0xFFFFE000;
	s10 =	smov.u32 s16  }
.LBB1_1:
0x1e: {  	p1 =	sge.u32 s11, s5  }
0x1f: {  	s14 =	sand.u32 @!p1 $0x1FFFFFF, s9  }
0x20: {  	s15 =	smulhi.u32 @!p1 $0x147AE15, s14;
	_ =	sdelay $0x1  }
0x21: {  	s15 =	smul.u32 @!p1 $0xC8, s15  }
0x22: {  	s16 =	sxor.u32 @!p1 $0xFFFFFFFF, s11;
	s17 =	smul.u32 @!p1 $0xC80, s10  }
0x23: {  	s31 =	sadd.s32 $0xFFFFFFFF, s11;
	s16 =	sshll.u32 @!p1 s16, $0xD;
	s14 =	ssub.s32 @!p1 s14, s15  }
0x24: {  	s15 =	sand.u32 @!p1 $0x2000, s16;
	s16 =	sadd.s32 @!p1 s6, s17;
	s14 =	sshll.u32 @!p1 s14, $0x4  }
0x25: {  	s17 =	simm.s32 @!p1 $0x6400;
	s14 =	sadd.s32 @!p1 s14, s16;
	s16 =	simm.s32 @!p1 $0x40  }
0x26: {  	[tilespmem:s15], [sflag:$0x1] =	stream.strided.gather @!p1 [hbm4b:s14+s16], $0x2000, s17, s16, $0x38;
	[tilespmem:$0x8080] =	vst v63  }
0x27: {  	p1 =	sge.u32 s31, s5  }
.Ltmp2:
0x28: {  	_ = 	snop;
	(pc) =	sbr.rel @p1 .LBB1_5-.Ltmp2, $1  }
0x29: {  	_ =	sdelay $0x3  }
0x2a: {  	s14 =	simm.s32 $0x1  }
0x2b: {  	_ =	swait.ge [sflag:s4], $0x2000;
	s14 =	simm.s32 @!p0 $0x0  }
0x2c: {  	[sflag:s4] =	ssyncset.done $0x0;
	s15 =	sshll.u32 s14, $0xD  }
0x2d: {  	[sflag:s4] =	ssyncadd.s32 $0xFFFFE000;
	s18 =	sor.u32 $0x20, s15  }
0x2e: {  	s14 =	smul.u32 $0x8100, s14;
	v3 =	vld [tilespmem:s18+$0x10]  }
0x2f: {  	s30 =	sand.u32 $0x1, s11;
	v2 =	vld [tilespmem:s18+$0xFFFFFFF0]  }
0x30: {  	s15 =	smul.u32 $0x8100, s30;
	s14 =	sshrl.u32 s14, $0x2;
	v0 =	vld [tilespmem:s18+$0x0]  }
0x31: {  	v1 =	vld [tilespmem:s18+$0xFFFFFFE0];
	s16 =	sor.u32 $0x4000, s14  }
0x32: {  	s31 =	sshrl.u32 s15, $0x2;
	s15 =	sadd.s32 $0x0, s16  }
0x33: {  	s17 =	simm.s32 $0x4;
	s18 =	sadd.s32 $0x40, s18;
	s14 =	sor.u32 $0x4000, s31;
	[tilespmem:s15+$0x1830 ss:$0x81] =	vst.msk $0xffff, v3  }
.LBB1_3:
0x34: {  	v3 =	vld [tilespmem:s18+$0x10];
	p1 =	sne.s32 s17, $0x1FC;
	[tilespmem:s15+$0x810 ss:$0x81] =	vst.msk $0xffff, v2;
	s19 =	smov.u32 s17;
	s17 =	sadd.s32 $0x4, s17  }
.Ltmp3:
0x35: {  	v2 =	vld [tilespmem:s18+$0xFFFFFFF0];
	[tilespmem:s15+$0x1020 ss:$0x81] =	vst.msk $0xffff, v0;
	(pc) =	sbr.rel @p1 .LBB1_3-.Ltmp3, $4  }
0x36: {  	v0 =	vld [tilespmem:s18+$0x0];
	[tilespmem:s15+$0x0 ss:$0x81] =	vst.msk $0xffff, v1  }
0x37: {  	s15 =	sshra.s32 s19, $0x2;
	v1 =	vld [tilespmem:s18+$0xFFFFFFE0]  }
0x38: {  	s15 =	sadd.s32 s15, s16  }
0x39: {  	s18 =	sadd.s32 $0x40, s18;
	[tilespmem:s15+$0x1830 ss:$0x81] =	vst.msk $0xffff, v3  }
.Ltmp4:
0x3a: {  	_ = 	snop;
	(pc) =	sbr.rel .LBB1_4-.Ltmp4, $1  }
0x3b: {  	_ =	sdelay $0x3  }
.LBB1_6:
0x3c: {  	_ =	sfence.sel $0x180000  }
0x3d: {  	s2 =	simm.s32 $0x1;
	[bflag:$0x0] =	sbarrier.arrive $0xFFFF  }
0x3e: {  	s31 =	simm.s32 $0x2;
	[sflag:s2] =	ssyncpa.u1 $0x1  }
0x3f: {  	[sflag:s31] =	ssyncpa.u1 $0x1  }
0x40: {  	p0 =	sne.s32 s0, $0x0;
	_ =	strace $0x9000004A  }
0x41: {  	s0 =	sadd.s32 @!p0 $0x100000, s1;
	[bflag:$0x2] =	sbarrier.arrive $0xFFFF  }
0x42: {  	[sflag:s0] =	ssyncadd.tile.s32 @!p0 $0x1;
	_ =	shalt  }
.Lfunc_end1:
_tile_overlayer_lowered:
.L_overlay_start_2:
0x43: {  	(tag) =	ssettag $0x2  }
0x44: {  	s0 =	rddreg [dreg:$0x0];
	s2 =	stileid.u32  }
0x45: {  	s1 =	rddreg [dreg:$0x1];
	p0 =	sne.s32 s2, $0x0  }
0x46: {  	s3 =	rddreg [dreg:$0x2];
	[bflag:$0x3] =	sbarrier.arrive $0xFFFF;
	s2 =	simm.s32 @!p0 $0x1C01  }
0x47: {  	[timem:s3], [sflag:s2] =	dma.local @!p0 [hbm:s0], s1  }
0x48: {  	s0 =	simm.s32 @!p0 $0x1  }
0x49: {  	_ =	swait.ge @!p0 [sflag:s0], s1  }
0x4a: {  	s1 =	ssub.s32 @!p0 $0x0, s1;
	[sflag:s0] =	ssyncset.done @!p0 $0x0  }
0x4b: {  	[sflag:s0] =	ssyncadd.s32 @!p0 s1  }
0x4c: {  	[bflag:$0x3] =	sbarrier.arrive $0xFFFF  }
0x4d: {  	_ =	shalt  }

</sc_bundles>
